<compile_context>
chip_gen: v7x
topology: tpu7x:2x2x1
jax: 0.10.2.dev20260603
libtpu: 0.0.44.dev20260713+nightly
codegen_flags: <defaults>
</compile_context>

<pallas_src>
import functools

import jax
import jax.numpy as jnp
from jax import lax
from jax.experimental import pallas as pl
from jax.experimental.pallas import tpu as pltpu
from jax.experimental.pallas import tpu_sc as plsc

V = 10000
E = 16
D = 128
B = 16

NW = 32
CH = 312
CHBUF = 328
NDP = D // 32


def _sc_segment_sums(x, H, batch):
    mesh = plsc.VectorSubcoreMesh(core_axis_name="c", subcore_axis_name="s")

    @functools.partial(
        pl.kernel,
        out_type=(
            jax.ShapeDtypeStruct((NW, B * E, D), jnp.float32),
            jax.ShapeDtypeStruct((NW, B * E), jnp.float32),
            jax.ShapeDtypeStruct((NW, B), jnp.float32),
        ),
        mesh=mesh,
        scratch_types=[
            pltpu.VMEM((CHBUF, D), jnp.float32),
            pltpu.VMEM((CHBUF, E), jnp.float32),
            pltpu.VMEM((CHBUF + 16,), jnp.int32),
            pltpu.VMEM((B * E, D), jnp.float32),
            pltpu.VMEM((B * E,), jnp.float32),
            pltpu.VMEM((B,), jnp.float32),
            pltpu.SemaphoreType.DMA,
            pltpu.SemaphoreType.DMA,
            pltpu.SemaphoreType.DMA,
            pltpu.SMEM((B,), jnp.int32),
            pltpu.SMEM((B,), jnp.int32),
        ],
    )
    def k(x_hbm, h_hbm, b_hbm, mpart_hbm, sh_hbm, cnt_hbm,
          xv, hv, bv, macc, sacc, cacc, sem_x, sem_h, sem_out,
          slo, shi):
        wid = lax.axis_index("s") * 2 + lax.axis_index("c")
        base = wid * CH
        n = jnp.where(wid == NW - 1, CHBUF, CH)

        pltpu.sync_copy(b_hbm.at[pl.ds(base, CHBUF)], bv.at[pl.ds(0, CHBUF)])
        dx = pltpu.async_copy(x_hbm.at[pl.ds(base, CHBUF)], xv, sem_x)
        dh = pltpu.async_copy(h_hbm.at[pl.ds(base, CHBUF)], hv, sem_h)

        lane = lax.iota(jnp.int32, 16)
        zeros = jnp.zeros((16,), jnp.float32)

        def count_body(v, carry):
            lt, le = carry
            b_v = bv[pl.ds(v, 16)][0]
            lt = lt + jnp.where(b_v < lane, 1, 0)
            le = le + jnp.where(b_v <= lane, 1, 0)
            return (lt, le)

        cnt_lt, cnt_le = lax.fori_loop(
            0, n, count_body,
            (jnp.zeros((16,), jnp.int32), jnp.zeros((16,), jnp.int32)))

        cacc[...] = (cnt_le - cnt_lt).astype(jnp.float32)

        def zero_body(r, _):
            macc[r, pl.ds(32, 16)] = zeros
            macc[r, pl.ds(48, 16)] = zeros
            macc[r, pl.ds(96, 16)] = zeros
            macc[r, pl.ds(112, 16)] = zeros
            return 0

        lax.fori_loop(0, B * E, zero_body, 0)
        dh.wait()
        dx.wait()

        for i in range(B):
            slo[i] = cnt_lt[i]
            shi[i] = cnt_le[i]

        def g_body(g, _):
            gE = g * E
            lo = slo[g]
            hi = shi[g]
            for dph in range(2):
                col = dph * 64

                def seg_body(v, accs, _col=col, _gE=gE, _dph=dph):
                    hrow = hv[v, :]
                    xb0 = xv[v, pl.ds(_col, 16)]
                    xb1 = xv[v, pl.ds(_col + 16, 16)]
                    xb2 = xv[v, pl.ds(_col + 32, 16)]
                    xb3 = xv[v, pl.ds(_col + 48, 16)]
                    out = []
                    for e in range(E):
                        he = hrow[e]
                        out.append(accs[2 * e] + he * xb0)
                        out.append(accs[2 * e + 1] + he * xb1)
                        plsc.addupdate(
                            macc.at[_gE + e, pl.ds(_col + 32, 16)],
                            he * xb2)
                        plsc.addupdate(
                            macc.at[_gE + e, pl.ds(_col + 48, 16)],
                            he * xb3)
                    if _dph == 0:
                        out.append(accs[2 * E] + hrow)
                    return tuple(out)

                ncar = 2 * E + (1 if dph == 0 else 0)
                accs = lax.fori_loop(lo, hi, seg_body, (zeros,) * ncar)
                for e in range(E):
                    macc[gE + e, pl.ds(col, 16)] = accs[2 * e]
                    macc[gE + e, pl.ds(col + 16, 16)] = accs[2 * e + 1]
                if dph == 0:
                    sacc[pl.ds(gE, E)] = accs[2 * E]
            pltpu.async_copy(macc.at[pl.ds(gE, E)],
                             mpart_hbm.at[wid, pl.ds(gE, E)], sem_out)
            return 0

        lax.fori_loop(0, B, g_body, 0)

        pltpu.sync_copy(sacc, sh_hbm.at[wid])
        pltpu.sync_copy(cacc, cnt_hbm.at[wid])
        pltpu.make_async_copy(mpart_hbm.at[wid], macc, sem_out).wait()

    return k(x, H, batch)


def _tc_finalize_body(mpart_ref, sh_ref, cnt_ref, w_ref, b_ref,
                      c_ref, he_ref):
    msum = mpart_ref[0]
    for w in range(1, NW):
        msum = msum + mpart_ref[w]
    shf = jnp.sum(sh_ref[...], axis=0, keepdims=True)
    cnt = jnp.sum(cnt_ref[...], axis=0, keepdims=True)
    inv = 1.0 / jnp.maximum(cnt, 1.0)

    jj = lax.broadcasted_iota(jnp.int32, (B * E, B), 0) // E
    gg = lax.broadcasted_iota(jnp.int32, (B * E, B), 1)
    sel = (jj == gg).astype(jnp.float32)
    inv_rows = lax.dot_general(sel, inv, (((1,), (1,)), ((), ())),
                               preferred_element_type=jnp.float32,
                               precision=lax.Precision.HIGHEST)

    e_pre = msum * inv_rows
    edge = lax.dot_general(e_pre, w_ref[...], (((1,), (1,)), ((), ())),
                           preferred_element_type=jnp.float32,
                           precision=lax.Precision.HIGHEST)
    edge = jnp.maximum(edge + b_ref[...], 0.0)
    he_ref[...] = edge

    gg2 = lax.broadcasted_iota(jnp.int32, (B, B * E), 0)
    jj2 = lax.broadcasted_iota(jnp.int32, (B, B * E), 1) // E
    qm = (gg2 == jj2).astype(jnp.float32) * shf
    cu = lax.dot_general(qm, edge, (((1,), (0,)), ((), ())),
                         preferred_element_type=jnp.float32,
                         precision=lax.Precision.HIGHEST)
    ii = lax.broadcasted_iota(jnp.int32, (B, B), 0)
    kk = lax.broadcasted_iota(jnp.int32, (B, B), 1)
    ident = (ii == kk).astype(jnp.float32)
    inv_col = lax.dot_general(ident, inv, (((1,), (1,)), ((), ())),
                              preferred_element_type=jnp.float32,
                              precision=lax.Precision.HIGHEST)
    c_ref[...] = cu * inv_col * (1.0 / E)


def _tc_finalize(mpart, sh, cnt, W, b2):
    return pl.pallas_call(
        _tc_finalize_body,
        out_shape=(
            jax.ShapeDtypeStruct((B, D), jnp.float32),
            jax.ShapeDtypeStruct((B * E, D), jnp.float32),
        ),
    )(mpart, sh, cnt, W, b2)


def kernel(x, H, batch, W, b):
    batch = batch.astype(jnp.int32)
    mpart, sh, cnt = _sc_segment_sums(x, H, batch)
    b2 = b.reshape(1, D)
    c, h_e = _tc_finalize(mpart, sh, cnt, W, b2)
    return (c, h_e)

# --- scband reference (transcript-rebuilt; emitter-appended) ---
"""Pipeline reference for scband-hgnn-72877005079159 (READ-ONLY COPY).

The authoritative reference and input builder live on the scoring server;
editing this copy changes nothing except your own understanding.
"""

import jax, jax.numpy as jnp
import numpy as np

V = 10000
E = 16
D = 128
B = 16


def setup_inputs(seed: int = 0) -> dict:
    key = jax.random.key(seed)
    k1, k2, k3, k4, k5 = jax.random.split(key, 5)
    x = jax.random.normal(k1, (V, D), dtype=jnp.float32)
    H = jax.random.uniform(k2, (V, E), dtype=jnp.float32)
    batch = jnp.sort(jax.random.randint(k3, (V,), 0, B)).astype(jnp.int64)
    W = jax.random.normal(k4, (D, D), dtype=jnp.float32) * 0.05
    b = jax.random.normal(k5, (D,), dtype=jnp.float32) * 0.05
    return {"x": x, "H": H, "batch": batch, "W": W, "b": b}


def reference(x, H, batch, W, b):
    # expand_x * expand_H -> (V, E, D) edge embedding tensor (broadcast is math-equivalent to repeat)
    edge_emb = x[:, None, :] * H[:, :, None]
    # scatter(..., reduce='mean') over dim 0 by graph id (torch_scatter clamps empty counts to 1)
    ones = jnp.ones((x.shape[0],), dtype=x.dtype)
    cnt = jax.ops.segment_sum(ones, batch, num_segments=B)
    cnt_safe = jnp.maximum(cnt, 1.0)
    edge_sum = jax.ops.segment_sum(edge_emb, batch, num_segments=B)
    edge_dim = edge_sum / cnt_safe[:, None, None]  # (B, E, D)
    # self.f = Linear(in_ch, in_ch) + ReLU on flattened edge dims
    flat = edge_dim.reshape(-1, edge_dim.shape[2])
    flat = jax.nn.relu(flat @ W.T + b)
    edge_dim = flat.reshape(B, E, D)
    # repeat_interleave(edge_dim, counts, dim=0) with sorted batch == gather by batch id
    rep = jnp.take(edge_dim, batch, axis=0)  # (V, E, D)
    node_emb = (rep * H[:, :, None]).mean(axis=1)  # (V, D)
    h_e = edge_dim.reshape(-1, D)  # (B*E, D)
    # global_mean_pool(node_emb, batch)
    c = jax.ops.segment_sum(node_emb, batch, num_segments=B) / cnt_safe[:, None]
    return (c, h_e)

if __name__ == "__main__":
    import jax
    _d = setup_inputs()
    print(jax.jit(kernel)(*tuple(_d.values())))

</pallas_src>

<mosaic_0001>
#map = affine_map<(d0, d1) -> (0, 0)>
#map1 = affine_map<(d0, d1) -> (0)>
#map2 = affine_map<(d0, d1) -> (0, 0, 0)>
module attributes {stable_mosaic.version = 14 : i64} {
  func.func @k(%arg0: i32, %arg1: i32, %arg2: memref<10000x128xf32, #tpu.memory_space<hbm>>, %arg3: memref<10000x16xf32, #tpu.memory_space<hbm>>, %arg4: memref<10000xi32, #tpu.memory_space<hbm>>, %arg5: memref<32x256x128xf32, #tpu.memory_space<hbm>>, %arg6: memref<32x256xf32, #tpu.memory_space<hbm>>, %arg7: memref<32x16xf32, #tpu.memory_space<hbm>>, %arg8: memref<328x128xf32, #tpu.memory_space<vmem>>, %arg9: memref<328x16xf32, #tpu.memory_space<vmem>>, %arg10: memref<344xi32, #tpu.memory_space<vmem>>, %arg11: memref<256x128xf32, #tpu.memory_space<vmem>>, %arg12: memref<256xf32, #tpu.memory_space<vmem>>, %arg13: memref<16xf32, #tpu.memory_space<vmem>>, %arg14: memref<!tpu.dma_semaphore, #tpu.memory_space<semaphore_mem>>, %arg15: memref<!tpu.dma_semaphore, #tpu.memory_space<semaphore_mem>>, %arg16: memref<!tpu.dma_semaphore, #tpu.memory_space<semaphore_mem>>, %arg17: memref<16xi32, #tpu.memory_space<smem>>, %arg18: memref<16xi32, #tpu.memory_space<smem>>) attributes {dimension_semantics = [#tpu.dimension_semantics<core_parallel>, #tpu.dimension_semantics<subcore_parallel>], iteration_bounds = array<i64: 2, 16>, scalar_prefetch = 0 : i64, scratch_operands = 11 : i64, tpu.core_type = #tpu.core_type<sc_vector_subcore>, window_params = [{transform_indices = #map}, {transform_indices = #map}, {transform_indices = #map1}, {transform_indices = #map2}, {transform_indices = #map}, {transform_indices = #map}]} {
    %mul3A = arith.constant 2 : i32
    %mul3A_0 = arith.muli %arg1, %mul3A : i32
    %add3A = arith.addi %mul3A_0, %arg0 : i32
    %mul3A_1 = arith.constant 312 : i32
    %mul3A_2 = arith.muli %add3A, %mul3A_1 : i32
    %eq3A = arith.constant 31 : i32
    %eq3A_3 = arith.cmpi eq, %add3A, %eq3A : i32
    %jit3A = arith.constant 328 : i32
    %jit3A_4 = arith.constant 312 : i32
    %select_n3A = arith.select %eq3A_3, %jit3A, %jit3A_4 : i32
    "tpu.region"() ({
      %run_scoped3A = tpu.sem_alloc : memref<!tpu.dma_semaphore, #tpu.memory_space<semaphore_mem>>
      %dma_start3A_216 = arith.constant 0 : i32
      %dma_start3A_217 = tpu.memref_slice %arg10[%dma_start3A_216] : memref<344xi32, #tpu.memory_space<vmem>> -> memref<328xi32, #tpu.memory_space<vmem>>
      %dma_start3A_218 = tpu.memref_slice %arg4[%mul3A_2] : memref<10000xi32, #tpu.memory_space<hbm>> -> memref<328xi32, #tpu.memory_space<hbm>>
      %dma_start3A_219 = arith.constant 0 : i32
      %dma_start3A_220 = tpu.memref_slice %arg10[%dma_start3A_219] : memref<344xi32, #tpu.memory_space<vmem>> -> memref<328xi32, #tpu.memory_space<vmem>>
      %dma_start3A_221 = tpu.memref_slice %arg4[%mul3A_2] : memref<10000xi32, #tpu.memory_space<hbm>> -> memref<328xi32, #tpu.memory_space<hbm>>
      tpu.enqueue_dma source(%dma_start3A_221 : memref<328xi32, #tpu.memory_space<hbm>>) target(%dma_start3A_220 : memref<328xi32, #tpu.memory_space<vmem>>) target_semaphore(%run_scoped3A : memref<!tpu.dma_semaphore, #tpu.memory_space<semaphore_mem>>)
      %dma_wait3A_222 = arith.constant 0 : i32
      %dma_wait3A_223 = tpu.memref_slice %arg10[%dma_wait3A_222] : memref<344xi32, #tpu.memory_space<vmem>> -> memref<328xi32, #tpu.memory_space<vmem>>
      %dma_wait3A_224 = tpu.memref_slice %arg4[%mul3A_2] : memref<10000xi32, #tpu.memory_space<hbm>> -> memref<328xi32, #tpu.memory_space<hbm>>
      %dma_wait3A_225 = arith.constant 0 : i32
      %dma_wait3A_226 = tpu.memref_slice %arg10[%dma_wait3A_225] : memref<344xi32, #tpu.memory_space<vmem>> -> memref<328xi32, #tpu.memory_space<vmem>>
      %dma_wait3A_227 = tpu.memref_slice %arg4[%mul3A_2] : memref<10000xi32, #tpu.memory_space<hbm>> -> memref<328xi32, #tpu.memory_space<hbm>>
      tpu.wait_dma2 semaphore(%run_scoped3A : memref<!tpu.dma_semaphore, #tpu.memory_space<semaphore_mem>>) src(%dma_wait3A_227 : memref<328xi32, #tpu.memory_space<hbm>>) dst(%dma_wait3A_226 : memref<328xi32, #tpu.memory_space<vmem>>)
      tpu.yield
    }) : () -> ()
    %dma_start3A = arith.constant 0 : i32
    %dma_start3A_5 = tpu.memref_slice %arg2[%mul3A_2, %dma_start3A] : memref<10000x128xf32, #tpu.memory_space<hbm>> -> memref<328x128xf32, #tpu.memory_space<hbm>>
    %dma_start3A_6 = arith.constant 0 : i32
    %dma_start3A_7 = tpu.memref_slice %arg2[%mul3A_2, %dma_start3A_6] : memref<10000x128xf32, #tpu.memory_space<hbm>> -> memref<328x128xf32, #tpu.memory_space<hbm>>
    tpu.enqueue_dma source(%dma_start3A_7 : memref<328x128xf32, #tpu.memory_space<hbm>>) target(%arg8 : memref<328x128xf32, #tpu.memory_space<vmem>>) target_semaphore(%arg14 : memref<!tpu.dma_semaphore, #tpu.memory_space<semaphore_mem>>)
    %dma_start3A_8 = arith.constant 0 : i32
    %dma_start3A_9 = tpu.memref_slice %arg3[%mul3A_2, %dma_start3A_8] : memref<10000x16xf32, #tpu.memory_space<hbm>> -> memref<328x16xf32, #tpu.memory_space<hbm>>
    %dma_start3A_10 = arith.constant 0 : i32
    %dma_start3A_11 = tpu.memref_slice %arg3[%mul3A_2, %dma_start3A_10] : memref<10000x16xf32, #tpu.memory_space<hbm>> -> memref<328x16xf32, #tpu.memory_space<hbm>>
    tpu.enqueue_dma source(%dma_start3A_11 : memref<328x16xf32, #tpu.memory_space<hbm>>) target(%arg9 : memref<328x16xf32, #tpu.memory_space<vmem>>) target_semaphore(%arg15 : memref<!tpu.dma_semaphore, #tpu.memory_space<semaphore_mem>>)
    %iota3A = tpu.iota {dimensions = array<i32: 0>} : vector<16xi32>
    %broadcast_in_dim3A = arith.constant 0.000000e+00 : f32
    %broadcast_in_dim3A_12 = vector.broadcast %broadcast_in_dim3A : f32 to vector<16xf32>
    %broadcast_in_dim3A_13 = arith.constant 0 : i32
    %broadcast_in_dim3A_14 = vector.broadcast %broadcast_in_dim3A_13 : i32 to vector<16xi32>
    %broadcast_in_dim3A_15 = arith.constant 0 : i32
    %broadcast_in_dim3A_16 = vector.broadcast %broadcast_in_dim3A_15 : i32 to vector<16xi32>
    %while3A = arith.constant 0 : i32
    %while3A_17 = arith.subi %select_n3A, %while3A : i32
    %while3A_18 = arith.addi %while3A, %while3A_17 : i32
    %while3A_19 = arith.constant 1 : i32
    %while3A_20 = arith.divsi %while3A_17, %while3A_19 : i32
    %while3A_21 = arith.muli %while3A_20, %while3A_19 : i32
    %while3A_22 = arith.addi %while3A, %while3A_21 : i32
    %while3A_23 = arith.constant 1 : i32
    %while3A_24:2 = scf.for %while3A_216 = %while3A to %while3A_22 step %while3A_23 iter_args(%while3A_217 = %broadcast_in_dim3A_14, %while3A_218 = %broadcast_in_dim3A_16) -> (vector<16xi32>, vector<16xi32>)  : i32 {
      %get3A = arith.index_cast %while3A_216 : i32 to index
      %get3A_219 = tpu.vector_load %arg10[%get3A] {strides = array<i32>} : memref<344xi32, #tpu.memory_space<vmem>>, vector<16xi32>,
      %get3A_220 = vector.shape_cast %get3A_219 : vector<16xi32> to vector<16xi32>
      %slice3A_221 = vector.extract_strided_slice %get3A_220 {offsets = [0], sizes = [1], strides = [1]} : vector<16xi32> to vector<1xi32>
      %squeeze3A_222 = vector.extract %slice3A_221[0] : i32 from vector<1xi32>
      %lt3A = vector.broadcast %squeeze3A_222 : i32 to vector<16xi32>
      %lt3A_223 = arith.cmpi slt, %lt3A, %iota3A : vector<16xi32>
      %jit3A_224 = arith.constant 1 : i32
      %jit3A_225 = arith.constant 0 : i32
      %broadcast_in_dim3A_226 = vector.broadcast %jit3A_224 : i32 to vector<16xi32>
      %broadcast_in_dim3A_227 = vector.broadcast %jit3A_225 : i32 to vector<16xi32>
      %select_n3A_228 = arith.select %lt3A_223, %broadcast_in_dim3A_226, %broadcast_in_dim3A_227 : vector<16xi1>, vector<16xi32>
      %add3A_229 = arith.addi %while3A_217, %select_n3A_228 : vector<16xi32>
      %le3A = vector.broadcast %squeeze3A_222 : i32 to vector<16xi32>
      %le3A_230 = arith.cmpi sle, %le3A, %iota3A : vector<16xi32>
      %jit3A_231 = arith.constant 1 : i32
      %jit3A_232 = arith.constant 0 : i32
      %broadcast_in_dim3A_233 = vector.broadcast %jit3A_231 : i32 to vector<16xi32>
      %broadcast_in_dim3A_234 = vector.broadcast %jit3A_232 : i32 to vector<16xi32>
      %select_n3A_235 = arith.select %le3A_230, %broadcast_in_dim3A_233, %broadcast_in_dim3A_234 : vector<16xi1>, vector<16xi32>
      %add3A_236 = arith.addi %while3A_218, %select_n3A_235 : vector<16xi32>
      scf.yield %add3A_229, %add3A_236 : vector<16xi32>, vector<16xi32>
    }
    %while3A_25 = arith.constant 1 : i32
    %while3A_26:2 = scf.for %while3A_216 = %while3A_22 to %while3A_18 step %while3A_25 iter_args(%while3A_217 = %while3A_24#0, %while3A_218 = %while3A_24#1) -> (vector<16xi32>, vector<16xi32>)  : i32 {
      %get3A = arith.index_cast %while3A_216 : i32 to index
      %get3A_219 = tpu.vector_load %arg10[%get3A] {strides = array<i32>} : memref<344xi32, #tpu.memory_space<vmem>>, vector<16xi32>,
      %get3A_220 = vector.shape_cast %get3A_219 : vector<16xi32> to vector<16xi32>
      %slice3A_221 = vector.extract_strided_slice %get3A_220 {offsets = [0], sizes = [1], strides = [1]} : vector<16xi32> to vector<1xi32>
      %squeeze3A_222 = vector.extract %slice3A_221[0] : i32 from vector<1xi32>
      %lt3A = vector.broadcast %squeeze3A_222 : i32 to vector<16xi32>
      %lt3A_223 = arith.cmpi slt, %lt3A, %iota3A : vector<16xi32>
      %jit3A_224 = arith.constant 1 : i32
      %jit3A_225 = arith.constant 0 : i32
      %broadcast_in_dim3A_226 = vector.broadcast %jit3A_224 : i32 to vector<16xi32>
      %broadcast_in_dim3A_227 = vector.broadcast %jit3A_225 : i32 to vector<16xi32>
      %select_n3A_228 = arith.select %lt3A_223, %broadcast_in_dim3A_226, %broadcast_in_dim3A_227 : vector<16xi1>, vector<16xi32>
      %add3A_229 = arith.addi %while3A_217, %select_n3A_228 : vector<16xi32>
      %le3A = vector.broadcast %squeeze3A_222 : i32 to vector<16xi32>
      %le3A_230 = arith.cmpi sle, %le3A, %iota3A : vector<16xi32>
      %jit3A_231 = arith.constant 1 : i32
      %jit3A_232 = arith.constant 0 : i32
      %broadcast_in_dim3A_233 = vector.broadcast %jit3A_231 : i32 to vector<16xi32>
      %broadcast_in_dim3A_234 = vector.broadcast %jit3A_232 : i32 to vector<16xi32>
      %select_n3A_235 = arith.select %le3A_230, %broadcast_in_dim3A_233, %broadcast_in_dim3A_234 : vector<16xi1>, vector<16xi32>
      %add3A_236 = arith.addi %while3A_218, %select_n3A_235 : vector<16xi32>
      scf.yield %add3A_229, %add3A_236 : vector<16xi32>, vector<16xi32>
    }
    %sub3A = arith.subi %while3A_26#1, %while3A_26#0 : vector<16xi32>
    %convert_element_type3A = arith.sitofp %sub3A : vector<16xi32> to vector<16xf32>
    %swap3A = arith.constant 0 : index
    %swap3A_27 = tpu.vector_load %arg13[%swap3A] {strides = array<i32>} : memref<16xf32, #tpu.memory_space<vmem>>, vector<16xf32>,
    %swap3A_28 = vector.shape_cast %swap3A_27 : vector<16xf32> to vector<16xf32>
    %swap3A_29 = vector.shape_cast %convert_element_type3A : vector<16xf32> to vector<16xf32>
    tpu.vector_store %arg13[%swap3A], %swap3A_29 {strides = array<i32>} : memref<16xf32, #tpu.memory_space<vmem>>, vector<16xf32>,
    %scan3A = arith.constant 0 : i32
    %scan3A_30 = arith.constant 0 : i32
    %scan3A_31 = arith.constant 256 : i32
    %scan3A_32 = arith.addi %scan3A_30, %scan3A_31 : i32
    %scan3A_33 = arith.constant 1 : i32
    %scan3A_34 = scf.for %scan3A_216 = %scan3A_30 to %scan3A_32 step %scan3A_33 iter_args(%scan3A_217 = %scan3A) -> (i32)  : i32 {
      %swap3A_218 = arith.index_cast %scan3A_216 : i32 to index
      %swap3A_219 = arith.constant 32 : index
      %swap3A_220 = tpu.vector_load %arg11[%swap3A_218, %swap3A_219] {strides = array<i32>} : memref<256x128xf32, #tpu.memory_space<vmem>>, vector<1x16xf32>,
      %swap3A_221 = vector.shape_cast %swap3A_220 : vector<1x16xf32> to vector<16xf32>
      %swap3A_222 = vector.shape_cast %broadcast_in_dim3A_12 : vector<16xf32> to vector<1x16xf32>
      tpu.vector_store %arg11[%swap3A_218, %swap3A_219], %swap3A_222 {strides = array<i32>} : memref<256x128xf32, #tpu.memory_space<vmem>>, vector<1x16xf32>,
      %swap3A_223 = arith.index_cast %scan3A_216 : i32 to index
      %swap3A_224 = arith.constant 48 : index
      %swap3A_225 = tpu.vector_load %arg11[%swap3A_223, %swap3A_224] {strides = array<i32>} : memref<256x128xf32, #tpu.memory_space<vmem>>, vector<1x16xf32>,
      %swap3A_226 = vector.shape_cast %swap3A_225 : vector<1x16xf32> to vector<16xf32>
      %swap3A_227 = vector.shape_cast %broadcast_in_dim3A_12 : vector<16xf32> to vector<1x16xf32>
      tpu.vector_store %arg11[%swap3A_223, %swap3A_224], %swap3A_227 {strides = array<i32>} : memref<256x128xf32, #tpu.memory_space<vmem>>, vector<1x16xf32>,
      %swap3A_228 = arith.index_cast %scan3A_216 : i32 to index
      %swap3A_229 = arith.constant 96 : index
      %swap3A_230 = tpu.vector_load %arg11[%swap3A_228, %swap3A_229] {strides = array<i32>} : memref<256x128xf32, #tpu.memory_space<vmem>>, vector<1x16xf32>,
      %swap3A_231 = vector.shape_cast %swap3A_230 : vector<1x16xf32> to vector<16xf32>
      %swap3A_232 = vector.shape_cast %broadcast_in_dim3A_12 : vector<16xf32> to vector<1x16xf32>
      tpu.vector_store %arg11[%swap3A_228, %swap3A_229], %swap3A_232 {strides = array<i32>} : memref<256x128xf32, #tpu.memory_space<vmem>>, vector<1x16xf32>,
      %swap3A_233 = arith.index_cast %scan3A_216 : i32 to index
      %swap3A_234 = arith.constant 112 : index
      %swap3A_235 = tpu.vector_load %arg11[%swap3A_233, %swap3A_234] {strides = array<i32>} : memref<256x128xf32, #tpu.memory_space<vmem>>, vector<1x16xf32>,
      %swap3A_236 = vector.shape_cast %swap3A_235 : vector<1x16xf32> to vector<16xf32>
      %swap3A_237 = vector.shape_cast %broadcast_in_dim3A_12 : vector<16xf32> to vector<1x16xf32>
      tpu.vector_store %arg11[%swap3A_233, %swap3A_234], %swap3A_237 {strides = array<i32>} : memref<256x128xf32, #tpu.memory_space<vmem>>, vector<1x16xf32>,
      %scan3A_238 = arith.constant 0 : i32
      scf.yield %scan3A_238 : i32
    }
    %scan3A_35 = arith.constant 256 : i32
    %dma_wait3A = arith.constant 0 : i32
    %dma_wait3A_36 = tpu.memref_slice %arg3[%mul3A_2, %dma_wait3A] : memref<10000x16xf32, #tpu.memory_space<hbm>> -> memref<328x16xf32, #tpu.memory_space<hbm>>
    %dma_wait3A_37 = arith.constant 0 : i32
    %dma_wait3A_38 = tpu.memref_slice %arg3[%mul3A_2, %dma_wait3A_37] : memref<10000x16xf32, #tpu.memory_space<hbm>> -> memref<328x16xf32, #tpu.memory_space<hbm>>
    tpu.wait_dma2 semaphore(%arg15 : memref<!tpu.dma_semaphore, #tpu.memory_space<semaphore_mem>>) src(%dma_wait3A_38 : memref<328x16xf32, #tpu.memory_space<hbm>>) dst(%arg9 : memref<328x16xf32, #tpu.memory_space<vmem>>)
    %dma_wait3A_39 = arith.constant 0 : i32
    %dma_wait3A_40 = tpu.memref_slice %arg2[%mul3A_2, %dma_wait3A_39] : memref<10000x128xf32, #tpu.memory_space<hbm>> -> memref<328x128xf32, #tpu.memory_space<hbm>>
    %dma_wait3A_41 = arith.constant 0 : i32
    %dma_wait3A_42 = tpu.memref_slice %arg2[%mul3A_2, %dma_wait3A_41] : memref<10000x128xf32, #tpu.memory_space<hbm>> -> memref<328x128xf32, #tpu.memory_space<hbm>>
    tpu.wait_dma2 semaphore(%arg14 : memref<!tpu.dma_semaphore, #tpu.memory_space<semaphore_mem>>) src(%dma_wait3A_42 : memref<328x128xf32, #tpu.memory_space<hbm>>) dst(%arg8 : memref<328x128xf32, #tpu.memory_space<vmem>>)
    %slice3A = vector.extract_strided_slice %while3A_26#0 {offsets = [0], sizes = [1], strides = [1]} : vector<16xi32> to vector<1xi32>
    %squeeze3A = vector.extract %slice3A[0] : i32 from vector<1xi32>
    %swap3A_43 = arith.constant 0 : i32
    %swap3A_44 = arith.index_cast %swap3A_43 : i32 to index
    %swap3A_45 = memref.load %arg17[%swap3A_44] : memref<16xi32, #tpu.memory_space<smem>>
    memref.store %squeeze3A, %arg17[%swap3A_44] : memref<16xi32, #tpu.memory_space<smem>>
    %slice3A_46 = vector.extract_strided_slice %while3A_26#1 {offsets = [0], sizes = [1], strides = [1]} : vector<16xi32> to vector<1xi32>
    %squeeze3A_47 = vector.extract %slice3A_46[0] : i32 from vector<1xi32>
    %swap3A_48 = arith.constant 0 : i32
    %swap3A_49 = arith.index_cast %swap3A_48 : i32 to index
    %swap3A_50 = memref.load %arg18[%swap3A_49] : memref<16xi32, #tpu.memory_space<smem>>
    memref.store %squeeze3A_47, %arg18[%swap3A_49] : memref<16xi32, #tpu.memory_space<smem>>
    %slice3A_51 = vector.extract_strided_slice %while3A_26#0 {offsets = [1], sizes = [1], strides = [1]} : vector<16xi32> to vector<1xi32>
    %squeeze3A_52 = vector.extract %slice3A_51[0] : i32 from vector<1xi32>
    %swap3A_53 = arith.constant 1 : i32
    %swap3A_54 = arith.index_cast %swap3A_53 : i32 to index
    %swap3A_55 = memref.load %arg17[%swap3A_54] : memref<16xi32, #tpu.memory_space<smem>>
    memref.store %squeeze3A_52, %arg17[%swap3A_54] : memref<16xi32, #tpu.memory_space<smem>>
    %slice3A_56 = vector.extract_strided_slice %while3A_26#1 {offsets = [1], sizes = [1], strides = [1]} : vector<16xi32> to vector<1xi32>
    %squeeze3A_57 = vector.extract %slice3A_56[0] : i32 from vector<1xi32>
    %swap3A_58 = arith.constant 1 : i32
    %swap3A_59 = arith.index_cast %swap3A_58 : i32 to index
    %swap3A_60 = memref.load %arg18[%swap3A_59] : memref<16xi32, #tpu.memory_space<smem>>
    memref.store %squeeze3A_57, %arg18[%swap3A_59] : memref<16xi32, #tpu.memory_space<smem>>
    %slice3A_61 = vector.extract_strided_slice %while3A_26#0 {offsets = [2], sizes = [1], strides = [1]} : vector<16xi32> to vector<1xi32>
    %squeeze3A_62 = vector.extract %slice3A_61[0] : i32 from vector<1xi32>
    %swap3A_63 = arith.constant 2 : i32
    %swap3A_64 = arith.index_cast %swap3A_63 : i32 to index
    %swap3A_65 = memref.load %arg17[%swap3A_64] : memref<16xi32, #tpu.memory_space<smem>>
    memref.store %squeeze3A_62, %arg17[%swap3A_64] : memref<16xi32, #tpu.memory_space<smem>>
    %slice3A_66 = vector.extract_strided_slice %while3A_26#1 {offsets = [2], sizes = [1], strides = [1]} : vector<16xi32> to vector<1xi32>
    %squeeze3A_67 = vector.extract %slice3A_66[0] : i32 from vector<1xi32>
    %swap3A_68 = arith.constant 2 : i32
    %swap3A_69 = arith.index_cast %swap3A_68 : i32 to index
    %swap3A_70 = memref.load %arg18[%swap3A_69] : memref<16xi32, #tpu.memory_space<smem>>
    memref.store %squeeze3A_67, %arg18[%swap3A_69] : memref<16xi32, #tpu.memory_space<smem>>
    %slice3A_71 = vector.extract_strided_slice %while3A_26#0 {offsets = [3], sizes = [1], strides = [1]} : vector<16xi32> to vector<1xi32>
    %squeeze3A_72 = vector.extract %slice3A_71[0] : i32 from vector<1xi32>
    %swap3A_73 = arith.constant 3 : i32
    %swap3A_74 = arith.index_cast %swap3A_73 : i32 to index
    %swap3A_75 = memref.load %arg17[%swap3A_74] : memref<16xi32, #tpu.memory_space<smem>>
    memref.store %squeeze3A_72, %arg17[%swap3A_74] : memref<16xi32, #tpu.memory_space<smem>>
    %slice3A_76 = vector.extract_strided_slice %while3A_26#1 {offsets = [3], sizes = [1], strides = [1]} : vector<16xi32> to vector<1xi32>
    %squeeze3A_77 = vector.extract %slice3A_76[0] : i32 from vector<1xi32>
    %swap3A_78 = arith.constant 3 : i32
    %swap3A_79 = arith.index_cast %swap3A_78 : i32 to index
    %swap3A_80 = memref.load %arg18[%swap3A_79] : memref<16xi32, #tpu.memory_space<smem>>
    memref.store %squeeze3A_77, %arg18[%swap3A_79] : memref<16xi32, #tpu.memory_space<smem>>
    %slice3A_81 = vector.extract_strided_slice %while3A_26#0 {offsets = [4], sizes = [1], strides = [1]} : vector<16xi32> to vector<1xi32>
    %squeeze3A_82 = vector.extract %slice3A_81[0] : i32 from vector<1xi32>
    %swap3A_83 = arith.constant 4 : i32
    %swap3A_84 = arith.index_cast %swap3A_83 : i32 to index
    %swap3A_85 = memref.load %arg17[%swap3A_84] : memref<16xi32, #tpu.memory_space<smem>>
    memref.store %squeeze3A_82, %arg17[%swap3A_84] : memref<16xi32, #tpu.memory_space<smem>>
    %slice3A_86 = vector.extract_strided_slice %while3A_26#1 {offsets = [4], sizes = [1], strides = [1]} : vector<16xi32> to vector<1xi32>
    %squeeze3A_87 = vector.extract %slice3A_86[0] : i32 from vector<1xi32>
    %swap3A_88 = arith.constant 4 : i32
    %swap3A_89 = arith.index_cast %swap3A_88 : i32 to index
    %swap3A_90 = memref.load %arg18[%swap3A_89] : memref<16xi32, #tpu.memory_space<smem>>
    memref.store %squeeze3A_87, %arg18[%swap3A_89] : memref<16xi32, #tpu.memory_space<smem>>
    %slice3A_91 = vector.extract_strided_slice %while3A_26#0 {offsets = [5], sizes = [1], strides = [1]} : vector<16xi32> to vector<1xi32>
    %squeeze3A_92 = vector.extract %slice3A_91[0] : i32 from vector<1xi32>
    %swap3A_93 = arith.constant 5 : i32
    %swap3A_94 = arith.index_cast %swap3A_93 : i32 to index
    %swap3A_95 = memref.load %arg17[%swap3A_94] : memref<16xi32, #tpu.memory_space<smem>>
    memref.store %squeeze3A_92, %arg17[%swap3A_94] : memref<16xi32, #tpu.memory_space<smem>>
    %slice3A_96 = vector.extract_strided_slice %while3A_26#1 {offsets = [5], sizes = [1], strides = [1]} : vector<16xi32> to vector<1xi32>
    %squeeze3A_97 = vector.extract %slice3A_96[0] : i32 from vector<1xi32>
    %swap3A_98 = arith.constant 5 : i32
    %swap3A_99 = arith.index_cast %swap3A_98 : i32 to index
    %swap3A_100 = memref.load %arg18[%swap3A_99] : memref<16xi32, #tpu.memory_space<smem>>
    memref.store %squeeze3A_97, %arg18[%swap3A_99] : memref<16xi32, #tpu.memory_space<smem>>
    %slice3A_101 = vector.extract_strided_slice %while3A_26#0 {offsets = [6], sizes = [1], strides = [1]} : vector<16xi32> to vector<1xi32>
    %squeeze3A_102 = vector.extract %slice3A_101[0] : i32 from vector<1xi32>
    %swap3A_103 = arith.constant 6 : i32
    %swap3A_104 = arith.index_cast %swap3A_103 : i32 to index
    %swap3A_105 = memref.load %arg17[%swap3A_104] : memref<16xi32, #tpu.memory_space<smem>>
    memref.store %squeeze3A_102, %arg17[%swap3A_104] : memref<16xi32, #tpu.memory_space<smem>>
    %slice3A_106 = vector.extract_strided_slice %while3A_26#1 {offsets = [6], sizes = [1], strides = [1]} : vector<16xi32> to vector<1xi32>
    %squeeze3A_107 = vector.extract %slice3A_106[0] : i32 from vector<1xi32>
    %swap3A_108 = arith.constant 6 : i32
    %swap3A_109 = arith.index_cast %swap3A_108 : i32 to index
    %swap3A_110 = memref.load %arg18[%swap3A_109] : memref<16xi32, #tpu.memory_space<smem>>
    memref.store %squeeze3A_107, %arg18[%swap3A_109] : memref<16xi32, #tpu.memory_space<smem>>
    %slice3A_111 = vector.extract_strided_slice %while3A_26#0 {offsets = [7], sizes = [1], strides = [1]} : vector<16xi32> to vector<1xi32>
    %squeeze3A_112 = vector.extract %slice3A_111[0] : i32 from vector<1xi32>
    %swap3A_113 = arith.constant 7 : i32
    %swap3A_114 = arith.index_cast %swap3A_113 : i32 to index
    %swap3A_115 = memref.load %arg17[%swap3A_114] : memref<16xi32, #tpu.memory_space<smem>>
    memref.store %squeeze3A_112, %arg17[%swap3A_114] : memref<16xi32, #tpu.memory_space<smem>>
    %slice3A_116 = vector.extract_strided_slice %while3A_26#1 {offsets = [7], sizes = [1], strides = [1]} : vector<16xi32> to vector<1xi32>
    %squeeze3A_117 = vector.extract %slice3A_116[0] : i32 from vector<1xi32>
    %swap3A_118 = arith.constant 7 : i32
    %swap3A_119 = arith.index_cast %swap3A_118 : i32 to index
    %swap3A_120 = memref.load %arg18[%swap3A_119] : memref<16xi32, #tpu.memory_space<smem>>
    memref.store %squeeze3A_117, %arg18[%swap3A_119] : memref<16xi32, #tpu.memory_space<smem>>
    %slice3A_121 = vector.extract_strided_slice %while3A_26#0 {offsets = [8], sizes = [1], strides = [1]} : vector<16xi32> to vector<1xi32>
    %squeeze3A_122 = vector.extract %slice3A_121[0] : i32 from vector<1xi32>
    %swap3A_123 = arith.constant 8 : i32
    %swap3A_124 = arith.index_cast %swap3A_123 : i32 to index
    %swap3A_125 = memref.load %arg17[%swap3A_124] : memref<16xi32, #tpu.memory_space<smem>>
    memref.store %squeeze3A_122, %arg17[%swap3A_124] : memref<16xi32, #tpu.memory_space<smem>>
    %slice3A_126 = vector.extract_strided_slice %while3A_26#1 {offsets = [8], sizes = [1], strides = [1]} : vector<16xi32> to vector<1xi32>
    %squeeze3A_127 = vector.extract %slice3A_126[0] : i32 from vector<1xi32>
    %swap3A_128 = arith.constant 8 : i32
    %swap3A_129 = arith.index_cast %swap3A_128 : i32 to index
    %swap3A_130 = memref.load %arg18[%swap3A_129] : memref<16xi32, #tpu.memory_space<smem>>
    memref.store %squeeze3A_127, %arg18[%swap3A_129] : memref<16xi32, #tpu.memory_space<smem>>
    %slice3A_131 = vector.extract_strided_slice %while3A_26#0 {offsets = [9], sizes = [1], strides = [1]} : vector<16xi32> to vector<1xi32>
    %squeeze3A_132 = vector.extract %slice3A_131[0] : i32 from vector<1xi32>
    %swap3A_133 = arith.constant 9 : i32
    %swap3A_134 = arith.index_cast %swap3A_133 : i32 to index
    %swap3A_135 = memref.load %arg17[%swap3A_134] : memref<16xi32, #tpu.memory_space<smem>>
    memref.store %squeeze3A_132, %arg17[%swap3A_134] : memref<16xi32, #tpu.memory_space<smem>>
    %slice3A_136 = vector.extract_strided_slice %while3A_26#1 {offsets = [9], sizes = [1], strides = [1]} : vector<16xi32> to vector<1xi32>
    %squeeze3A_137 = vector.extract %slice3A_136[0] : i32 from vector<1xi32>
    %swap3A_138 = arith.constant 9 : i32
    %swap3A_139 = arith.index_cast %swap3A_138 : i32 to index
    %swap3A_140 = memref.load %arg18[%swap3A_139] : memref<16xi32, #tpu.memory_space<smem>>
    memref.store %squeeze3A_137, %arg18[%swap3A_139] : memref<16xi32, #tpu.memory_space<smem>>
    %slice3A_141 = vector.extract_strided_slice %while3A_26#0 {offsets = [10], sizes = [1], strides = [1]} : vector<16xi32> to vector<1xi32>
    %squeeze3A_142 = vector.extract %slice3A_141[0] : i32 from vector<1xi32>
    %swap3A_143 = arith.constant 10 : i32
    %swap3A_144 = arith.index_cast %swap3A_143 : i32 to index
    %swap3A_145 = memref.load %arg17[%swap3A_144] : memref<16xi32, #tpu.memory_space<smem>>
    memref.store %squeeze3A_142, %arg17[%swap3A_144] : memref<16xi32, #tpu.memory_space<smem>>
    %slice3A_146 = vector.extract_strided_slice %while3A_26#1 {offsets = [10], sizes = [1], strides = [1]} : vector<16xi32> to vector<1xi32>
    %squeeze3A_147 = vector.extract %slice3A_146[0] : i32 from vector<1xi32>
    %swap3A_148 = arith.constant 10 : i32
    %swap3A_149 = arith.index_cast %swap3A_148 : i32 to index
    %swap3A_150 = memref.load %arg18[%swap3A_149] : memref<16xi32, #tpu.memory_space<smem>>
    memref.store %squeeze3A_147, %arg18[%swap3A_149] : memref<16xi32, #tpu.memory_space<smem>>
    %slice3A_151 = vector.extract_strided_slice %while3A_26#0 {offsets = [11], sizes = [1], strides = [1]} : vector<16xi32> to vector<1xi32>
    %squeeze3A_152 = vector.extract %slice3A_151[0] : i32 from vector<1xi32>
    %swap3A_153 = arith.constant 11 : i32
    %swap3A_154 = arith.index_cast %swap3A_153 : i32 to index
    %swap3A_155 = memref.load %arg17[%swap3A_154] : memref<16xi32, #tpu.memory_space<smem>>
    memref.store %squeeze3A_152, %arg17[%swap3A_154] : memref<16xi32, #tpu.memory_space<smem>>
    %slice3A_156 = vector.extract_strided_slice %while3A_26#1 {offsets = [11], sizes = [1], strides = [1]} : vector<16xi32> to vector<1xi32>
    %squeeze3A_157 = vector.extract %slice3A_156[0] : i32 from vector<1xi32>
    %swap3A_158 = arith.constant 11 : i32
    %swap3A_159 = arith.index_cast %swap3A_158 : i32 to index
    %swap3A_160 = memref.load %arg18[%swap3A_159] : memref<16xi32, #tpu.memory_space<smem>>
    memref.store %squeeze3A_157, %arg18[%swap3A_159] : memref<16xi32, #tpu.memory_space<smem>>
    %slice3A_161 = vector.extract_strided_slice %while3A_26#0 {offsets = [12], sizes = [1], strides = [1]} : vector<16xi32> to vector<1xi32>
    %squeeze3A_162 = vector.extract %slice3A_161[0] : i32 from vector<1xi32>
    %swap3A_163 = arith.constant 12 : i32
    %swap3A_164 = arith.index_cast %swap3A_163 : i32 to index
    %swap3A_165 = memref.load %arg17[%swap3A_164] : memref<16xi32, #tpu.memory_space<smem>>
    memref.store %squeeze3A_162, %arg17[%swap3A_164] : memref<16xi32, #tpu.memory_space<smem>>
    %slice3A_166 = vector.extract_strided_slice %while3A_26#1 {offsets = [12], sizes = [1], strides = [1]} : vector<16xi32> to vector<1xi32>
    %squeeze3A_167 = vector.extract %slice3A_166[0] : i32 from vector<1xi32>
    %swap3A_168 = arith.constant 12 : i32
    %swap3A_169 = arith.index_cast %swap3A_168 : i32 to index
    %swap3A_170 = memref.load %arg18[%swap3A_169] : memref<16xi32, #tpu.memory_space<smem>>
    memref.store %squeeze3A_167, %arg18[%swap3A_169] : memref<16xi32, #tpu.memory_space<smem>>
    %slice3A_171 = vector.extract_strided_slice %while3A_26#0 {offsets = [13], sizes = [1], strides = [1]} : vector<16xi32> to vector<1xi32>
    %squeeze3A_172 = vector.extract %slice3A_171[0] : i32 from vector<1xi32>
    %swap3A_173 = arith.constant 13 : i32
    %swap3A_174 = arith.index_cast %swap3A_173 : i32 to index
    %swap3A_175 = memref.load %arg17[%swap3A_174] : memref<16xi32, #tpu.memory_space<smem>>
    memref.store %squeeze3A_172, %arg17[%swap3A_174] : memref<16xi32, #tpu.memory_space<smem>>
    %slice3A_176 = vector.extract_strided_slice %while3A_26#1 {offsets = [13], sizes = [1], strides = [1]} : vector<16xi32> to vector<1xi32>
    %squeeze3A_177 = vector.extract %slice3A_176[0] : i32 from vector<1xi32>
    %swap3A_178 = arith.constant 13 : i32
    %swap3A_179 = arith.index_cast %swap3A_178 : i32 to index
    %swap3A_180 = memref.load %arg18[%swap3A_179] : memref<16xi32, #tpu.memory_space<smem>>
    memref.store %squeeze3A_177, %arg18[%swap3A_179] : memref<16xi32, #tpu.memory_space<smem>>
    %slice3A_181 = vector.extract_strided_slice %while3A_26#0 {offsets = [14], sizes = [1], strides = [1]} : vector<16xi32> to vector<1xi32>
    %squeeze3A_182 = vector.extract %slice3A_181[0] : i32 from vector<1xi32>
    %swap3A_183 = arith.constant 14 : i32
    %swap3A_184 = arith.index_cast %swap3A_183 : i32 to index
    %swap3A_185 = memref.load %arg17[%swap3A_184] : memref<16xi32, #tpu.memory_space<smem>>
    memref.store %squeeze3A_182, %arg17[%swap3A_184] : memref<16xi32, #tpu.memory_space<smem>>
    %slice3A_186 = vector.extract_strided_slice %while3A_26#1 {offsets = [14], sizes = [1], strides = [1]} : vector<16xi32> to vector<1xi32>
    %squeeze3A_187 = vector.extract %slice3A_186[0] : i32 from vector<1xi32>
    %swap3A_188 = arith.constant 14 : i32
    %swap3A_189 = arith.index_cast %swap3A_188 : i32 to index
    %swap3A_190 = memref.load %arg18[%swap3A_189] : memref<16xi32, #tpu.memory_space<smem>>
    memref.store %squeeze3A_187, %arg18[%swap3A_189] : memref<16xi32, #tpu.memory_space<smem>>
    %slice3A_191 = vector.extract_strided_slice %while3A_26#0 {offsets = [15], sizes = [1], strides = [1]} : vector<16xi32> to vector<1xi32>
    %squeeze3A_192 = vector.extract %slice3A_191[0] : i32 from vector<1xi32>
    %swap3A_193 = arith.constant 15 : i32
    %swap3A_194 = arith.index_cast %swap3A_193 : i32 to index
    %swap3A_195 = memref.load %arg17[%swap3A_194] : memref<16xi32, #tpu.memory_space<smem>>
    memref.store %squeeze3A_192, %arg17[%swap3A_194] : memref<16xi32, #tpu.memory_space<smem>>
    %slice3A_196 = vector.extract_strided_slice %while3A_26#1 {offsets = [15], sizes = [1], strides = [1]} : vector<16xi32> to vector<1xi32>
    %squeeze3A_197 = vector.extract %slice3A_196[0] : i32 from vector<1xi32>
    %swap3A_198 = arith.constant 15 : i32
    %swap3A_199 = arith.index_cast %swap3A_198 : i32 to index
    %swap3A_200 = memref.load %arg18[%swap3A_199] : memref<16xi32, #tpu.memory_space<smem>>
    memref.store %squeeze3A_197, %arg18[%swap3A_199] : memref<16xi32, #tpu.memory_space<smem>>
    %scan3A_201 = arith.constant 0 : i32
    %scan3A_202 = arith.constant 0 : i32
    %scan3A_203 = arith.constant 16 : i32
    %scan3A_204 = arith.addi %scan3A_202, %scan3A_203 : i32
    %scan3A_205 = arith.constant 1 : i32
    %scan3A_206 = scf.for %scan3A_216 = %scan3A_202 to %scan3A_204 step %scan3A_205 iter_args(%scan3A_217 = %scan3A_201) -> (i32)  : i32 {
      %mul3A_218 = arith.constant 16 : i32
      %mul3A_219 = arith.muli %scan3A_216, %mul3A_218 : i32
      %get3A = arith.index_cast %scan3A_216 : i32 to index
      %get3A_220 = memref.load %arg17[%get3A] : memref<16xi32, #tpu.memory_space<smem>>
      %get3A_221 = arith.index_cast %scan3A_216 : i32 to index
      %get3A_222 = memref.load %arg18[%get3A_221] : memref<16xi32, #tpu.memory_space<smem>>
      %while3A_223 = arith.subi %get3A_222, %get3A_220 : i32
      %while3A_224 = arith.addi %get3A_220, %while3A_223 : i32
      %while3A_225 = arith.constant 1 : i32
      %while3A_226 = arith.divsi %while3A_223, %while3A_225 : i32
      %while3A_227 = arith.muli %while3A_226, %while3A_225 : i32
      %while3A_228 = arith.addi %get3A_220, %while3A_227 : i32
      %while3A_229 = arith.constant 1 : i32
      %while3A_230:33 = scf.for %while3A_706 = %get3A_220 to %while3A_228 step %while3A_229 iter_args(%while3A_707 = %broadcast_in_dim3A_12, %while3A_708 = %broadcast_in_dim3A_12, %while3A_709 = %broadcast_in_dim3A_12, %while3A_710 = %broadcast_in_dim3A_12, %while3A_711 = %broadcast_in_dim3A_12, %while3A_712 = %broadcast_in_dim3A_12, %while3A_713 = %broadcast_in_dim3A_12, %while3A_714 = %broadcast_in_dim3A_12, %while3A_715 = %broadcast_in_dim3A_12, %while3A_716 = %broadcast_in_dim3A_12, %while3A_717 = %broadcast_in_dim3A_12, %while3A_718 = %broadcast_in_dim3A_12, %while3A_719 = %broadcast_in_dim3A_12, %while3A_720 = %broadcast_in_dim3A_12, %while3A_721 = %broadcast_in_dim3A_12, %while3A_722 = %broadcast_in_dim3A_12, %while3A_723 = %broadcast_in_dim3A_12, %while3A_724 = %broadcast_in_dim3A_12, %while3A_725 = %broadcast_in_dim3A_12, %while3A_726 = %broadcast_in_dim3A_12, %while3A_727 = %broadcast_in_dim3A_12, %while3A_728 = %broadcast_in_dim3A_12, %while3A_729 = %broadcast_in_dim3A_12, %while3A_730 = %broadcast_in_dim3A_12, %while3A_731 = %broadcast_in_dim3A_12, %while3A_732 = %broadcast_in_dim3A_12, %while3A_733 = %broadcast_in_dim3A_12, %while3A_734 = %broadcast_in_dim3A_12, %while3A_735 = %broadcast_in_dim3A_12, %while3A_736 = %broadcast_in_dim3A_12, %while3A_737 = %broadcast_in_dim3A_12, %while3A_738 = %broadcast_in_dim3A_12, %while3A_739 = %broadcast_in_dim3A_12) -> (vector<16xf32>, vector<16xf32>, vector<16xf32>, vector<16xf32>, vector<16xf32>, vector<16xf32>, vector<16xf32>, vector<16xf32>, vector<16xf32>, vector<16xf32>, vector<16xf32>, vector<16xf32>, vector<16xf32>, vector<16xf32>, vector<16xf32>, vector<16xf32>, vector<16xf32>, vector<16xf32>, vector<16xf32>, vector<16xf32>, vector<16xf32>, vector<16xf32>, vector<16xf32>, vector<16xf32>, vector<16xf32>, vector<16xf32>, vector<16xf32>, vector<16xf32>, vector<16xf32>, vector<16xf32>, vector<16xf32>, vector<16xf32>, vector<16xf32>)  : i32 {
        %get3A_740 = arith.index_cast %while3A_706 : i32 to index
        %get3A_741 = arith.constant 0 : index
        %get3A_742 = tpu.vector_load %arg9[%get3A_740, %get3A_741] {strides = array<i32>} : memref<328x16xf32, #tpu.memory_space<vmem>>, vector<1x16xf32>,
        %get3A_743 = vector.shape_cast %get3A_742 : vector<1x16xf32> to vector<16xf32>
        %get3A_744 = arith.index_cast %while3A_706 : i32 to index
        %get3A_745 = arith.constant 0 : index
        %get3A_746 = tpu.vector_load %arg8[%get3A_744, %get3A_745] {strides = array<i32>} : memref<328x128xf32, #tpu.memory_space<vmem>>, vector<1x16xf32>,
        %get3A_747 = vector.shape_cast %get3A_746 : vector<1x16xf32> to vector<16xf32>
        %get3A_748 = arith.index_cast %while3A_706 : i32 to index
        %get3A_749 = arith.constant 16 : index
        %get3A_750 = tpu.vector_load %arg8[%get3A_748, %get3A_749] {strides = array<i32>} : memref<328x128xf32, #tpu.memory_space<vmem>>, vector<1x16xf32>,
        %get3A_751 = vector.shape_cast %get3A_750 : vector<1x16xf32> to vector<16xf32>
        %get3A_752 = arith.index_cast %while3A_706 : i32 to index
        %get3A_753 = arith.constant 32 : index
        %get3A_754 = tpu.vector_load %arg8[%get3A_752, %get3A_753] {strides = array<i32>} : memref<328x128xf32, #tpu.memory_space<vmem>>, vector<1x16xf32>,
        %get3A_755 = vector.shape_cast %get3A_754 : vector<1x16xf32> to vector<16xf32>
        %get3A_756 = arith.index_cast %while3A_706 : i32 to index
        %get3A_757 = arith.constant 48 : index
        %get3A_758 = tpu.vector_load %arg8[%get3A_756, %get3A_757] {strides = array<i32>} : memref<328x128xf32, #tpu.memory_space<vmem>>, vector<1x16xf32>,
        %get3A_759 = vector.shape_cast %get3A_758 : vector<1x16xf32> to vector<16xf32>
        %slice3A_760 = vector.extract_strided_slice %get3A_743 {offsets = [0], sizes = [1], strides = [1]} : vector<16xf32> to vector<1xf32>
        %squeeze3A_761 = vector.extract %slice3A_760[0] : f32 from vector<1xf32>
        %mul3A_762 = vector.broadcast %squeeze3A_761 : f32 to vector<16xf32>
        %mul3A_763 = arith.mulf %mul3A_762, %get3A_747 : vector<16xf32>
        %add3A_764 = arith.addf %while3A_707, %mul3A_763 : vector<16xf32>
        %mul3A_765 = vector.broadcast %squeeze3A_761 : f32 to vector<16xf32>
        %mul3A_766 = arith.mulf %mul3A_765, %get3A_751 : vector<16xf32>
        %add3A_767 = arith.addf %while3A_708, %mul3A_766 : vector<16xf32>
        %add3A_768 = arith.constant 0 : i32
        %add3A_769 = arith.addi %mul3A_219, %add3A_768 : i32
        %mul3A_770 = vector.broadcast %squeeze3A_761 : f32 to vector<16xf32>
        %mul3A_771 = arith.mulf %mul3A_770, %get3A_755 : vector<16xf32>
        %swap3A_772 = arith.index_cast %add3A_769 : i32 to index
        %swap3A_773 = arith.constant 32 : index
        %swap3A_774 = tpu.vector_load %arg11[%swap3A_772, %swap3A_773] {strides = array<i32>} : memref<256x128xf32, #tpu.memory_space<vmem>>, vector<1x16xf32>,
        %swap3A_775 = vector.shape_cast %swap3A_774 : vector<1x16xf32> to vector<16xf32>
        %swap3A_776 = vector.shape_cast %mul3A_771 : vector<16xf32> to vector<1x16xf32>
        tpu.vector_store %arg11[%swap3A_772, %swap3A_773], %swap3A_776 {add = true, strides = array<i32>} : memref<256x128xf32, #tpu.memory_space<vmem>>, vector<1x16xf32>,
        %add3A_777 = arith.constant 0 : i32
        %add3A_778 = arith.addi %mul3A_219, %add3A_777 : i32
        %mul3A_779 = vector.broadcast %squeeze3A_761 : f32 to vector<16xf32>
        %mul3A_780 = arith.mulf %mul3A_779, %get3A_759 : vector<16xf32>
        %swap3A_781 = arith.index_cast %add3A_778 : i32 to index
        %swap3A_782 = arith.constant 48 : index
        %swap3A_783 = tpu.vector_load %arg11[%swap3A_781, %swap3A_782] {strides = array<i32>} : memref<256x128xf32, #tpu.memory_space<vmem>>, vector<1x16xf32>,
        %swap3A_784 = vector.shape_cast %swap3A_783 : vector<1x16xf32> to vector<16xf32>
        %swap3A_785 = vector.shape_cast %mul3A_780 : vector<16xf32> to vector<1x16xf32>
        tpu.vector_store %arg11[%swap3A_781, %swap3A_782], %swap3A_785 {add = true, strides = array<i32>} : memref<256x128xf32, #tpu.memory_space<vmem>>, vector<1x16xf32>,
        %slice3A_786 = vector.extract_strided_slice %get3A_743 {offsets = [1], sizes = [1], strides = [1]} : vector<16xf32> to vector<1xf32>
        %squeeze3A_787 = vector.extract %slice3A_786[0] : f32 from vector<1xf32>
        %mul3A_788 = vector.broadcast %squeeze3A_787 : f32 to vector<16xf32>
        %mul3A_789 = arith.mulf %mul3A_788, %get3A_747 : vector<16xf32>
        %add3A_790 = arith.addf %while3A_709, %mul3A_789 : vector<16xf32>
        %mul3A_791 = vector.broadcast %squeeze3A_787 : f32 to vector<16xf32>
        %mul3A_792 = arith.mulf %mul3A_791, %get3A_751 : vector<16xf32>
        %add3A_793 = arith.addf %while3A_710, %mul3A_792 : vector<16xf32>
        %add3A_794 = arith.constant 1 : i32
        %add3A_795 = arith.addi %mul3A_219, %add3A_794 : i32
        %mul3A_796 = vector.broadcast %squeeze3A_787 : f32 to vector<16xf32>
        %mul3A_797 = arith.mulf %mul3A_796, %get3A_755 : vector<16xf32>
        %swap3A_798 = arith.index_cast %add3A_795 : i32 to index
        %swap3A_799 = arith.constant 32 : index
        %swap3A_800 = tpu.vector_load %arg11[%swap3A_798, %swap3A_799] {strides = array<i32>} : memref<256x128xf32, #tpu.memory_space<vmem>>, vector<1x16xf32>,
        %swap3A_801 = vector.shape_cast %swap3A_800 : vector<1x16xf32> to vector<16xf32>
        %swap3A_802 = vector.shape_cast %mul3A_797 : vector<16xf32> to vector<1x16xf32>
        tpu.vector_store %arg11[%swap3A_798, %swap3A_799], %swap3A_802 {add = true, strides = array<i32>} : memref<256x128xf32, #tpu.memory_space<vmem>>, vector<1x16xf32>,
        %add3A_803 = arith.constant 1 : i32
        %add3A_804 = arith.addi %mul3A_219, %add3A_803 : i32
        %mul3A_805 = vector.broadcast %squeeze3A_787 : f32 to vector<16xf32>
        %mul3A_806 = arith.mulf %mul3A_805, %get3A_759 : vector<16xf32>
        %swap3A_807 = arith.index_cast %add3A_804 : i32 to index
        %swap3A_808 = arith.constant 48 : index
        %swap3A_809 = tpu.vector_load %arg11[%swap3A_807, %swap3A_808] {strides = array<i32>} : memref<256x128xf32, #tpu.memory_space<vmem>>, vector<1x16xf32>,
        %swap3A_810 = vector.shape_cast %swap3A_809 : vector<1x16xf32> to vector<16xf32>
        %swap3A_811 = vector.shape_cast %mul3A_806 : vector<16xf32> to vector<1x16xf32>
        tpu.vector_store %arg11[%swap3A_807, %swap3A_808], %swap3A_811 {add = true, strides = array<i32>} : memref<256x128xf32, #tpu.memory_space<vmem>>, vector<1x16xf32>,
        %slice3A_812 = vector.extract_strided_slice %get3A_743 {offsets = [2], sizes = [1], strides = [1]} : vector<16xf32> to vector<1xf32>
        %squeeze3A_813 = vector.extract %slice3A_812[0] : f32 from vector<1xf32>
        %mul3A_814 = vector.broadcast %squeeze3A_813 : f32 to vector<16xf32>
        %mul3A_815 = arith.mulf %mul3A_814, %get3A_747 : vector<16xf32>
        %add3A_816 = arith.addf %while3A_711, %mul3A_815 : vector<16xf32>
        %mul3A_817 = vector.broadcast %squeeze3A_813 : f32 to vector<16xf32>
        %mul3A_818 = arith.mulf %mul3A_817, %get3A_751 : vector<16xf32>
        %add3A_819 = arith.addf %while3A_712, %mul3A_818 : vector<16xf32>
        %add3A_820 = arith.constant 2 : i32
        %add3A_821 = arith.addi %mul3A_219, %add3A_820 : i32
        %mul3A_822 = vector.broadcast %squeeze3A_813 : f32 to vector<16xf32>
        %mul3A_823 = arith.mulf %mul3A_822, %get3A_755 : vector<16xf32>
        %swap3A_824 = arith.index_cast %add3A_821 : i32 to index
        %swap3A_825 = arith.constant 32 : index
        %swap3A_826 = tpu.vector_load %arg11[%swap3A_824, %swap3A_825] {strides = array<i32>} : memref<256x128xf32, #tpu.memory_space<vmem>>, vector<1x16xf32>,
        %swap3A_827 = vector.shape_cast %swap3A_826 : vector<1x16xf32> to vector<16xf32>
        %swap3A_828 = vector.shape_cast %mul3A_823 : vector<16xf32> to vector<1x16xf32>
        tpu.vector_store %arg11[%swap3A_824, %swap3A_825], %swap3A_828 {add = true, strides = array<i32>} : memref<256x128xf32, #tpu.memory_space<vmem>>, vector<1x16xf32>,
        %add3A_829 = arith.constant 2 : i32
        %add3A_830 = arith.addi %mul3A_219, %add3A_829 : i32
        %mul3A_831 = vector.broadcast %squeeze3A_813 : f32 to vector<16xf32>
        %mul3A_832 = arith.mulf %mul3A_831, %get3A_759 : vector<16xf32>
        %swap3A_833 = arith.index_cast %add3A_830 : i32 to index
        %swap3A_834 = arith.constant 48 : index
        %swap3A_835 = tpu.vector_load %arg11[%swap3A_833, %swap3A_834] {strides = array<i32>} : memref<256x128xf32, #tpu.memory_space<vmem>>, vector<1x16xf32>,
        %swap3A_836 = vector.shape_cast %swap3A_835 : vector<1x16xf32> to vector<16xf32>
        %swap3A_837 = vector.shape_cast %mul3A_832 : vector<16xf32> to vector<1x16xf32>
        tpu.vector_store %arg11[%swap3A_833, %swap3A_834], %swap3A_837 {add = true, strides = array<i32>} : memref<256x128xf32, #tpu.memory_space<vmem>>, vector<1x16xf32>,
        %slice3A_838 = vector.extract_strided_slice %get3A_743 {offsets = [3], sizes = [1], strides = [1]} : vector<16xf32> to vector<1xf32>
        %squeeze3A_839 = vector.extract %slice3A_838[0] : f32 from vector<1xf32>
        %mul3A_840 = vector.broadcast %squeeze3A_839 : f32 to vector<16xf32>
        %mul3A_841 = arith.mulf %mul3A_840, %get3A_747 : vector<16xf32>
        %add3A_842 = arith.addf %while3A_713, %mul3A_841 : vector<16xf32>
        %mul3A_843 = vector.broadcast %squeeze3A_839 : f32 to vector<16xf32>
        %mul3A_844 = arith.mulf %mul3A_843, %get3A_751 : vector<16xf32>
        %add3A_845 = arith.addf %while3A_714, %mul3A_844 : vector<16xf32>
        %add3A_846 = arith.constant 3 : i32
        %add3A_847 = arith.addi %mul3A_219, %add3A_846 : i32
        %mul3A_848 = vector.broadcast %squeeze3A_839 : f32 to vector<16xf32>
        %mul3A_849 = arith.mulf %mul3A_848, %get3A_755 : vector<16xf32>
        %swap3A_850 = arith.index_cast %add3A_847 : i32 to index
        %swap3A_851 = arith.constant 32 : index
        %swap3A_852 = tpu.vector_load %arg11[%swap3A_850, %swap3A_851] {strides = array<i32>} : memref<256x128xf32, #tpu.memory_space<vmem>>, vector<1x16xf32>,
        %swap3A_853 = vector.shape_cast %swap3A_852 : vector<1x16xf32> to vector<16xf32>
        %swap3A_854 = vector.shape_cast %mul3A_849 : vector<16xf32> to vector<1x16xf32>
        tpu.vector_store %arg11[%swap3A_850, %swap3A_851], %swap3A_854 {add = true, strides = array<i32>} : memref<256x128xf32, #tpu.memory_space<vmem>>, vector<1x16xf32>,
        %add3A_855 = arith.constant 3 : i32
        %add3A_856 = arith.addi %mul3A_219, %add3A_855 : i32
        %mul3A_857 = vector.broadcast %squeeze3A_839 : f32 to vector<16xf32>
        %mul3A_858 = arith.mulf %mul3A_857, %get3A_759 : vector<16xf32>
        %swap3A_859 = arith.index_cast %add3A_856 : i32 to index
        %swap3A_860 = arith.constant 48 : index
        %swap3A_861 = tpu.vector_load %arg11[%swap3A_859, %swap3A_860] {strides = array<i32>} : memref<256x128xf32, #tpu.memory_space<vmem>>, vector<1x16xf32>,
        %swap3A_862 = vector.shape_cast %swap3A_861 : vector<1x16xf32> to vector<16xf32>
        %swap3A_863 = vector.shape_cast %mul3A_858 : vector<16xf32> to vector<1x16xf32>
        tpu.vector_store %arg11[%swap3A_859, %swap3A_860], %swap3A_863 {add = true, strides = array<i32>} : memref<256x128xf32, #tpu.memory_space<vmem>>, vector<1x16xf32>,
        %slice3A_864 = vector.extract_strided_slice %get3A_743 {offsets = [4], sizes = [1], strides = [1]} : vector<16xf32> to vector<1xf32>
        %squeeze3A_865 = vector.extract %slice3A_864[0] : f32 from vector<1xf32>
        %mul3A_866 = vector.broadcast %squeeze3A_865 : f32 to vector<16xf32>
        %mul3A_867 = arith.mulf %mul3A_866, %get3A_747 : vector<16xf32>
        %add3A_868 = arith.addf %while3A_715, %mul3A_867 : vector<16xf32>
        %mul3A_869 = vector.broadcast %squeeze3A_865 : f32 to vector<16xf32>
        %mul3A_870 = arith.mulf %mul3A_869, %get3A_751 : vector<16xf32>
        %add3A_871 = arith.addf %while3A_716, %mul3A_870 : vector<16xf32>
        %add3A_872 = arith.constant 4 : i32
        %add3A_873 = arith.addi %mul3A_219, %add3A_872 : i32
        %mul3A_874 = vector.broadcast %squeeze3A_865 : f32 to vector<16xf32>
        %mul3A_875 = arith.mulf %mul3A_874, %get3A_755 : vector<16xf32>
        %swap3A_876 = arith.index_cast %add3A_873 : i32 to index
        %swap3A_877 = arith.constant 32 : index
        %swap3A_878 = tpu.vector_load %arg11[%swap3A_876, %swap3A_877] {strides = array<i32>} : memref<256x128xf32, #tpu.memory_space<vmem>>, vector<1x16xf32>,
        %swap3A_879 = vector.shape_cast %swap3A_878 : vector<1x16xf32> to vector<16xf32>
        %swap3A_880 = vector.shape_cast %mul3A_875 : vector<16xf32> to vector<1x16xf32>
        tpu.vector_store %arg11[%swap3A_876, %swap3A_877], %swap3A_880 {add = true, strides = array<i32>} : memref<256x128xf32, #tpu.memory_space<vmem>>, vector<1x16xf32>,
        %add3A_881 = arith.constant 4 : i32
        %add3A_882 = arith.addi %mul3A_219, %add3A_881 : i32
        %mul3A_883 = vector.broadcast %squeeze3A_865 : f32 to vector<16xf32>
        %mul3A_884 = arith.mulf %mul3A_883, %get3A_759 : vector<16xf32>
        %swap3A_885 = arith.index_cast %add3A_882 : i32 to index
        %swap3A_886 = arith.constant 48 : index
        %swap3A_887 = tpu.vector_load %arg11[%swap3A_885, %swap3A_886] {strides = array<i32>} : memref<256x128xf32, #tpu.memory_space<vmem>>, vector<1x16xf32>,
        %swap3A_888 = vector.shape_cast %swap3A_887 : vector<1x16xf32> to vector<16xf32>
        %swap3A_889 = vector.shape_cast %mul3A_884 : vector<16xf32> to vector<1x16xf32>
        tpu.vector_store %arg11[%swap3A_885, %swap3A_886], %swap3A_889 {add = true, strides = array<i32>} : memref<256x128xf32, #tpu.memory_space<vmem>>, vector<1x16xf32>,
        %slice3A_890 = vector.extract_strided_slice %get3A_743 {offsets = [5], sizes = [1], strides = [1]} : vector<16xf32> to vector<1xf32>
        %squeeze3A_891 = vector.extract %slice3A_890[0] : f32 from vector<1xf32>
        %mul3A_892 = vector.broadcast %squeeze3A_891 : f32 to vector<16xf32>
        %mul3A_893 = arith.mulf %mul3A_892, %get3A_747 : vector<16xf32>
        %add3A_894 = arith.addf %while3A_717, %mul3A_893 : vector<16xf32>
        %mul3A_895 = vector.broadcast %squeeze3A_891 : f32 to vector<16xf32>
        %mul3A_896 = arith.mulf %mul3A_895, %get3A_751 : vector<16xf32>
        %add3A_897 = arith.addf %while3A_718, %mul3A_896 : vector<16xf32>
        %add3A_898 = arith.constant 5 : i32
        %add3A_899 = arith.addi %mul3A_219, %add3A_898 : i32
        %mul3A_900 = vector.broadcast %squeeze3A_891 : f32 to vector<16xf32>
        %mul3A_901 = arith.mulf %mul3A_900, %get3A_755 : vector<16xf32>
        %swap3A_902 = arith.index_cast %add3A_899 : i32 to index
        %swap3A_903 = arith.constant 32 : index
        %swap3A_904 = tpu.vector_load %arg11[%swap3A_902, %swap3A_903] {strides = array<i32>} : memref<256x128xf32, #tpu.memory_space<vmem>>, vector<1x16xf32>,
        %swap3A_905 = vector.shape_cast %swap3A_904 : vector<1x16xf32> to vector<16xf32>
        %swap3A_906 = vector.shape_cast %mul3A_901 : vector<16xf32> to vector<1x16xf32>
        tpu.vector_store %arg11[%swap3A_902, %swap3A_903], %swap3A_906 {add = true, strides = array<i32>} : memref<256x128xf32, #tpu.memory_space<vmem>>, vector<1x16xf32>,
        %add3A_907 = arith.constant 5 : i32
        %add3A_908 = arith.addi %mul3A_219, %add3A_907 : i32
        %mul3A_909 = vector.broadcast %squeeze3A_891 : f32 to vector<16xf32>
        %mul3A_910 = arith.mulf %mul3A_909, %get3A_759 : vector<16xf32>
        %swap3A_911 = arith.index_cast %add3A_908 : i32 to index
        %swap3A_912 = arith.constant 48 : index
        %swap3A_913 = tpu.vector_load %arg11[%swap3A_911, %swap3A_912] {strides = array<i32>} : memref<256x128xf32, #tpu.memory_space<vmem>>, vector<1x16xf32>,
        %swap3A_914 = vector.shape_cast %swap3A_913 : vector<1x16xf32> to vector<16xf32>
        %swap3A_915 = vector.shape_cast %mul3A_910 : vector<16xf32> to vector<1x16xf32>
        tpu.vector_store %arg11[%swap3A_911, %swap3A_912], %swap3A_915 {add = true, strides = array<i32>} : memref<256x128xf32, #tpu.memory_space<vmem>>, vector<1x16xf32>,
        %slice3A_916 = vector.extract_strided_slice %get3A_743 {offsets = [6], sizes = [1], strides = [1]} : vector<16xf32> to vector<1xf32>
        %squeeze3A_917 = vector.extract %slice3A_916[0] : f32 from vector<1xf32>
        %mul3A_918 = vector.broadcast %squeeze3A_917 : f32 to vector<16xf32>
        %mul3A_919 = arith.mulf %mul3A_918, %get3A_747 : vector<16xf32>
        %add3A_920 = arith.addf %while3A_719, %mul3A_919 : vector<16xf32>
        %mul3A_921 = vector.broadcast %squeeze3A_917 : f32 to vector<16xf32>
        %mul3A_922 = arith.mulf %mul3A_921, %get3A_751 : vector<16xf32>
        %add3A_923 = arith.addf %while3A_720, %mul3A_922 : vector<16xf32>
        %add3A_924 = arith.constant 6 : i32
        %add3A_925 = arith.addi %mul3A_219, %add3A_924 : i32
        %mul3A_926 = vector.broadcast %squeeze3A_917 : f32 to vector<16xf32>
        %mul3A_927 = arith.mulf %mul3A_926, %get3A_755 : vector<16xf32>
        %swap3A_928 = arith.index_cast %add3A_925 : i32 to index
        %swap3A_929 = arith.constant 32 : index
        %swap3A_930 = tpu.vector_load %arg11[%swap3A_928, %swap3A_929] {strides = array<i32>} : memref<256x128xf32, #tpu.memory_space<vmem>>, vector<1x16xf32>,
        %swap3A_931 = vector.shape_cast %swap3A_930 : vector<1x16xf32> to vector<16xf32>
        %swap3A_932 = vector.shape_cast %mul3A_927 : vector<16xf32> to vector<1x16xf32>
        tpu.vector_store %arg11[%swap3A_928, %swap3A_929], %swap3A_932 {add = true, strides = array<i32>} : memref<256x128xf32, #tpu.memory_space<vmem>>, vector<1x16xf32>,
        %add3A_933 = arith.constant 6 : i32
        %add3A_934 = arith.addi %mul3A_219, %add3A_933 : i32
        %mul3A_935 = vector.broadcast %squeeze3A_917 : f32 to vector<16xf32>
        %mul3A_936 = arith.mulf %mul3A_935, %get3A_759 : vector<16xf32>
        %swap3A_937 = arith.index_cast %add3A_934 : i32 to index
        %swap3A_938 = arith.constant 48 : index
        %swap3A_939 = tpu.vector_load %arg11[%swap3A_937, %swap3A_938] {strides = array<i32>} : memref<256x128xf32, #tpu.memory_space<vmem>>, vector<1x16xf32>,
        %swap3A_940 = vector.shape_cast %swap3A_939 : vector<1x16xf32> to vector<16xf32>
        %swap3A_941 = vector.shape_cast %mul3A_936 : vector<16xf32> to vector<1x16xf32>
        tpu.vector_store %arg11[%swap3A_937, %swap3A_938], %swap3A_941 {add = true, strides = array<i32>} : memref<256x128xf32, #tpu.memory_space<vmem>>, vector<1x16xf32>,
        %slice3A_942 = vector.extract_strided_slice %get3A_743 {offsets = [7], sizes = [1], strides = [1]} : vector<16xf32> to vector<1xf32>
        %squeeze3A_943 = vector.extract %slice3A_942[0] : f32 from vector<1xf32>
        %mul3A_944 = vector.broadcast %squeeze3A_943 : f32 to vector<16xf32>
        %mul3A_945 = arith.mulf %mul3A_944, %get3A_747 : vector<16xf32>
        %add3A_946 = arith.addf %while3A_721, %mul3A_945 : vector<16xf32>
        %mul3A_947 = vector.broadcast %squeeze3A_943 : f32 to vector<16xf32>
        %mul3A_948 = arith.mulf %mul3A_947, %get3A_751 : vector<16xf32>
        %add3A_949 = arith.addf %while3A_722, %mul3A_948 : vector<16xf32>
        %add3A_950 = arith.constant 7 : i32
        %add3A_951 = arith.addi %mul3A_219, %add3A_950 : i32
        %mul3A_952 = vector.broadcast %squeeze3A_943 : f32 to vector<16xf32>
        %mul3A_953 = arith.mulf %mul3A_952, %get3A_755 : vector<16xf32>
        %swap3A_954 = arith.index_cast %add3A_951 : i32 to index
        %swap3A_955 = arith.constant 32 : index
        %swap3A_956 = tpu.vector_load %arg11[%swap3A_954, %swap3A_955] {strides = array<i32>} : memref<256x128xf32, #tpu.memory_space<vmem>>, vector<1x16xf32>,
        %swap3A_957 = vector.shape_cast %swap3A_956 : vector<1x16xf32> to vector<16xf32>
        %swap3A_958 = vector.shape_cast %mul3A_953 : vector<16xf32> to vector<1x16xf32>
        tpu.vector_store %arg11[%swap3A_954, %swap3A_955], %swap3A_958 {add = true, strides = array<i32>} : memref<256x128xf32, #tpu.memory_space<vmem>>, vector<1x16xf32>,
        %add3A_959 = arith.constant 7 : i32
        %add3A_960 = arith.addi %mul3A_219, %add3A_959 : i32
        %mul3A_961 = vector.broadcast %squeeze3A_943 : f32 to vector<16xf32>
        %mul3A_962 = arith.mulf %mul3A_961, %get3A_759 : vector<16xf32>
        %swap3A_963 = arith.index_cast %add3A_960 : i32 to index
        %swap3A_964 = arith.constant 48 : index
        %swap3A_965 = tpu.vector_load %arg11[%swap3A_963, %swap3A_964] {strides = array<i32>} : memref<256x128xf32, #tpu.memory_space<vmem>>, vector<1x16xf32>,
        %swap3A_966 = vector.shape_cast %swap3A_965 : vector<1x16xf32> to vector<16xf32>
        %swap3A_967 = vector.shape_cast %mul3A_962 : vector<16xf32> to vector<1x16xf32>
        tpu.vector_store %arg11[%swap3A_963, %swap3A_964], %swap3A_967 {add = true, strides = array<i32>} : memref<256x128xf32, #tpu.memory_space<vmem>>, vector<1x16xf32>,
        %slice3A_968 = vector.extract_strided_slice %get3A_743 {offsets = [8], sizes = [1], strides = [1]} : vector<16xf32> to vector<1xf32>
        %squeeze3A_969 = vector.extract %slice3A_968[0] : f32 from vector<1xf32>
        %mul3A_970 = vector.broadcast %squeeze3A_969 : f32 to vector<16xf32>
        %mul3A_971 = arith.mulf %mul3A_970, %get3A_747 : vector<16xf32>
        %add3A_972 = arith.addf %while3A_723, %mul3A_971 : vector<16xf32>
        %mul3A_973 = vector.broadcast %squeeze3A_969 : f32 to vector<16xf32>
        %mul3A_974 = arith.mulf %mul3A_973, %get3A_751 : vector<16xf32>
        %add3A_975 = arith.addf %while3A_724, %mul3A_974 : vector<16xf32>
        %add3A_976 = arith.constant 8 : i32
        %add3A_977 = arith.addi %mul3A_219, %add3A_976 : i32
        %mul3A_978 = vector.broadcast %squeeze3A_969 : f32 to vector<16xf32>
        %mul3A_979 = arith.mulf %mul3A_978, %get3A_755 : vector<16xf32>
        %swap3A_980 = arith.index_cast %add3A_977 : i32 to index
        %swap3A_981 = arith.constant 32 : index
        %swap3A_982 = tpu.vector_load %arg11[%swap3A_980, %swap3A_981] {strides = array<i32>} : memref<256x128xf32, #tpu.memory_space<vmem>>, vector<1x16xf32>,
        %swap3A_983 = vector.shape_cast %swap3A_982 : vector<1x16xf32> to vector<16xf32>
        %swap3A_984 = vector.shape_cast %mul3A_979 : vector<16xf32> to vector<1x16xf32>
        tpu.vector_store %arg11[%swap3A_980, %swap3A_981], %swap3A_984 {add = true, strides = array<i32>} : memref<256x128xf32, #tpu.memory_space<vmem>>, vector<1x16xf32>,
        %add3A_985 = arith.constant 8 : i32
        %add3A_986 = arith.addi %mul3A_219, %add3A_985 : i32
        %mul3A_987 = vector.broadcast %squeeze3A_969 : f32 to vector<16xf32>
        %mul3A_988 = arith.mulf %mul3A_987, %get3A_759 : vector<16xf32>
        %swap3A_989 = arith.index_cast %add3A_986 : i32 to index
        %swap3A_990 = arith.constant 48 : index
        %swap3A_991 = tpu.vector_load %arg11[%swap3A_989, %swap3A_990] {strides = array<i32>} : memref<256x128xf32, #tpu.memory_space<vmem>>, vector<1x16xf32>,
        %swap3A_992 = vector.shape_cast %swap3A_991 : vector<1x16xf32> to vector<16xf32>
        %swap3A_993 = vector.shape_cast %mul3A_988 : vector<16xf32> to vector<1x16xf32>
        tpu.vector_store %arg11[%swap3A_989, %swap3A_990], %swap3A_993 {add = true, strides = array<i32>} : memref<256x128xf32, #tpu.memory_space<vmem>>, vector<1x16xf32>,
        %slice3A_994 = vector.extract_strided_slice %get3A_743 {offsets = [9], sizes = [1], strides = [1]} : vector<16xf32> to vector<1xf32>
        %squeeze3A_995 = vector.extract %slice3A_994[0] : f32 from vector<1xf32>
        %mul3A_996 = vector.broadcast %squeeze3A_995 : f32 to vector<16xf32>
        %mul3A_997 = arith.mulf %mul3A_996, %get3A_747 : vector<16xf32>
        %add3A_998 = arith.addf %while3A_725, %mul3A_997 : vector<16xf32>
        %mul3A_999 = vector.broadcast %squeeze3A_995 : f32 to vector<16xf32>
        %mul3A_1000 = arith.mulf %mul3A_999, %get3A_751 : vector<16xf32>
        %add3A_1001 = arith.addf %while3A_726, %mul3A_1000 : vector<16xf32>
        %add3A_1002 = arith.constant 9 : i32
        %add3A_1003 = arith.addi %mul3A_219, %add3A_1002 : i32
        %mul3A_1004 = vector.broadcast %squeeze3A_995 : f32 to vector<16xf32>
        %mul3A_1005 = arith.mulf %mul3A_1004, %get3A_755 : vector<16xf32>
        %swap3A_1006 = arith.index_cast %add3A_1003 : i32 to index
        %swap3A_1007 = arith.constant 32 : index
        %swap3A_1008 = tpu.vector_load %arg11[%swap3A_1006, %swap3A_1007] {strides = array<i32>} : memref<256x128xf32, #tpu.memory_space<vmem>>, vector<1x16xf32>,
        %swap3A_1009 = vector.shape_cast %swap3A_1008 : vector<1x16xf32> to vector<16xf32>
        %swap3A_1010 = vector.shape_cast %mul3A_1005 : vector<16xf32> to vector<1x16xf32>
        tpu.vector_store %arg11[%swap3A_1006, %swap3A_1007], %swap3A_1010 {add = true, strides = array<i32>} : memref<256x128xf32, #tpu.memory_space<vmem>>, vector<1x16xf32>,
        %add3A_1011 = arith.constant 9 : i32
        %add3A_1012 = arith.addi %mul3A_219, %add3A_1011 : i32
        %mul3A_1013 = vector.broadcast %squeeze3A_995 : f32 to vector<16xf32>
        %mul3A_1014 = arith.mulf %mul3A_1013, %get3A_759 : vector<16xf32>
        %swap3A_1015 = arith.index_cast %add3A_1012 : i32 to index
        %swap3A_1016 = arith.constant 48 : index
        %swap3A_1017 = tpu.vector_load %arg11[%swap3A_1015, %swap3A_1016] {strides = array<i32>} : memref<256x128xf32, #tpu.memory_space<vmem>>, vector<1x16xf32>,
        %swap3A_1018 = vector.shape_cast %swap3A_1017 : vector<1x16xf32> to vector<16xf32>
        %swap3A_1019 = vector.shape_cast %mul3A_1014 : vector<16xf32> to vector<1x16xf32>
        tpu.vector_store %arg11[%swap3A_1015, %swap3A_1016], %swap3A_1019 {add = true, strides = array<i32>} : memref<256x128xf32, #tpu.memory_space<vmem>>, vector<1x16xf32>,
        %slice3A_1020 = vector.extract_strided_slice %get3A_743 {offsets = [10], sizes = [1], strides = [1]} : vector<16xf32> to vector<1xf32>
        %squeeze3A_1021 = vector.extract %slice3A_1020[0] : f32 from vector<1xf32>
        %mul3A_1022 = vector.broadcast %squeeze3A_1021 : f32 to vector<16xf32>
        %mul3A_1023 = arith.mulf %mul3A_1022, %get3A_747 : vector<16xf32>
        %add3A_1024 = arith.addf %while3A_727, %mul3A_1023 : vector<16xf32>
        %mul3A_1025 = vector.broadcast %squeeze3A_1021 : f32 to vector<16xf32>
        %mul3A_1026 = arith.mulf %mul3A_1025, %get3A_751 : vector<16xf32>
        %add3A_1027 = arith.addf %while3A_728, %mul3A_1026 : vector<16xf32>
        %add3A_1028 = arith.constant 10 : i32
        %add3A_1029 = arith.addi %mul3A_219, %add3A_1028 : i32
        %mul3A_1030 = vector.broadcast %squeeze3A_1021 : f32 to vector<16xf32>
        %mul3A_1031 = arith.mulf %mul3A_1030, %get3A_755 : vector<16xf32>
        %swap3A_1032 = arith.index_cast %add3A_1029 : i32 to index
        %swap3A_1033 = arith.constant 32 : index
        %swap3A_1034 = tpu.vector_load %arg11[%swap3A_1032, %swap3A_1033] {strides = array<i32>} : memref<256x128xf32, #tpu.memory_space<vmem>>, vector<1x16xf32>,
        %swap3A_1035 = vector.shape_cast %swap3A_1034 : vector<1x16xf32> to vector<16xf32>
        %swap3A_1036 = vector.shape_cast %mul3A_1031 : vector<16xf32> to vector<1x16xf32>
        tpu.vector_store %arg11[%swap3A_1032, %swap3A_1033], %swap3A_1036 {add = true, strides = array<i32>} : memref<256x128xf32, #tpu.memory_space<vmem>>, vector<1x16xf32>,
        %add3A_1037 = arith.constant 10 : i32
        %add3A_1038 = arith.addi %mul3A_219, %add3A_1037 : i32
        %mul3A_1039 = vector.broadcast %squeeze3A_1021 : f32 to vector<16xf32>
        %mul3A_1040 = arith.mulf %mul3A_1039, %get3A_759 : vector<16xf32>
        %swap3A_1041 = arith.index_cast %add3A_1038 : i32 to index
        %swap3A_1042 = arith.constant 48 : index
        %swap3A_1043 = tpu.vector_load %arg11[%swap3A_1041, %swap3A_1042] {strides = array<i32>} : memref<256x128xf32, #tpu.memory_space<vmem>>, vector<1x16xf32>,
        %swap3A_1044 = vector.shape_cast %swap3A_1043 : vector<1x16xf32> to vector<16xf32>
        %swap3A_1045 = vector.shape_cast %mul3A_1040 : vector<16xf32> to vector<1x16xf32>
        tpu.vector_store %arg11[%swap3A_1041, %swap3A_1042], %swap3A_1045 {add = true, strides = array<i32>} : memref<256x128xf32, #tpu.memory_space<vmem>>, vector<1x16xf32>,
        %slice3A_1046 = vector.extract_strided_slice %get3A_743 {offsets = [11], sizes = [1], strides = [1]} : vector<16xf32> to vector<1xf32>
        %squeeze3A_1047 = vector.extract %slice3A_1046[0] : f32 from vector<1xf32>
        %mul3A_1048 = vector.broadcast %squeeze3A_1047 : f32 to vector<16xf32>
        %mul3A_1049 = arith.mulf %mul3A_1048, %get3A_747 : vector<16xf32>
        %add3A_1050 = arith.addf %while3A_729, %mul3A_1049 : vector<16xf32>
        %mul3A_1051 = vector.broadcast %squeeze3A_1047 : f32 to vector<16xf32>
        %mul3A_1052 = arith.mulf %mul3A_1051, %get3A_751 : vector<16xf32>
        %add3A_1053 = arith.addf %while3A_730, %mul3A_1052 : vector<16xf32>
        %add3A_1054 = arith.constant 11 : i32
        %add3A_1055 = arith.addi %mul3A_219, %add3A_1054 : i32
        %mul3A_1056 = vector.broadcast %squeeze3A_1047 : f32 to vector<16xf32>
        %mul3A_1057 = arith.mulf %mul3A_1056, %get3A_755 : vector<16xf32>
        %swap3A_1058 = arith.index_cast %add3A_1055 : i32 to index
        %swap3A_1059 = arith.constant 32 : index
        %swap3A_1060 = tpu.vector_load %arg11[%swap3A_1058, %swap3A_1059] {strides = array<i32>} : memref<256x128xf32, #tpu.memory_space<vmem>>, vector<1x16xf32>,
        %swap3A_1061 = vector.shape_cast %swap3A_1060 : vector<1x16xf32> to vector<16xf32>
        %swap3A_1062 = vector.shape_cast %mul3A_1057 : vector<16xf32> to vector<1x16xf32>
        tpu.vector_store %arg11[%swap3A_1058, %swap3A_1059], %swap3A_1062 {add = true, strides = array<i32>} : memref<256x128xf32, #tpu.memory_space<vmem>>, vector<1x16xf32>,
        %add3A_1063 = arith.constant 11 : i32
        %add3A_1064 = arith.addi %mul3A_219, %add3A_1063 : i32
        %mul3A_1065 = vector.broadcast %squeeze3A_1047 : f32 to vector<16xf32>
        %mul3A_1066 = arith.mulf %mul3A_1065, %get3A_759 : vector<16xf32>
        %swap3A_1067 = arith.index_cast %add3A_1064 : i32 to index
        %swap3A_1068 = arith.constant 48 : index
        %swap3A_1069 = tpu.vector_load %arg11[%swap3A_1067, %swap3A_1068] {strides = array<i32>} : memref<256x128xf32, #tpu.memory_space<vmem>>, vector<1x16xf32>,
        %swap3A_1070 = vector.shape_cast %swap3A_1069 : vector<1x16xf32> to vector<16xf32>
        %swap3A_1071 = vector.shape_cast %mul3A_1066 : vector<16xf32> to vector<1x16xf32>
        tpu.vector_store %arg11[%swap3A_1067, %swap3A_1068], %swap3A_1071 {add = true, strides = array<i32>} : memref<256x128xf32, #tpu.memory_space<vmem>>, vector<1x16xf32>,
        %slice3A_1072 = vector.extract_strided_slice %get3A_743 {offsets = [12], sizes = [1], strides = [1]} : vector<16xf32> to vector<1xf32>
        %squeeze3A_1073 = vector.extract %slice3A_1072[0] : f32 from vector<1xf32>
        %mul3A_1074 = vector.broadcast %squeeze3A_1073 : f32 to vector<16xf32>
        %mul3A_1075 = arith.mulf %mul3A_1074, %get3A_747 : vector<16xf32>
        %add3A_1076 = arith.addf %while3A_731, %mul3A_1075 : vector<16xf32>
        %mul3A_1077 = vector.broadcast %squeeze3A_1073 : f32 to vector<16xf32>
        %mul3A_1078 = arith.mulf %mul3A_1077, %get3A_751 : vector<16xf32>
        %add3A_1079 = arith.addf %while3A_732, %mul3A_1078 : vector<16xf32>
        %add3A_1080 = arith.constant 12 : i32
        %add3A_1081 = arith.addi %mul3A_219, %add3A_1080 : i32
        %mul3A_1082 = vector.broadcast %squeeze3A_1073 : f32 to vector<16xf32>
        %mul3A_1083 = arith.mulf %mul3A_1082, %get3A_755 : vector<16xf32>
        %swap3A_1084 = arith.index_cast %add3A_1081 : i32 to index
        %swap3A_1085 = arith.constant 32 : index
        %swap3A_1086 = tpu.vector_load %arg11[%swap3A_1084, %swap3A_1085] {strides = array<i32>} : memref<256x128xf32, #tpu.memory_space<vmem>>, vector<1x16xf32>,
        %swap3A_1087 = vector.shape_cast %swap3A_1086 : vector<1x16xf32> to vector<16xf32>
        %swap3A_1088 = vector.shape_cast %mul3A_1083 : vector<16xf32> to vector<1x16xf32>
        tpu.vector_store %arg11[%swap3A_1084, %swap3A_1085], %swap3A_1088 {add = true, strides = array<i32>} : memref<256x128xf32, #tpu.memory_space<vmem>>, vector<1x16xf32>,
        %add3A_1089 = arith.constant 12 : i32
        %add3A_1090 = arith.addi %mul3A_219, %add3A_1089 : i32
        %mul3A_1091 = vector.broadcast %squeeze3A_1073 : f32 to vector<16xf32>
        %mul3A_1092 = arith.mulf %mul3A_1091, %get3A_759 : vector<16xf32>
        %swap3A_1093 = arith.index_cast %add3A_1090 : i32 to index
        %swap3A_1094 = arith.constant 48 : index
        %swap3A_1095 = tpu.vector_load %arg11[%swap3A_1093, %swap3A_1094] {strides = array<i32>} : memref<256x128xf32, #tpu.memory_space<vmem>>, vector<1x16xf32>,
        %swap3A_1096 = vector.shape_cast %swap3A_1095 : vector<1x16xf32> to vector<16xf32>
        %swap3A_1097 = vector.shape_cast %mul3A_1092 : vector<16xf32> to vector<1x16xf32>
        tpu.vector_store %arg11[%swap3A_1093, %swap3A_1094], %swap3A_1097 {add = true, strides = array<i32>} : memref<256x128xf32, #tpu.memory_space<vmem>>, vector<1x16xf32>,
        %slice3A_1098 = vector.extract_strided_slice %get3A_743 {offsets = [13], sizes = [1], strides = [1]} : vector<16xf32> to vector<1xf32>
        %squeeze3A_1099 = vector.extract %slice3A_1098[0] : f32 from vector<1xf32>
        %mul3A_1100 = vector.broadcast %squeeze3A_1099 : f32 to vector<16xf32>
        %mul3A_1101 = arith.mulf %mul3A_1100, %get3A_747 : vector<16xf32>
        %add3A_1102 = arith.addf %while3A_733, %mul3A_1101 : vector<16xf32>
        %mul3A_1103 = vector.broadcast %squeeze3A_1099 : f32 to vector<16xf32>
        %mul3A_1104 = arith.mulf %mul3A_1103, %get3A_751 : vector<16xf32>
        %add3A_1105 = arith.addf %while3A_734, %mul3A_1104 : vector<16xf32>
        %add3A_1106 = arith.constant 13 : i32
        %add3A_1107 = arith.addi %mul3A_219, %add3A_1106 : i32
        %mul3A_1108 = vector.broadcast %squeeze3A_1099 : f32 to vector<16xf32>
        %mul3A_1109 = arith.mulf %mul3A_1108, %get3A_755 : vector<16xf32>
        %swap3A_1110 = arith.index_cast %add3A_1107 : i32 to index
        %swap3A_1111 = arith.constant 32 : index
        %swap3A_1112 = tpu.vector_load %arg11[%swap3A_1110, %swap3A_1111] {strides = array<i32>} : memref<256x128xf32, #tpu.memory_space<vmem>>, vector<1x16xf32>,
        %swap3A_1113 = vector.shape_cast %swap3A_1112 : vector<1x16xf32> to vector<16xf32>
        %swap3A_1114 = vector.shape_cast %mul3A_1109 : vector<16xf32> to vector<1x16xf32>
        tpu.vector_store %arg11[%swap3A_1110, %swap3A_1111], %swap3A_1114 {add = true, strides = array<i32>} : memref<256x128xf32, #tpu.memory_space<vmem>>, vector<1x16xf32>,
        %add3A_1115 = arith.constant 13 : i32
        %add3A_1116 = arith.addi %mul3A_219, %add3A_1115 : i32
        %mul3A_1117 = vector.broadcast %squeeze3A_1099 : f32 to vector<16xf32>
        %mul3A_1118 = arith.mulf %mul3A_1117, %get3A_759 : vector<16xf32>
        %swap3A_1119 = arith.index_cast %add3A_1116 : i32 to index
        %swap3A_1120 = arith.constant 48 : index
        %swap3A_1121 = tpu.vector_load %arg11[%swap3A_1119, %swap3A_1120] {strides = array<i32>} : memref<256x128xf32, #tpu.memory_space<vmem>>, vector<1x16xf32>,
        %swap3A_1122 = vector.shape_cast %swap3A_1121 : vector<1x16xf32> to vector<16xf32>
        %swap3A_1123 = vector.shape_cast %mul3A_1118 : vector<16xf32> to vector<1x16xf32>
        tpu.vector_store %arg11[%swap3A_1119, %swap3A_1120], %swap3A_1123 {add = true, strides = array<i32>} : memref<256x128xf32, #tpu.memory_space<vmem>>, vector<1x16xf32>,
        %slice3A_1124 = vector.extract_strided_slice %get3A_743 {offsets = [14], sizes = [1], strides = [1]} : vector<16xf32> to vector<1xf32>
        %squeeze3A_1125 = vector.extract %slice3A_1124[0] : f32 from vector<1xf32>
        %mul3A_1126 = vector.broadcast %squeeze3A_1125 : f32 to vector<16xf32>
        %mul3A_1127 = arith.mulf %mul3A_1126, %get3A_747 : vector<16xf32>
        %add3A_1128 = arith.addf %while3A_735, %mul3A_1127 : vector<16xf32>
        %mul3A_1129 = vector.broadcast %squeeze3A_1125 : f32 to vector<16xf32>
        %mul3A_1130 = arith.mulf %mul3A_1129, %get3A_751 : vector<16xf32>
        %add3A_1131 = arith.addf %while3A_736, %mul3A_1130 : vector<16xf32>
        %add3A_1132 = arith.constant 14 : i32
        %add3A_1133 = arith.addi %mul3A_219, %add3A_1132 : i32
        %mul3A_1134 = vector.broadcast %squeeze3A_1125 : f32 to vector<16xf32>
        %mul3A_1135 = arith.mulf %mul3A_1134, %get3A_755 : vector<16xf32>
        %swap3A_1136 = arith.index_cast %add3A_1133 : i32 to index
        %swap3A_1137 = arith.constant 32 : index
        %swap3A_1138 = tpu.vector_load %arg11[%swap3A_1136, %swap3A_1137] {strides = array<i32>} : memref<256x128xf32, #tpu.memory_space<vmem>>, vector<1x16xf32>,
        %swap3A_1139 = vector.shape_cast %swap3A_1138 : vector<1x16xf32> to vector<16xf32>
        %swap3A_1140 = vector.shape_cast %mul3A_1135 : vector<16xf32> to vector<1x16xf32>
        tpu.vector_store %arg11[%swap3A_1136, %swap3A_1137], %swap3A_1140 {add = true, strides = array<i32>} : memref<256x128xf32, #tpu.memory_space<vmem>>, vector<1x16xf32>,
        %add3A_1141 = arith.constant 14 : i32
        %add3A_1142 = arith.addi %mul3A_219, %add3A_1141 : i32
        %mul3A_1143 = vector.broadcast %squeeze3A_1125 : f32 to vector<16xf32>
        %mul3A_1144 = arith.mulf %mul3A_1143, %get3A_759 : vector<16xf32>
        %swap3A_1145 = arith.index_cast %add3A_1142 : i32 to index
        %swap3A_1146 = arith.constant 48 : index
        %swap3A_1147 = tpu.vector_load %arg11[%swap3A_1145, %swap3A_1146] {strides = array<i32>} : memref<256x128xf32, #tpu.memory_space<vmem>>, vector<1x16xf32>,
        %swap3A_1148 = vector.shape_cast %swap3A_1147 : vector<1x16xf32> to vector<16xf32>
        %swap3A_1149 = vector.shape_cast %mul3A_1144 : vector<16xf32> to vector<1x16xf32>
        tpu.vector_store %arg11[%swap3A_1145, %swap3A_1146], %swap3A_1149 {add = true, strides = array<i32>} : memref<256x128xf32, #tpu.memory_space<vmem>>, vector<1x16xf32>,
        %slice3A_1150 = vector.extract_strided_slice %get3A_743 {offsets = [15], sizes = [1], strides = [1]} : vector<16xf32> to vector<1xf32>
        %squeeze3A_1151 = vector.extract %slice3A_1150[0] : f32 from vector<1xf32>
        %mul3A_1152 = vector.broadcast %squeeze3A_1151 : f32 to vector<16xf32>
        %mul3A_1153 = arith.mulf %mul3A_1152, %get3A_747 : vector<16xf32>
        %add3A_1154 = arith.addf %while3A_737, %mul3A_1153 : vector<16xf32>
        %mul3A_1155 = vector.broadcast %squeeze3A_1151 : f32 to vector<16xf32>
        %mul3A_1156 = arith.mulf %mul3A_1155, %get3A_751 : vector<16xf32>
        %add3A_1157 = arith.addf %while3A_738, %mul3A_1156 : vector<16xf32>
        %add3A_1158 = arith.constant 15 : i32
        %add3A_1159 = arith.addi %mul3A_219, %add3A_1158 : i32
        %mul3A_1160 = vector.broadcast %squeeze3A_1151 : f32 to vector<16xf32>
        %mul3A_1161 = arith.mulf %mul3A_1160, %get3A_755 : vector<16xf32>
        %swap3A_1162 = arith.index_cast %add3A_1159 : i32 to index
        %swap3A_1163 = arith.constant 32 : index
        %swap3A_1164 = tpu.vector_load %arg11[%swap3A_1162, %swap3A_1163] {strides = array<i32>} : memref<256x128xf32, #tpu.memory_space<vmem>>, vector<1x16xf32>,
        %swap3A_1165 = vector.shape_cast %swap3A_1164 : vector<1x16xf32> to vector<16xf32>
        %swap3A_1166 = vector.shape_cast %mul3A_1161 : vector<16xf32> to vector<1x16xf32>
        tpu.vector_store %arg11[%swap3A_1162, %swap3A_1163], %swap3A_1166 {add = true, strides = array<i32>} : memref<256x128xf32, #tpu.memory_space<vmem>>, vector<1x16xf32>,
        %add3A_1167 = arith.constant 15 : i32
        %add3A_1168 = arith.addi %mul3A_219, %add3A_1167 : i32
        %mul3A_1169 = vector.broadcast %squeeze3A_1151 : f32 to vector<16xf32>
        %mul3A_1170 = arith.mulf %mul3A_1169, %get3A_759 : vector<16xf32>
        %swap3A_1171 = arith.index_cast %add3A_1168 : i32 to index
        %swap3A_1172 = arith.constant 48 : index
        %swap3A_1173 = tpu.vector_load %arg11[%swap3A_1171, %swap3A_1172] {strides = array<i32>} : memref<256x128xf32, #tpu.memory_space<vmem>>, vector<1x16xf32>,
        %swap3A_1174 = vector.shape_cast %swap3A_1173 : vector<1x16xf32> to vector<16xf32>
        %swap3A_1175 = vector.shape_cast %mul3A_1170 : vector<16xf32> to vector<1x16xf32>
        tpu.vector_store %arg11[%swap3A_1171, %swap3A_1172], %swap3A_1175 {add = true, strides = array<i32>} : memref<256x128xf32, #tpu.memory_space<vmem>>, vector<1x16xf32>,
        %add3A_1176 = arith.addf %while3A_739, %get3A_743 : vector<16xf32>
        scf.yield %add3A_764, %add3A_767, %add3A_790, %add3A_793, %add3A_816, %add3A_819, %add3A_842, %add3A_845, %add3A_868, %add3A_871, %add3A_894, %add3A_897, %add3A_920, %add3A_923, %add3A_946, %add3A_949, %add3A_972, %add3A_975, %add3A_998, %add3A_1001, %add3A_1024, %add3A_1027, %add3A_1050, %add3A_1053, %add3A_1076, %add3A_1079, %add3A_1102, %add3A_1105, %add3A_1128, %add3A_1131, %add3A_1154, %add3A_1157, %add3A_1176 : vector<16xf32>, vector<16xf32>, vector<16xf32>, vector<16xf32>, vector<16xf32>, vector<16xf32>, vector<16xf32>, vector<16xf32>, vector<16xf32>, vector<16xf32>, vector<16xf32>, vector<16xf32>, vector<16xf32>, vector<16xf32>, vector<16xf32>, vector<16xf32>, vector<16xf32>, vector<16xf32>, vector<16xf32>, vector<16xf32>, vector<16xf32>, vector<16xf32>, vector<16xf32>, vector<16xf32>, vector<16xf32>, vector<16xf32>, vector<16xf32>, vector<16xf32>, vector<16xf32>, vector<16xf32>, vector<16xf32>, vector<16xf32>, vector<16xf32>
      }
      %while3A_231 = arith.constant 1 : i32
      %while3A_232:33 = scf.for %while3A_706 = %while3A_228 to %while3A_224 step %while3A_231 iter_args(%while3A_707 = %while3A_230#0, %while3A_708 = %while3A_230#1, %while3A_709 = %while3A_230#2, %while3A_710 = %while3A_230#3, %while3A_711 = %while3A_230#4, %while3A_712 = %while3A_230#5, %while3A_713 = %while3A_230#6, %while3A_714 = %while3A_230#7, %while3A_715 = %while3A_230#8, %while3A_716 = %while3A_230#9, %while3A_717 = %while3A_230#10, %while3A_718 = %while3A_230#11, %while3A_719 = %while3A_230#12, %while3A_720 = %while3A_230#13, %while3A_721 = %while3A_230#14, %while3A_722 = %while3A_230#15, %while3A_723 = %while3A_230#16, %while3A_724 = %while3A_230#17, %while3A_725 = %while3A_230#18, %while3A_726 = %while3A_230#19, %while3A_727 = %while3A_230#20, %while3A_728 = %while3A_230#21, %while3A_729 = %while3A_230#22, %while3A_730 = %while3A_230#23, %while3A_731 = %while3A_230#24, %while3A_732 = %while3A_230#25, %while3A_733 = %while3A_230#26, %while3A_734 = %while3A_230#27, %while3A_735 = %while3A_230#28, %while3A_736 = %while3A_230#29, %while3A_737 = %while3A_230#30, %while3A_738 = %while3A_230#31, %while3A_739 = %while3A_230#32) -> (vector<16xf32>, vector<16xf32>, vector<16xf32>, vector<16xf32>, vector<16xf32>, vector<16xf32>, vector<16xf32>, vector<16xf32>, vector<16xf32>, vector<16xf32>, vector<16xf32>, vector<16xf32>, vector<16xf32>, vector<16xf32>, vector<16xf32>, vector<16xf32>, vector<16xf32>, vector<16xf32>, vector<16xf32>, vector<16xf32>, vector<16xf32>, vector<16xf32>, vector<16xf32>, vector<16xf32>, vector<16xf32>, vector<16xf32>, vector<16xf32>, vector<16xf32>, vector<16xf32>, vector<16xf32>, vector<16xf32>, vector<16xf32>, vector<16xf32>)  : i32 {
        %get3A_740 = arith.index_cast %while3A_706 : i32 to index
        %get3A_741 = arith.constant 0 : index
        %get3A_742 = tpu.vector_load %arg9[%get3A_740, %get3A_741] {strides = array<i32>} : memref<328x16xf32, #tpu.memory_space<vmem>>, vector<1x16xf32>,
        %get3A_743 = vector.shape_cast %get3A_742 : vector<1x16xf32> to vector<16xf32>
        %get3A_744 = arith.index_cast %while3A_706 : i32 to index
        %get3A_745 = arith.constant 0 : index
        %get3A_746 = tpu.vector_load %arg8[%get3A_744, %get3A_745] {strides = array<i32>} : memref<328x128xf32, #tpu.memory_space<vmem>>, vector<1x16xf32>,
        %get3A_747 = vector.shape_cast %get3A_746 : vector<1x16xf32> to vector<16xf32>
        %get3A_748 = arith.index_cast %while3A_706 : i32 to index
        %get3A_749 = arith.constant 16 : index
        %get3A_750 = tpu.vector_load %arg8[%get3A_748, %get3A_749] {strides = array<i32>} : memref<328x128xf32, #tpu.memory_space<vmem>>, vector<1x16xf32>,
        %get3A_751 = vector.shape_cast %get3A_750 : vector<1x16xf32> to vector<16xf32>
        %get3A_752 = arith.index_cast %while3A_706 : i32 to index
        %get3A_753 = arith.constant 32 : index
        %get3A_754 = tpu.vector_load %arg8[%get3A_752, %get3A_753] {strides = array<i32>} : memref<328x128xf32, #tpu.memory_space<vmem>>, vector<1x16xf32>,
        %get3A_755 = vector.shape_cast %get3A_754 : vector<1x16xf32> to vector<16xf32>
        %get3A_756 = arith.index_cast %while3A_706 : i32 to index
        %get3A_757 = arith.constant 48 : index
        %get3A_758 = tpu.vector_load %arg8[%get3A_756, %get3A_757] {strides = array<i32>} : memref<328x128xf32, #tpu.memory_space<vmem>>, vector<1x16xf32>,
        %get3A_759 = vector.shape_cast %get3A_758 : vector<1x16xf32> to vector<16xf32>
        %slice3A_760 = vector.extract_strided_slice %get3A_743 {offsets = [0], sizes = [1], strides = [1]} : vector<16xf32> to vector<1xf32>
        %squeeze3A_761 = vector.extract %slice3A_760[0] : f32 from vector<1xf32>
        %mul3A_762 = vector.broadcast %squeeze3A_761 : f32 to vector<16xf32>
        %mul3A_763 = arith.mulf %mul3A_762, %get3A_747 : vector<16xf32>
        %add3A_764 = arith.addf %while3A_707, %mul3A_763 : vector<16xf32>
        %mul3A_765 = vector.broadcast %squeeze3A_761 : f32 to vector<16xf32>
        %mul3A_766 = arith.mulf %mul3A_765, %get3A_751 : vector<16xf32>
        %add3A_767 = arith.addf %while3A_708, %mul3A_766 : vector<16xf32>
        %add3A_768 = arith.constant 0 : i32
        %add3A_769 = arith.addi %mul3A_219, %add3A_768 : i32
        %mul3A_770 = vector.broadcast %squeeze3A_761 : f32 to vector<16xf32>
        %mul3A_771 = arith.mulf %mul3A_770, %get3A_755 : vector<16xf32>
        %swap3A_772 = arith.index_cast %add3A_769 : i32 to index
        %swap3A_773 = arith.constant 32 : index
        %swap3A_774 = tpu.vector_load %arg11[%swap3A_772, %swap3A_773] {strides = array<i32>} : memref<256x128xf32, #tpu.memory_space<vmem>>, vector<1x16xf32>,
        %swap3A_775 = vector.shape_cast %swap3A_774 : vector<1x16xf32> to vector<16xf32>
        %swap3A_776 = vector.shape_cast %mul3A_771 : vector<16xf32> to vector<1x16xf32>
        tpu.vector_store %arg11[%swap3A_772, %swap3A_773], %swap3A_776 {add = true, strides = array<i32>} : memref<256x128xf32, #tpu.memory_space<vmem>>, vector<1x16xf32>,
        %add3A_777 = arith.constant 0 : i32
        %add3A_778 = arith.addi %mul3A_219, %add3A_777 : i32
        %mul3A_779 = vector.broadcast %squeeze3A_761 : f32 to vector<16xf32>
        %mul3A_780 = arith.mulf %mul3A_779, %get3A_759 : vector<16xf32>
        %swap3A_781 = arith.index_cast %add3A_778 : i32 to index
        %swap3A_782 = arith.constant 48 : index
        %swap3A_783 = tpu.vector_load %arg11[%swap3A_781, %swap3A_782] {strides = array<i32>} : memref<256x128xf32, #tpu.memory_space<vmem>>, vector<1x16xf32>,
        %swap3A_784 = vector.shape_cast %swap3A_783 : vector<1x16xf32> to vector<16xf32>
        %swap3A_785 = vector.shape_cast %mul3A_780 : vector<16xf32> to vector<1x16xf32>
        tpu.vector_store %arg11[%swap3A_781, %swap3A_782], %swap3A_785 {add = true, strides = array<i32>} : memref<256x128xf32, #tpu.memory_space<vmem>>, vector<1x16xf32>,
        %slice3A_786 = vector.extract_strided_slice %get3A_743 {offsets = [1], sizes = [1], strides = [1]} : vector<16xf32> to vector<1xf32>
        %squeeze3A_787 = vector.extract %slice3A_786[0] : f32 from vector<1xf32>
        %mul3A_788 = vector.broadcast %squeeze3A_787 : f32 to vector<16xf32>
        %mul3A_789 = arith.mulf %mul3A_788, %get3A_747 : vector<16xf32>
        %add3A_790 = arith.addf %while3A_709, %mul3A_789 : vector<16xf32>
        %mul3A_791 = vector.broadcast %squeeze3A_787 : f32 to vector<16xf32>
        %mul3A_792 = arith.mulf %mul3A_791, %get3A_751 : vector<16xf32>
        %add3A_793 = arith.addf %while3A_710, %mul3A_792 : vector<16xf32>
        %add3A_794 = arith.constant 1 : i32
        %add3A_795 = arith.addi %mul3A_219, %add3A_794 : i32
        %mul3A_796 = vector.broadcast %squeeze3A_787 : f32 to vector<16xf32>
        %mul3A_797 = arith.mulf %mul3A_796, %get3A_755 : vector<16xf32>
        %swap3A_798 = arith.index_cast %add3A_795 : i32 to index
        %swap3A_799 = arith.constant 32 : index
        %swap3A_800 = tpu.vector_load %arg11[%swap3A_798, %swap3A_799] {strides = array<i32>} : memref<256x128xf32, #tpu.memory_space<vmem>>, vector<1x16xf32>,
        %swap3A_801 = vector.shape_cast %swap3A_800 : vector<1x16xf32> to vector<16xf32>
        %swap3A_802 = vector.shape_cast %mul3A_797 : vector<16xf32> to vector<1x16xf32>
        tpu.vector_store %arg11[%swap3A_798, %swap3A_799], %swap3A_802 {add = true, strides = array<i32>} : memref<256x128xf32, #tpu.memory_space<vmem>>, vector<1x16xf32>,
        %add3A_803 = arith.constant 1 : i32
        %add3A_804 = arith.addi %mul3A_219, %add3A_803 : i32
        %mul3A_805 = vector.broadcast %squeeze3A_787 : f32 to vector<16xf32>
        %mul3A_806 = arith.mulf %mul3A_805, %get3A_759 : vector<16xf32>
        %swap3A_807 = arith.index_cast %add3A_804 : i32 to index
        %swap3A_808 = arith.constant 48 : index
        %swap3A_809 = tpu.vector_load %arg11[%swap3A_807, %swap3A_808] {strides = array<i32>} : memref<256x128xf32, #tpu.memory_space<vmem>>, vector<1x16xf32>,
        %swap3A_810 = vector.shape_cast %swap3A_809 : vector<1x16xf32> to vector<16xf32>
        %swap3A_811 = vector.shape_cast %mul3A_806 : vector<16xf32> to vector<1x16xf32>
        tpu.vector_store %arg11[%swap3A_807, %swap3A_808], %swap3A_811 {add = true, strides = array<i32>} : memref<256x128xf32, #tpu.memory_space<vmem>>, vector<1x16xf32>,
        %slice3A_812 = vector.extract_strided_slice %get3A_743 {offsets = [2], sizes = [1], strides = [1]} : vector<16xf32> to vector<1xf32>
        %squeeze3A_813 = vector.extract %slice3A_812[0] : f32 from vector<1xf32>
        %mul3A_814 = vector.broadcast %squeeze3A_813 : f32 to vector<16xf32>
        %mul3A_815 = arith.mulf %mul3A_814, %get3A_747 : vector<16xf32>
        %add3A_816 = arith.addf %while3A_711, %mul3A_815 : vector<16xf32>
        %mul3A_817 = vector.broadcast %squeeze3A_813 : f32 to vector<16xf32>
        %mul3A_818 = arith.mulf %mul3A_817, %get3A_751 : vector<16xf32>
        %add3A_819 = arith.addf %while3A_712, %mul3A_818 : vector<16xf32>
        %add3A_820 = arith.constant 2 : i32
        %add3A_821 = arith.addi %mul3A_219, %add3A_820 : i32
        %mul3A_822 = vector.broadcast %squeeze3A_813 : f32 to vector<16xf32>
        %mul3A_823 = arith.mulf %mul3A_822, %get3A_755 : vector<16xf32>
        %swap3A_824 = arith.index_cast %add3A_821 : i32 to index
        %swap3A_825 = arith.constant 32 : index
        %swap3A_826 = tpu.vector_load %arg11[%swap3A_824, %swap3A_825] {strides = array<i32>} : memref<256x128xf32, #tpu.memory_space<vmem>>, vector<1x16xf32>,
        %swap3A_827 = vector.shape_cast %swap3A_826 : vector<1x16xf32> to vector<16xf32>
        %swap3A_828 = vector.shape_cast %mul3A_823 : vector<16xf32> to vector<1x16xf32>
        tpu.vector_store %arg11[%swap3A_824, %swap3A_825], %swap3A_828 {add = true, strides = array<i32>} : memref<256x128xf32, #tpu.memory_space<vmem>>, vector<1x16xf32>,
        %add3A_829 = arith.constant 2 : i32
        %add3A_830 = arith.addi %mul3A_219, %add3A_829 : i32
        %mul3A_831 = vector.broadcast %squeeze3A_813 : f32 to vector<16xf32>
        %mul3A_832 = arith.mulf %mul3A_831, %get3A_759 : vector<16xf32>
        %swap3A_833 = arith.index_cast %add3A_830 : i32 to index
        %swap3A_834 = arith.constant 48 : index
        %swap3A_835 = tpu.vector_load %arg11[%swap3A_833, %swap3A_834] {strides = array<i32>} : memref<256x128xf32, #tpu.memory_space<vmem>>, vector<1x16xf32>,
        %swap3A_836 = vector.shape_cast %swap3A_835 : vector<1x16xf32> to vector<16xf32>
        %swap3A_837 = vector.shape_cast %mul3A_832 : vector<16xf32> to vector<1x16xf32>
        tpu.vector_store %arg11[%swap3A_833, %swap3A_834], %swap3A_837 {add = true, strides = array<i32>} : memref<256x128xf32, #tpu.memory_space<vmem>>, vector<1x16xf32>,
        %slice3A_838 = vector.extract_strided_slice %get3A_743 {offsets = [3], sizes = [1], strides = [1]} : vector<16xf32> to vector<1xf32>
        %squeeze3A_839 = vector.extract %slice3A_838[0] : f32 from vector<1xf32>
        %mul3A_840 = vector.broadcast %squeeze3A_839 : f32 to vector<16xf32>
        %mul3A_841 = arith.mulf %mul3A_840, %get3A_747 : vector<16xf32>
        %add3A_842 = arith.addf %while3A_713, %mul3A_841 : vector<16xf32>
        %mul3A_843 = vector.broadcast %squeeze3A_839 : f32 to vector<16xf32>
        %mul3A_844 = arith.mulf %mul3A_843, %get3A_751 : vector<16xf32>
        %add3A_845 = arith.addf %while3A_714, %mul3A_844 : vector<16xf32>
        %add3A_846 = arith.constant 3 : i32
        %add3A_847 = arith.addi %mul3A_219, %add3A_846 : i32
        %mul3A_848 = vector.broadcast %squeeze3A_839 : f32 to vector<16xf32>
        %mul3A_849 = arith.mulf %mul3A_848, %get3A_755 : vector<16xf32>
        %swap3A_850 = arith.index_cast %add3A_847 : i32 to index
        %swap3A_851 = arith.constant 32 : index
        %swap3A_852 = tpu.vector_load %arg11[%swap3A_850, %swap3A_851] {strides = array<i32>} : memref<256x128xf32, #tpu.memory_space<vmem>>, vector<1x16xf32>,
        %swap3A_853 = vector.shape_cast %swap3A_852 : vector<1x16xf32> to vector<16xf32>
        %swap3A_854 = vector.shape_cast %mul3A_849 : vector<16xf32> to vector<1x16xf32>
        tpu.vector_store %arg11[%swap3A_850, %swap3A_851], %swap3A_854 {add = true, strides = array<i32>} : memref<256x128xf32, #tpu.memory_space<vmem>>, vector<1x16xf32>,
        %add3A_855 = arith.constant 3 : i32
        %add3A_856 = arith.addi %mul3A_219, %add3A_855 : i32
        %mul3A_857 = vector.broadcast %squeeze3A_839 : f32 to vector<16xf32>
        %mul3A_858 = arith.mulf %mul3A_857, %get3A_759 : vector<16xf32>
        %swap3A_859 = arith.index_cast %add3A_856 : i32 to index
        %swap3A_860 = arith.constant 48 : index
        %swap3A_861 = tpu.vector_load %arg11[%swap3A_859, %swap3A_860] {strides = array<i32>} : memref<256x128xf32, #tpu.memory_space<vmem>>, vector<1x16xf32>,
        %swap3A_862 = vector.shape_cast %swap3A_861 : vector<1x16xf32> to vector<16xf32>
        %swap3A_863 = vector.shape_cast %mul3A_858 : vector<16xf32> to vector<1x16xf32>
        tpu.vector_store %arg11[%swap3A_859, %swap3A_860], %swap3A_863 {add = true, strides = array<i32>} : memref<256x128xf32, #tpu.memory_space<vmem>>, vector<1x16xf32>,
        %slice3A_864 = vector.extract_strided_slice %get3A_743 {offsets = [4], sizes = [1], strides = [1]} : vector<16xf32> to vector<1xf32>
        %squeeze3A_865 = vector.extract %slice3A_864[0] : f32 from vector<1xf32>
        %mul3A_866 = vector.broadcast %squeeze3A_865 : f32 to vector<16xf32>
        %mul3A_867 = arith.mulf %mul3A_866, %get3A_747 : vector<16xf32>
        %add3A_868 = arith.addf %while3A_715, %mul3A_867 : vector<16xf32>
        %mul3A_869 = vector.broadcast %squeeze3A_865 : f32 to vector<16xf32>
        %mul3A_870 = arith.mulf %mul3A_869, %get3A_751 : vector<16xf32>
        %add3A_871 = arith.addf %while3A_716, %mul3A_870 : vector<16xf32>
        %add3A_872 = arith.constant 4 : i32
        %add3A_873 = arith.addi %mul3A_219, %add3A_872 : i32
        %mul3A_874 = vector.broadcast %squeeze3A_865 : f32 to vector<16xf32>
        %mul3A_875 = arith.mulf %mul3A_874, %get3A_755 : vector<16xf32>
        %swap3A_876 = arith.index_cast %add3A_873 : i32 to index
        %swap3A_877 = arith.constant 32 : index
        %swap3A_878 = tpu.vector_load %arg11[%swap3A_876, %swap3A_877] {strides = array<i32>} : memref<256x128xf32, #tpu.memory_space<vmem>>, vector<1x16xf32>,
        %swap3A_879 = vector.shape_cast %swap3A_878 : vector<1x16xf32> to vector<16xf32>
        %swap3A_880 = vector.shape_cast %mul3A_875 : vector<16xf32> to vector<1x16xf32>
        tpu.vector_store %arg11[%swap3A_876, %swap3A_877], %swap3A_880 {add = true, strides = array<i32>} : memref<256x128xf32, #tpu.memory_space<vmem>>, vector<1x16xf32>,
        %add3A_881 = arith.constant 4 : i32
        %add3A_882 = arith.addi %mul3A_219, %add3A_881 : i32
        %mul3A_883 = vector.broadcast %squeeze3A_865 : f32 to vector<16xf32>
        %mul3A_884 = arith.mulf %mul3A_883, %get3A_759 : vector<16xf32>
        %swap3A_885 = arith.index_cast %add3A_882 : i32 to index
        %swap3A_886 = arith.constant 48 : index
        %swap3A_887 = tpu.vector_load %arg11[%swap3A_885, %swap3A_886] {strides = array<i32>} : memref<256x128xf32, #tpu.memory_space<vmem>>, vector<1x16xf32>,
        %swap3A_888 = vector.shape_cast %swap3A_887 : vector<1x16xf32> to vector<16xf32>
        %swap3A_889 = vector.shape_cast %mul3A_884 : vector<16xf32> to vector<1x16xf32>
        tpu.vector_store %arg11[%swap3A_885, %swap3A_886], %swap3A_889 {add = true, strides = array<i32>} : memref<256x128xf32, #tpu.memory_space<vmem>>, vector<1x16xf32>,
        %slice3A_890 = vector.extract_strided_slice %get3A_743 {offsets = [5], sizes = [1], strides = [1]} : vector<16xf32> to vector<1xf32>
        %squeeze3A_891 = vector.extract %slice3A_890[0] : f32 from vector<1xf32>
        %mul3A_892 = vector.broadcast %squeeze3A_891 : f32 to vector<16xf32>
        %mul3A_893 = arith.mulf %mul3A_892, %get3A_747 : vector<16xf32>
        %add3A_894 = arith.addf %while3A_717, %mul3A_893 : vector<16xf32>
        %mul3A_895 = vector.broadcast %squeeze3A_891 : f32 to vector<16xf32>
        %mul3A_896 = arith.mulf %mul3A_895, %get3A_751 : vector<16xf32>
        %add3A_897 = arith.addf %while3A_718, %mul3A_896 : vector<16xf32>
        %add3A_898 = arith.constant 5 : i32
        %add3A_899 = arith.addi %mul3A_219, %add3A_898 : i32
        %mul3A_900 = vector.broadcast %squeeze3A_891 : f32 to vector<16xf32>
        %mul3A_901 = arith.mulf %mul3A_900, %get3A_755 : vector<16xf32>
        %swap3A_902 = arith.index_cast %add3A_899 : i32 to index
        %swap3A_903 = arith.constant 32 : index
        %swap3A_904 = tpu.vector_load %arg11[%swap3A_902, %swap3A_903] {strides = array<i32>} : memref<256x128xf32, #tpu.memory_space<vmem>>, vector<1x16xf32>,
        %swap3A_905 = vector.shape_cast %swap3A_904 : vector<1x16xf32> to vector<16xf32>
        %swap3A_906 = vector.shape_cast %mul3A_901 : vector<16xf32> to vector<1x16xf32>
        tpu.vector_store %arg11[%swap3A_902, %swap3A_903], %swap3A_906 {add = true, strides = array<i32>} : memref<256x128xf32, #tpu.memory_space<vmem>>, vector<1x16xf32>,
        %add3A_907 = arith.constant 5 : i32
        %add3A_908 = arith.addi %mul3A_219, %add3A_907 : i32
        %mul3A_909 = vector.broadcast %squeeze3A_891 : f32 to vector<16xf32>
        %mul3A_910 = arith.mulf %mul3A_909, %get3A_759 : vector<16xf32>
        %swap3A_911 = arith.index_cast %add3A_908 : i32 to index
        %swap3A_912 = arith.constant 48 : index
        %swap3A_913 = tpu.vector_load %arg11[%swap3A_911, %swap3A_912] {strides = array<i32>} : memref<256x128xf32, #tpu.memory_space<vmem>>, vector<1x16xf32>,
        %swap3A_914 = vector.shape_cast %swap3A_913 : vector<1x16xf32> to vector<16xf32>
        %swap3A_915 = vector.shape_cast %mul3A_910 : vector<16xf32> to vector<1x16xf32>
        tpu.vector_store %arg11[%swap3A_911, %swap3A_912], %swap3A_915 {add = true, strides = array<i32>} : memref<256x128xf32, #tpu.memory_space<vmem>>, vector<1x16xf32>,
        %slice3A_916 = vector.extract_strided_slice %get3A_743 {offsets = [6], sizes = [1], strides = [1]} : vector<16xf32> to vector<1xf32>
        %squeeze3A_917 = vector.extract %slice3A_916[0] : f32 from vector<1xf32>
        %mul3A_918 = vector.broadcast %squeeze3A_917 : f32 to vector<16xf32>
        %mul3A_919 = arith.mulf %mul3A_918, %get3A_747 : vector<16xf32>
        %add3A_920 = arith.addf %while3A_719, %mul3A_919 : vector<16xf32>
        %mul3A_921 = vector.broadcast %squeeze3A_917 : f32 to vector<16xf32>
        %mul3A_922 = arith.mulf %mul3A_921, %get3A_751 : vector<16xf32>
        %add3A_923 = arith.addf %while3A_720, %mul3A_922 : vector<16xf32>
        %add3A_924 = arith.constant 6 : i32
        %add3A_925 = arith.addi %mul3A_219, %add3A_924 : i32
        %mul3A_926 = vector.broadcast %squeeze3A_917 : f32 to vector<16xf32>
        %mul3A_927 = arith.mulf %mul3A_926, %get3A_755 : vector<16xf32>
        %swap3A_928 = arith.index_cast %add3A_925 : i32 to index
        %swap3A_929 = arith.constant 32 : index
        %swap3A_930 = tpu.vector_load %arg11[%swap3A_928, %swap3A_929] {strides = array<i32>} : memref<256x128xf32, #tpu.memory_space<vmem>>, vector<1x16xf32>,
        %swap3A_931 = vector.shape_cast %swap3A_930 : vector<1x16xf32> to vector<16xf32>
        %swap3A_932 = vector.shape_cast %mul3A_927 : vector<16xf32> to vector<1x16xf32>
        tpu.vector_store %arg11[%swap3A_928, %swap3A_929], %swap3A_932 {add = true, strides = array<i32>} : memref<256x128xf32, #tpu.memory_space<vmem>>, vector<1x16xf32>,
        %add3A_933 = arith.constant 6 : i32
        %add3A_934 = arith.addi %mul3A_219, %add3A_933 : i32
        %mul3A_935 = vector.broadcast %squeeze3A_917 : f32 to vector<16xf32>
        %mul3A_936 = arith.mulf %mul3A_935, %get3A_759 : vector<16xf32>
        %swap3A_937 = arith.index_cast %add3A_934 : i32 to index
        %swap3A_938 = arith.constant 48 : index
        %swap3A_939 = tpu.vector_load %arg11[%swap3A_937, %swap3A_938] {strides = array<i32>} : memref<256x128xf32, #tpu.memory_space<vmem>>, vector<1x16xf32>,
        %swap3A_940 = vector.shape_cast %swap3A_939 : vector<1x16xf32> to vector<16xf32>
        %swap3A_941 = vector.shape_cast %mul3A_936 : vector<16xf32> to vector<1x16xf32>
        tpu.vector_store %arg11[%swap3A_937, %swap3A_938], %swap3A_941 {add = true, strides = array<i32>} : memref<256x128xf32, #tpu.memory_space<vmem>>, vector<1x16xf32>,
        %slice3A_942 = vector.extract_strided_slice %get3A_743 {offsets = [7], sizes = [1], strides = [1]} : vector<16xf32> to vector<1xf32>
        %squeeze3A_943 = vector.extract %slice3A_942[0] : f32 from vector<1xf32>
        %mul3A_944 = vector.broadcast %squeeze3A_943 : f32 to vector<16xf32>
        %mul3A_945 = arith.mulf %mul3A_944, %get3A_747 : vector<16xf32>
        %add3A_946 = arith.addf %while3A_721, %mul3A_945 : vector<16xf32>
        %mul3A_947 = vector.broadcast %squeeze3A_943 : f32 to vector<16xf32>
        %mul3A_948 = arith.mulf %mul3A_947, %get3A_751 : vector<16xf32>
        %add3A_949 = arith.addf %while3A_722, %mul3A_948 : vector<16xf32>
        %add3A_950 = arith.constant 7 : i32
        %add3A_951 = arith.addi %mul3A_219, %add3A_950 : i32
        %mul3A_952 = vector.broadcast %squeeze3A_943 : f32 to vector<16xf32>
        %mul3A_953 = arith.mulf %mul3A_952, %get3A_755 : vector<16xf32>
        %swap3A_954 = arith.index_cast %add3A_951 : i32 to index
        %swap3A_955 = arith.constant 32 : index
        %swap3A_956 = tpu.vector_load %arg11[%swap3A_954, %swap3A_955] {strides = array<i32>} : memref<256x128xf32, #tpu.memory_space<vmem>>, vector<1x16xf32>,
        %swap3A_957 = vector.shape_cast %swap3A_956 : vector<1x16xf32> to vector<16xf32>
        %swap3A_958 = vector.shape_cast %mul3A_953 : vector<16xf32> to vector<1x16xf32>
        tpu.vector_store %arg11[%swap3A_954, %swap3A_955], %swap3A_958 {add = true, strides = array<i32>} : memref<256x128xf32, #tpu.memory_space<vmem>>, vector<1x16xf32>,
        %add3A_959 = arith.constant 7 : i32
        %add3A_960 = arith.addi %mul3A_219, %add3A_959 : i32
        %mul3A_961 = vector.broadcast %squeeze3A_943 : f32 to vector<16xf32>
        %mul3A_962 = arith.mulf %mul3A_961, %get3A_759 : vector<16xf32>
        %swap3A_963 = arith.index_cast %add3A_960 : i32 to index
        %swap3A_964 = arith.constant 48 : index
        %swap3A_965 = tpu.vector_load %arg11[%swap3A_963, %swap3A_964] {strides = array<i32>} : memref<256x128xf32, #tpu.memory_space<vmem>>, vector<1x16xf32>,
        %swap3A_966 = vector.shape_cast %swap3A_965 : vector<1x16xf32> to vector<16xf32>
        %swap3A_967 = vector.shape_cast %mul3A_962 : vector<16xf32> to vector<1x16xf32>
        tpu.vector_store %arg11[%swap3A_963, %swap3A_964], %swap3A_967 {add = true, strides = array<i32>} : memref<256x128xf32, #tpu.memory_space<vmem>>, vector<1x16xf32>,
        %slice3A_968 = vector.extract_strided_slice %get3A_743 {offsets = [8], sizes = [1], strides = [1]} : vector<16xf32> to vector<1xf32>
        %squeeze3A_969 = vector.extract %slice3A_968[0] : f32 from vector<1xf32>
        %mul3A_970 = vector.broadcast %squeeze3A_969 : f32 to vector<16xf32>
        %mul3A_971 = arith.mulf %mul3A_970, %get3A_747 : vector<16xf32>
        %add3A_972 = arith.addf %while3A_723, %mul3A_971 : vector<16xf32>
        %mul3A_973 = vector.broadcast %squeeze3A_969 : f32 to vector<16xf32>
        %mul3A_974 = arith.mulf %mul3A_973, %get3A_751 : vector<16xf32>
        %add3A_975 = arith.addf %while3A_724, %mul3A_974 : vector<16xf32>
        %add3A_976 = arith.constant 8 : i32
        %add3A_977 = arith.addi %mul3A_219, %add3A_976 : i32
        %mul3A_978 = vector.broadcast %squeeze3A_969 : f32 to vector<16xf32>
        %mul3A_979 = arith.mulf %mul3A_978, %get3A_755 : vector<16xf32>
        %swap3A_980 = arith.index_cast %add3A_977 : i32 to index
        %swap3A_981 = arith.constant 32 : index
        %swap3A_982 = tpu.vector_load %arg11[%swap3A_980, %swap3A_981] {strides = array<i32>} : memref<256x128xf32, #tpu.memory_space<vmem>>, vector<1x16xf32>,
        %swap3A_983 = vector.shape_cast %swap3A_982 : vector<1x16xf32> to vector<16xf32>
        %swap3A_984 = vector.shape_cast %mul3A_979 : vector<16xf32> to vector<1x16xf32>
        tpu.vector_store %arg11[%swap3A_980, %swap3A_981], %swap3A_984 {add = true, strides = array<i32>} : memref<256x128xf32, #tpu.memory_space<vmem>>, vector<1x16xf32>,
        %add3A_985 = arith.constant 8 : i32
        %add3A_986 = arith.addi %mul3A_219, %add3A_985 : i32
        %mul3A_987 = vector.broadcast %squeeze3A_969 : f32 to vector<16xf32>
        %mul3A_988 = arith.mulf %mul3A_987, %get3A_759 : vector<16xf32>
        %swap3A_989 = arith.index_cast %add3A_986 : i32 to index
        %swap3A_990 = arith.constant 48 : index
        %swap3A_991 = tpu.vector_load %arg11[%swap3A_989, %swap3A_990] {strides = array<i32>} : memref<256x128xf32, #tpu.memory_space<vmem>>, vector<1x16xf32>,
        %swap3A_992 = vector.shape_cast %swap3A_991 : vector<1x16xf32> to vector<16xf32>
        %swap3A_993 = vector.shape_cast %mul3A_988 : vector<16xf32> to vector<1x16xf32>
        tpu.vector_store %arg11[%swap3A_989, %swap3A_990], %swap3A_993 {add = true, strides = array<i32>} : memref<256x128xf32, #tpu.memory_space<vmem>>, vector<1x16xf32>,
        %slice3A_994 = vector.extract_strided_slice %get3A_743 {offsets = [9], sizes = [1], strides = [1]} : vector<16xf32> to vector<1xf32>
        %squeeze3A_995 = vector.extract %slice3A_994[0] : f32 from vector<1xf32>
        %mul3A_996 = vector.broadcast %squeeze3A_995 : f32 to vector<16xf32>
        %mul3A_997 = arith.mulf %mul3A_996, %get3A_747 : vector<16xf32>
        %add3A_998 = arith.addf %while3A_725, %mul3A_997 : vector<16xf32>
        %mul3A_999 = vector.broadcast %squeeze3A_995 : f32 to vector<16xf32>
        %mul3A_1000 = arith.mulf %mul3A_999, %get3A_751 : vector<16xf32>
        %add3A_1001 = arith.addf %while3A_726, %mul3A_1000 : vector<16xf32>
        %add3A_1002 = arith.constant 9 : i32
        %add3A_1003 = arith.addi %mul3A_219, %add3A_1002 : i32
        %mul3A_1004 = vector.broadcast %squeeze3A_995 : f32 to vector<16xf32>
        %mul3A_1005 = arith.mulf %mul3A_1004, %get3A_755 : vector<16xf32>
        %swap3A_1006 = arith.index_cast %add3A_1003 : i32 to index
        %swap3A_1007 = arith.constant 32 : index
        %swap3A_1008 = tpu.vector_load %arg11[%swap3A_1006, %swap3A_1007] {strides = array<i32>} : memref<256x128xf32, #tpu.memory_space<vmem>>, vector<1x16xf32>,
        %swap3A_1009 = vector.shape_cast %swap3A_1008 : vector<1x16xf32> to vector<16xf32>
        %swap3A_1010 = vector.shape_cast %mul3A_1005 : vector<16xf32> to vector<1x16xf32>
        tpu.vector_store %arg11[%swap3A_1006, %swap3A_1007], %swap3A_1010 {add = true, strides = array<i32>} : memref<256x128xf32, #tpu.memory_space<vmem>>, vector<1x16xf32>,
        %add3A_1011 = arith.constant 9 : i32
        %add3A_1012 = arith.addi %mul3A_219, %add3A_1011 : i32
        %mul3A_1013 = vector.broadcast %squeeze3A_995 : f32 to vector<16xf32>
        %mul3A_1014 = arith.mulf %mul3A_1013, %get3A_759 : vector<16xf32>
        %swap3A_1015 = arith.index_cast %add3A_1012 : i32 to index
        %swap3A_1016 = arith.constant 48 : index
        %swap3A_1017 = tpu.vector_load %arg11[%swap3A_1015, %swap3A_1016] {strides = array<i32>} : memref<256x128xf32, #tpu.memory_space<vmem>>, vector<1x16xf32>,
        %swap3A_1018 = vector.shape_cast %swap3A_1017 : vector<1x16xf32> to vector<16xf32>
        %swap3A_1019 = vector.shape_cast %mul3A_1014 : vector<16xf32> to vector<1x16xf32>
        tpu.vector_store %arg11[%swap3A_1015, %swap3A_1016], %swap3A_1019 {add = true, strides = array<i32>} : memref<256x128xf32, #tpu.memory_space<vmem>>, vector<1x16xf32>,
        %slice3A_1020 = vector.extract_strided_slice %get3A_743 {offsets = [10], sizes = [1], strides = [1]} : vector<16xf32> to vector<1xf32>
        %squeeze3A_1021 = vector.extract %slice3A_1020[0] : f32 from vector<1xf32>
        %mul3A_1022 = vector.broadcast %squeeze3A_1021 : f32 to vector<16xf32>
        %mul3A_1023 = arith.mulf %mul3A_1022, %get3A_747 : vector<16xf32>
        %add3A_1024 = arith.addf %while3A_727, %mul3A_1023 : vector<16xf32>
        %mul3A_1025 = vector.broadcast %squeeze3A_1021 : f32 to vector<16xf32>
        %mul3A_1026 = arith.mulf %mul3A_1025, %get3A_751 : vector<16xf32>
        %add3A_1027 = arith.addf %while3A_728, %mul3A_1026 : vector<16xf32>
        %add3A_1028 = arith.constant 10 : i32
        %add3A_1029 = arith.addi %mul3A_219, %add3A_1028 : i32
        %mul3A_1030 = vector.broadcast %squeeze3A_1021 : f32 to vector<16xf32>
        %mul3A_1031 = arith.mulf %mul3A_1030, %get3A_755 : vector<16xf32>
        %swap3A_1032 = arith.index_cast %add3A_1029 : i32 to index
        %swap3A_1033 = arith.constant 32 : index
        %swap3A_1034 = tpu.vector_load %arg11[%swap3A_1032, %swap3A_1033] {strides = array<i32>} : memref<256x128xf32, #tpu.memory_space<vmem>>, vector<1x16xf32>,
        %swap3A_1035 = vector.shape_cast %swap3A_1034 : vector<1x16xf32> to vector<16xf32>
        %swap3A_1036 = vector.shape_cast %mul3A_1031 : vector<16xf32> to vector<1x16xf32>
        tpu.vector_store %arg11[%swap3A_1032, %swap3A_1033], %swap3A_1036 {add = true, strides = array<i32>} : memref<256x128xf32, #tpu.memory_space<vmem>>, vector<1x16xf32>,
        %add3A_1037 = arith.constant 10 : i32
        %add3A_1038 = arith.addi %mul3A_219, %add3A_1037 : i32
        %mul3A_1039 = vector.broadcast %squeeze3A_1021 : f32 to vector<16xf32>
        %mul3A_1040 = arith.mulf %mul3A_1039, %get3A_759 : vector<16xf32>
        %swap3A_1041 = arith.index_cast %add3A_1038 : i32 to index
        %swap3A_1042 = arith.constant 48 : index
        %swap3A_1043 = tpu.vector_load %arg11[%swap3A_1041, %swap3A_1042] {strides = array<i32>} : memref<256x128xf32, #tpu.memory_space<vmem>>, vector<1x16xf32>,
        %swap3A_1044 = vector.shape_cast %swap3A_1043 : vector<1x16xf32> to vector<16xf32>
        %swap3A_1045 = vector.shape_cast %mul3A_1040 : vector<16xf32> to vector<1x16xf32>
        tpu.vector_store %arg11[%swap3A_1041, %swap3A_1042], %swap3A_1045 {add = true, strides = array<i32>} : memref<256x128xf32, #tpu.memory_space<vmem>>, vector<1x16xf32>,
        %slice3A_1046 = vector.extract_strided_slice %get3A_743 {offsets = [11], sizes = [1], strides = [1]} : vector<16xf32> to vector<1xf32>
        %squeeze3A_1047 = vector.extract %slice3A_1046[0] : f32 from vector<1xf32>
        %mul3A_1048 = vector.broadcast %squeeze3A_1047 : f32 to vector<16xf32>
        %mul3A_1049 = arith.mulf %mul3A_1048, %get3A_747 : vector<16xf32>
        %add3A_1050 = arith.addf %while3A_729, %mul3A_1049 : vector<16xf32>
        %mul3A_1051 = vector.broadcast %squeeze3A_1047 : f32 to vector<16xf32>
        %mul3A_1052 = arith.mulf %mul3A_1051, %get3A_751 : vector<16xf32>
        %add3A_1053 = arith.addf %while3A_730, %mul3A_1052 : vector<16xf32>
        %add3A_1054 = arith.constant 11 : i32
        %add3A_1055 = arith.addi %mul3A_219, %add3A_1054 : i32
        %mul3A_1056 = vector.broadcast %squeeze3A_1047 : f32 to vector<16xf32>
        %mul3A_1057 = arith.mulf %mul3A_1056, %get3A_755 : vector<16xf32>
        %swap3A_1058 = arith.index_cast %add3A_1055 : i32 to index
        %swap3A_1059 = arith.constant 32 : index
        %swap3A_1060 = tpu.vector_load %arg11[%swap3A_1058, %swap3A_1059] {strides = array<i32>} : memref<256x128xf32, #tpu.memory_space<vmem>>, vector<1x16xf32>,
        %swap3A_1061 = vector.shape_cast %swap3A_1060 : vector<1x16xf32> to vector<16xf32>
        %swap3A_1062 = vector.shape_cast %mul3A_1057 : vector<16xf32> to vector<1x16xf32>
        tpu.vector_store %arg11[%swap3A_1058, %swap3A_1059], %swap3A_1062 {add = true, strides = array<i32>} : memref<256x128xf32, #tpu.memory_space<vmem>>, vector<1x16xf32>,
        %add3A_1063 = arith.constant 11 : i32
        %add3A_1064 = arith.addi %mul3A_219, %add3A_1063 : i32
        %mul3A_1065 = vector.broadcast %squeeze3A_1047 : f32 to vector<16xf32>
        %mul3A_1066 = arith.mulf %mul3A_1065, %get3A_759 : vector<16xf32>
        %swap3A_1067 = arith.index_cast %add3A_1064 : i32 to index
        %swap3A_1068 = arith.constant 48 : index
        %swap3A_1069 = tpu.vector_load %arg11[%swap3A_1067, %swap3A_1068] {strides = array<i32>} : memref<256x128xf32, #tpu.memory_space<vmem>>, vector<1x16xf32>,
        %swap3A_1070 = vector.shape_cast %swap3A_1069 : vector<1x16xf32> to vector<16xf32>
        %swap3A_1071 = vector.shape_cast %mul3A_1066 : vector<16xf32> to vector<1x16xf32>
        tpu.vector_store %arg11[%swap3A_1067, %swap3A_1068], %swap3A_1071 {add = true, strides = array<i32>} : memref<256x128xf32, #tpu.memory_space<vmem>>, vector<1x16xf32>,
        %slice3A_1072 = vector.extract_strided_slice %get3A_743 {offsets = [12], sizes = [1], strides = [1]} : vector<16xf32> to vector<1xf32>
        %squeeze3A_1073 = vector.extract %slice3A_1072[0] : f32 from vector<1xf32>
        %mul3A_1074 = vector.broadcast %squeeze3A_1073 : f32 to vector<16xf32>
        %mul3A_1075 = arith.mulf %mul3A_1074, %get3A_747 : vector<16xf32>
        %add3A_1076 = arith.addf %while3A_731, %mul3A_1075 : vector<16xf32>
        %mul3A_1077 = vector.broadcast %squeeze3A_1073 : f32 to vector<16xf32>
        %mul3A_1078 = arith.mulf %mul3A_1077, %get3A_751 : vector<16xf32>
        %add3A_1079 = arith.addf %while3A_732, %mul3A_1078 : vector<16xf32>
        %add3A_1080 = arith.constant 12 : i32
        %add3A_1081 = arith.addi %mul3A_219, %add3A_1080 : i32
        %mul3A_1082 = vector.broadcast %squeeze3A_1073 : f32 to vector<16xf32>
        %mul3A_1083 = arith.mulf %mul3A_1082, %get3A_755 : vector<16xf32>
        %swap3A_1084 = arith.index_cast %add3A_1081 : i32 to index
        %swap3A_1085 = arith.constant 32 : index
        %swap3A_1086 = tpu.vector_load %arg11[%swap3A_1084, %swap3A_1085] {strides = array<i32>} : memref<256x128xf32, #tpu.memory_space<vmem>>, vector<1x16xf32>,
        %swap3A_1087 = vector.shape_cast %swap3A_1086 : vector<1x16xf32> to vector<16xf32>
        %swap3A_1088 = vector.shape_cast %mul3A_1083 : vector<16xf32> to vector<1x16xf32>
        tpu.vector_store %arg11[%swap3A_1084, %swap3A_1085], %swap3A_1088 {add = true, strides = array<i32>} : memref<256x128xf32, #tpu.memory_space<vmem>>, vector<1x16xf32>,
        %add3A_1089 = arith.constant 12 : i32
        %add3A_1090 = arith.addi %mul3A_219, %add3A_1089 : i32
        %mul3A_1091 = vector.broadcast %squeeze3A_1073 : f32 to vector<16xf32>
        %mul3A_1092 = arith.mulf %mul3A_1091, %get3A_759 : vector<16xf32>
        %swap3A_1093 = arith.index_cast %add3A_1090 : i32 to index
        %swap3A_1094 = arith.constant 48 : index
        %swap3A_1095 = tpu.vector_load %arg11[%swap3A_1093, %swap3A_1094] {strides = array<i32>} : memref<256x128xf32, #tpu.memory_space<vmem>>, vector<1x16xf32>,
        %swap3A_1096 = vector.shape_cast %swap3A_1095 : vector<1x16xf32> to vector<16xf32>
        %swap3A_1097 = vector.shape_cast %mul3A_1092 : vector<16xf32> to vector<1x16xf32>
        tpu.vector_store %arg11[%swap3A_1093, %swap3A_1094], %swap3A_1097 {add = true, strides = array<i32>} : memref<256x128xf32, #tpu.memory_space<vmem>>, vector<1x16xf32>,
        %slice3A_1098 = vector.extract_strided_slice %get3A_743 {offsets = [13], sizes = [1], strides = [1]} : vector<16xf32> to vector<1xf32>
        %squeeze3A_1099 = vector.extract %slice3A_1098[0] : f32 from vector<1xf32>
        %mul3A_1100 = vector.broadcast %squeeze3A_1099 : f32 to vector<16xf32>
        %mul3A_1101 = arith.mulf %mul3A_1100, %get3A_747 : vector<16xf32>
        %add3A_1102 = arith.addf %while3A_733, %mul3A_1101 : vector<16xf32>
        %mul3A_1103 = vector.broadcast %squeeze3A_1099 : f32 to vector<16xf32>
        %mul3A_1104 = arith.mulf %mul3A_1103, %get3A_751 : vector<16xf32>
        %add3A_1105 = arith.addf %while3A_734, %mul3A_1104 : vector<16xf32>
        %add3A_1106 = arith.constant 13 : i32
        %add3A_1107 = arith.addi %mul3A_219, %add3A_1106 : i32
        %mul3A_1108 = vector.broadcast %squeeze3A_1099 : f32 to vector<16xf32>
        %mul3A_1109 = arith.mulf %mul3A_1108, %get3A_755 : vector<16xf32>
        %swap3A_1110 = arith.index_cast %add3A_1107 : i32 to index
        %swap3A_1111 = arith.constant 32 : index
        %swap3A_1112 = tpu.vector_load %arg11[%swap3A_1110, %swap3A_1111] {strides = array<i32>} : memref<256x128xf32, #tpu.memory_space<vmem>>, vector<1x16xf32>,
        %swap3A_1113 = vector.shape_cast %swap3A_1112 : vector<1x16xf32> to vector<16xf32>
        %swap3A_1114 = vector.shape_cast %mul3A_1109 : vector<16xf32> to vector<1x16xf32>
        tpu.vector_store %arg11[%swap3A_1110, %swap3A_1111], %swap3A_1114 {add = true, strides = array<i32>} : memref<256x128xf32, #tpu.memory_space<vmem>>, vector<1x16xf32>,
        %add3A_1115 = arith.constant 13 : i32
        %add3A_1116 = arith.addi %mul3A_219, %add3A_1115 : i32
        %mul3A_1117 = vector.broadcast %squeeze3A_1099 : f32 to vector<16xf32>
        %mul3A_1118 = arith.mulf %mul3A_1117, %get3A_759 : vector<16xf32>
        %swap3A_1119 = arith.index_cast %add3A_1116 : i32 to index
        %swap3A_1120 = arith.constant 48 : index
        %swap3A_1121 = tpu.vector_load %arg11[%swap3A_1119, %swap3A_1120] {strides = array<i32>} : memref<256x128xf32, #tpu.memory_space<vmem>>, vector<1x16xf32>,
        %swap3A_1122 = vector.shape_cast %swap3A_1121 : vector<1x16xf32> to vector<16xf32>
        %swap3A_1123 = vector.shape_cast %mul3A_1118 : vector<16xf32> to vector<1x16xf32>
        tpu.vector_store %arg11[%swap3A_1119, %swap3A_1120], %swap3A_1123 {add = true, strides = array<i32>} : memref<256x128xf32, #tpu.memory_space<vmem>>, vector<1x16xf32>,
        %slice3A_1124 = vector.extract_strided_slice %get3A_743 {offsets = [14], sizes = [1], strides = [1]} : vector<16xf32> to vector<1xf32>
        %squeeze3A_1125 = vector.extract %slice3A_1124[0] : f32 from vector<1xf32>
        %mul3A_1126 = vector.broadcast %squeeze3A_1125 : f32 to vector<16xf32>
        %mul3A_1127 = arith.mulf %mul3A_1126, %get3A_747 : vector<16xf32>
        %add3A_1128 = arith.addf %while3A_735, %mul3A_1127 : vector<16xf32>
        %mul3A_1129 = vector.broadcast %squeeze3A_1125 : f32 to vector<16xf32>
        %mul3A_1130 = arith.mulf %mul3A_1129, %get3A_751 : vector<16xf32>
        %add3A_1131 = arith.addf %while3A_736, %mul3A_1130 : vector<16xf32>
        %add3A_1132 = arith.constant 14 : i32
        %add3A_1133 = arith.addi %mul3A_219, %add3A_1132 : i32
        %mul3A_1134 = vector.broadcast %squeeze3A_1125 : f32 to vector<16xf32>
        %mul3A_1135 = arith.mulf %mul3A_1134, %get3A_755 : vector<16xf32>
        %swap3A_1136 = arith.index_cast %add3A_1133 : i32 to index
        %swap3A_1137 = arith.constant 32 : index
        %swap3A_1138 = tpu.vector_load %arg11[%swap3A_1136, %swap3A_1137] {strides = array<i32>} : memref<256x128xf32, #tpu.memory_space<vmem>>, vector<1x16xf32>,
        %swap3A_1139 = vector.shape_cast %swap3A_1138 : vector<1x16xf32> to vector<16xf32>
        %swap3A_1140 = vector.shape_cast %mul3A_1135 : vector<16xf32> to vector<1x16xf32>
        tpu.vector_store %arg11[%swap3A_1136, %swap3A_1137], %swap3A_1140 {add = true, strides = array<i32>} : memref<256x128xf32, #tpu.memory_space<vmem>>, vector<1x16xf32>,
        %add3A_1141 = arith.constant 14 : i32
        %add3A_1142 = arith.addi %mul3A_219, %add3A_1141 : i32
        %mul3A_1143 = vector.broadcast %squeeze3A_1125 : f32 to vector<16xf32>
        %mul3A_1144 = arith.mulf %mul3A_1143, %get3A_759 : vector<16xf32>
        %swap3A_1145 = arith.index_cast %add3A_1142 : i32 to index
        %swap3A_1146 = arith.constant 48 : index
        %swap3A_1147 = tpu.vector_load %arg11[%swap3A_1145, %swap3A_1146] {strides = array<i32>} : memref<256x128xf32, #tpu.memory_space<vmem>>, vector<1x16xf32>,
        %swap3A_1148 = vector.shape_cast %swap3A_1147 : vector<1x16xf32> to vector<16xf32>
        %swap3A_1149 = vector.shape_cast %mul3A_1144 : vector<16xf32> to vector<1x16xf32>
        tpu.vector_store %arg11[%swap3A_1145, %swap3A_1146], %swap3A_1149 {add = true, strides = array<i32>} : memref<256x128xf32, #tpu.memory_space<vmem>>, vector<1x16xf32>,
        %slice3A_1150 = vector.extract_strided_slice %get3A_743 {offsets = [15], sizes = [1], strides = [1]} : vector<16xf32> to vector<1xf32>
        %squeeze3A_1151 = vector.extract %slice3A_1150[0] : f32 from vector<1xf32>
        %mul3A_1152 = vector.broadcast %squeeze3A_1151 : f32 to vector<16xf32>
        %mul3A_1153 = arith.mulf %mul3A_1152, %get3A_747 : vector<16xf32>
        %add3A_1154 = arith.addf %while3A_737, %mul3A_1153 : vector<16xf32>
        %mul3A_1155 = vector.broadcast %squeeze3A_1151 : f32 to vector<16xf32>
        %mul3A_1156 = arith.mulf %mul3A_1155, %get3A_751 : vector<16xf32>
        %add3A_1157 = arith.addf %while3A_738, %mul3A_1156 : vector<16xf32>
        %add3A_1158 = arith.constant 15 : i32
        %add3A_1159 = arith.addi %mul3A_219, %add3A_1158 : i32
        %mul3A_1160 = vector.broadcast %squeeze3A_1151 : f32 to vector<16xf32>
        %mul3A_1161 = arith.mulf %mul3A_1160, %get3A_755 : vector<16xf32>
        %swap3A_1162 = arith.index_cast %add3A_1159 : i32 to index
        %swap3A_1163 = arith.constant 32 : index
        %swap3A_1164 = tpu.vector_load %arg11[%swap3A_1162, %swap3A_1163] {strides = array<i32>} : memref<256x128xf32, #tpu.memory_space<vmem>>, vector<1x16xf32>,
        %swap3A_1165 = vector.shape_cast %swap3A_1164 : vector<1x16xf32> to vector<16xf32>
        %swap3A_1166 = vector.shape_cast %mul3A_1161 : vector<16xf32> to vector<1x16xf32>
        tpu.vector_store %arg11[%swap3A_1162, %swap3A_1163], %swap3A_1166 {add = true, strides = array<i32>} : memref<256x128xf32, #tpu.memory_space<vmem>>, vector<1x16xf32>,
        %add3A_1167 = arith.constant 15 : i32
        %add3A_1168 = arith.addi %mul3A_219, %add3A_1167 : i32
        %mul3A_1169 = vector.broadcast %squeeze3A_1151 : f32 to vector<16xf32>
        %mul3A_1170 = arith.mulf %mul3A_1169, %get3A_759 : vector<16xf32>
        %swap3A_1171 = arith.index_cast %add3A_1168 : i32 to index
        %swap3A_1172 = arith.constant 48 : index
        %swap3A_1173 = tpu.vector_load %arg11[%swap3A_1171, %swap3A_1172] {strides = array<i32>} : memref<256x128xf32, #tpu.memory_space<vmem>>, vector<1x16xf32>,
        %swap3A_1174 = vector.shape_cast %swap3A_1173 : vector<1x16xf32> to vector<16xf32>
        %swap3A_1175 = vector.shape_cast %mul3A_1170 : vector<16xf32> to vector<1x16xf32>
        tpu.vector_store %arg11[%swap3A_1171, %swap3A_1172], %swap3A_1175 {add = true, strides = array<i32>} : memref<256x128xf32, #tpu.memory_space<vmem>>, vector<1x16xf32>,
        %add3A_1176 = arith.addf %while3A_739, %get3A_743 : vector<16xf32>
        scf.yield %add3A_764, %add3A_767, %add3A_790, %add3A_793, %add3A_816, %add3A_819, %add3A_842, %add3A_845, %add3A_868, %add3A_871, %add3A_894, %add3A_897, %add3A_920, %add3A_923, %add3A_946, %add3A_949, %add3A_972, %add3A_975, %add3A_998, %add3A_1001, %add3A_1024, %add3A_1027, %add3A_1050, %add3A_1053, %add3A_1076, %add3A_1079, %add3A_1102, %add3A_1105, %add3A_1128, %add3A_1131, %add3A_1154, %add3A_1157, %add3A_1176 : vector<16xf32>, vector<16xf32>, vector<16xf32>, vector<16xf32>, vector<16xf32>, vector<16xf32>, vector<16xf32>, vector<16xf32>, vector<16xf32>, vector<16xf32>, vector<16xf32>, vector<16xf32>, vector<16xf32>, vector<16xf32>, vector<16xf32>, vector<16xf32>, vector<16xf32>, vector<16xf32>, vector<16xf32>, vector<16xf32>, vector<16xf32>, vector<16xf32>, vector<16xf32>, vector<16xf32>, vector<16xf32>, vector<16xf32>, vector<16xf32>, vector<16xf32>, vector<16xf32>, vector<16xf32>, vector<16xf32>, vector<16xf32>, vector<16xf32>
      }
      %add3A_233 = arith.constant 0 : i32
      %add3A_234 = arith.addi %mul3A_219, %add3A_233 : i32
      %swap3A_235 = arith.index_cast %add3A_234 : i32 to index
      %swap3A_236 = arith.constant 0 : index
      %swap3A_237 = tpu.vector_load %arg11[%swap3A_235, %swap3A_236] {strides = array<i32>} : memref<256x128xf32, #tpu.memory_space<vmem>>, vector<1x16xf32>,
      %swap3A_238 = vector.shape_cast %swap3A_237 : vector<1x16xf32> to vector<16xf32>
      %swap3A_239 = vector.shape_cast %while3A_232#0 : vector<16xf32> to vector<1x16xf32>
      tpu.vector_store %arg11[%swap3A_235, %swap3A_236], %swap3A_239 {strides = array<i32>} : memref<256x128xf32, #tpu.memory_space<vmem>>, vector<1x16xf32>,
      %add3A_240 = arith.constant 0 : i32
      %add3A_241 = arith.addi %mul3A_219, %add3A_240 : i32
      %swap3A_242 = arith.index_cast %add3A_241 : i32 to index
      %swap3A_243 = arith.constant 16 : index
      %swap3A_244 = tpu.vector_load %arg11[%swap3A_242, %swap3A_243] {strides = array<i32>} : memref<256x128xf32, #tpu.memory_space<vmem>>, vector<1x16xf32>,
      %swap3A_245 = vector.shape_cast %swap3A_244 : vector<1x16xf32> to vector<16xf32>
      %swap3A_246 = vector.shape_cast %while3A_232#1 : vector<16xf32> to vector<1x16xf32>
      tpu.vector_store %arg11[%swap3A_242, %swap3A_243], %swap3A_246 {strides = array<i32>} : memref<256x128xf32, #tpu.memory_space<vmem>>, vector<1x16xf32>,
      %add3A_247 = arith.constant 1 : i32
      %add3A_248 = arith.addi %mul3A_219, %add3A_247 : i32
      %swap3A_249 = arith.index_cast %add3A_248 : i32 to index
      %swap3A_250 = arith.constant 0 : index
      %swap3A_251 = tpu.vector_load %arg11[%swap3A_249, %swap3A_250] {strides = array<i32>} : memref<256x128xf32, #tpu.memory_space<vmem>>, vector<1x16xf32>,
      %swap3A_252 = vector.shape_cast %swap3A_251 : vector<1x16xf32> to vector<16xf32>
      %swap3A_253 = vector.shape_cast %while3A_232#2 : vector<16xf32> to vector<1x16xf32>
      tpu.vector_store %arg11[%swap3A_249, %swap3A_250], %swap3A_253 {strides = array<i32>} : memref<256x128xf32, #tpu.memory_space<vmem>>, vector<1x16xf32>,
      %add3A_254 = arith.constant 1 : i32
      %add3A_255 = arith.addi %mul3A_219, %add3A_254 : i32
      %swap3A_256 = arith.index_cast %add3A_255 : i32 to index
      %swap3A_257 = arith.constant 16 : index
      %swap3A_258 = tpu.vector_load %arg11[%swap3A_256, %swap3A_257] {strides = array<i32>} : memref<256x128xf32, #tpu.memory_space<vmem>>, vector<1x16xf32>,
      %swap3A_259 = vector.shape_cast %swap3A_258 : vector<1x16xf32> to vector<16xf32>
      %swap3A_260 = vector.shape_cast %while3A_232#3 : vector<16xf32> to vector<1x16xf32>
      tpu.vector_store %arg11[%swap3A_256, %swap3A_257], %swap3A_260 {strides = array<i32>} : memref<256x128xf32, #tpu.memory_space<vmem>>, vector<1x16xf32>,
      %add3A_261 = arith.constant 2 : i32
      %add3A_262 = arith.addi %mul3A_219, %add3A_261 : i32
      %swap3A_263 = arith.index_cast %add3A_262 : i32 to index
      %swap3A_264 = arith.constant 0 : index
      %swap3A_265 = tpu.vector_load %arg11[%swap3A_263, %swap3A_264] {strides = array<i32>} : memref<256x128xf32, #tpu.memory_space<vmem>>, vector<1x16xf32>,
      %swap3A_266 = vector.shape_cast %swap3A_265 : vector<1x16xf32> to vector<16xf32>
      %swap3A_267 = vector.shape_cast %while3A_232#4 : vector<16xf32> to vector<1x16xf32>
      tpu.vector_store %arg11[%swap3A_263, %swap3A_264], %swap3A_267 {strides = array<i32>} : memref<256x128xf32, #tpu.memory_space<vmem>>, vector<1x16xf32>,
      %add3A_268 = arith.constant 2 : i32
      %add3A_269 = arith.addi %mul3A_219, %add3A_268 : i32
      %swap3A_270 = arith.index_cast %add3A_269 : i32 to index
      %swap3A_271 = arith.constant 16 : index
      %swap3A_272 = tpu.vector_load %arg11[%swap3A_270, %swap3A_271] {strides = array<i32>} : memref<256x128xf32, #tpu.memory_space<vmem>>, vector<1x16xf32>,
      %swap3A_273 = vector.shape_cast %swap3A_272 : vector<1x16xf32> to vector<16xf32>
      %swap3A_274 = vector.shape_cast %while3A_232#5 : vector<16xf32> to vector<1x16xf32>
      tpu.vector_store %arg11[%swap3A_270, %swap3A_271], %swap3A_274 {strides = array<i32>} : memref<256x128xf32, #tpu.memory_space<vmem>>, vector<1x16xf32>,
      %add3A_275 = arith.constant 3 : i32
      %add3A_276 = arith.addi %mul3A_219, %add3A_275 : i32
      %swap3A_277 = arith.index_cast %add3A_276 : i32 to index
      %swap3A_278 = arith.constant 0 : index
      %swap3A_279 = tpu.vector_load %arg11[%swap3A_277, %swap3A_278] {strides = array<i32>} : memref<256x128xf32, #tpu.memory_space<vmem>>, vector<1x16xf32>,
      %swap3A_280 = vector.shape_cast %swap3A_279 : vector<1x16xf32> to vector<16xf32>
      %swap3A_281 = vector.shape_cast %while3A_232#6 : vector<16xf32> to vector<1x16xf32>
      tpu.vector_store %arg11[%swap3A_277, %swap3A_278], %swap3A_281 {strides = array<i32>} : memref<256x128xf32, #tpu.memory_space<vmem>>, vector<1x16xf32>,
      %add3A_282 = arith.constant 3 : i32
      %add3A_283 = arith.addi %mul3A_219, %add3A_282 : i32
      %swap3A_284 = arith.index_cast %add3A_283 : i32 to index
      %swap3A_285 = arith.constant 16 : index
      %swap3A_286 = tpu.vector_load %arg11[%swap3A_284, %swap3A_285] {strides = array<i32>} : memref<256x128xf32, #tpu.memory_space<vmem>>, vector<1x16xf32>,
      %swap3A_287 = vector.shape_cast %swap3A_286 : vector<1x16xf32> to vector<16xf32>
      %swap3A_288 = vector.shape_cast %while3A_232#7 : vector<16xf32> to vector<1x16xf32>
      tpu.vector_store %arg11[%swap3A_284, %swap3A_285], %swap3A_288 {strides = array<i32>} : memref<256x128xf32, #tpu.memory_space<vmem>>, vector<1x16xf32>,
      %add3A_289 = arith.constant 4 : i32
      %add3A_290 = arith.addi %mul3A_219, %add3A_289 : i32
      %swap3A_291 = arith.index_cast %add3A_290 : i32 to index
      %swap3A_292 = arith.constant 0 : index
      %swap3A_293 = tpu.vector_load %arg11[%swap3A_291, %swap3A_292] {strides = array<i32>} : memref<256x128xf32, #tpu.memory_space<vmem>>, vector<1x16xf32>,
      %swap3A_294 = vector.shape_cast %swap3A_293 : vector<1x16xf32> to vector<16xf32>
      %swap3A_295 = vector.shape_cast %while3A_232#8 : vector<16xf32> to vector<1x16xf32>
      tpu.vector_store %arg11[%swap3A_291, %swap3A_292], %swap3A_295 {strides = array<i32>} : memref<256x128xf32, #tpu.memory_space<vmem>>, vector<1x16xf32>,
      %add3A_296 = arith.constant 4 : i32
      %add3A_297 = arith.addi %mul3A_219, %add3A_296 : i32
      %swap3A_298 = arith.index_cast %add3A_297 : i32 to index
      %swap3A_299 = arith.constant 16 : index
      %swap3A_300 = tpu.vector_load %arg11[%swap3A_298, %swap3A_299] {strides = array<i32>} : memref<256x128xf32, #tpu.memory_space<vmem>>, vector<1x16xf32>,
      %swap3A_301 = vector.shape_cast %swap3A_300 : vector<1x16xf32> to vector<16xf32>
      %swap3A_302 = vector.shape_cast %while3A_232#9 : vector<16xf32> to vector<1x16xf32>
      tpu.vector_store %arg11[%swap3A_298, %swap3A_299], %swap3A_302 {strides = array<i32>} : memref<256x128xf32, #tpu.memory_space<vmem>>, vector<1x16xf32>,
      %add3A_303 = arith.constant 5 : i32
      %add3A_304 = arith.addi %mul3A_219, %add3A_303 : i32
      %swap3A_305 = arith.index_cast %add3A_304 : i32 to index
      %swap3A_306 = arith.constant 0 : index
      %swap3A_307 = tpu.vector_load %arg11[%swap3A_305, %swap3A_306] {strides = array<i32>} : memref<256x128xf32, #tpu.memory_space<vmem>>, vector<1x16xf32>,
      %swap3A_308 = vector.shape_cast %swap3A_307 : vector<1x16xf32> to vector<16xf32>
      %swap3A_309 = vector.shape_cast %while3A_232#10 : vector<16xf32> to vector<1x16xf32>
      tpu.vector_store %arg11[%swap3A_305, %swap3A_306], %swap3A_309 {strides = array<i32>} : memref<256x128xf32, #tpu.memory_space<vmem>>, vector<1x16xf32>,
      %add3A_310 = arith.constant 5 : i32
      %add3A_311 = arith.addi %mul3A_219, %add3A_310 : i32
      %swap3A_312 = arith.index_cast %add3A_311 : i32 to index
      %swap3A_313 = arith.constant 16 : index
      %swap3A_314 = tpu.vector_load %arg11[%swap3A_312, %swap3A_313] {strides = array<i32>} : memref<256x128xf32, #tpu.memory_space<vmem>>, vector<1x16xf32>,
      %swap3A_315 = vector.shape_cast %swap3A_314 : vector<1x16xf32> to vector<16xf32>
      %swap3A_316 = vector.shape_cast %while3A_232#11 : vector<16xf32> to vector<1x16xf32>
      tpu.vector_store %arg11[%swap3A_312, %swap3A_313], %swap3A_316 {strides = array<i32>} : memref<256x128xf32, #tpu.memory_space<vmem>>, vector<1x16xf32>,
      %add3A_317 = arith.constant 6 : i32
      %add3A_318 = arith.addi %mul3A_219, %add3A_317 : i32
      %swap3A_319 = arith.index_cast %add3A_318 : i32 to index
      %swap3A_320 = arith.constant 0 : index
      %swap3A_321 = tpu.vector_load %arg11[%swap3A_319, %swap3A_320] {strides = array<i32>} : memref<256x128xf32, #tpu.memory_space<vmem>>, vector<1x16xf32>,
      %swap3A_322 = vector.shape_cast %swap3A_321 : vector<1x16xf32> to vector<16xf32>
      %swap3A_323 = vector.shape_cast %while3A_232#12 : vector<16xf32> to vector<1x16xf32>
      tpu.vector_store %arg11[%swap3A_319, %swap3A_320], %swap3A_323 {strides = array<i32>} : memref<256x128xf32, #tpu.memory_space<vmem>>, vector<1x16xf32>,
      %add3A_324 = arith.constant 6 : i32
      %add3A_325 = arith.addi %mul3A_219, %add3A_324 : i32
      %swap3A_326 = arith.index_cast %add3A_325 : i32 to index
      %swap3A_327 = arith.constant 16 : index
      %swap3A_328 = tpu.vector_load %arg11[%swap3A_326, %swap3A_327] {strides = array<i32>} : memref<256x128xf32, #tpu.memory_space<vmem>>, vector<1x16xf32>,
      %swap3A_329 = vector.shape_cast %swap3A_328 : vector<1x16xf32> to vector<16xf32>
      %swap3A_330 = vector.shape_cast %while3A_232#13 : vector<16xf32> to vector<1x16xf32>
      tpu.vector_store %arg11[%swap3A_326, %swap3A_327], %swap3A_330 {strides = array<i32>} : memref<256x128xf32, #tpu.memory_space<vmem>>, vector<1x16xf32>,
      %add3A_331 = arith.constant 7 : i32
      %add3A_332 = arith.addi %mul3A_219, %add3A_331 : i32
      %swap3A_333 = arith.index_cast %add3A_332 : i32 to index
      %swap3A_334 = arith.constant 0 : index
      %swap3A_335 = tpu.vector_load %arg11[%swap3A_333, %swap3A_334] {strides = array<i32>} : memref<256x128xf32, #tpu.memory_space<vmem>>, vector<1x16xf32>,
      %swap3A_336 = vector.shape_cast %swap3A_335 : vector<1x16xf32> to vector<16xf32>
      %swap3A_337 = vector.shape_cast %while3A_232#14 : vector<16xf32> to vector<1x16xf32>
      tpu.vector_store %arg11[%swap3A_333, %swap3A_334], %swap3A_337 {strides = array<i32>} : memref<256x128xf32, #tpu.memory_space<vmem>>, vector<1x16xf32>,
      %add3A_338 = arith.constant 7 : i32
      %add3A_339 = arith.addi %mul3A_219, %add3A_338 : i32
      %swap3A_340 = arith.index_cast %add3A_339 : i32 to index
      %swap3A_341 = arith.constant 16 : index
      %swap3A_342 = tpu.vector_load %arg11[%swap3A_340, %swap3A_341] {strides = array<i32>} : memref<256x128xf32, #tpu.memory_space<vmem>>, vector<1x16xf32>,
      %swap3A_343 = vector.shape_cast %swap3A_342 : vector<1x16xf32> to vector<16xf32>
      %swap3A_344 = vector.shape_cast %while3A_232#15 : vector<16xf32> to vector<1x16xf32>
      tpu.vector_store %arg11[%swap3A_340, %swap3A_341], %swap3A_344 {strides = array<i32>} : memref<256x128xf32, #tpu.memory_space<vmem>>, vector<1x16xf32>,
      %add3A_345 = arith.constant 8 : i32
      %add3A_346 = arith.addi %mul3A_219, %add3A_345 : i32
      %swap3A_347 = arith.index_cast %add3A_346 : i32 to index
      %swap3A_348 = arith.constant 0 : index
      %swap3A_349 = tpu.vector_load %arg11[%swap3A_347, %swap3A_348] {strides = array<i32>} : memref<256x128xf32, #tpu.memory_space<vmem>>, vector<1x16xf32>,
      %swap3A_350 = vector.shape_cast %swap3A_349 : vector<1x16xf32> to vector<16xf32>
      %swap3A_351 = vector.shape_cast %while3A_232#16 : vector<16xf32> to vector<1x16xf32>
      tpu.vector_store %arg11[%swap3A_347, %swap3A_348], %swap3A_351 {strides = array<i32>} : memref<256x128xf32, #tpu.memory_space<vmem>>, vector<1x16xf32>,
      %add3A_352 = arith.constant 8 : i32
      %add3A_353 = arith.addi %mul3A_219, %add3A_352 : i32
      %swap3A_354 = arith.index_cast %add3A_353 : i32 to index
      %swap3A_355 = arith.constant 16 : index
      %swap3A_356 = tpu.vector_load %arg11[%swap3A_354, %swap3A_355] {strides = array<i32>} : memref<256x128xf32, #tpu.memory_space<vmem>>, vector<1x16xf32>,
      %swap3A_357 = vector.shape_cast %swap3A_356 : vector<1x16xf32> to vector<16xf32>
      %swap3A_358 = vector.shape_cast %while3A_232#17 : vector<16xf32> to vector<1x16xf32>
      tpu.vector_store %arg11[%swap3A_354, %swap3A_355], %swap3A_358 {strides = array<i32>} : memref<256x128xf32, #tpu.memory_space<vmem>>, vector<1x16xf32>,
      %add3A_359 = arith.constant 9 : i32
      %add3A_360 = arith.addi %mul3A_219, %add3A_359 : i32
      %swap3A_361 = arith.index_cast %add3A_360 : i32 to index
      %swap3A_362 = arith.constant 0 : index
      %swap3A_363 = tpu.vector_load %arg11[%swap3A_361, %swap3A_362] {strides = array<i32>} : memref<256x128xf32, #tpu.memory_space<vmem>>, vector<1x16xf32>,
      %swap3A_364 = vector.shape_cast %swap3A_363 : vector<1x16xf32> to vector<16xf32>
      %swap3A_365 = vector.shape_cast %while3A_232#18 : vector<16xf32> to vector<1x16xf32>
      tpu.vector_store %arg11[%swap3A_361, %swap3A_362], %swap3A_365 {strides = array<i32>} : memref<256x128xf32, #tpu.memory_space<vmem>>, vector<1x16xf32>,
      %add3A_366 = arith.constant 9 : i32
      %add3A_367 = arith.addi %mul3A_219, %add3A_366 : i32
      %swap3A_368 = arith.index_cast %add3A_367 : i32 to index
      %swap3A_369 = arith.constant 16 : index
      %swap3A_370 = tpu.vector_load %arg11[%swap3A_368, %swap3A_369] {strides = array<i32>} : memref<256x128xf32, #tpu.memory_space<vmem>>, vector<1x16xf32>,
      %swap3A_371 = vector.shape_cast %swap3A_370 : vector<1x16xf32> to vector<16xf32>
      %swap3A_372 = vector.shape_cast %while3A_232#19 : vector<16xf32> to vector<1x16xf32>
      tpu.vector_store %arg11[%swap3A_368, %swap3A_369], %swap3A_372 {strides = array<i32>} : memref<256x128xf32, #tpu.memory_space<vmem>>, vector<1x16xf32>,
      %add3A_373 = arith.constant 10 : i32
      %add3A_374 = arith.addi %mul3A_219, %add3A_373 : i32
      %swap3A_375 = arith.index_cast %add3A_374 : i32 to index
      %swap3A_376 = arith.constant 0 : index
      %swap3A_377 = tpu.vector_load %arg11[%swap3A_375, %swap3A_376] {strides = array<i32>} : memref<256x128xf32, #tpu.memory_space<vmem>>, vector<1x16xf32>,
      %swap3A_378 = vector.shape_cast %swap3A_377 : vector<1x16xf32> to vector<16xf32>
      %swap3A_379 = vector.shape_cast %while3A_232#20 : vector<16xf32> to vector<1x16xf32>
      tpu.vector_store %arg11[%swap3A_375, %swap3A_376], %swap3A_379 {strides = array<i32>} : memref<256x128xf32, #tpu.memory_space<vmem>>, vector<1x16xf32>,
      %add3A_380 = arith.constant 10 : i32
      %add3A_381 = arith.addi %mul3A_219, %add3A_380 : i32
      %swap3A_382 = arith.index_cast %add3A_381 : i32 to index
      %swap3A_383 = arith.constant 16 : index
      %swap3A_384 = tpu.vector_load %arg11[%swap3A_382, %swap3A_383] {strides = array<i32>} : memref<256x128xf32, #tpu.memory_space<vmem>>, vector<1x16xf32>,
      %swap3A_385 = vector.shape_cast %swap3A_384 : vector<1x16xf32> to vector<16xf32>
      %swap3A_386 = vector.shape_cast %while3A_232#21 : vector<16xf32> to vector<1x16xf32>
      tpu.vector_store %arg11[%swap3A_382, %swap3A_383], %swap3A_386 {strides = array<i32>} : memref<256x128xf32, #tpu.memory_space<vmem>>, vector<1x16xf32>,
      %add3A_387 = arith.constant 11 : i32
      %add3A_388 = arith.addi %mul3A_219, %add3A_387 : i32
      %swap3A_389 = arith.index_cast %add3A_388 : i32 to index
      %swap3A_390 = arith.constant 0 : index
      %swap3A_391 = tpu.vector_load %arg11[%swap3A_389, %swap3A_390] {strides = array<i32>} : memref<256x128xf32, #tpu.memory_space<vmem>>, vector<1x16xf32>,
      %swap3A_392 = vector.shape_cast %swap3A_391 : vector<1x16xf32> to vector<16xf32>
      %swap3A_393 = vector.shape_cast %while3A_232#22 : vector<16xf32> to vector<1x16xf32>
      tpu.vector_store %arg11[%swap3A_389, %swap3A_390], %swap3A_393 {strides = array<i32>} : memref<256x128xf32, #tpu.memory_space<vmem>>, vector<1x16xf32>,
      %add3A_394 = arith.constant 11 : i32
      %add3A_395 = arith.addi %mul3A_219, %add3A_394 : i32
      %swap3A_396 = arith.index_cast %add3A_395 : i32 to index
      %swap3A_397 = arith.constant 16 : index
      %swap3A_398 = tpu.vector_load %arg11[%swap3A_396, %swap3A_397] {strides = array<i32>} : memref<256x128xf32, #tpu.memory_space<vmem>>, vector<1x16xf32>,
      %swap3A_399 = vector.shape_cast %swap3A_398 : vector<1x16xf32> to vector<16xf32>
      %swap3A_400 = vector.shape_cast %while3A_232#23 : vector<16xf32> to vector<1x16xf32>
      tpu.vector_store %arg11[%swap3A_396, %swap3A_397], %swap3A_400 {strides = array<i32>} : memref<256x128xf32, #tpu.memory_space<vmem>>, vector<1x16xf32>,
      %add3A_401 = arith.constant 12 : i32
      %add3A_402 = arith.addi %mul3A_219, %add3A_401 : i32
      %swap3A_403 = arith.index_cast %add3A_402 : i32 to index
      %swap3A_404 = arith.constant 0 : index
      %swap3A_405 = tpu.vector_load %arg11[%swap3A_403, %swap3A_404] {strides = array<i32>} : memref<256x128xf32, #tpu.memory_space<vmem>>, vector<1x16xf32>,
      %swap3A_406 = vector.shape_cast %swap3A_405 : vector<1x16xf32> to vector<16xf32>
      %swap3A_407 = vector.shape_cast %while3A_232#24 : vector<16xf32> to vector<1x16xf32>
      tpu.vector_store %arg11[%swap3A_403, %swap3A_404], %swap3A_407 {strides = array<i32>} : memref<256x128xf32, #tpu.memory_space<vmem>>, vector<1x16xf32>,
      %add3A_408 = arith.constant 12 : i32
      %add3A_409 = arith.addi %mul3A_219, %add3A_408 : i32
      %swap3A_410 = arith.index_cast %add3A_409 : i32 to index
      %swap3A_411 = arith.constant 16 : index
      %swap3A_412 = tpu.vector_load %arg11[%swap3A_410, %swap3A_411] {strides = array<i32>} : memref<256x128xf32, #tpu.memory_space<vmem>>, vector<1x16xf32>,
      %swap3A_413 = vector.shape_cast %swap3A_412 : vector<1x16xf32> to vector<16xf32>
      %swap3A_414 = vector.shape_cast %while3A_232#25 : vector<16xf32> to vector<1x16xf32>
      tpu.vector_store %arg11[%swap3A_410, %swap3A_411], %swap3A_414 {strides = array<i32>} : memref<256x128xf32, #tpu.memory_space<vmem>>, vector<1x16xf32>,
      %add3A_415 = arith.constant 13 : i32
      %add3A_416 = arith.addi %mul3A_219, %add3A_415 : i32
      %swap3A_417 = arith.index_cast %add3A_416 : i32 to index
      %swap3A_418 = arith.constant 0 : index
      %swap3A_419 = tpu.vector_load %arg11[%swap3A_417, %swap3A_418] {strides = array<i32>} : memref<256x128xf32, #tpu.memory_space<vmem>>, vector<1x16xf32>,
      %swap3A_420 = vector.shape_cast %swap3A_419 : vector<1x16xf32> to vector<16xf32>
      %swap3A_421 = vector.shape_cast %while3A_232#26 : vector<16xf32> to vector<1x16xf32>
      tpu.vector_store %arg11[%swap3A_417, %swap3A_418], %swap3A_421 {strides = array<i32>} : memref<256x128xf32, #tpu.memory_space<vmem>>, vector<1x16xf32>,
      %add3A_422 = arith.constant 13 : i32
      %add3A_423 = arith.addi %mul3A_219, %add3A_422 : i32
      %swap3A_424 = arith.index_cast %add3A_423 : i32 to index
      %swap3A_425 = arith.constant 16 : index
      %swap3A_426 = tpu.vector_load %arg11[%swap3A_424, %swap3A_425] {strides = array<i32>} : memref<256x128xf32, #tpu.memory_space<vmem>>, vector<1x16xf32>,
      %swap3A_427 = vector.shape_cast %swap3A_426 : vector<1x16xf32> to vector<16xf32>
      %swap3A_428 = vector.shape_cast %while3A_232#27 : vector<16xf32> to vector<1x16xf32>
      tpu.vector_store %arg11[%swap3A_424, %swap3A_425], %swap3A_428 {strides = array<i32>} : memref<256x128xf32, #tpu.memory_space<vmem>>, vector<1x16xf32>,
      %add3A_429 = arith.constant 14 : i32
      %add3A_430 = arith.addi %mul3A_219, %add3A_429 : i32
      %swap3A_431 = arith.index_cast %add3A_430 : i32 to index
      %swap3A_432 = arith.constant 0 : index
      %swap3A_433 = tpu.vector_load %arg11[%swap3A_431, %swap3A_432] {strides = array<i32>} : memref<256x128xf32, #tpu.memory_space<vmem>>, vector<1x16xf32>,
      %swap3A_434 = vector.shape_cast %swap3A_433 : vector<1x16xf32> to vector<16xf32>
      %swap3A_435 = vector.shape_cast %while3A_232#28 : vector<16xf32> to vector<1x16xf32>
      tpu.vector_store %arg11[%swap3A_431, %swap3A_432], %swap3A_435 {strides = array<i32>} : memref<256x128xf32, #tpu.memory_space<vmem>>, vector<1x16xf32>,
      %add3A_436 = arith.constant 14 : i32
      %add3A_437 = arith.addi %mul3A_219, %add3A_436 : i32
      %swap3A_438 = arith.index_cast %add3A_437 : i32 to index
      %swap3A_439 = arith.constant 16 : index
      %swap3A_440 = tpu.vector_load %arg11[%swap3A_438, %swap3A_439] {strides = array<i32>} : memref<256x128xf32, #tpu.memory_space<vmem>>, vector<1x16xf32>,
      %swap3A_441 = vector.shape_cast %swap3A_440 : vector<1x16xf32> to vector<16xf32>
      %swap3A_442 = vector.shape_cast %while3A_232#29 : vector<16xf32> to vector<1x16xf32>
      tpu.vector_store %arg11[%swap3A_438, %swap3A_439], %swap3A_442 {strides = array<i32>} : memref<256x128xf32, #tpu.memory_space<vmem>>, vector<1x16xf32>,
      %add3A_443 = arith.constant 15 : i32
      %add3A_444 = arith.addi %mul3A_219, %add3A_443 : i32
      %swap3A_445 = arith.index_cast %add3A_444 : i32 to index
      %swap3A_446 = arith.constant 0 : index
      %swap3A_447 = tpu.vector_load %arg11[%swap3A_445, %swap3A_446] {strides = array<i32>} : memref<256x128xf32, #tpu.memory_space<vmem>>, vector<1x16xf32>,
      %swap3A_448 = vector.shape_cast %swap3A_447 : vector<1x16xf32> to vector<16xf32>
      %swap3A_449 = vector.shape_cast %while3A_232#30 : vector<16xf32> to vector<1x16xf32>
      tpu.vector_store %arg11[%swap3A_445, %swap3A_446], %swap3A_449 {strides = array<i32>} : memref<256x128xf32, #tpu.memory_space<vmem>>, vector<1x16xf32>,
      %add3A_450 = arith.constant 15 : i32
      %add3A_451 = arith.addi %mul3A_219, %add3A_450 : i32
      %swap3A_452 = arith.index_cast %add3A_451 : i32 to index
      %swap3A_453 = arith.constant 16 : index
      %swap3A_454 = tpu.vector_load %arg11[%swap3A_452, %swap3A_453] {strides = array<i32>} : memref<256x128xf32, #tpu.memory_space<vmem>>, vector<1x16xf32>,
      %swap3A_455 = vector.shape_cast %swap3A_454 : vector<1x16xf32> to vector<16xf32>
      %swap3A_456 = vector.shape_cast %while3A_232#31 : vector<16xf32> to vector<1x16xf32>
      tpu.vector_store %arg11[%swap3A_452, %swap3A_453], %swap3A_456 {strides = array<i32>} : memref<256x128xf32, #tpu.memory_space<vmem>>, vector<1x16xf32>,
      %swap3A_457 = arith.index_cast %mul3A_219 : i32 to index
      %swap3A_458 = tpu.vector_load %arg12[%swap3A_457] {strides = array<i32>} : memref<256xf32, #tpu.memory_space<vmem>>, vector<16xf32>,
      %swap3A_459 = vector.shape_cast %swap3A_458 : vector<16xf32> to vector<16xf32>
      %swap3A_460 = vector.shape_cast %while3A_232#32 : vector<16xf32> to vector<16xf32>
      tpu.vector_store %arg12[%swap3A_457], %swap3A_460 {strides = array<i32>} : memref<256xf32, #tpu.memory_space<vmem>>, vector<16xf32>,
      %while3A_461 = arith.subi %get3A_222, %get3A_220 : i32
      %while3A_462 = arith.addi %get3A_220, %while3A_461 : i32
      %while3A_463 = arith.constant 1 : i32
      %while3A_464 = arith.divsi %while3A_461, %while3A_463 : i32
      %while3A_465 = arith.muli %while3A_464, %while3A_463 : i32
      %while3A_466 = arith.addi %get3A_220, %while3A_465 : i32
      %while3A_467 = arith.constant 1 : i32
      %while3A_468:32 = scf.for %while3A_706 = %get3A_220 to %while3A_466 step %while3A_467 iter_args(%while3A_707 = %broadcast_in_dim3A_12, %while3A_708 = %broadcast_in_dim3A_12, %while3A_709 = %broadcast_in_dim3A_12, %while3A_710 = %broadcast_in_dim3A_12, %while3A_711 = %broadcast_in_dim3A_12, %while3A_712 = %broadcast_in_dim3A_12, %while3A_713 = %broadcast_in_dim3A_12, %while3A_714 = %broadcast_in_dim3A_12, %while3A_715 = %broadcast_in_dim3A_12, %while3A_716 = %broadcast_in_dim3A_12, %while3A_717 = %broadcast_in_dim3A_12, %while3A_718 = %broadcast_in_dim3A_12, %while3A_719 = %broadcast_in_dim3A_12, %while3A_720 = %broadcast_in_dim3A_12, %while3A_721 = %broadcast_in_dim3A_12, %while3A_722 = %broadcast_in_dim3A_12, %while3A_723 = %broadcast_in_dim3A_12, %while3A_724 = %broadcast_in_dim3A_12, %while3A_725 = %broadcast_in_dim3A_12, %while3A_726 = %broadcast_in_dim3A_12, %while3A_727 = %broadcast_in_dim3A_12, %while3A_728 = %broadcast_in_dim3A_12, %while3A_729 = %broadcast_in_dim3A_12, %while3A_730 = %broadcast_in_dim3A_12, %while3A_731 = %broadcast_in_dim3A_12, %while3A_732 = %broadcast_in_dim3A_12, %while3A_733 = %broadcast_in_dim3A_12, %while3A_734 = %broadcast_in_dim3A_12, %while3A_735 = %broadcast_in_dim3A_12, %while3A_736 = %broadcast_in_dim3A_12, %while3A_737 = %broadcast_in_dim3A_12, %while3A_738 = %broadcast_in_dim3A_12) -> (vector<16xf32>, vector<16xf32>, vector<16xf32>, vector<16xf32>, vector<16xf32>, vector<16xf32>, vector<16xf32>, vector<16xf32>, vector<16xf32>, vector<16xf32>, vector<16xf32>, vector<16xf32>, vector<16xf32>, vector<16xf32>, vector<16xf32>, vector<16xf32>, vector<16xf32>, vector<16xf32>, vector<16xf32>, vector<16xf32>, vector<16xf32>, vector<16xf32>, vector<16xf32>, vector<16xf32>, vector<16xf32>, vector<16xf32>, vector<16xf32>, vector<16xf32>, vector<16xf32>, vector<16xf32>, vector<16xf32>, vector<16xf32>)  : i32 {
        %get3A_739 = arith.index_cast %while3A_706 : i32 to index
        %get3A_740 = arith.constant 0 : index
        %get3A_741 = tpu.vector_load %arg9[%get3A_739, %get3A_740] {strides = array<i32>} : memref<328x16xf32, #tpu.memory_space<vmem>>, vector<1x16xf32>,
        %get3A_742 = vector.shape_cast %get3A_741 : vector<1x16xf32> to vector<16xf32>
        %get3A_743 = arith.index_cast %while3A_706 : i32 to index
        %get3A_744 = arith.constant 64 : index
        %get3A_745 = tpu.vector_load %arg8[%get3A_743, %get3A_744] {strides = array<i32>} : memref<328x128xf32, #tpu.memory_space<vmem>>, vector<1x16xf32>,
        %get3A_746 = vector.shape_cast %get3A_745 : vector<1x16xf32> to vector<16xf32>
        %get3A_747 = arith.index_cast %while3A_706 : i32 to index
        %get3A_748 = arith.constant 80 : index
        %get3A_749 = tpu.vector_load %arg8[%get3A_747, %get3A_748] {strides = array<i32>} : memref<328x128xf32, #tpu.memory_space<vmem>>, vector<1x16xf32>,
        %get3A_750 = vector.shape_cast %get3A_749 : vector<1x16xf32> to vector<16xf32>
        %get3A_751 = arith.index_cast %while3A_706 : i32 to index
        %get3A_752 = arith.constant 96 : index
        %get3A_753 = tpu.vector_load %arg8[%get3A_751, %get3A_752] {strides = array<i32>} : memref<328x128xf32, #tpu.memory_space<vmem>>, vector<1x16xf32>,
        %get3A_754 = vector.shape_cast %get3A_753 : vector<1x16xf32> to vector<16xf32>
        %get3A_755 = arith.index_cast %while3A_706 : i32 to index
        %get3A_756 = arith.constant 112 : index
        %get3A_757 = tpu.vector_load %arg8[%get3A_755, %get3A_756] {strides = array<i32>} : memref<328x128xf32, #tpu.memory_space<vmem>>, vector<1x16xf32>,
        %get3A_758 = vector.shape_cast %get3A_757 : vector<1x16xf32> to vector<16xf32>
        %slice3A_759 = vector.extract_strided_slice %get3A_742 {offsets = [0], sizes = [1], strides = [1]} : vector<16xf32> to vector<1xf32>
        %squeeze3A_760 = vector.extract %slice3A_759[0] : f32 from vector<1xf32>
        %mul3A_761 = vector.broadcast %squeeze3A_760 : f32 to vector<16xf32>
        %mul3A_762 = arith.mulf %mul3A_761, %get3A_746 : vector<16xf32>
        %add3A_763 = arith.addf %while3A_707, %mul3A_762 : vector<16xf32>
        %mul3A_764 = vector.broadcast %squeeze3A_760 : f32 to vector<16xf32>
        %mul3A_765 = arith.mulf %mul3A_764, %get3A_750 : vector<16xf32>
        %add3A_766 = arith.addf %while3A_708, %mul3A_765 : vector<16xf32>
        %add3A_767 = arith.constant 0 : i32
        %add3A_768 = arith.addi %mul3A_219, %add3A_767 : i32
        %mul3A_769 = vector.broadcast %squeeze3A_760 : f32 to vector<16xf32>
        %mul3A_770 = arith.mulf %mul3A_769, %get3A_754 : vector<16xf32>
        %swap3A_771 = arith.index_cast %add3A_768 : i32 to index
        %swap3A_772 = arith.constant 96 : index
        %swap3A_773 = tpu.vector_load %arg11[%swap3A_771, %swap3A_772] {strides = array<i32>} : memref<256x128xf32, #tpu.memory_space<vmem>>, vector<1x16xf32>,
        %swap3A_774 = vector.shape_cast %swap3A_773 : vector<1x16xf32> to vector<16xf32>
        %swap3A_775 = vector.shape_cast %mul3A_770 : vector<16xf32> to vector<1x16xf32>
        tpu.vector_store %arg11[%swap3A_771, %swap3A_772], %swap3A_775 {add = true, strides = array<i32>} : memref<256x128xf32, #tpu.memory_space<vmem>>, vector<1x16xf32>,
        %add3A_776 = arith.constant 0 : i32
        %add3A_777 = arith.addi %mul3A_219, %add3A_776 : i32
        %mul3A_778 = vector.broadcast %squeeze3A_760 : f32 to vector<16xf32>
        %mul3A_779 = arith.mulf %mul3A_778, %get3A_758 : vector<16xf32>
        %swap3A_780 = arith.index_cast %add3A_777 : i32 to index
        %swap3A_781 = arith.constant 112 : index
        %swap3A_782 = tpu.vector_load %arg11[%swap3A_780, %swap3A_781] {strides = array<i32>} : memref<256x128xf32, #tpu.memory_space<vmem>>, vector<1x16xf32>,
        %swap3A_783 = vector.shape_cast %swap3A_782 : vector<1x16xf32> to vector<16xf32>
        %swap3A_784 = vector.shape_cast %mul3A_779 : vector<16xf32> to vector<1x16xf32>
        tpu.vector_store %arg11[%swap3A_780, %swap3A_781], %swap3A_784 {add = true, strides = array<i32>} : memref<256x128xf32, #tpu.memory_space<vmem>>, vector<1x16xf32>,
        %slice3A_785 = vector.extract_strided_slice %get3A_742 {offsets = [1], sizes = [1], strides = [1]} : vector<16xf32> to vector<1xf32>
        %squeeze3A_786 = vector.extract %slice3A_785[0] : f32 from vector<1xf32>
        %mul3A_787 = vector.broadcast %squeeze3A_786 : f32 to vector<16xf32>
        %mul3A_788 = arith.mulf %mul3A_787, %get3A_746 : vector<16xf32>
        %add3A_789 = arith.addf %while3A_709, %mul3A_788 : vector<16xf32>
        %mul3A_790 = vector.broadcast %squeeze3A_786 : f32 to vector<16xf32>
        %mul3A_791 = arith.mulf %mul3A_790, %get3A_750 : vector<16xf32>
        %add3A_792 = arith.addf %while3A_710, %mul3A_791 : vector<16xf32>
        %add3A_793 = arith.constant 1 : i32
        %add3A_794 = arith.addi %mul3A_219, %add3A_793 : i32
        %mul3A_795 = vector.broadcast %squeeze3A_786 : f32 to vector<16xf32>
        %mul3A_796 = arith.mulf %mul3A_795, %get3A_754 : vector<16xf32>
        %swap3A_797 = arith.index_cast %add3A_794 : i32 to index
        %swap3A_798 = arith.constant 96 : index
        %swap3A_799 = tpu.vector_load %arg11[%swap3A_797, %swap3A_798] {strides = array<i32>} : memref<256x128xf32, #tpu.memory_space<vmem>>, vector<1x16xf32>,
        %swap3A_800 = vector.shape_cast %swap3A_799 : vector<1x16xf32> to vector<16xf32>
        %swap3A_801 = vector.shape_cast %mul3A_796 : vector<16xf32> to vector<1x16xf32>
        tpu.vector_store %arg11[%swap3A_797, %swap3A_798], %swap3A_801 {add = true, strides = array<i32>} : memref<256x128xf32, #tpu.memory_space<vmem>>, vector<1x16xf32>,
        %add3A_802 = arith.constant 1 : i32
        %add3A_803 = arith.addi %mul3A_219, %add3A_802 : i32
        %mul3A_804 = vector.broadcast %squeeze3A_786 : f32 to vector<16xf32>
        %mul3A_805 = arith.mulf %mul3A_804, %get3A_758 : vector<16xf32>
        %swap3A_806 = arith.index_cast %add3A_803 : i32 to index
        %swap3A_807 = arith.constant 112 : index
        %swap3A_808 = tpu.vector_load %arg11[%swap3A_806, %swap3A_807] {strides = array<i32>} : memref<256x128xf32, #tpu.memory_space<vmem>>, vector<1x16xf32>,
        %swap3A_809 = vector.shape_cast %swap3A_808 : vector<1x16xf32> to vector<16xf32>
        %swap3A_810 = vector.shape_cast %mul3A_805 : vector<16xf32> to vector<1x16xf32>
        tpu.vector_store %arg11[%swap3A_806, %swap3A_807], %swap3A_810 {add = true, strides = array<i32>} : memref<256x128xf32, #tpu.memory_space<vmem>>, vector<1x16xf32>,
        %slice3A_811 = vector.extract_strided_slice %get3A_742 {offsets = [2], sizes = [1], strides = [1]} : vector<16xf32> to vector<1xf32>
        %squeeze3A_812 = vector.extract %slice3A_811[0] : f32 from vector<1xf32>
        %mul3A_813 = vector.broadcast %squeeze3A_812 : f32 to vector<16xf32>
        %mul3A_814 = arith.mulf %mul3A_813, %get3A_746 : vector<16xf32>
        %add3A_815 = arith.addf %while3A_711, %mul3A_814 : vector<16xf32>
        %mul3A_816 = vector.broadcast %squeeze3A_812 : f32 to vector<16xf32>
        %mul3A_817 = arith.mulf %mul3A_816, %get3A_750 : vector<16xf32>
        %add3A_818 = arith.addf %while3A_712, %mul3A_817 : vector<16xf32>
        %add3A_819 = arith.constant 2 : i32
        %add3A_820 = arith.addi %mul3A_219, %add3A_819 : i32
        %mul3A_821 = vector.broadcast %squeeze3A_812 : f32 to vector<16xf32>
        %mul3A_822 = arith.mulf %mul3A_821, %get3A_754 : vector<16xf32>
        %swap3A_823 = arith.index_cast %add3A_820 : i32 to index
        %swap3A_824 = arith.constant 96 : index
        %swap3A_825 = tpu.vector_load %arg11[%swap3A_823, %swap3A_824] {strides = array<i32>} : memref<256x128xf32, #tpu.memory_space<vmem>>, vector<1x16xf32>,
        %swap3A_826 = vector.shape_cast %swap3A_825 : vector<1x16xf32> to vector<16xf32>
        %swap3A_827 = vector.shape_cast %mul3A_822 : vector<16xf32> to vector<1x16xf32>
        tpu.vector_store %arg11[%swap3A_823, %swap3A_824], %swap3A_827 {add = true, strides = array<i32>} : memref<256x128xf32, #tpu.memory_space<vmem>>, vector<1x16xf32>,
        %add3A_828 = arith.constant 2 : i32
        %add3A_829 = arith.addi %mul3A_219, %add3A_828 : i32
        %mul3A_830 = vector.broadcast %squeeze3A_812 : f32 to vector<16xf32>
        %mul3A_831 = arith.mulf %mul3A_830, %get3A_758 : vector<16xf32>
        %swap3A_832 = arith.index_cast %add3A_829 : i32 to index
        %swap3A_833 = arith.constant 112 : index
        %swap3A_834 = tpu.vector_load %arg11[%swap3A_832, %swap3A_833] {strides = array<i32>} : memref<256x128xf32, #tpu.memory_space<vmem>>, vector<1x16xf32>,
        %swap3A_835 = vector.shape_cast %swap3A_834 : vector<1x16xf32> to vector<16xf32>
        %swap3A_836 = vector.shape_cast %mul3A_831 : vector<16xf32> to vector<1x16xf32>
        tpu.vector_store %arg11[%swap3A_832, %swap3A_833], %swap3A_836 {add = true, strides = array<i32>} : memref<256x128xf32, #tpu.memory_space<vmem>>, vector<1x16xf32>,
        %slice3A_837 = vector.extract_strided_slice %get3A_742 {offsets = [3], sizes = [1], strides = [1]} : vector<16xf32> to vector<1xf32>
        %squeeze3A_838 = vector.extract %slice3A_837[0] : f32 from vector<1xf32>
        %mul3A_839 = vector.broadcast %squeeze3A_838 : f32 to vector<16xf32>
        %mul3A_840 = arith.mulf %mul3A_839, %get3A_746 : vector<16xf32>
        %add3A_841 = arith.addf %while3A_713, %mul3A_840 : vector<16xf32>
        %mul3A_842 = vector.broadcast %squeeze3A_838 : f32 to vector<16xf32>
        %mul3A_843 = arith.mulf %mul3A_842, %get3A_750 : vector<16xf32>
        %add3A_844 = arith.addf %while3A_714, %mul3A_843 : vector<16xf32>
        %add3A_845 = arith.constant 3 : i32
        %add3A_846 = arith.addi %mul3A_219, %add3A_845 : i32
        %mul3A_847 = vector.broadcast %squeeze3A_838 : f32 to vector<16xf32>
        %mul3A_848 = arith.mulf %mul3A_847, %get3A_754 : vector<16xf32>
        %swap3A_849 = arith.index_cast %add3A_846 : i32 to index
        %swap3A_850 = arith.constant 96 : index
        %swap3A_851 = tpu.vector_load %arg11[%swap3A_849, %swap3A_850] {strides = array<i32>} : memref<256x128xf32, #tpu.memory_space<vmem>>, vector<1x16xf32>,
        %swap3A_852 = vector.shape_cast %swap3A_851 : vector<1x16xf32> to vector<16xf32>
        %swap3A_853 = vector.shape_cast %mul3A_848 : vector<16xf32> to vector<1x16xf32>
        tpu.vector_store %arg11[%swap3A_849, %swap3A_850], %swap3A_853 {add = true, strides = array<i32>} : memref<256x128xf32, #tpu.memory_space<vmem>>, vector<1x16xf32>,
        %add3A_854 = arith.constant 3 : i32
        %add3A_855 = arith.addi %mul3A_219, %add3A_854 : i32
        %mul3A_856 = vector.broadcast %squeeze3A_838 : f32 to vector<16xf32>
        %mul3A_857 = arith.mulf %mul3A_856, %get3A_758 : vector<16xf32>
        %swap3A_858 = arith.index_cast %add3A_855 : i32 to index
        %swap3A_859 = arith.constant 112 : index
        %swap3A_860 = tpu.vector_load %arg11[%swap3A_858, %swap3A_859] {strides = array<i32>} : memref<256x128xf32, #tpu.memory_space<vmem>>, vector<1x16xf32>,
        %swap3A_861 = vector.shape_cast %swap3A_860 : vector<1x16xf32> to vector<16xf32>
        %swap3A_862 = vector.shape_cast %mul3A_857 : vector<16xf32> to vector<1x16xf32>
        tpu.vector_store %arg11[%swap3A_858, %swap3A_859], %swap3A_862 {add = true, strides = array<i32>} : memref<256x128xf32, #tpu.memory_space<vmem>>, vector<1x16xf32>,
        %slice3A_863 = vector.extract_strided_slice %get3A_742 {offsets = [4], sizes = [1], strides = [1]} : vector<16xf32> to vector<1xf32>
        %squeeze3A_864 = vector.extract %slice3A_863[0] : f32 from vector<1xf32>
        %mul3A_865 = vector.broadcast %squeeze3A_864 : f32 to vector<16xf32>
        %mul3A_866 = arith.mulf %mul3A_865, %get3A_746 : vector<16xf32>
        %add3A_867 = arith.addf %while3A_715, %mul3A_866 : vector<16xf32>
        %mul3A_868 = vector.broadcast %squeeze3A_864 : f32 to vector<16xf32>
        %mul3A_869 = arith.mulf %mul3A_868, %get3A_750 : vector<16xf32>
        %add3A_870 = arith.addf %while3A_716, %mul3A_869 : vector<16xf32>
        %add3A_871 = arith.constant 4 : i32
        %add3A_872 = arith.addi %mul3A_219, %add3A_871 : i32
        %mul3A_873 = vector.broadcast %squeeze3A_864 : f32 to vector<16xf32>
        %mul3A_874 = arith.mulf %mul3A_873, %get3A_754 : vector<16xf32>
        %swap3A_875 = arith.index_cast %add3A_872 : i32 to index
        %swap3A_876 = arith.constant 96 : index
        %swap3A_877 = tpu.vector_load %arg11[%swap3A_875, %swap3A_876] {strides = array<i32>} : memref<256x128xf32, #tpu.memory_space<vmem>>, vector<1x16xf32>,
        %swap3A_878 = vector.shape_cast %swap3A_877 : vector<1x16xf32> to vector<16xf32>
        %swap3A_879 = vector.shape_cast %mul3A_874 : vector<16xf32> to vector<1x16xf32>
        tpu.vector_store %arg11[%swap3A_875, %swap3A_876], %swap3A_879 {add = true, strides = array<i32>} : memref<256x128xf32, #tpu.memory_space<vmem>>, vector<1x16xf32>,
        %add3A_880 = arith.constant 4 : i32
        %add3A_881 = arith.addi %mul3A_219, %add3A_880 : i32
        %mul3A_882 = vector.broadcast %squeeze3A_864 : f32 to vector<16xf32>
        %mul3A_883 = arith.mulf %mul3A_882, %get3A_758 : vector<16xf32>
        %swap3A_884 = arith.index_cast %add3A_881 : i32 to index
        %swap3A_885 = arith.constant 112 : index
        %swap3A_886 = tpu.vector_load %arg11[%swap3A_884, %swap3A_885] {strides = array<i32>} : memref<256x128xf32, #tpu.memory_space<vmem>>, vector<1x16xf32>,
        %swap3A_887 = vector.shape_cast %swap3A_886 : vector<1x16xf32> to vector<16xf32>
        %swap3A_888 = vector.shape_cast %mul3A_883 : vector<16xf32> to vector<1x16xf32>
        tpu.vector_store %arg11[%swap3A_884, %swap3A_885], %swap3A_888 {add = true, strides = array<i32>} : memref<256x128xf32, #tpu.memory_space<vmem>>, vector<1x16xf32>,
        %slice3A_889 = vector.extract_strided_slice %get3A_742 {offsets = [5], sizes = [1], strides = [1]} : vector<16xf32> to vector<1xf32>
        %squeeze3A_890 = vector.extract %slice3A_889[0] : f32 from vector<1xf32>
        %mul3A_891 = vector.broadcast %squeeze3A_890 : f32 to vector<16xf32>
        %mul3A_892 = arith.mulf %mul3A_891, %get3A_746 : vector<16xf32>
        %add3A_893 = arith.addf %while3A_717, %mul3A_892 : vector<16xf32>
        %mul3A_894 = vector.broadcast %squeeze3A_890 : f32 to vector<16xf32>
        %mul3A_895 = arith.mulf %mul3A_894, %get3A_750 : vector<16xf32>
        %add3A_896 = arith.addf %while3A_718, %mul3A_895 : vector<16xf32>
        %add3A_897 = arith.constant 5 : i32
        %add3A_898 = arith.addi %mul3A_219, %add3A_897 : i32
        %mul3A_899 = vector.broadcast %squeeze3A_890 : f32 to vector<16xf32>
        %mul3A_900 = arith.mulf %mul3A_899, %get3A_754 : vector<16xf32>
        %swap3A_901 = arith.index_cast %add3A_898 : i32 to index
        %swap3A_902 = arith.constant 96 : index
        %swap3A_903 = tpu.vector_load %arg11[%swap3A_901, %swap3A_902] {strides = array<i32>} : memref<256x128xf32, #tpu.memory_space<vmem>>, vector<1x16xf32>,
        %swap3A_904 = vector.shape_cast %swap3A_903 : vector<1x16xf32> to vector<16xf32>
        %swap3A_905 = vector.shape_cast %mul3A_900 : vector<16xf32> to vector<1x16xf32>
        tpu.vector_store %arg11[%swap3A_901, %swap3A_902], %swap3A_905 {add = true, strides = array<i32>} : memref<256x128xf32, #tpu.memory_space<vmem>>, vector<1x16xf32>,
        %add3A_906 = arith.constant 5 : i32
        %add3A_907 = arith.addi %mul3A_219, %add3A_906 : i32
        %mul3A_908 = vector.broadcast %squeeze3A_890 : f32 to vector<16xf32>
        %mul3A_909 = arith.mulf %mul3A_908, %get3A_758 : vector<16xf32>
        %swap3A_910 = arith.index_cast %add3A_907 : i32 to index
        %swap3A_911 = arith.constant 112 : index
        %swap3A_912 = tpu.vector_load %arg11[%swap3A_910, %swap3A_911] {strides = array<i32>} : memref<256x128xf32, #tpu.memory_space<vmem>>, vector<1x16xf32>,
        %swap3A_913 = vector.shape_cast %swap3A_912 : vector<1x16xf32> to vector<16xf32>
        %swap3A_914 = vector.shape_cast %mul3A_909 : vector<16xf32> to vector<1x16xf32>
        tpu.vector_store %arg11[%swap3A_910, %swap3A_911], %swap3A_914 {add = true, strides = array<i32>} : memref<256x128xf32, #tpu.memory_space<vmem>>, vector<1x16xf32>,
        %slice3A_915 = vector.extract_strided_slice %get3A_742 {offsets = [6], sizes = [1], strides = [1]} : vector<16xf32> to vector<1xf32>
        %squeeze3A_916 = vector.extract %slice3A_915[0] : f32 from vector<1xf32>
        %mul3A_917 = vector.broadcast %squeeze3A_916 : f32 to vector<16xf32>
        %mul3A_918 = arith.mulf %mul3A_917, %get3A_746 : vector<16xf32>
        %add3A_919 = arith.addf %while3A_719, %mul3A_918 : vector<16xf32>
        %mul3A_920 = vector.broadcast %squeeze3A_916 : f32 to vector<16xf32>
        %mul3A_921 = arith.mulf %mul3A_920, %get3A_750 : vector<16xf32>
        %add3A_922 = arith.addf %while3A_720, %mul3A_921 : vector<16xf32>
        %add3A_923 = arith.constant 6 : i32
        %add3A_924 = arith.addi %mul3A_219, %add3A_923 : i32
        %mul3A_925 = vector.broadcast %squeeze3A_916 : f32 to vector<16xf32>
        %mul3A_926 = arith.mulf %mul3A_925, %get3A_754 : vector<16xf32>
        %swap3A_927 = arith.index_cast %add3A_924 : i32 to index
        %swap3A_928 = arith.constant 96 : index
        %swap3A_929 = tpu.vector_load %arg11[%swap3A_927, %swap3A_928] {strides = array<i32>} : memref<256x128xf32, #tpu.memory_space<vmem>>, vector<1x16xf32>,
        %swap3A_930 = vector.shape_cast %swap3A_929 : vector<1x16xf32> to vector<16xf32>
        %swap3A_931 = vector.shape_cast %mul3A_926 : vector<16xf32> to vector<1x16xf32>
        tpu.vector_store %arg11[%swap3A_927, %swap3A_928], %swap3A_931 {add = true, strides = array<i32>} : memref<256x128xf32, #tpu.memory_space<vmem>>, vector<1x16xf32>,
        %add3A_932 = arith.constant 6 : i32
        %add3A_933 = arith.addi %mul3A_219, %add3A_932 : i32
        %mul3A_934 = vector.broadcast %squeeze3A_916 : f32 to vector<16xf32>
        %mul3A_935 = arith.mulf %mul3A_934, %get3A_758 : vector<16xf32>
        %swap3A_936 = arith.index_cast %add3A_933 : i32 to index
        %swap3A_937 = arith.constant 112 : index
        %swap3A_938 = tpu.vector_load %arg11[%swap3A_936, %swap3A_937] {strides = array<i32>} : memref<256x128xf32, #tpu.memory_space<vmem>>, vector<1x16xf32>,
        %swap3A_939 = vector.shape_cast %swap3A_938 : vector<1x16xf32> to vector<16xf32>
        %swap3A_940 = vector.shape_cast %mul3A_935 : vector<16xf32> to vector<1x16xf32>
        tpu.vector_store %arg11[%swap3A_936, %swap3A_937], %swap3A_940 {add = true, strides = array<i32>} : memref<256x128xf32, #tpu.memory_space<vmem>>, vector<1x16xf32>,
        %slice3A_941 = vector.extract_strided_slice %get3A_742 {offsets = [7], sizes = [1], strides = [1]} : vector<16xf32> to vector<1xf32>
        %squeeze3A_942 = vector.extract %slice3A_941[0] : f32 from vector<1xf32>
        %mul3A_943 = vector.broadcast %squeeze3A_942 : f32 to vector<16xf32>
        %mul3A_944 = arith.mulf %mul3A_943, %get3A_746 : vector<16xf32>
        %add3A_945 = arith.addf %while3A_721, %mul3A_944 : vector<16xf32>
        %mul3A_946 = vector.broadcast %squeeze3A_942 : f32 to vector<16xf32>
        %mul3A_947 = arith.mulf %mul3A_946, %get3A_750 : vector<16xf32>
        %add3A_948 = arith.addf %while3A_722, %mul3A_947 : vector<16xf32>
        %add3A_949 = arith.constant 7 : i32
        %add3A_950 = arith.addi %mul3A_219, %add3A_949 : i32
        %mul3A_951 = vector.broadcast %squeeze3A_942 : f32 to vector<16xf32>
        %mul3A_952 = arith.mulf %mul3A_951, %get3A_754 : vector<16xf32>
        %swap3A_953 = arith.index_cast %add3A_950 : i32 to index
        %swap3A_954 = arith.constant 96 : index
        %swap3A_955 = tpu.vector_load %arg11[%swap3A_953, %swap3A_954] {strides = array<i32>} : memref<256x128xf32, #tpu.memory_space<vmem>>, vector<1x16xf32>,
        %swap3A_956 = vector.shape_cast %swap3A_955 : vector<1x16xf32> to vector<16xf32>
        %swap3A_957 = vector.shape_cast %mul3A_952 : vector<16xf32> to vector<1x16xf32>
        tpu.vector_store %arg11[%swap3A_953, %swap3A_954], %swap3A_957 {add = true, strides = array<i32>} : memref<256x128xf32, #tpu.memory_space<vmem>>, vector<1x16xf32>,
        %add3A_958 = arith.constant 7 : i32
        %add3A_959 = arith.addi %mul3A_219, %add3A_958 : i32
        %mul3A_960 = vector.broadcast %squeeze3A_942 : f32 to vector<16xf32>
        %mul3A_961 = arith.mulf %mul3A_960, %get3A_758 : vector<16xf32>
        %swap3A_962 = arith.index_cast %add3A_959 : i32 to index
        %swap3A_963 = arith.constant 112 : index
        %swap3A_964 = tpu.vector_load %arg11[%swap3A_962, %swap3A_963] {strides = array<i32>} : memref<256x128xf32, #tpu.memory_space<vmem>>, vector<1x16xf32>,
        %swap3A_965 = vector.shape_cast %swap3A_964 : vector<1x16xf32> to vector<16xf32>
        %swap3A_966 = vector.shape_cast %mul3A_961 : vector<16xf32> to vector<1x16xf32>
        tpu.vector_store %arg11[%swap3A_962, %swap3A_963], %swap3A_966 {add = true, strides = array<i32>} : memref<256x128xf32, #tpu.memory_space<vmem>>, vector<1x16xf32>,
        %slice3A_967 = vector.extract_strided_slice %get3A_742 {offsets = [8], sizes = [1], strides = [1]} : vector<16xf32> to vector<1xf32>
        %squeeze3A_968 = vector.extract %slice3A_967[0] : f32 from vector<1xf32>
        %mul3A_969 = vector.broadcast %squeeze3A_968 : f32 to vector<16xf32>
        %mul3A_970 = arith.mulf %mul3A_969, %get3A_746 : vector<16xf32>
        %add3A_971 = arith.addf %while3A_723, %mul3A_970 : vector<16xf32>
        %mul3A_972 = vector.broadcast %squeeze3A_968 : f32 to vector<16xf32>
        %mul3A_973 = arith.mulf %mul3A_972, %get3A_750 : vector<16xf32>
        %add3A_974 = arith.addf %while3A_724, %mul3A_973 : vector<16xf32>
        %add3A_975 = arith.constant 8 : i32
        %add3A_976 = arith.addi %mul3A_219, %add3A_975 : i32
        %mul3A_977 = vector.broadcast %squeeze3A_968 : f32 to vector<16xf32>
        %mul3A_978 = arith.mulf %mul3A_977, %get3A_754 : vector<16xf32>
        %swap3A_979 = arith.index_cast %add3A_976 : i32 to index
        %swap3A_980 = arith.constant 96 : index
        %swap3A_981 = tpu.vector_load %arg11[%swap3A_979, %swap3A_980] {strides = array<i32>} : memref<256x128xf32, #tpu.memory_space<vmem>>, vector<1x16xf32>,
        %swap3A_982 = vector.shape_cast %swap3A_981 : vector<1x16xf32> to vector<16xf32>
        %swap3A_983 = vector.shape_cast %mul3A_978 : vector<16xf32> to vector<1x16xf32>
        tpu.vector_store %arg11[%swap3A_979, %swap3A_980], %swap3A_983 {add = true, strides = array<i32>} : memref<256x128xf32, #tpu.memory_space<vmem>>, vector<1x16xf32>,
        %add3A_984 = arith.constant 8 : i32
        %add3A_985 = arith.addi %mul3A_219, %add3A_984 : i32
        %mul3A_986 = vector.broadcast %squeeze3A_968 : f32 to vector<16xf32>
        %mul3A_987 = arith.mulf %mul3A_986, %get3A_758 : vector<16xf32>
        %swap3A_988 = arith.index_cast %add3A_985 : i32 to index
        %swap3A_989 = arith.constant 112 : index
        %swap3A_990 = tpu.vector_load %arg11[%swap3A_988, %swap3A_989] {strides = array<i32>} : memref<256x128xf32, #tpu.memory_space<vmem>>, vector<1x16xf32>,
        %swap3A_991 = vector.shape_cast %swap3A_990 : vector<1x16xf32> to vector<16xf32>
        %swap3A_992 = vector.shape_cast %mul3A_987 : vector<16xf32> to vector<1x16xf32>
        tpu.vector_store %arg11[%swap3A_988, %swap3A_989], %swap3A_992 {add = true, strides = array<i32>} : memref<256x128xf32, #tpu.memory_space<vmem>>, vector<1x16xf32>,
        %slice3A_993 = vector.extract_strided_slice %get3A_742 {offsets = [9], sizes = [1], strides = [1]} : vector<16xf32> to vector<1xf32>
        %squeeze3A_994 = vector.extract %slice3A_993[0] : f32 from vector<1xf32>
        %mul3A_995 = vector.broadcast %squeeze3A_994 : f32 to vector<16xf32>
        %mul3A_996 = arith.mulf %mul3A_995, %get3A_746 : vector<16xf32>
        %add3A_997 = arith.addf %while3A_725, %mul3A_996 : vector<16xf32>
        %mul3A_998 = vector.broadcast %squeeze3A_994 : f32 to vector<16xf32>
        %mul3A_999 = arith.mulf %mul3A_998, %get3A_750 : vector<16xf32>
        %add3A_1000 = arith.addf %while3A_726, %mul3A_999 : vector<16xf32>
        %add3A_1001 = arith.constant 9 : i32
        %add3A_1002 = arith.addi %mul3A_219, %add3A_1001 : i32
        %mul3A_1003 = vector.broadcast %squeeze3A_994 : f32 to vector<16xf32>
        %mul3A_1004 = arith.mulf %mul3A_1003, %get3A_754 : vector<16xf32>
        %swap3A_1005 = arith.index_cast %add3A_1002 : i32 to index
        %swap3A_1006 = arith.constant 96 : index
        %swap3A_1007 = tpu.vector_load %arg11[%swap3A_1005, %swap3A_1006] {strides = array<i32>} : memref<256x128xf32, #tpu.memory_space<vmem>>, vector<1x16xf32>,
        %swap3A_1008 = vector.shape_cast %swap3A_1007 : vector<1x16xf32> to vector<16xf32>
        %swap3A_1009 = vector.shape_cast %mul3A_1004 : vector<16xf32> to vector<1x16xf32>
        tpu.vector_store %arg11[%swap3A_1005, %swap3A_1006], %swap3A_1009 {add = true, strides = array<i32>} : memref<256x128xf32, #tpu.memory_space<vmem>>, vector<1x16xf32>,
        %add3A_1010 = arith.constant 9 : i32
        %add3A_1011 = arith.addi %mul3A_219, %add3A_1010 : i32
        %mul3A_1012 = vector.broadcast %squeeze3A_994 : f32 to vector<16xf32>
        %mul3A_1013 = arith.mulf %mul3A_1012, %get3A_758 : vector<16xf32>
        %swap3A_1014 = arith.index_cast %add3A_1011 : i32 to index
        %swap3A_1015 = arith.constant 112 : index
        %swap3A_1016 = tpu.vector_load %arg11[%swap3A_1014, %swap3A_1015] {strides = array<i32>} : memref<256x128xf32, #tpu.memory_space<vmem>>, vector<1x16xf32>,
        %swap3A_1017 = vector.shape_cast %swap3A_1016 : vector<1x16xf32> to vector<16xf32>
        %swap3A_1018 = vector.shape_cast %mul3A_1013 : vector<16xf32> to vector<1x16xf32>
        tpu.vector_store %arg11[%swap3A_1014, %swap3A_1015], %swap3A_1018 {add = true, strides = array<i32>} : memref<256x128xf32, #tpu.memory_space<vmem>>, vector<1x16xf32>,
        %slice3A_1019 = vector.extract_strided_slice %get3A_742 {offsets = [10], sizes = [1], strides = [1]} : vector<16xf32> to vector<1xf32>
        %squeeze3A_1020 = vector.extract %slice3A_1019[0] : f32 from vector<1xf32>
        %mul3A_1021 = vector.broadcast %squeeze3A_1020 : f32 to vector<16xf32>
        %mul3A_1022 = arith.mulf %mul3A_1021, %get3A_746 : vector<16xf32>
        %add3A_1023 = arith.addf %while3A_727, %mul3A_1022 : vector<16xf32>
        %mul3A_1024 = vector.broadcast %squeeze3A_1020 : f32 to vector<16xf32>
        %mul3A_1025 = arith.mulf %mul3A_1024, %get3A_750 : vector<16xf32>
        %add3A_1026 = arith.addf %while3A_728, %mul3A_1025 : vector<16xf32>
        %add3A_1027 = arith.constant 10 : i32
        %add3A_1028 = arith.addi %mul3A_219, %add3A_1027 : i32
        %mul3A_1029 = vector.broadcast %squeeze3A_1020 : f32 to vector<16xf32>
        %mul3A_1030 = arith.mulf %mul3A_1029, %get3A_754 : vector<16xf32>
        %swap3A_1031 = arith.index_cast %add3A_1028 : i32 to index
        %swap3A_1032 = arith.constant 96 : index
        %swap3A_1033 = tpu.vector_load %arg11[%swap3A_1031, %swap3A_1032] {strides = array<i32>} : memref<256x128xf32, #tpu.memory_space<vmem>>, vector<1x16xf32>,
        %swap3A_1034 = vector.shape_cast %swap3A_1033 : vector<1x16xf32> to vector<16xf32>
        %swap3A_1035 = vector.shape_cast %mul3A_1030 : vector<16xf32> to vector<1x16xf32>
        tpu.vector_store %arg11[%swap3A_1031, %swap3A_1032], %swap3A_1035 {add = true, strides = array<i32>} : memref<256x128xf32, #tpu.memory_space<vmem>>, vector<1x16xf32>,
        %add3A_1036 = arith.constant 10 : i32
        %add3A_1037 = arith.addi %mul3A_219, %add3A_1036 : i32
        %mul3A_1038 = vector.broadcast %squeeze3A_1020 : f32 to vector<16xf32>
        %mul3A_1039 = arith.mulf %mul3A_1038, %get3A_758 : vector<16xf32>
        %swap3A_1040 = arith.index_cast %add3A_1037 : i32 to index
        %swap3A_1041 = arith.constant 112 : index
        %swap3A_1042 = tpu.vector_load %arg11[%swap3A_1040, %swap3A_1041] {strides = array<i32>} : memref<256x128xf32, #tpu.memory_space<vmem>>, vector<1x16xf32>,
        %swap3A_1043 = vector.shape_cast %swap3A_1042 : vector<1x16xf32> to vector<16xf32>
        %swap3A_1044 = vector.shape_cast %mul3A_1039 : vector<16xf32> to vector<1x16xf32>
        tpu.vector_store %arg11[%swap3A_1040, %swap3A_1041], %swap3A_1044 {add = true, strides = array<i32>} : memref<256x128xf32, #tpu.memory_space<vmem>>, vector<1x16xf32>,
        %slice3A_1045 = vector.extract_strided_slice %get3A_742 {offsets = [11], sizes = [1], strides = [1]} : vector<16xf32> to vector<1xf32>
        %squeeze3A_1046 = vector.extract %slice3A_1045[0] : f32 from vector<1xf32>
        %mul3A_1047 = vector.broadcast %squeeze3A_1046 : f32 to vector<16xf32>
        %mul3A_1048 = arith.mulf %mul3A_1047, %get3A_746 : vector<16xf32>
        %add3A_1049 = arith.addf %while3A_729, %mul3A_1048 : vector<16xf32>
        %mul3A_1050 = vector.broadcast %squeeze3A_1046 : f32 to vector<16xf32>
        %mul3A_1051 = arith.mulf %mul3A_1050, %get3A_750 : vector<16xf32>
        %add3A_1052 = arith.addf %while3A_730, %mul3A_1051 : vector<16xf32>
        %add3A_1053 = arith.constant 11 : i32
        %add3A_1054 = arith.addi %mul3A_219, %add3A_1053 : i32
        %mul3A_1055 = vector.broadcast %squeeze3A_1046 : f32 to vector<16xf32>
        %mul3A_1056 = arith.mulf %mul3A_1055, %get3A_754 : vector<16xf32>
        %swap3A_1057 = arith.index_cast %add3A_1054 : i32 to index
        %swap3A_1058 = arith.constant 96 : index
        %swap3A_1059 = tpu.vector_load %arg11[%swap3A_1057, %swap3A_1058] {strides = array<i32>} : memref<256x128xf32, #tpu.memory_space<vmem>>, vector<1x16xf32>,
        %swap3A_1060 = vector.shape_cast %swap3A_1059 : vector<1x16xf32> to vector<16xf32>
        %swap3A_1061 = vector.shape_cast %mul3A_1056 : vector<16xf32> to vector<1x16xf32>
        tpu.vector_store %arg11[%swap3A_1057, %swap3A_1058], %swap3A_1061 {add = true, strides = array<i32>} : memref<256x128xf32, #tpu.memory_space<vmem>>, vector<1x16xf32>,
        %add3A_1062 = arith.constant 11 : i32
        %add3A_1063 = arith.addi %mul3A_219, %add3A_1062 : i32
        %mul3A_1064 = vector.broadcast %squeeze3A_1046 : f32 to vector<16xf32>
        %mul3A_1065 = arith.mulf %mul3A_1064, %get3A_758 : vector<16xf32>
        %swap3A_1066 = arith.index_cast %add3A_1063 : i32 to index
        %swap3A_1067 = arith.constant 112 : index
        %swap3A_1068 = tpu.vector_load %arg11[%swap3A_1066, %swap3A_1067] {strides = array<i32>} : memref<256x128xf32, #tpu.memory_space<vmem>>, vector<1x16xf32>,
        %swap3A_1069 = vector.shape_cast %swap3A_1068 : vector<1x16xf32> to vector<16xf32>
        %swap3A_1070 = vector.shape_cast %mul3A_1065 : vector<16xf32> to vector<1x16xf32>
        tpu.vector_store %arg11[%swap3A_1066, %swap3A_1067], %swap3A_1070 {add = true, strides = array<i32>} : memref<256x128xf32, #tpu.memory_space<vmem>>, vector<1x16xf32>,
        %slice3A_1071 = vector.extract_strided_slice %get3A_742 {offsets = [12], sizes = [1], strides = [1]} : vector<16xf32> to vector<1xf32>
        %squeeze3A_1072 = vector.extract %slice3A_1071[0] : f32 from vector<1xf32>
        %mul3A_1073 = vector.broadcast %squeeze3A_1072 : f32 to vector<16xf32>
        %mul3A_1074 = arith.mulf %mul3A_1073, %get3A_746 : vector<16xf32>
        %add3A_1075 = arith.addf %while3A_731, %mul3A_1074 : vector<16xf32>
        %mul3A_1076 = vector.broadcast %squeeze3A_1072 : f32 to vector<16xf32>
        %mul3A_1077 = arith.mulf %mul3A_1076, %get3A_750 : vector<16xf32>
        %add3A_1078 = arith.addf %while3A_732, %mul3A_1077 : vector<16xf32>
        %add3A_1079 = arith.constant 12 : i32
        %add3A_1080 = arith.addi %mul3A_219, %add3A_1079 : i32
        %mul3A_1081 = vector.broadcast %squeeze3A_1072 : f32 to vector<16xf32>
        %mul3A_1082 = arith.mulf %mul3A_1081, %get3A_754 : vector<16xf32>
        %swap3A_1083 = arith.index_cast %add3A_1080 : i32 to index
        %swap3A_1084 = arith.constant 96 : index
        %swap3A_1085 = tpu.vector_load %arg11[%swap3A_1083, %swap3A_1084] {strides = array<i32>} : memref<256x128xf32, #tpu.memory_space<vmem>>, vector<1x16xf32>,
        %swap3A_1086 = vector.shape_cast %swap3A_1085 : vector<1x16xf32> to vector<16xf32>
        %swap3A_1087 = vector.shape_cast %mul3A_1082 : vector<16xf32> to vector<1x16xf32>
        tpu.vector_store %arg11[%swap3A_1083, %swap3A_1084], %swap3A_1087 {add = true, strides = array<i32>} : memref<256x128xf32, #tpu.memory_space<vmem>>, vector<1x16xf32>,
        %add3A_1088 = arith.constant 12 : i32
        %add3A_1089 = arith.addi %mul3A_219, %add3A_1088 : i32
        %mul3A_1090 = vector.broadcast %squeeze3A_1072 : f32 to vector<16xf32>
        %mul3A_1091 = arith.mulf %mul3A_1090, %get3A_758 : vector<16xf32>
        %swap3A_1092 = arith.index_cast %add3A_1089 : i32 to index
        %swap3A_1093 = arith.constant 112 : index
        %swap3A_1094 = tpu.vector_load %arg11[%swap3A_1092, %swap3A_1093] {strides = array<i32>} : memref<256x128xf32, #tpu.memory_space<vmem>>, vector<1x16xf32>,
        %swap3A_1095 = vector.shape_cast %swap3A_1094 : vector<1x16xf32> to vector<16xf32>
        %swap3A_1096 = vector.shape_cast %mul3A_1091 : vector<16xf32> to vector<1x16xf32>
        tpu.vector_store %arg11[%swap3A_1092, %swap3A_1093], %swap3A_1096 {add = true, strides = array<i32>} : memref<256x128xf32, #tpu.memory_space<vmem>>, vector<1x16xf32>,
        %slice3A_1097 = vector.extract_strided_slice %get3A_742 {offsets = [13], sizes = [1], strides = [1]} : vector<16xf32> to vector<1xf32>
        %squeeze3A_1098 = vector.extract %slice3A_1097[0] : f32 from vector<1xf32>
        %mul3A_1099 = vector.broadcast %squeeze3A_1098 : f32 to vector<16xf32>
        %mul3A_1100 = arith.mulf %mul3A_1099, %get3A_746 : vector<16xf32>
        %add3A_1101 = arith.addf %while3A_733, %mul3A_1100 : vector<16xf32>
        %mul3A_1102 = vector.broadcast %squeeze3A_1098 : f32 to vector<16xf32>
        %mul3A_1103 = arith.mulf %mul3A_1102, %get3A_750 : vector<16xf32>
        %add3A_1104 = arith.addf %while3A_734, %mul3A_1103 : vector<16xf32>
        %add3A_1105 = arith.constant 13 : i32
        %add3A_1106 = arith.addi %mul3A_219, %add3A_1105 : i32
        %mul3A_1107 = vector.broadcast %squeeze3A_1098 : f32 to vector<16xf32>
        %mul3A_1108 = arith.mulf %mul3A_1107, %get3A_754 : vector<16xf32>
        %swap3A_1109 = arith.index_cast %add3A_1106 : i32 to index
        %swap3A_1110 = arith.constant 96 : index
        %swap3A_1111 = tpu.vector_load %arg11[%swap3A_1109, %swap3A_1110] {strides = array<i32>} : memref<256x128xf32, #tpu.memory_space<vmem>>, vector<1x16xf32>,
        %swap3A_1112 = vector.shape_cast %swap3A_1111 : vector<1x16xf32> to vector<16xf32>
        %swap3A_1113 = vector.shape_cast %mul3A_1108 : vector<16xf32> to vector<1x16xf32>
        tpu.vector_store %arg11[%swap3A_1109, %swap3A_1110], %swap3A_1113 {add = true, strides = array<i32>} : memref<256x128xf32, #tpu.memory_space<vmem>>, vector<1x16xf32>,
        %add3A_1114 = arith.constant 13 : i32
        %add3A_1115 = arith.addi %mul3A_219, %add3A_1114 : i32
        %mul3A_1116 = vector.broadcast %squeeze3A_1098 : f32 to vector<16xf32>
        %mul3A_1117 = arith.mulf %mul3A_1116, %get3A_758 : vector<16xf32>
        %swap3A_1118 = arith.index_cast %add3A_1115 : i32 to index
        %swap3A_1119 = arith.constant 112 : index
        %swap3A_1120 = tpu.vector_load %arg11[%swap3A_1118, %swap3A_1119] {strides = array<i32>} : memref<256x128xf32, #tpu.memory_space<vmem>>, vector<1x16xf32>,
        %swap3A_1121 = vector.shape_cast %swap3A_1120 : vector<1x16xf32> to vector<16xf32>
        %swap3A_1122 = vector.shape_cast %mul3A_1117 : vector<16xf32> to vector<1x16xf32>
        tpu.vector_store %arg11[%swap3A_1118, %swap3A_1119], %swap3A_1122 {add = true, strides = array<i32>} : memref<256x128xf32, #tpu.memory_space<vmem>>, vector<1x16xf32>,
        %slice3A_1123 = vector.extract_strided_slice %get3A_742 {offsets = [14], sizes = [1], strides = [1]} : vector<16xf32> to vector<1xf32>
        %squeeze3A_1124 = vector.extract %slice3A_1123[0] : f32 from vector<1xf32>
        %mul3A_1125 = vector.broadcast %squeeze3A_1124 : f32 to vector<16xf32>
        %mul3A_1126 = arith.mulf %mul3A_1125, %get3A_746 : vector<16xf32>
        %add3A_1127 = arith.addf %while3A_735, %mul3A_1126 : vector<16xf32>
        %mul3A_1128 = vector.broadcast %squeeze3A_1124 : f32 to vector<16xf32>
        %mul3A_1129 = arith.mulf %mul3A_1128, %get3A_750 : vector<16xf32>
        %add3A_1130 = arith.addf %while3A_736, %mul3A_1129 : vector<16xf32>
        %add3A_1131 = arith.constant 14 : i32
        %add3A_1132 = arith.addi %mul3A_219, %add3A_1131 : i32
        %mul3A_1133 = vector.broadcast %squeeze3A_1124 : f32 to vector<16xf32>
        %mul3A_1134 = arith.mulf %mul3A_1133, %get3A_754 : vector<16xf32>
        %swap3A_1135 = arith.index_cast %add3A_1132 : i32 to index
        %swap3A_1136 = arith.constant 96 : index
        %swap3A_1137 = tpu.vector_load %arg11[%swap3A_1135, %swap3A_1136] {strides = array<i32>} : memref<256x128xf32, #tpu.memory_space<vmem>>, vector<1x16xf32>,
        %swap3A_1138 = vector.shape_cast %swap3A_1137 : vector<1x16xf32> to vector<16xf32>
        %swap3A_1139 = vector.shape_cast %mul3A_1134 : vector<16xf32> to vector<1x16xf32>
        tpu.vector_store %arg11[%swap3A_1135, %swap3A_1136], %swap3A_1139 {add = true, strides = array<i32>} : memref<256x128xf32, #tpu.memory_space<vmem>>, vector<1x16xf32>,
        %add3A_1140 = arith.constant 14 : i32
        %add3A_1141 = arith.addi %mul3A_219, %add3A_1140 : i32
        %mul3A_1142 = vector.broadcast %squeeze3A_1124 : f32 to vector<16xf32>
        %mul3A_1143 = arith.mulf %mul3A_1142, %get3A_758 : vector<16xf32>
        %swap3A_1144 = arith.index_cast %add3A_1141 : i32 to index
        %swap3A_1145 = arith.constant 112 : index
        %swap3A_1146 = tpu.vector_load %arg11[%swap3A_1144, %swap3A_1145] {strides = array<i32>} : memref<256x128xf32, #tpu.memory_space<vmem>>, vector<1x16xf32>,
        %swap3A_1147 = vector.shape_cast %swap3A_1146 : vector<1x16xf32> to vector<16xf32>
        %swap3A_1148 = vector.shape_cast %mul3A_1143 : vector<16xf32> to vector<1x16xf32>
        tpu.vector_store %arg11[%swap3A_1144, %swap3A_1145], %swap3A_1148 {add = true, strides = array<i32>} : memref<256x128xf32, #tpu.memory_space<vmem>>, vector<1x16xf32>,
        %slice3A_1149 = vector.extract_strided_slice %get3A_742 {offsets = [15], sizes = [1], strides = [1]} : vector<16xf32> to vector<1xf32>
        %squeeze3A_1150 = vector.extract %slice3A_1149[0] : f32 from vector<1xf32>
        %mul3A_1151 = vector.broadcast %squeeze3A_1150 : f32 to vector<16xf32>
        %mul3A_1152 = arith.mulf %mul3A_1151, %get3A_746 : vector<16xf32>
        %add3A_1153 = arith.addf %while3A_737, %mul3A_1152 : vector<16xf32>
        %mul3A_1154 = vector.broadcast %squeeze3A_1150 : f32 to vector<16xf32>
        %mul3A_1155 = arith.mulf %mul3A_1154, %get3A_750 : vector<16xf32>
        %add3A_1156 = arith.addf %while3A_738, %mul3A_1155 : vector<16xf32>
        %add3A_1157 = arith.constant 15 : i32
        %add3A_1158 = arith.addi %mul3A_219, %add3A_1157 : i32
        %mul3A_1159 = vector.broadcast %squeeze3A_1150 : f32 to vector<16xf32>
        %mul3A_1160 = arith.mulf %mul3A_1159, %get3A_754 : vector<16xf32>
        %swap3A_1161 = arith.index_cast %add3A_1158 : i32 to index
        %swap3A_1162 = arith.constant 96 : index
        %swap3A_1163 = tpu.vector_load %arg11[%swap3A_1161, %swap3A_1162] {strides = array<i32>} : memref<256x128xf32, #tpu.memory_space<vmem>>, vector<1x16xf32>,
        %swap3A_1164 = vector.shape_cast %swap3A_1163 : vector<1x16xf32> to vector<16xf32>
        %swap3A_1165 = vector.shape_cast %mul3A_1160 : vector<16xf32> to vector<1x16xf32>
        tpu.vector_store %arg11[%swap3A_1161, %swap3A_1162], %swap3A_1165 {add = true, strides = array<i32>} : memref<256x128xf32, #tpu.memory_space<vmem>>, vector<1x16xf32>,
        %add3A_1166 = arith.constant 15 : i32
        %add3A_1167 = arith.addi %mul3A_219, %add3A_1166 : i32
        %mul3A_1168 = vector.broadcast %squeeze3A_1150 : f32 to vector<16xf32>
        %mul3A_1169 = arith.mulf %mul3A_1168, %get3A_758 : vector<16xf32>
        %swap3A_1170 = arith.index_cast %add3A_1167 : i32 to index
        %swap3A_1171 = arith.constant 112 : index
        %swap3A_1172 = tpu.vector_load %arg11[%swap3A_1170, %swap3A_1171] {strides = array<i32>} : memref<256x128xf32, #tpu.memory_space<vmem>>, vector<1x16xf32>,
        %swap3A_1173 = vector.shape_cast %swap3A_1172 : vector<1x16xf32> to vector<16xf32>
        %swap3A_1174 = vector.shape_cast %mul3A_1169 : vector<16xf32> to vector<1x16xf32>
        tpu.vector_store %arg11[%swap3A_1170, %swap3A_1171], %swap3A_1174 {add = true, strides = array<i32>} : memref<256x128xf32, #tpu.memory_space<vmem>>, vector<1x16xf32>,
        scf.yield %add3A_763, %add3A_766, %add3A_789, %add3A_792, %add3A_815, %add3A_818, %add3A_841, %add3A_844, %add3A_867, %add3A_870, %add3A_893, %add3A_896, %add3A_919, %add3A_922, %add3A_945, %add3A_948, %add3A_971, %add3A_974, %add3A_997, %add3A_1000, %add3A_1023, %add3A_1026, %add3A_1049, %add3A_1052, %add3A_1075, %add3A_1078, %add3A_1101, %add3A_1104, %add3A_1127, %add3A_1130, %add3A_1153, %add3A_1156 : vector<16xf32>, vector<16xf32>, vector<16xf32>, vector<16xf32>, vector<16xf32>, vector<16xf32>, vector<16xf32>, vector<16xf32>, vector<16xf32>, vector<16xf32>, vector<16xf32>, vector<16xf32>, vector<16xf32>, vector<16xf32>, vector<16xf32>, vector<16xf32>, vector<16xf32>, vector<16xf32>, vector<16xf32>, vector<16xf32>, vector<16xf32>, vector<16xf32>, vector<16xf32>, vector<16xf32>, vector<16xf32>, vector<16xf32>, vector<16xf32>, vector<16xf32>, vector<16xf32>, vector<16xf32>, vector<16xf32>, vector<16xf32>
      }
      %while3A_469 = arith.constant 1 : i32
      %while3A_470:32 = scf.for %while3A_706 = %while3A_466 to %while3A_462 step %while3A_469 iter_args(%while3A_707 = %while3A_468#0, %while3A_708 = %while3A_468#1, %while3A_709 = %while3A_468#2, %while3A_710 = %while3A_468#3, %while3A_711 = %while3A_468#4, %while3A_712 = %while3A_468#5, %while3A_713 = %while3A_468#6, %while3A_714 = %while3A_468#7, %while3A_715 = %while3A_468#8, %while3A_716 = %while3A_468#9, %while3A_717 = %while3A_468#10, %while3A_718 = %while3A_468#11, %while3A_719 = %while3A_468#12, %while3A_720 = %while3A_468#13, %while3A_721 = %while3A_468#14, %while3A_722 = %while3A_468#15, %while3A_723 = %while3A_468#16, %while3A_724 = %while3A_468#17, %while3A_725 = %while3A_468#18, %while3A_726 = %while3A_468#19, %while3A_727 = %while3A_468#20, %while3A_728 = %while3A_468#21, %while3A_729 = %while3A_468#22, %while3A_730 = %while3A_468#23, %while3A_731 = %while3A_468#24, %while3A_732 = %while3A_468#25, %while3A_733 = %while3A_468#26, %while3A_734 = %while3A_468#27, %while3A_735 = %while3A_468#28, %while3A_736 = %while3A_468#29, %while3A_737 = %while3A_468#30, %while3A_738 = %while3A_468#31) -> (vector<16xf32>, vector<16xf32>, vector<16xf32>, vector<16xf32>, vector<16xf32>, vector<16xf32>, vector<16xf32>, vector<16xf32>, vector<16xf32>, vector<16xf32>, vector<16xf32>, vector<16xf32>, vector<16xf32>, vector<16xf32>, vector<16xf32>, vector<16xf32>, vector<16xf32>, vector<16xf32>, vector<16xf32>, vector<16xf32>, vector<16xf32>, vector<16xf32>, vector<16xf32>, vector<16xf32>, vector<16xf32>, vector<16xf32>, vector<16xf32>, vector<16xf32>, vector<16xf32>, vector<16xf32>, vector<16xf32>, vector<16xf32>)  : i32 {
        %get3A_739 = arith.index_cast %while3A_706 : i32 to index
        %get3A_740 = arith.constant 0 : index
        %get3A_741 = tpu.vector_load %arg9[%get3A_739, %get3A_740] {strides = array<i32>} : memref<328x16xf32, #tpu.memory_space<vmem>>, vector<1x16xf32>,
        %get3A_742 = vector.shape_cast %get3A_741 : vector<1x16xf32> to vector<16xf32>
        %get3A_743 = arith.index_cast %while3A_706 : i32 to index
        %get3A_744 = arith.constant 64 : index
        %get3A_745 = tpu.vector_load %arg8[%get3A_743, %get3A_744] {strides = array<i32>} : memref<328x128xf32, #tpu.memory_space<vmem>>, vector<1x16xf32>,
        %get3A_746 = vector.shape_cast %get3A_745 : vector<1x16xf32> to vector<16xf32>
        %get3A_747 = arith.index_cast %while3A_706 : i32 to index
        %get3A_748 = arith.constant 80 : index
        %get3A_749 = tpu.vector_load %arg8[%get3A_747, %get3A_748] {strides = array<i32>} : memref<328x128xf32, #tpu.memory_space<vmem>>, vector<1x16xf32>,
        %get3A_750 = vector.shape_cast %get3A_749 : vector<1x16xf32> to vector<16xf32>
        %get3A_751 = arith.index_cast %while3A_706 : i32 to index
        %get3A_752 = arith.constant 96 : index
        %get3A_753 = tpu.vector_load %arg8[%get3A_751, %get3A_752] {strides = array<i32>} : memref<328x128xf32, #tpu.memory_space<vmem>>, vector<1x16xf32>,
        %get3A_754 = vector.shape_cast %get3A_753 : vector<1x16xf32> to vector<16xf32>
        %get3A_755 = arith.index_cast %while3A_706 : i32 to index
        %get3A_756 = arith.constant 112 : index
        %get3A_757 = tpu.vector_load %arg8[%get3A_755, %get3A_756] {strides = array<i32>} : memref<328x128xf32, #tpu.memory_space<vmem>>, vector<1x16xf32>,
        %get3A_758 = vector.shape_cast %get3A_757 : vector<1x16xf32> to vector<16xf32>
        %slice3A_759 = vector.extract_strided_slice %get3A_742 {offsets = [0], sizes = [1], strides = [1]} : vector<16xf32> to vector<1xf32>
        %squeeze3A_760 = vector.extract %slice3A_759[0] : f32 from vector<1xf32>
        %mul3A_761 = vector.broadcast %squeeze3A_760 : f32 to vector<16xf32>
        %mul3A_762 = arith.mulf %mul3A_761, %get3A_746 : vector<16xf32>
        %add3A_763 = arith.addf %while3A_707, %mul3A_762 : vector<16xf32>
        %mul3A_764 = vector.broadcast %squeeze3A_760 : f32 to vector<16xf32>
        %mul3A_765 = arith.mulf %mul3A_764, %get3A_750 : vector<16xf32>
        %add3A_766 = arith.addf %while3A_708, %mul3A_765 : vector<16xf32>
        %add3A_767 = arith.constant 0 : i32
        %add3A_768 = arith.addi %mul3A_219, %add3A_767 : i32
        %mul3A_769 = vector.broadcast %squeeze3A_760 : f32 to vector<16xf32>
        %mul3A_770 = arith.mulf %mul3A_769, %get3A_754 : vector<16xf32>
        %swap3A_771 = arith.index_cast %add3A_768 : i32 to index
        %swap3A_772 = arith.constant 96 : index
        %swap3A_773 = tpu.vector_load %arg11[%swap3A_771, %swap3A_772] {strides = array<i32>} : memref<256x128xf32, #tpu.memory_space<vmem>>, vector<1x16xf32>,
        %swap3A_774 = vector.shape_cast %swap3A_773 : vector<1x16xf32> to vector<16xf32>
        %swap3A_775 = vector.shape_cast %mul3A_770 : vector<16xf32> to vector<1x16xf32>
        tpu.vector_store %arg11[%swap3A_771, %swap3A_772], %swap3A_775 {add = true, strides = array<i32>} : memref<256x128xf32, #tpu.memory_space<vmem>>, vector<1x16xf32>,
        %add3A_776 = arith.constant 0 : i32
        %add3A_777 = arith.addi %mul3A_219, %add3A_776 : i32
        %mul3A_778 = vector.broadcast %squeeze3A_760 : f32 to vector<16xf32>
        %mul3A_779 = arith.mulf %mul3A_778, %get3A_758 : vector<16xf32>
        %swap3A_780 = arith.index_cast %add3A_777 : i32 to index
        %swap3A_781 = arith.constant 112 : index
        %swap3A_782 = tpu.vector_load %arg11[%swap3A_780, %swap3A_781] {strides = array<i32>} : memref<256x128xf32, #tpu.memory_space<vmem>>, vector<1x16xf32>,
        %swap3A_783 = vector.shape_cast %swap3A_782 : vector<1x16xf32> to vector<16xf32>
        %swap3A_784 = vector.shape_cast %mul3A_779 : vector<16xf32> to vector<1x16xf32>
        tpu.vector_store %arg11[%swap3A_780, %swap3A_781], %swap3A_784 {add = true, strides = array<i32>} : memref<256x128xf32, #tpu.memory_space<vmem>>, vector<1x16xf32>,
        %slice3A_785 = vector.extract_strided_slice %get3A_742 {offsets = [1], sizes = [1], strides = [1]} : vector<16xf32> to vector<1xf32>
        %squeeze3A_786 = vector.extract %slice3A_785[0] : f32 from vector<1xf32>
        %mul3A_787 = vector.broadcast %squeeze3A_786 : f32 to vector<16xf32>
        %mul3A_788 = arith.mulf %mul3A_787, %get3A_746 : vector<16xf32>
        %add3A_789 = arith.addf %while3A_709, %mul3A_788 : vector<16xf32>
        %mul3A_790 = vector.broadcast %squeeze3A_786 : f32 to vector<16xf32>
        %mul3A_791 = arith.mulf %mul3A_790, %get3A_750 : vector<16xf32>
        %add3A_792 = arith.addf %while3A_710, %mul3A_791 : vector<16xf32>
        %add3A_793 = arith.constant 1 : i32
        %add3A_794 = arith.addi %mul3A_219, %add3A_793 : i32
        %mul3A_795 = vector.broadcast %squeeze3A_786 : f32 to vector<16xf32>
        %mul3A_796 = arith.mulf %mul3A_795, %get3A_754 : vector<16xf32>
        %swap3A_797 = arith.index_cast %add3A_794 : i32 to index
        %swap3A_798 = arith.constant 96 : index
        %swap3A_799 = tpu.vector_load %arg11[%swap3A_797, %swap3A_798] {strides = array<i32>} : memref<256x128xf32, #tpu.memory_space<vmem>>, vector<1x16xf32>,
        %swap3A_800 = vector.shape_cast %swap3A_799 : vector<1x16xf32> to vector<16xf32>
        %swap3A_801 = vector.shape_cast %mul3A_796 : vector<16xf32> to vector<1x16xf32>
        tpu.vector_store %arg11[%swap3A_797, %swap3A_798], %swap3A_801 {add = true, strides = array<i32>} : memref<256x128xf32, #tpu.memory_space<vmem>>, vector<1x16xf32>,
        %add3A_802 = arith.constant 1 : i32
        %add3A_803 = arith.addi %mul3A_219, %add3A_802 : i32
        %mul3A_804 = vector.broadcast %squeeze3A_786 : f32 to vector<16xf32>
        %mul3A_805 = arith.mulf %mul3A_804, %get3A_758 : vector<16xf32>
        %swap3A_806 = arith.index_cast %add3A_803 : i32 to index
        %swap3A_807 = arith.constant 112 : index
        %swap3A_808 = tpu.vector_load %arg11[%swap3A_806, %swap3A_807] {strides = array<i32>} : memref<256x128xf32, #tpu.memory_space<vmem>>, vector<1x16xf32>,
        %swap3A_809 = vector.shape_cast %swap3A_808 : vector<1x16xf32> to vector<16xf32>
        %swap3A_810 = vector.shape_cast %mul3A_805 : vector<16xf32> to vector<1x16xf32>
        tpu.vector_store %arg11[%swap3A_806, %swap3A_807], %swap3A_810 {add = true, strides = array<i32>} : memref<256x128xf32, #tpu.memory_space<vmem>>, vector<1x16xf32>,
        %slice3A_811 = vector.extract_strided_slice %get3A_742 {offsets = [2], sizes = [1], strides = [1]} : vector<16xf32> to vector<1xf32>
        %squeeze3A_812 = vector.extract %slice3A_811[0] : f32 from vector<1xf32>
        %mul3A_813 = vector.broadcast %squeeze3A_812 : f32 to vector<16xf32>
        %mul3A_814 = arith.mulf %mul3A_813, %get3A_746 : vector<16xf32>
        %add3A_815 = arith.addf %while3A_711, %mul3A_814 : vector<16xf32>
        %mul3A_816 = vector.broadcast %squeeze3A_812 : f32 to vector<16xf32>
        %mul3A_817 = arith.mulf %mul3A_816, %get3A_750 : vector<16xf32>
        %add3A_818 = arith.addf %while3A_712, %mul3A_817 : vector<16xf32>
        %add3A_819 = arith.constant 2 : i32
        %add3A_820 = arith.addi %mul3A_219, %add3A_819 : i32
        %mul3A_821 = vector.broadcast %squeeze3A_812 : f32 to vector<16xf32>
        %mul3A_822 = arith.mulf %mul3A_821, %get3A_754 : vector<16xf32>
        %swap3A_823 = arith.index_cast %add3A_820 : i32 to index
        %swap3A_824 = arith.constant 96 : index
        %swap3A_825 = tpu.vector_load %arg11[%swap3A_823, %swap3A_824] {strides = array<i32>} : memref<256x128xf32, #tpu.memory_space<vmem>>, vector<1x16xf32>,
        %swap3A_826 = vector.shape_cast %swap3A_825 : vector<1x16xf32> to vector<16xf32>
        %swap3A_827 = vector.shape_cast %mul3A_822 : vector<16xf32> to vector<1x16xf32>
        tpu.vector_store %arg11[%swap3A_823, %swap3A_824], %swap3A_827 {add = true, strides = array<i32>} : memref<256x128xf32, #tpu.memory_space<vmem>>, vector<1x16xf32>,
        %add3A_828 = arith.constant 2 : i32
        %add3A_829 = arith.addi %mul3A_219, %add3A_828 : i32
        %mul3A_830 = vector.broadcast %squeeze3A_812 : f32 to vector<16xf32>
        %mul3A_831 = arith.mulf %mul3A_830, %get3A_758 : vector<16xf32>
        %swap3A_832 = arith.index_cast %add3A_829 : i32 to index
        %swap3A_833 = arith.constant 112 : index
        %swap3A_834 = tpu.vector_load %arg11[%swap3A_832, %swap3A_833] {strides = array<i32>} : memref<256x128xf32, #tpu.memory_space<vmem>>, vector<1x16xf32>,
        %swap3A_835 = vector.shape_cast %swap3A_834 : vector<1x16xf32> to vector<16xf32>
        %swap3A_836 = vector.shape_cast %mul3A_831 : vector<16xf32> to vector<1x16xf32>
        tpu.vector_store %arg11[%swap3A_832, %swap3A_833], %swap3A_836 {add = true, strides = array<i32>} : memref<256x128xf32, #tpu.memory_space<vmem>>, vector<1x16xf32>,
        %slice3A_837 = vector.extract_strided_slice %get3A_742 {offsets = [3], sizes = [1], strides = [1]} : vector<16xf32> to vector<1xf32>
        %squeeze3A_838 = vector.extract %slice3A_837[0] : f32 from vector<1xf32>
        %mul3A_839 = vector.broadcast %squeeze3A_838 : f32 to vector<16xf32>
        %mul3A_840 = arith.mulf %mul3A_839, %get3A_746 : vector<16xf32>
        %add3A_841 = arith.addf %while3A_713, %mul3A_840 : vector<16xf32>
        %mul3A_842 = vector.broadcast %squeeze3A_838 : f32 to vector<16xf32>
        %mul3A_843 = arith.mulf %mul3A_842, %get3A_750 : vector<16xf32>
        %add3A_844 = arith.addf %while3A_714, %mul3A_843 : vector<16xf32>
        %add3A_845 = arith.constant 3 : i32
        %add3A_846 = arith.addi %mul3A_219, %add3A_845 : i32
        %mul3A_847 = vector.broadcast %squeeze3A_838 : f32 to vector<16xf32>
        %mul3A_848 = arith.mulf %mul3A_847, %get3A_754 : vector<16xf32>
        %swap3A_849 = arith.index_cast %add3A_846 : i32 to index
        %swap3A_850 = arith.constant 96 : index
        %swap3A_851 = tpu.vector_load %arg11[%swap3A_849, %swap3A_850] {strides = array<i32>} : memref<256x128xf32, #tpu.memory_space<vmem>>, vector<1x16xf32>,
        %swap3A_852 = vector.shape_cast %swap3A_851 : vector<1x16xf32> to vector<16xf32>
        %swap3A_853 = vector.shape_cast %mul3A_848 : vector<16xf32> to vector<1x16xf32>
        tpu.vector_store %arg11[%swap3A_849, %swap3A_850], %swap3A_853 {add = true, strides = array<i32>} : memref<256x128xf32, #tpu.memory_space<vmem>>, vector<1x16xf32>,
        %add3A_854 = arith.constant 3 : i32
        %add3A_855 = arith.addi %mul3A_219, %add3A_854 : i32
        %mul3A_856 = vector.broadcast %squeeze3A_838 : f32 to vector<16xf32>
        %mul3A_857 = arith.mulf %mul3A_856, %get3A_758 : vector<16xf32>
        %swap3A_858 = arith.index_cast %add3A_855 : i32 to index
        %swap3A_859 = arith.constant 112 : index
        %swap3A_860 = tpu.vector_load %arg11[%swap3A_858, %swap3A_859] {strides = array<i32>} : memref<256x128xf32, #tpu.memory_space<vmem>>, vector<1x16xf32>,
        %swap3A_861 = vector.shape_cast %swap3A_860 : vector<1x16xf32> to vector<16xf32>
        %swap3A_862 = vector.shape_cast %mul3A_857 : vector<16xf32> to vector<1x16xf32>
        tpu.vector_store %arg11[%swap3A_858, %swap3A_859], %swap3A_862 {add = true, strides = array<i32>} : memref<256x128xf32, #tpu.memory_space<vmem>>, vector<1x16xf32>,
        %slice3A_863 = vector.extract_strided_slice %get3A_742 {offsets = [4], sizes = [1], strides = [1]} : vector<16xf32> to vector<1xf32>
        %squeeze3A_864 = vector.extract %slice3A_863[0] : f32 from vector<1xf32>
        %mul3A_865 = vector.broadcast %squeeze3A_864 : f32 to vector<16xf32>
        %mul3A_866 = arith.mulf %mul3A_865, %get3A_746 : vector<16xf32>
        %add3A_867 = arith.addf %while3A_715, %mul3A_866 : vector<16xf32>
        %mul3A_868 = vector.broadcast %squeeze3A_864 : f32 to vector<16xf32>
        %mul3A_869 = arith.mulf %mul3A_868, %get3A_750 : vector<16xf32>
        %add3A_870 = arith.addf %while3A_716, %mul3A_869 : vector<16xf32>
        %add3A_871 = arith.constant 4 : i32
        %add3A_872 = arith.addi %mul3A_219, %add3A_871 : i32
        %mul3A_873 = vector.broadcast %squeeze3A_864 : f32 to vector<16xf32>
        %mul3A_874 = arith.mulf %mul3A_873, %get3A_754 : vector<16xf32>
        %swap3A_875 = arith.index_cast %add3A_872 : i32 to index
        %swap3A_876 = arith.constant 96 : index
        %swap3A_877 = tpu.vector_load %arg11[%swap3A_875, %swap3A_876] {strides = array<i32>} : memref<256x128xf32, #tpu.memory_space<vmem>>, vector<1x16xf32>,
        %swap3A_878 = vector.shape_cast %swap3A_877 : vector<1x16xf32> to vector<16xf32>
        %swap3A_879 = vector.shape_cast %mul3A_874 : vector<16xf32> to vector<1x16xf32>
        tpu.vector_store %arg11[%swap3A_875, %swap3A_876], %swap3A_879 {add = true, strides = array<i32>} : memref<256x128xf32, #tpu.memory_space<vmem>>, vector<1x16xf32>,
        %add3A_880 = arith.constant 4 : i32
        %add3A_881 = arith.addi %mul3A_219, %add3A_880 : i32
        %mul3A_882 = vector.broadcast %squeeze3A_864 : f32 to vector<16xf32>
        %mul3A_883 = arith.mulf %mul3A_882, %get3A_758 : vector<16xf32>
        %swap3A_884 = arith.index_cast %add3A_881 : i32 to index
        %swap3A_885 = arith.constant 112 : index
        %swap3A_886 = tpu.vector_load %arg11[%swap3A_884, %swap3A_885] {strides = array<i32>} : memref<256x128xf32, #tpu.memory_space<vmem>>, vector<1x16xf32>,
        %swap3A_887 = vector.shape_cast %swap3A_886 : vector<1x16xf32> to vector<16xf32>
        %swap3A_888 = vector.shape_cast %mul3A_883 : vector<16xf32> to vector<1x16xf32>
        tpu.vector_store %arg11[%swap3A_884, %swap3A_885], %swap3A_888 {add = true, strides = array<i32>} : memref<256x128xf32, #tpu.memory_space<vmem>>, vector<1x16xf32>,
        %slice3A_889 = vector.extract_strided_slice %get3A_742 {offsets = [5], sizes = [1], strides = [1]} : vector<16xf32> to vector<1xf32>
        %squeeze3A_890 = vector.extract %slice3A_889[0] : f32 from vector<1xf32>
        %mul3A_891 = vector.broadcast %squeeze3A_890 : f32 to vector<16xf32>
        %mul3A_892 = arith.mulf %mul3A_891, %get3A_746 : vector<16xf32>
        %add3A_893 = arith.addf %while3A_717, %mul3A_892 : vector<16xf32>
        %mul3A_894 = vector.broadcast %squeeze3A_890 : f32 to vector<16xf32>
        %mul3A_895 = arith.mulf %mul3A_894, %get3A_750 : vector<16xf32>
        %add3A_896 = arith.addf %while3A_718, %mul3A_895 : vector<16xf32>
        %add3A_897 = arith.constant 5 : i32
        %add3A_898 = arith.addi %mul3A_219, %add3A_897 : i32
        %mul3A_899 = vector.broadcast %squeeze3A_890 : f32 to vector<16xf32>
        %mul3A_900 = arith.mulf %mul3A_899, %get3A_754 : vector<16xf32>
        %swap3A_901 = arith.index_cast %add3A_898 : i32 to index
        %swap3A_902 = arith.constant 96 : index
        %swap3A_903 = tpu.vector_load %arg11[%swap3A_901, %swap3A_902] {strides = array<i32>} : memref<256x128xf32, #tpu.memory_space<vmem>>, vector<1x16xf32>,
        %swap3A_904 = vector.shape_cast %swap3A_903 : vector<1x16xf32> to vector<16xf32>
        %swap3A_905 = vector.shape_cast %mul3A_900 : vector<16xf32> to vector<1x16xf32>
        tpu.vector_store %arg11[%swap3A_901, %swap3A_902], %swap3A_905 {add = true, strides = array<i32>} : memref<256x128xf32, #tpu.memory_space<vmem>>, vector<1x16xf32>,
        %add3A_906 = arith.constant 5 : i32
        %add3A_907 = arith.addi %mul3A_219, %add3A_906 : i32
        %mul3A_908 = vector.broadcast %squeeze3A_890 : f32 to vector<16xf32>
        %mul3A_909 = arith.mulf %mul3A_908, %get3A_758 : vector<16xf32>
        %swap3A_910 = arith.index_cast %add3A_907 : i32 to index
        %swap3A_911 = arith.constant 112 : index
        %swap3A_912 = tpu.vector_load %arg11[%swap3A_910, %swap3A_911] {strides = array<i32>} : memref<256x128xf32, #tpu.memory_space<vmem>>, vector<1x16xf32>,
        %swap3A_913 = vector.shape_cast %swap3A_912 : vector<1x16xf32> to vector<16xf32>
        %swap3A_914 = vector.shape_cast %mul3A_909 : vector<16xf32> to vector<1x16xf32>
        tpu.vector_store %arg11[%swap3A_910, %swap3A_911], %swap3A_914 {add = true, strides = array<i32>} : memref<256x128xf32, #tpu.memory_space<vmem>>, vector<1x16xf32>,
        %slice3A_915 = vector.extract_strided_slice %get3A_742 {offsets = [6], sizes = [1], strides = [1]} : vector<16xf32> to vector<1xf32>
        %squeeze3A_916 = vector.extract %slice3A_915[0] : f32 from vector<1xf32>
        %mul3A_917 = vector.broadcast %squeeze3A_916 : f32 to vector<16xf32>
        %mul3A_918 = arith.mulf %mul3A_917, %get3A_746 : vector<16xf32>
        %add3A_919 = arith.addf %while3A_719, %mul3A_918 : vector<16xf32>
        %mul3A_920 = vector.broadcast %squeeze3A_916 : f32 to vector<16xf32>
        %mul3A_921 = arith.mulf %mul3A_920, %get3A_750 : vector<16xf32>
        %add3A_922 = arith.addf %while3A_720, %mul3A_921 : vector<16xf32>
        %add3A_923 = arith.constant 6 : i32
        %add3A_924 = arith.addi %mul3A_219, %add3A_923 : i32
        %mul3A_925 = vector.broadcast %squeeze3A_916 : f32 to vector<16xf32>
        %mul3A_926 = arith.mulf %mul3A_925, %get3A_754 : vector<16xf32>
        %swap3A_927 = arith.index_cast %add3A_924 : i32 to index
        %swap3A_928 = arith.constant 96 : index
        %swap3A_929 = tpu.vector_load %arg11[%swap3A_927, %swap3A_928] {strides = array<i32>} : memref<256x128xf32, #tpu.memory_space<vmem>>, vector<1x16xf32>,
        %swap3A_930 = vector.shape_cast %swap3A_929 : vector<1x16xf32> to vector<16xf32>
        %swap3A_931 = vector.shape_cast %mul3A_926 : vector<16xf32> to vector<1x16xf32>
        tpu.vector_store %arg11[%swap3A_927, %swap3A_928], %swap3A_931 {add = true, strides = array<i32>} : memref<256x128xf32, #tpu.memory_space<vmem>>, vector<1x16xf32>,
        %add3A_932 = arith.constant 6 : i32
        %add3A_933 = arith.addi %mul3A_219, %add3A_932 : i32
        %mul3A_934 = vector.broadcast %squeeze3A_916 : f32 to vector<16xf32>
        %mul3A_935 = arith.mulf %mul3A_934, %get3A_758 : vector<16xf32>
        %swap3A_936 = arith.index_cast %add3A_933 : i32 to index
        %swap3A_937 = arith.constant 112 : index
        %swap3A_938 = tpu.vector_load %arg11[%swap3A_936, %swap3A_937] {strides = array<i32>} : memref<256x128xf32, #tpu.memory_space<vmem>>, vector<1x16xf32>,
        %swap3A_939 = vector.shape_cast %swap3A_938 : vector<1x16xf32> to vector<16xf32>
        %swap3A_940 = vector.shape_cast %mul3A_935 : vector<16xf32> to vector<1x16xf32>
        tpu.vector_store %arg11[%swap3A_936, %swap3A_937], %swap3A_940 {add = true, strides = array<i32>} : memref<256x128xf32, #tpu.memory_space<vmem>>, vector<1x16xf32>,
        %slice3A_941 = vector.extract_strided_slice %get3A_742 {offsets = [7], sizes = [1], strides = [1]} : vector<16xf32> to vector<1xf32>
        %squeeze3A_942 = vector.extract %slice3A_941[0] : f32 from vector<1xf32>
        %mul3A_943 = vector.broadcast %squeeze3A_942 : f32 to vector<16xf32>
        %mul3A_944 = arith.mulf %mul3A_943, %get3A_746 : vector<16xf32>
        %add3A_945 = arith.addf %while3A_721, %mul3A_944 : vector<16xf32>
        %mul3A_946 = vector.broadcast %squeeze3A_942 : f32 to vector<16xf32>
        %mul3A_947 = arith.mulf %mul3A_946, %get3A_750 : vector<16xf32>
        %add3A_948 = arith.addf %while3A_722, %mul3A_947 : vector<16xf32>
        %add3A_949 = arith.constant 7 : i32
        %add3A_950 = arith.addi %mul3A_219, %add3A_949 : i32
        %mul3A_951 = vector.broadcast %squeeze3A_942 : f32 to vector<16xf32>
        %mul3A_952 = arith.mulf %mul3A_951, %get3A_754 : vector<16xf32>
        %swap3A_953 = arith.index_cast %add3A_950 : i32 to index
        %swap3A_954 = arith.constant 96 : index
        %swap3A_955 = tpu.vector_load %arg11[%swap3A_953, %swap3A_954] {strides = array<i32>} : memref<256x128xf32, #tpu.memory_space<vmem>>, vector<1x16xf32>,
        %swap3A_956 = vector.shape_cast %swap3A_955 : vector<1x16xf32> to vector<16xf32>
        %swap3A_957 = vector.shape_cast %mul3A_952 : vector<16xf32> to vector<1x16xf32>
        tpu.vector_store %arg11[%swap3A_953, %swap3A_954], %swap3A_957 {add = true, strides = array<i32>} : memref<256x128xf32, #tpu.memory_space<vmem>>, vector<1x16xf32>,
        %add3A_958 = arith.constant 7 : i32
        %add3A_959 = arith.addi %mul3A_219, %add3A_958 : i32
        %mul3A_960 = vector.broadcast %squeeze3A_942 : f32 to vector<16xf32>
        %mul3A_961 = arith.mulf %mul3A_960, %get3A_758 : vector<16xf32>
        %swap3A_962 = arith.index_cast %add3A_959 : i32 to index
        %swap3A_963 = arith.constant 112 : index
        %swap3A_964 = tpu.vector_load %arg11[%swap3A_962, %swap3A_963] {strides = array<i32>} : memref<256x128xf32, #tpu.memory_space<vmem>>, vector<1x16xf32>,
        %swap3A_965 = vector.shape_cast %swap3A_964 : vector<1x16xf32> to vector<16xf32>
        %swap3A_966 = vector.shape_cast %mul3A_961 : vector<16xf32> to vector<1x16xf32>
        tpu.vector_store %arg11[%swap3A_962, %swap3A_963], %swap3A_966 {add = true, strides = array<i32>} : memref<256x128xf32, #tpu.memory_space<vmem>>, vector<1x16xf32>,
        %slice3A_967 = vector.extract_strided_slice %get3A_742 {offsets = [8], sizes = [1], strides = [1]} : vector<16xf32> to vector<1xf32>
        %squeeze3A_968 = vector.extract %slice3A_967[0] : f32 from vector<1xf32>
        %mul3A_969 = vector.broadcast %squeeze3A_968 : f32 to vector<16xf32>
        %mul3A_970 = arith.mulf %mul3A_969, %get3A_746 : vector<16xf32>
        %add3A_971 = arith.addf %while3A_723, %mul3A_970 : vector<16xf32>
        %mul3A_972 = vector.broadcast %squeeze3A_968 : f32 to vector<16xf32>
        %mul3A_973 = arith.mulf %mul3A_972, %get3A_750 : vector<16xf32>
        %add3A_974 = arith.addf %while3A_724, %mul3A_973 : vector<16xf32>
        %add3A_975 = arith.constant 8 : i32
        %add3A_976 = arith.addi %mul3A_219, %add3A_975 : i32
        %mul3A_977 = vector.broadcast %squeeze3A_968 : f32 to vector<16xf32>
        %mul3A_978 = arith.mulf %mul3A_977, %get3A_754 : vector<16xf32>
        %swap3A_979 = arith.index_cast %add3A_976 : i32 to index
        %swap3A_980 = arith.constant 96 : index
        %swap3A_981 = tpu.vector_load %arg11[%swap3A_979, %swap3A_980] {strides = array<i32>} : memref<256x128xf32, #tpu.memory_space<vmem>>, vector<1x16xf32>,
        %swap3A_982 = vector.shape_cast %swap3A_981 : vector<1x16xf32> to vector<16xf32>
        %swap3A_983 = vector.shape_cast %mul3A_978 : vector<16xf32> to vector<1x16xf32>
        tpu.vector_store %arg11[%swap3A_979, %swap3A_980], %swap3A_983 {add = true, strides = array<i32>} : memref<256x128xf32, #tpu.memory_space<vmem>>, vector<1x16xf32>,
        %add3A_984 = arith.constant 8 : i32
        %add3A_985 = arith.addi %mul3A_219, %add3A_984 : i32
        %mul3A_986 = vector.broadcast %squeeze3A_968 : f32 to vector<16xf32>
        %mul3A_987 = arith.mulf %mul3A_986, %get3A_758 : vector<16xf32>
        %swap3A_988 = arith.index_cast %add3A_985 : i32 to index
        %swap3A_989 = arith.constant 112 : index
        %swap3A_990 = tpu.vector_load %arg11[%swap3A_988, %swap3A_989] {strides = array<i32>} : memref<256x128xf32, #tpu.memory_space<vmem>>, vector<1x16xf32>,
        %swap3A_991 = vector.shape_cast %swap3A_990 : vector<1x16xf32> to vector<16xf32>
        %swap3A_992 = vector.shape_cast %mul3A_987 : vector<16xf32> to vector<1x16xf32>
        tpu.vector_store %arg11[%swap3A_988, %swap3A_989], %swap3A_992 {add = true, strides = array<i32>} : memref<256x128xf32, #tpu.memory_space<vmem>>, vector<1x16xf32>,
        %slice3A_993 = vector.extract_strided_slice %get3A_742 {offsets = [9], sizes = [1], strides = [1]} : vector<16xf32> to vector<1xf32>
        %squeeze3A_994 = vector.extract %slice3A_993[0] : f32 from vector<1xf32>
        %mul3A_995 = vector.broadcast %squeeze3A_994 : f32 to vector<16xf32>
        %mul3A_996 = arith.mulf %mul3A_995, %get3A_746 : vector<16xf32>
        %add3A_997 = arith.addf %while3A_725, %mul3A_996 : vector<16xf32>
        %mul3A_998 = vector.broadcast %squeeze3A_994 : f32 to vector<16xf32>
        %mul3A_999 = arith.mulf %mul3A_998, %get3A_750 : vector<16xf32>
        %add3A_1000 = arith.addf %while3A_726, %mul3A_999 : vector<16xf32>
        %add3A_1001 = arith.constant 9 : i32
        %add3A_1002 = arith.addi %mul3A_219, %add3A_1001 : i32
        %mul3A_1003 = vector.broadcast %squeeze3A_994 : f32 to vector<16xf32>
        %mul3A_1004 = arith.mulf %mul3A_1003, %get3A_754 : vector<16xf32>
        %swap3A_1005 = arith.index_cast %add3A_1002 : i32 to index
        %swap3A_1006 = arith.constant 96 : index
        %swap3A_1007 = tpu.vector_load %arg11[%swap3A_1005, %swap3A_1006] {strides = array<i32>} : memref<256x128xf32, #tpu.memory_space<vmem>>, vector<1x16xf32>,
        %swap3A_1008 = vector.shape_cast %swap3A_1007 : vector<1x16xf32> to vector<16xf32>
        %swap3A_1009 = vector.shape_cast %mul3A_1004 : vector<16xf32> to vector<1x16xf32>
        tpu.vector_store %arg11[%swap3A_1005, %swap3A_1006], %swap3A_1009 {add = true, strides = array<i32>} : memref<256x128xf32, #tpu.memory_space<vmem>>, vector<1x16xf32>,
        %add3A_1010 = arith.constant 9 : i32
        %add3A_1011 = arith.addi %mul3A_219, %add3A_1010 : i32
        %mul3A_1012 = vector.broadcast %squeeze3A_994 : f32 to vector<16xf32>
        %mul3A_1013 = arith.mulf %mul3A_1012, %get3A_758 : vector<16xf32>
        %swap3A_1014 = arith.index_cast %add3A_1011 : i32 to index
        %swap3A_1015 = arith.constant 112 : index
        %swap3A_1016 = tpu.vector_load %arg11[%swap3A_1014, %swap3A_1015] {strides = array<i32>} : memref<256x128xf32, #tpu.memory_space<vmem>>, vector<1x16xf32>,
        %swap3A_1017 = vector.shape_cast %swap3A_1016 : vector<1x16xf32> to vector<16xf32>
        %swap3A_1018 = vector.shape_cast %mul3A_1013 : vector<16xf32> to vector<1x16xf32>
        tpu.vector_store %arg11[%swap3A_1014, %swap3A_1015], %swap3A_1018 {add = true, strides = array<i32>} : memref<256x128xf32, #tpu.memory_space<vmem>>, vector<1x16xf32>,
        %slice3A_1019 = vector.extract_strided_slice %get3A_742 {offsets = [10], sizes = [1], strides = [1]} : vector<16xf32> to vector<1xf32>
        %squeeze3A_1020 = vector.extract %slice3A_1019[0] : f32 from vector<1xf32>
        %mul3A_1021 = vector.broadcast %squeeze3A_1020 : f32 to vector<16xf32>
        %mul3A_1022 = arith.mulf %mul3A_1021, %get3A_746 : vector<16xf32>
        %add3A_1023 = arith.addf %while3A_727, %mul3A_1022 : vector<16xf32>
        %mul3A_1024 = vector.broadcast %squeeze3A_1020 : f32 to vector<16xf32>
        %mul3A_1025 = arith.mulf %mul3A_1024, %get3A_750 : vector<16xf32>
        %add3A_1026 = arith.addf %while3A_728, %mul3A_1025 : vector<16xf32>
        %add3A_1027 = arith.constant 10 : i32
        %add3A_1028 = arith.addi %mul3A_219, %add3A_1027 : i32
        %mul3A_1029 = vector.broadcast %squeeze3A_1020 : f32 to vector<16xf32>
        %mul3A_1030 = arith.mulf %mul3A_1029, %get3A_754 : vector<16xf32>
        %swap3A_1031 = arith.index_cast %add3A_1028 : i32 to index
        %swap3A_1032 = arith.constant 96 : index
        %swap3A_1033 = tpu.vector_load %arg11[%swap3A_1031, %swap3A_1032] {strides = array<i32>} : memref<256x128xf32, #tpu.memory_space<vmem>>, vector<1x16xf32>,
        %swap3A_1034 = vector.shape_cast %swap3A_1033 : vector<1x16xf32> to vector<16xf32>
        %swap3A_1035 = vector.shape_cast %mul3A_1030 : vector<16xf32> to vector<1x16xf32>
        tpu.vector_store %arg11[%swap3A_1031, %swap3A_1032], %swap3A_1035 {add = true, strides = array<i32>} : memref<256x128xf32, #tpu.memory_space<vmem>>, vector<1x16xf32>,
        %add3A_1036 = arith.constant 10 : i32
        %add3A_1037 = arith.addi %mul3A_219, %add3A_1036 : i32
        %mul3A_1038 = vector.broadcast %squeeze3A_1020 : f32 to vector<16xf32>
        %mul3A_1039 = arith.mulf %mul3A_1038, %get3A_758 : vector<16xf32>
        %swap3A_1040 = arith.index_cast %add3A_1037 : i32 to index
        %swap3A_1041 = arith.constant 112 : index
        %swap3A_1042 = tpu.vector_load %arg11[%swap3A_1040, %swap3A_1041] {strides = array<i32>} : memref<256x128xf32, #tpu.memory_space<vmem>>, vector<1x16xf32>,
        %swap3A_1043 = vector.shape_cast %swap3A_1042 : vector<1x16xf32> to vector<16xf32>
        %swap3A_1044 = vector.shape_cast %mul3A_1039 : vector<16xf32> to vector<1x16xf32>
        tpu.vector_store %arg11[%swap3A_1040, %swap3A_1041], %swap3A_1044 {add = true, strides = array<i32>} : memref<256x128xf32, #tpu.memory_space<vmem>>, vector<1x16xf32>,
        %slice3A_1045 = vector.extract_strided_slice %get3A_742 {offsets = [11], sizes = [1], strides = [1]} : vector<16xf32> to vector<1xf32>
        %squeeze3A_1046 = vector.extract %slice3A_1045[0] : f32 from vector<1xf32>
        %mul3A_1047 = vector.broadcast %squeeze3A_1046 : f32 to vector<16xf32>
        %mul3A_1048 = arith.mulf %mul3A_1047, %get3A_746 : vector<16xf32>
        %add3A_1049 = arith.addf %while3A_729, %mul3A_1048 : vector<16xf32>
        %mul3A_1050 = vector.broadcast %squeeze3A_1046 : f32 to vector<16xf32>
        %mul3A_1051 = arith.mulf %mul3A_1050, %get3A_750 : vector<16xf32>
        %add3A_1052 = arith.addf %while3A_730, %mul3A_1051 : vector<16xf32>
        %add3A_1053 = arith.constant 11 : i32
        %add3A_1054 = arith.addi %mul3A_219, %add3A_1053 : i32
        %mul3A_1055 = vector.broadcast %squeeze3A_1046 : f32 to vector<16xf32>
        %mul3A_1056 = arith.mulf %mul3A_1055, %get3A_754 : vector<16xf32>
        %swap3A_1057 = arith.index_cast %add3A_1054 : i32 to index
        %swap3A_1058 = arith.constant 96 : index
        %swap3A_1059 = tpu.vector_load %arg11[%swap3A_1057, %swap3A_1058] {strides = array<i32>} : memref<256x128xf32, #tpu.memory_space<vmem>>, vector<1x16xf32>,
        %swap3A_1060 = vector.shape_cast %swap3A_1059 : vector<1x16xf32> to vector<16xf32>
        %swap3A_1061 = vector.shape_cast %mul3A_1056 : vector<16xf32> to vector<1x16xf32>
        tpu.vector_store %arg11[%swap3A_1057, %swap3A_1058], %swap3A_1061 {add = true, strides = array<i32>} : memref<256x128xf32, #tpu.memory_space<vmem>>, vector<1x16xf32>,
        %add3A_1062 = arith.constant 11 : i32
        %add3A_1063 = arith.addi %mul3A_219, %add3A_1062 : i32
        %mul3A_1064 = vector.broadcast %squeeze3A_1046 : f32 to vector<16xf32>
        %mul3A_1065 = arith.mulf %mul3A_1064, %get3A_758 : vector<16xf32>
        %swap3A_1066 = arith.index_cast %add3A_1063 : i32 to index
        %swap3A_1067 = arith.constant 112 : index
        %swap3A_1068 = tpu.vector_load %arg11[%swap3A_1066, %swap3A_1067] {strides = array<i32>} : memref<256x128xf32, #tpu.memory_space<vmem>>, vector<1x16xf32>,
        %swap3A_1069 = vector.shape_cast %swap3A_1068 : vector<1x16xf32> to vector<16xf32>
        %swap3A_1070 = vector.shape_cast %mul3A_1065 : vector<16xf32> to vector<1x16xf32>
        tpu.vector_store %arg11[%swap3A_1066, %swap3A_1067], %swap3A_1070 {add = true, strides = array<i32>} : memref<256x128xf32, #tpu.memory_space<vmem>>, vector<1x16xf32>,
        %slice3A_1071 = vector.extract_strided_slice %get3A_742 {offsets = [12], sizes = [1], strides = [1]} : vector<16xf32> to vector<1xf32>
        %squeeze3A_1072 = vector.extract %slice3A_1071[0] : f32 from vector<1xf32>
        %mul3A_1073 = vector.broadcast %squeeze3A_1072 : f32 to vector<16xf32>
        %mul3A_1074 = arith.mulf %mul3A_1073, %get3A_746 : vector<16xf32>
        %add3A_1075 = arith.addf %while3A_731, %mul3A_1074 : vector<16xf32>
        %mul3A_1076 = vector.broadcast %squeeze3A_1072 : f32 to vector<16xf32>
        %mul3A_1077 = arith.mulf %mul3A_1076, %get3A_750 : vector<16xf32>
        %add3A_1078 = arith.addf %while3A_732, %mul3A_1077 : vector<16xf32>
        %add3A_1079 = arith.constant 12 : i32
        %add3A_1080 = arith.addi %mul3A_219, %add3A_1079 : i32
        %mul3A_1081 = vector.broadcast %squeeze3A_1072 : f32 to vector<16xf32>
        %mul3A_1082 = arith.mulf %mul3A_1081, %get3A_754 : vector<16xf32>
        %swap3A_1083 = arith.index_cast %add3A_1080 : i32 to index
        %swap3A_1084 = arith.constant 96 : index
        %swap3A_1085 = tpu.vector_load %arg11[%swap3A_1083, %swap3A_1084] {strides = array<i32>} : memref<256x128xf32, #tpu.memory_space<vmem>>, vector<1x16xf32>,
        %swap3A_1086 = vector.shape_cast %swap3A_1085 : vector<1x16xf32> to vector<16xf32>
        %swap3A_1087 = vector.shape_cast %mul3A_1082 : vector<16xf32> to vector<1x16xf32>
        tpu.vector_store %arg11[%swap3A_1083, %swap3A_1084], %swap3A_1087 {add = true, strides = array<i32>} : memref<256x128xf32, #tpu.memory_space<vmem>>, vector<1x16xf32>,
        %add3A_1088 = arith.constant 12 : i32
        %add3A_1089 = arith.addi %mul3A_219, %add3A_1088 : i32
        %mul3A_1090 = vector.broadcast %squeeze3A_1072 : f32 to vector<16xf32>
        %mul3A_1091 = arith.mulf %mul3A_1090, %get3A_758 : vector<16xf32>
        %swap3A_1092 = arith.index_cast %add3A_1089 : i32 to index
        %swap3A_1093 = arith.constant 112 : index
        %swap3A_1094 = tpu.vector_load %arg11[%swap3A_1092, %swap3A_1093] {strides = array<i32>} : memref<256x128xf32, #tpu.memory_space<vmem>>, vector<1x16xf32>,
        %swap3A_1095 = vector.shape_cast %swap3A_1094 : vector<1x16xf32> to vector<16xf32>
        %swap3A_1096 = vector.shape_cast %mul3A_1091 : vector<16xf32> to vector<1x16xf32>
        tpu.vector_store %arg11[%swap3A_1092, %swap3A_1093], %swap3A_1096 {add = true, strides = array<i32>} : memref<256x128xf32, #tpu.memory_space<vmem>>, vector<1x16xf32>,
        %slice3A_1097 = vector.extract_strided_slice %get3A_742 {offsets = [13], sizes = [1], strides = [1]} : vector<16xf32> to vector<1xf32>
        %squeeze3A_1098 = vector.extract %slice3A_1097[0] : f32 from vector<1xf32>
        %mul3A_1099 = vector.broadcast %squeeze3A_1098 : f32 to vector<16xf32>
        %mul3A_1100 = arith.mulf %mul3A_1099, %get3A_746 : vector<16xf32>
        %add3A_1101 = arith.addf %while3A_733, %mul3A_1100 : vector<16xf32>
        %mul3A_1102 = vector.broadcast %squeeze3A_1098 : f32 to vector<16xf32>
        %mul3A_1103 = arith.mulf %mul3A_1102, %get3A_750 : vector<16xf32>
        %add3A_1104 = arith.addf %while3A_734, %mul3A_1103 : vector<16xf32>
        %add3A_1105 = arith.constant 13 : i32
        %add3A_1106 = arith.addi %mul3A_219, %add3A_1105 : i32
        %mul3A_1107 = vector.broadcast %squeeze3A_1098 : f32 to vector<16xf32>
        %mul3A_1108 = arith.mulf %mul3A_1107, %get3A_754 : vector<16xf32>
        %swap3A_1109 = arith.index_cast %add3A_1106 : i32 to index
        %swap3A_1110 = arith.constant 96 : index
        %swap3A_1111 = tpu.vector_load %arg11[%swap3A_1109, %swap3A_1110] {strides = array<i32>} : memref<256x128xf32, #tpu.memory_space<vmem>>, vector<1x16xf32>,
        %swap3A_1112 = vector.shape_cast %swap3A_1111 : vector<1x16xf32> to vector<16xf32>
        %swap3A_1113 = vector.shape_cast %mul3A_1108 : vector<16xf32> to vector<1x16xf32>
        tpu.vector_store %arg11[%swap3A_1109, %swap3A_1110], %swap3A_1113 {add = true, strides = array<i32>} : memref<256x128xf32, #tpu.memory_space<vmem>>, vector<1x16xf32>,
        %add3A_1114 = arith.constant 13 : i32
        %add3A_1115 = arith.addi %mul3A_219, %add3A_1114 : i32
        %mul3A_1116 = vector.broadcast %squeeze3A_1098 : f32 to vector<16xf32>
        %mul3A_1117 = arith.mulf %mul3A_1116, %get3A_758 : vector<16xf32>
        %swap3A_1118 = arith.index_cast %add3A_1115 : i32 to index
        %swap3A_1119 = arith.constant 112 : index
        %swap3A_1120 = tpu.vector_load %arg11[%swap3A_1118, %swap3A_1119] {strides = array<i32>} : memref<256x128xf32, #tpu.memory_space<vmem>>, vector<1x16xf32>,
        %swap3A_1121 = vector.shape_cast %swap3A_1120 : vector<1x16xf32> to vector<16xf32>
        %swap3A_1122 = vector.shape_cast %mul3A_1117 : vector<16xf32> to vector<1x16xf32>
        tpu.vector_store %arg11[%swap3A_1118, %swap3A_1119], %swap3A_1122 {add = true, strides = array<i32>} : memref<256x128xf32, #tpu.memory_space<vmem>>, vector<1x16xf32>,
        %slice3A_1123 = vector.extract_strided_slice %get3A_742 {offsets = [14], sizes = [1], strides = [1]} : vector<16xf32> to vector<1xf32>
        %squeeze3A_1124 = vector.extract %slice3A_1123[0] : f32 from vector<1xf32>
        %mul3A_1125 = vector.broadcast %squeeze3A_1124 : f32 to vector<16xf32>
        %mul3A_1126 = arith.mulf %mul3A_1125, %get3A_746 : vector<16xf32>
        %add3A_1127 = arith.addf %while3A_735, %mul3A_1126 : vector<16xf32>
        %mul3A_1128 = vector.broadcast %squeeze3A_1124 : f32 to vector<16xf32>
        %mul3A_1129 = arith.mulf %mul3A_1128, %get3A_750 : vector<16xf32>
        %add3A_1130 = arith.addf %while3A_736, %mul3A_1129 : vector<16xf32>
        %add3A_1131 = arith.constant 14 : i32
        %add3A_1132 = arith.addi %mul3A_219, %add3A_1131 : i32
        %mul3A_1133 = vector.broadcast %squeeze3A_1124 : f32 to vector<16xf32>
        %mul3A_1134 = arith.mulf %mul3A_1133, %get3A_754 : vector<16xf32>
        %swap3A_1135 = arith.index_cast %add3A_1132 : i32 to index
        %swap3A_1136 = arith.constant 96 : index
        %swap3A_1137 = tpu.vector_load %arg11[%swap3A_1135, %swap3A_1136] {strides = array<i32>} : memref<256x128xf32, #tpu.memory_space<vmem>>, vector<1x16xf32>,
        %swap3A_1138 = vector.shape_cast %swap3A_1137 : vector<1x16xf32> to vector<16xf32>
        %swap3A_1139 = vector.shape_cast %mul3A_1134 : vector<16xf32> to vector<1x16xf32>
        tpu.vector_store %arg11[%swap3A_1135, %swap3A_1136], %swap3A_1139 {add = true, strides = array<i32>} : memref<256x128xf32, #tpu.memory_space<vmem>>, vector<1x16xf32>,
        %add3A_1140 = arith.constant 14 : i32
        %add3A_1141 = arith.addi %mul3A_219, %add3A_1140 : i32
        %mul3A_1142 = vector.broadcast %squeeze3A_1124 : f32 to vector<16xf32>
        %mul3A_1143 = arith.mulf %mul3A_1142, %get3A_758 : vector<16xf32>
        %swap3A_1144 = arith.index_cast %add3A_1141 : i32 to index
        %swap3A_1145 = arith.constant 112 : index
        %swap3A_1146 = tpu.vector_load %arg11[%swap3A_1144, %swap3A_1145] {strides = array<i32>} : memref<256x128xf32, #tpu.memory_space<vmem>>, vector<1x16xf32>,
        %swap3A_1147 = vector.shape_cast %swap3A_1146 : vector<1x16xf32> to vector<16xf32>
        %swap3A_1148 = vector.shape_cast %mul3A_1143 : vector<16xf32> to vector<1x16xf32>
        tpu.vector_store %arg11[%swap3A_1144, %swap3A_1145], %swap3A_1148 {add = true, strides = array<i32>} : memref<256x128xf32, #tpu.memory_space<vmem>>, vector<1x16xf32>,
        %slice3A_1149 = vector.extract_strided_slice %get3A_742 {offsets = [15], sizes = [1], strides = [1]} : vector<16xf32> to vector<1xf32>
        %squeeze3A_1150 = vector.extract %slice3A_1149[0] : f32 from vector<1xf32>
        %mul3A_1151 = vector.broadcast %squeeze3A_1150 : f32 to vector<16xf32>
        %mul3A_1152 = arith.mulf %mul3A_1151, %get3A_746 : vector<16xf32>
        %add3A_1153 = arith.addf %while3A_737, %mul3A_1152 : vector<16xf32>
        %mul3A_1154 = vector.broadcast %squeeze3A_1150 : f32 to vector<16xf32>
        %mul3A_1155 = arith.mulf %mul3A_1154, %get3A_750 : vector<16xf32>
        %add3A_1156 = arith.addf %while3A_738, %mul3A_1155 : vector<16xf32>
        %add3A_1157 = arith.constant 15 : i32
        %add3A_1158 = arith.addi %mul3A_219, %add3A_1157 : i32
        %mul3A_1159 = vector.broadcast %squeeze3A_1150 : f32 to vector<16xf32>
        %mul3A_1160 = arith.mulf %mul3A_1159, %get3A_754 : vector<16xf32>
        %swap3A_1161 = arith.index_cast %add3A_1158 : i32 to index
        %swap3A_1162 = arith.constant 96 : index
        %swap3A_1163 = tpu.vector_load %arg11[%swap3A_1161, %swap3A_1162] {strides = array<i32>} : memref<256x128xf32, #tpu.memory_space<vmem>>, vector<1x16xf32>,
        %swap3A_1164 = vector.shape_cast %swap3A_1163 : vector<1x16xf32> to vector<16xf32>
        %swap3A_1165 = vector.shape_cast %mul3A_1160 : vector<16xf32> to vector<1x16xf32>
        tpu.vector_store %arg11[%swap3A_1161, %swap3A_1162], %swap3A_1165 {add = true, strides = array<i32>} : memref<256x128xf32, #tpu.memory_space<vmem>>, vector<1x16xf32>,
        %add3A_1166 = arith.constant 15 : i32
        %add3A_1167 = arith.addi %mul3A_219, %add3A_1166 : i32
        %mul3A_1168 = vector.broadcast %squeeze3A_1150 : f32 to vector<16xf32>
        %mul3A_1169 = arith.mulf %mul3A_1168, %get3A_758 : vector<16xf32>
        %swap3A_1170 = arith.index_cast %add3A_1167 : i32 to index
        %swap3A_1171 = arith.constant 112 : index
        %swap3A_1172 = tpu.vector_load %arg11[%swap3A_1170, %swap3A_1171] {strides = array<i32>} : memref<256x128xf32, #tpu.memory_space<vmem>>, vector<1x16xf32>,
        %swap3A_1173 = vector.shape_cast %swap3A_1172 : vector<1x16xf32> to vector<16xf32>
        %swap3A_1174 = vector.shape_cast %mul3A_1169 : vector<16xf32> to vector<1x16xf32>
        tpu.vector_store %arg11[%swap3A_1170, %swap3A_1171], %swap3A_1174 {add = true, strides = array<i32>} : memref<256x128xf32, #tpu.memory_space<vmem>>, vector<1x16xf32>,
        scf.yield %add3A_763, %add3A_766, %add3A_789, %add3A_792, %add3A_815, %add3A_818, %add3A_841, %add3A_844, %add3A_867, %add3A_870, %add3A_893, %add3A_896, %add3A_919, %add3A_922, %add3A_945, %add3A_948, %add3A_971, %add3A_974, %add3A_997, %add3A_1000, %add3A_1023, %add3A_1026, %add3A_1049, %add3A_1052, %add3A_1075, %add3A_1078, %add3A_1101, %add3A_1104, %add3A_1127, %add3A_1130, %add3A_1153, %add3A_1156 : vector<16xf32>, vector<16xf32>, vector<16xf32>, vector<16xf32>, vector<16xf32>, vector<16xf32>, vector<16xf32>, vector<16xf32>, vector<16xf32>, vector<16xf32>, vector<16xf32>, vector<16xf32>, vector<16xf32>, vector<16xf32>, vector<16xf32>, vector<16xf32>, vector<16xf32>, vector<16xf32>, vector<16xf32>, vector<16xf32>, vector<16xf32>, vector<16xf32>, vector<16xf32>, vector<16xf32>, vector<16xf32>, vector<16xf32>, vector<16xf32>, vector<16xf32>, vector<16xf32>, vector<16xf32>, vector<16xf32>, vector<16xf32>
      }
      %add3A_471 = arith.constant 0 : i32
      %add3A_472 = arith.addi %mul3A_219, %add3A_471 : i32
      %swap3A_473 = arith.index_cast %add3A_472 : i32 to index
      %swap3A_474 = arith.constant 64 : index
      %swap3A_475 = tpu.vector_load %arg11[%swap3A_473, %swap3A_474] {strides = array<i32>} : memref<256x128xf32, #tpu.memory_space<vmem>>, vector<1x16xf32>,
      %swap3A_476 = vector.shape_cast %swap3A_475 : vector<1x16xf32> to vector<16xf32>
      %swap3A_477 = vector.shape_cast %while3A_470#0 : vector<16xf32> to vector<1x16xf32>
      tpu.vector_store %arg11[%swap3A_473, %swap3A_474], %swap3A_477 {strides = array<i32>} : memref<256x128xf32, #tpu.memory_space<vmem>>, vector<1x16xf32>,
      %add3A_478 = arith.constant 0 : i32
      %add3A_479 = arith.addi %mul3A_219, %add3A_478 : i32
      %swap3A_480 = arith.index_cast %add3A_479 : i32 to index
      %swap3A_481 = arith.constant 80 : index
      %swap3A_482 = tpu.vector_load %arg11[%swap3A_480, %swap3A_481] {strides = array<i32>} : memref<256x128xf32, #tpu.memory_space<vmem>>, vector<1x16xf32>,
      %swap3A_483 = vector.shape_cast %swap3A_482 : vector<1x16xf32> to vector<16xf32>
      %swap3A_484 = vector.shape_cast %while3A_470#1 : vector<16xf32> to vector<1x16xf32>
      tpu.vector_store %arg11[%swap3A_480, %swap3A_481], %swap3A_484 {strides = array<i32>} : memref<256x128xf32, #tpu.memory_space<vmem>>, vector<1x16xf32>,
      %add3A_485 = arith.constant 1 : i32
      %add3A_486 = arith.addi %mul3A_219, %add3A_485 : i32
      %swap3A_487 = arith.index_cast %add3A_486 : i32 to index
      %swap3A_488 = arith.constant 64 : index
      %swap3A_489 = tpu.vector_load %arg11[%swap3A_487, %swap3A_488] {strides = array<i32>} : memref<256x128xf32, #tpu.memory_space<vmem>>, vector<1x16xf32>,
      %swap3A_490 = vector.shape_cast %swap3A_489 : vector<1x16xf32> to vector<16xf32>
      %swap3A_491 = vector.shape_cast %while3A_470#2 : vector<16xf32> to vector<1x16xf32>
      tpu.vector_store %arg11[%swap3A_487, %swap3A_488], %swap3A_491 {strides = array<i32>} : memref<256x128xf32, #tpu.memory_space<vmem>>, vector<1x16xf32>,
      %add3A_492 = arith.constant 1 : i32
      %add3A_493 = arith.addi %mul3A_219, %add3A_492 : i32
      %swap3A_494 = arith.index_cast %add3A_493 : i32 to index
      %swap3A_495 = arith.constant 80 : index
      %swap3A_496 = tpu.vector_load %arg11[%swap3A_494, %swap3A_495] {strides = array<i32>} : memref<256x128xf32, #tpu.memory_space<vmem>>, vector<1x16xf32>,
      %swap3A_497 = vector.shape_cast %swap3A_496 : vector<1x16xf32> to vector<16xf32>
      %swap3A_498 = vector.shape_cast %while3A_470#3 : vector<16xf32> to vector<1x16xf32>
      tpu.vector_store %arg11[%swap3A_494, %swap3A_495], %swap3A_498 {strides = array<i32>} : memref<256x128xf32, #tpu.memory_space<vmem>>, vector<1x16xf32>,
      %add3A_499 = arith.constant 2 : i32
      %add3A_500 = arith.addi %mul3A_219, %add3A_499 : i32
      %swap3A_501 = arith.index_cast %add3A_500 : i32 to index
      %swap3A_502 = arith.constant 64 : index
      %swap3A_503 = tpu.vector_load %arg11[%swap3A_501, %swap3A_502] {strides = array<i32>} : memref<256x128xf32, #tpu.memory_space<vmem>>, vector<1x16xf32>,
      %swap3A_504 = vector.shape_cast %swap3A_503 : vector<1x16xf32> to vector<16xf32>
      %swap3A_505 = vector.shape_cast %while3A_470#4 : vector<16xf32> to vector<1x16xf32>
      tpu.vector_store %arg11[%swap3A_501, %swap3A_502], %swap3A_505 {strides = array<i32>} : memref<256x128xf32, #tpu.memory_space<vmem>>, vector<1x16xf32>,
      %add3A_506 = arith.constant 2 : i32
      %add3A_507 = arith.addi %mul3A_219, %add3A_506 : i32
      %swap3A_508 = arith.index_cast %add3A_507 : i32 to index
      %swap3A_509 = arith.constant 80 : index
      %swap3A_510 = tpu.vector_load %arg11[%swap3A_508, %swap3A_509] {strides = array<i32>} : memref<256x128xf32, #tpu.memory_space<vmem>>, vector<1x16xf32>,
      %swap3A_511 = vector.shape_cast %swap3A_510 : vector<1x16xf32> to vector<16xf32>
      %swap3A_512 = vector.shape_cast %while3A_470#5 : vector<16xf32> to vector<1x16xf32>
      tpu.vector_store %arg11[%swap3A_508, %swap3A_509], %swap3A_512 {strides = array<i32>} : memref<256x128xf32, #tpu.memory_space<vmem>>, vector<1x16xf32>,
      %add3A_513 = arith.constant 3 : i32
      %add3A_514 = arith.addi %mul3A_219, %add3A_513 : i32
      %swap3A_515 = arith.index_cast %add3A_514 : i32 to index
      %swap3A_516 = arith.constant 64 : index
      %swap3A_517 = tpu.vector_load %arg11[%swap3A_515, %swap3A_516] {strides = array<i32>} : memref<256x128xf32, #tpu.memory_space<vmem>>, vector<1x16xf32>,
      %swap3A_518 = vector.shape_cast %swap3A_517 : vector<1x16xf32> to vector<16xf32>
      %swap3A_519 = vector.shape_cast %while3A_470#6 : vector<16xf32> to vector<1x16xf32>
      tpu.vector_store %arg11[%swap3A_515, %swap3A_516], %swap3A_519 {strides = array<i32>} : memref<256x128xf32, #tpu.memory_space<vmem>>, vector<1x16xf32>,
      %add3A_520 = arith.constant 3 : i32
      %add3A_521 = arith.addi %mul3A_219, %add3A_520 : i32
      %swap3A_522 = arith.index_cast %add3A_521 : i32 to index
      %swap3A_523 = arith.constant 80 : index
      %swap3A_524 = tpu.vector_load %arg11[%swap3A_522, %swap3A_523] {strides = array<i32>} : memref<256x128xf32, #tpu.memory_space<vmem>>, vector<1x16xf32>,
      %swap3A_525 = vector.shape_cast %swap3A_524 : vector<1x16xf32> to vector<16xf32>
      %swap3A_526 = vector.shape_cast %while3A_470#7 : vector<16xf32> to vector<1x16xf32>
      tpu.vector_store %arg11[%swap3A_522, %swap3A_523], %swap3A_526 {strides = array<i32>} : memref<256x128xf32, #tpu.memory_space<vmem>>, vector<1x16xf32>,
      %add3A_527 = arith.constant 4 : i32
      %add3A_528 = arith.addi %mul3A_219, %add3A_527 : i32
      %swap3A_529 = arith.index_cast %add3A_528 : i32 to index
      %swap3A_530 = arith.constant 64 : index
      %swap3A_531 = tpu.vector_load %arg11[%swap3A_529, %swap3A_530] {strides = array<i32>} : memref<256x128xf32, #tpu.memory_space<vmem>>, vector<1x16xf32>,
      %swap3A_532 = vector.shape_cast %swap3A_531 : vector<1x16xf32> to vector<16xf32>
      %swap3A_533 = vector.shape_cast %while3A_470#8 : vector<16xf32> to vector<1x16xf32>
      tpu.vector_store %arg11[%swap3A_529, %swap3A_530], %swap3A_533 {strides = array<i32>} : memref<256x128xf32, #tpu.memory_space<vmem>>, vector<1x16xf32>,
      %add3A_534 = arith.constant 4 : i32
      %add3A_535 = arith.addi %mul3A_219, %add3A_534 : i32
      %swap3A_536 = arith.index_cast %add3A_535 : i32 to index
      %swap3A_537 = arith.constant 80 : index
      %swap3A_538 = tpu.vector_load %arg11[%swap3A_536, %swap3A_537] {strides = array<i32>} : memref<256x128xf32, #tpu.memory_space<vmem>>, vector<1x16xf32>,
      %swap3A_539 = vector.shape_cast %swap3A_538 : vector<1x16xf32> to vector<16xf32>
      %swap3A_540 = vector.shape_cast %while3A_470#9 : vector<16xf32> to vector<1x16xf32>
      tpu.vector_store %arg11[%swap3A_536, %swap3A_537], %swap3A_540 {strides = array<i32>} : memref<256x128xf32, #tpu.memory_space<vmem>>, vector<1x16xf32>,
      %add3A_541 = arith.constant 5 : i32
      %add3A_542 = arith.addi %mul3A_219, %add3A_541 : i32
      %swap3A_543 = arith.index_cast %add3A_542 : i32 to index
      %swap3A_544 = arith.constant 64 : index
      %swap3A_545 = tpu.vector_load %arg11[%swap3A_543, %swap3A_544] {strides = array<i32>} : memref<256x128xf32, #tpu.memory_space<vmem>>, vector<1x16xf32>,
      %swap3A_546 = vector.shape_cast %swap3A_545 : vector<1x16xf32> to vector<16xf32>
      %swap3A_547 = vector.shape_cast %while3A_470#10 : vector<16xf32> to vector<1x16xf32>
      tpu.vector_store %arg11[%swap3A_543, %swap3A_544], %swap3A_547 {strides = array<i32>} : memref<256x128xf32, #tpu.memory_space<vmem>>, vector<1x16xf32>,
      %add3A_548 = arith.constant 5 : i32
      %add3A_549 = arith.addi %mul3A_219, %add3A_548 : i32
      %swap3A_550 = arith.index_cast %add3A_549 : i32 to index
      %swap3A_551 = arith.constant 80 : index
      %swap3A_552 = tpu.vector_load %arg11[%swap3A_550, %swap3A_551] {strides = array<i32>} : memref<256x128xf32, #tpu.memory_space<vmem>>, vector<1x16xf32>,
      %swap3A_553 = vector.shape_cast %swap3A_552 : vector<1x16xf32> to vector<16xf32>
      %swap3A_554 = vector.shape_cast %while3A_470#11 : vector<16xf32> to vector<1x16xf32>
      tpu.vector_store %arg11[%swap3A_550, %swap3A_551], %swap3A_554 {strides = array<i32>} : memref<256x128xf32, #tpu.memory_space<vmem>>, vector<1x16xf32>,
      %add3A_555 = arith.constant 6 : i32
      %add3A_556 = arith.addi %mul3A_219, %add3A_555 : i32
      %swap3A_557 = arith.index_cast %add3A_556 : i32 to index
      %swap3A_558 = arith.constant 64 : index
      %swap3A_559 = tpu.vector_load %arg11[%swap3A_557, %swap3A_558] {strides = array<i32>} : memref<256x128xf32, #tpu.memory_space<vmem>>, vector<1x16xf32>,
      %swap3A_560 = vector.shape_cast %swap3A_559 : vector<1x16xf32> to vector<16xf32>
      %swap3A_561 = vector.shape_cast %while3A_470#12 : vector<16xf32> to vector<1x16xf32>
      tpu.vector_store %arg11[%swap3A_557, %swap3A_558], %swap3A_561 {strides = array<i32>} : memref<256x128xf32, #tpu.memory_space<vmem>>, vector<1x16xf32>,
      %add3A_562 = arith.constant 6 : i32
      %add3A_563 = arith.addi %mul3A_219, %add3A_562 : i32
      %swap3A_564 = arith.index_cast %add3A_563 : i32 to index
      %swap3A_565 = arith.constant 80 : index
      %swap3A_566 = tpu.vector_load %arg11[%swap3A_564, %swap3A_565] {strides = array<i32>} : memref<256x128xf32, #tpu.memory_space<vmem>>, vector<1x16xf32>,
      %swap3A_567 = vector.shape_cast %swap3A_566 : vector<1x16xf32> to vector<16xf32>
      %swap3A_568 = vector.shape_cast %while3A_470#13 : vector<16xf32> to vector<1x16xf32>
      tpu.vector_store %arg11[%swap3A_564, %swap3A_565], %swap3A_568 {strides = array<i32>} : memref<256x128xf32, #tpu.memory_space<vmem>>, vector<1x16xf32>,
      %add3A_569 = arith.constant 7 : i32
      %add3A_570 = arith.addi %mul3A_219, %add3A_569 : i32
      %swap3A_571 = arith.index_cast %add3A_570 : i32 to index
      %swap3A_572 = arith.constant 64 : index
      %swap3A_573 = tpu.vector_load %arg11[%swap3A_571, %swap3A_572] {strides = array<i32>} : memref<256x128xf32, #tpu.memory_space<vmem>>, vector<1x16xf32>,
      %swap3A_574 = vector.shape_cast %swap3A_573 : vector<1x16xf32> to vector<16xf32>
      %swap3A_575 = vector.shape_cast %while3A_470#14 : vector<16xf32> to vector<1x16xf32>
      tpu.vector_store %arg11[%swap3A_571, %swap3A_572], %swap3A_575 {strides = array<i32>} : memref<256x128xf32, #tpu.memory_space<vmem>>, vector<1x16xf32>,
      %add3A_576 = arith.constant 7 : i32
      %add3A_577 = arith.addi %mul3A_219, %add3A_576 : i32
      %swap3A_578 = arith.index_cast %add3A_577 : i32 to index
      %swap3A_579 = arith.constant 80 : index
      %swap3A_580 = tpu.vector_load %arg11[%swap3A_578, %swap3A_579] {strides = array<i32>} : memref<256x128xf32, #tpu.memory_space<vmem>>, vector<1x16xf32>,
      %swap3A_581 = vector.shape_cast %swap3A_580 : vector<1x16xf32> to vector<16xf32>
      %swap3A_582 = vector.shape_cast %while3A_470#15 : vector<16xf32> to vector<1x16xf32>
      tpu.vector_store %arg11[%swap3A_578, %swap3A_579], %swap3A_582 {strides = array<i32>} : memref<256x128xf32, #tpu.memory_space<vmem>>, vector<1x16xf32>,
      %add3A_583 = arith.constant 8 : i32
      %add3A_584 = arith.addi %mul3A_219, %add3A_583 : i32
      %swap3A_585 = arith.index_cast %add3A_584 : i32 to index
      %swap3A_586 = arith.constant 64 : index
      %swap3A_587 = tpu.vector_load %arg11[%swap3A_585, %swap3A_586] {strides = array<i32>} : memref<256x128xf32, #tpu.memory_space<vmem>>, vector<1x16xf32>,
      %swap3A_588 = vector.shape_cast %swap3A_587 : vector<1x16xf32> to vector<16xf32>
      %swap3A_589 = vector.shape_cast %while3A_470#16 : vector<16xf32> to vector<1x16xf32>
      tpu.vector_store %arg11[%swap3A_585, %swap3A_586], %swap3A_589 {strides = array<i32>} : memref<256x128xf32, #tpu.memory_space<vmem>>, vector<1x16xf32>,
      %add3A_590 = arith.constant 8 : i32
      %add3A_591 = arith.addi %mul3A_219, %add3A_590 : i32
      %swap3A_592 = arith.index_cast %add3A_591 : i32 to index
      %swap3A_593 = arith.constant 80 : index
      %swap3A_594 = tpu.vector_load %arg11[%swap3A_592, %swap3A_593] {strides = array<i32>} : memref<256x128xf32, #tpu.memory_space<vmem>>, vector<1x16xf32>,
      %swap3A_595 = vector.shape_cast %swap3A_594 : vector<1x16xf32> to vector<16xf32>
      %swap3A_596 = vector.shape_cast %while3A_470#17 : vector<16xf32> to vector<1x16xf32>
      tpu.vector_store %arg11[%swap3A_592, %swap3A_593], %swap3A_596 {strides = array<i32>} : memref<256x128xf32, #tpu.memory_space<vmem>>, vector<1x16xf32>,
      %add3A_597 = arith.constant 9 : i32
      %add3A_598 = arith.addi %mul3A_219, %add3A_597 : i32
      %swap3A_599 = arith.index_cast %add3A_598 : i32 to index
      %swap3A_600 = arith.constant 64 : index
      %swap3A_601 = tpu.vector_load %arg11[%swap3A_599, %swap3A_600] {strides = array<i32>} : memref<256x128xf32, #tpu.memory_space<vmem>>, vector<1x16xf32>,
      %swap3A_602 = vector.shape_cast %swap3A_601 : vector<1x16xf32> to vector<16xf32>
      %swap3A_603 = vector.shape_cast %while3A_470#18 : vector<16xf32> to vector<1x16xf32>
      tpu.vector_store %arg11[%swap3A_599, %swap3A_600], %swap3A_603 {strides = array<i32>} : memref<256x128xf32, #tpu.memory_space<vmem>>, vector<1x16xf32>,
      %add3A_604 = arith.constant 9 : i32
      %add3A_605 = arith.addi %mul3A_219, %add3A_604 : i32
      %swap3A_606 = arith.index_cast %add3A_605 : i32 to index
      %swap3A_607 = arith.constant 80 : index
      %swap3A_608 = tpu.vector_load %arg11[%swap3A_606, %swap3A_607] {strides = array<i32>} : memref<256x128xf32, #tpu.memory_space<vmem>>, vector<1x16xf32>,
      %swap3A_609 = vector.shape_cast %swap3A_608 : vector<1x16xf32> to vector<16xf32>
      %swap3A_610 = vector.shape_cast %while3A_470#19 : vector<16xf32> to vector<1x16xf32>
      tpu.vector_store %arg11[%swap3A_606, %swap3A_607], %swap3A_610 {strides = array<i32>} : memref<256x128xf32, #tpu.memory_space<vmem>>, vector<1x16xf32>,
      %add3A_611 = arith.constant 10 : i32
      %add3A_612 = arith.addi %mul3A_219, %add3A_611 : i32
      %swap3A_613 = arith.index_cast %add3A_612 : i32 to index
      %swap3A_614 = arith.constant 64 : index
      %swap3A_615 = tpu.vector_load %arg11[%swap3A_613, %swap3A_614] {strides = array<i32>} : memref<256x128xf32, #tpu.memory_space<vmem>>, vector<1x16xf32>,
      %swap3A_616 = vector.shape_cast %swap3A_615 : vector<1x16xf32> to vector<16xf32>
      %swap3A_617 = vector.shape_cast %while3A_470#20 : vector<16xf32> to vector<1x16xf32>
      tpu.vector_store %arg11[%swap3A_613, %swap3A_614], %swap3A_617 {strides = array<i32>} : memref<256x128xf32, #tpu.memory_space<vmem>>, vector<1x16xf32>,
      %add3A_618 = arith.constant 10 : i32
      %add3A_619 = arith.addi %mul3A_219, %add3A_618 : i32
      %swap3A_620 = arith.index_cast %add3A_619 : i32 to index
      %swap3A_621 = arith.constant 80 : index
      %swap3A_622 = tpu.vector_load %arg11[%swap3A_620, %swap3A_621] {strides = array<i32>} : memref<256x128xf32, #tpu.memory_space<vmem>>, vector<1x16xf32>,
      %swap3A_623 = vector.shape_cast %swap3A_622 : vector<1x16xf32> to vector<16xf32>
      %swap3A_624 = vector.shape_cast %while3A_470#21 : vector<16xf32> to vector<1x16xf32>
      tpu.vector_store %arg11[%swap3A_620, %swap3A_621], %swap3A_624 {strides = array<i32>} : memref<256x128xf32, #tpu.memory_space<vmem>>, vector<1x16xf32>,
      %add3A_625 = arith.constant 11 : i32
      %add3A_626 = arith.addi %mul3A_219, %add3A_625 : i32
      %swap3A_627 = arith.index_cast %add3A_626 : i32 to index
      %swap3A_628 = arith.constant 64 : index
      %swap3A_629 = tpu.vector_load %arg11[%swap3A_627, %swap3A_628] {strides = array<i32>} : memref<256x128xf32, #tpu.memory_space<vmem>>, vector<1x16xf32>,
      %swap3A_630 = vector.shape_cast %swap3A_629 : vector<1x16xf32> to vector<16xf32>
      %swap3A_631 = vector.shape_cast %while3A_470#22 : vector<16xf32> to vector<1x16xf32>
      tpu.vector_store %arg11[%swap3A_627, %swap3A_628], %swap3A_631 {strides = array<i32>} : memref<256x128xf32, #tpu.memory_space<vmem>>, vector<1x16xf32>,
      %add3A_632 = arith.constant 11 : i32
      %add3A_633 = arith.addi %mul3A_219, %add3A_632 : i32
      %swap3A_634 = arith.index_cast %add3A_633 : i32 to index
      %swap3A_635 = arith.constant 80 : index
      %swap3A_636 = tpu.vector_load %arg11[%swap3A_634, %swap3A_635] {strides = array<i32>} : memref<256x128xf32, #tpu.memory_space<vmem>>, vector<1x16xf32>,
      %swap3A_637 = vector.shape_cast %swap3A_636 : vector<1x16xf32> to vector<16xf32>
      %swap3A_638 = vector.shape_cast %while3A_470#23 : vector<16xf32> to vector<1x16xf32>
      tpu.vector_store %arg11[%swap3A_634, %swap3A_635], %swap3A_638 {strides = array<i32>} : memref<256x128xf32, #tpu.memory_space<vmem>>, vector<1x16xf32>,
      %add3A_639 = arith.constant 12 : i32
      %add3A_640 = arith.addi %mul3A_219, %add3A_639 : i32
      %swap3A_641 = arith.index_cast %add3A_640 : i32 to index
      %swap3A_642 = arith.constant 64 : index
      %swap3A_643 = tpu.vector_load %arg11[%swap3A_641, %swap3A_642] {strides = array<i32>} : memref<256x128xf32, #tpu.memory_space<vmem>>, vector<1x16xf32>,
      %swap3A_644 = vector.shape_cast %swap3A_643 : vector<1x16xf32> to vector<16xf32>
      %swap3A_645 = vector.shape_cast %while3A_470#24 : vector<16xf32> to vector<1x16xf32>
      tpu.vector_store %arg11[%swap3A_641, %swap3A_642], %swap3A_645 {strides = array<i32>} : memref<256x128xf32, #tpu.memory_space<vmem>>, vector<1x16xf32>,
      %add3A_646 = arith.constant 12 : i32
      %add3A_647 = arith.addi %mul3A_219, %add3A_646 : i32
      %swap3A_648 = arith.index_cast %add3A_647 : i32 to index
      %swap3A_649 = arith.constant 80 : index
      %swap3A_650 = tpu.vector_load %arg11[%swap3A_648, %swap3A_649] {strides = array<i32>} : memref<256x128xf32, #tpu.memory_space<vmem>>, vector<1x16xf32>,
      %swap3A_651 = vector.shape_cast %swap3A_650 : vector<1x16xf32> to vector<16xf32>
      %swap3A_652 = vector.shape_cast %while3A_470#25 : vector<16xf32> to vector<1x16xf32>
      tpu.vector_store %arg11[%swap3A_648, %swap3A_649], %swap3A_652 {strides = array<i32>} : memref<256x128xf32, #tpu.memory_space<vmem>>, vector<1x16xf32>,
      %add3A_653 = arith.constant 13 : i32
      %add3A_654 = arith.addi %mul3A_219, %add3A_653 : i32
      %swap3A_655 = arith.index_cast %add3A_654 : i32 to index
      %swap3A_656 = arith.constant 64 : index
      %swap3A_657 = tpu.vector_load %arg11[%swap3A_655, %swap3A_656] {strides = array<i32>} : memref<256x128xf32, #tpu.memory_space<vmem>>, vector<1x16xf32>,
      %swap3A_658 = vector.shape_cast %swap3A_657 : vector<1x16xf32> to vector<16xf32>
      %swap3A_659 = vector.shape_cast %while3A_470#26 : vector<16xf32> to vector<1x16xf32>
      tpu.vector_store %arg11[%swap3A_655, %swap3A_656], %swap3A_659 {strides = array<i32>} : memref<256x128xf32, #tpu.memory_space<vmem>>, vector<1x16xf32>,
      %add3A_660 = arith.constant 13 : i32
      %add3A_661 = arith.addi %mul3A_219, %add3A_660 : i32
      %swap3A_662 = arith.index_cast %add3A_661 : i32 to index
      %swap3A_663 = arith.constant 80 : index
      %swap3A_664 = tpu.vector_load %arg11[%swap3A_662, %swap3A_663] {strides = array<i32>} : memref<256x128xf32, #tpu.memory_space<vmem>>, vector<1x16xf32>,
      %swap3A_665 = vector.shape_cast %swap3A_664 : vector<1x16xf32> to vector<16xf32>
      %swap3A_666 = vector.shape_cast %while3A_470#27 : vector<16xf32> to vector<1x16xf32>
      tpu.vector_store %arg11[%swap3A_662, %swap3A_663], %swap3A_666 {strides = array<i32>} : memref<256x128xf32, #tpu.memory_space<vmem>>, vector<1x16xf32>,
      %add3A_667 = arith.constant 14 : i32
      %add3A_668 = arith.addi %mul3A_219, %add3A_667 : i32
      %swap3A_669 = arith.index_cast %add3A_668 : i32 to index
      %swap3A_670 = arith.constant 64 : index
      %swap3A_671 = tpu.vector_load %arg11[%swap3A_669, %swap3A_670] {strides = array<i32>} : memref<256x128xf32, #tpu.memory_space<vmem>>, vector<1x16xf32>,
      %swap3A_672 = vector.shape_cast %swap3A_671 : vector<1x16xf32> to vector<16xf32>
      %swap3A_673 = vector.shape_cast %while3A_470#28 : vector<16xf32> to vector<1x16xf32>
      tpu.vector_store %arg11[%swap3A_669, %swap3A_670], %swap3A_673 {strides = array<i32>} : memref<256x128xf32, #tpu.memory_space<vmem>>, vector<1x16xf32>,
      %add3A_674 = arith.constant 14 : i32
      %add3A_675 = arith.addi %mul3A_219, %add3A_674 : i32
      %swap3A_676 = arith.index_cast %add3A_675 : i32 to index
      %swap3A_677 = arith.constant 80 : index
      %swap3A_678 = tpu.vector_load %arg11[%swap3A_676, %swap3A_677] {strides = array<i32>} : memref<256x128xf32, #tpu.memory_space<vmem>>, vector<1x16xf32>,
      %swap3A_679 = vector.shape_cast %swap3A_678 : vector<1x16xf32> to vector<16xf32>
      %swap3A_680 = vector.shape_cast %while3A_470#29 : vector<16xf32> to vector<1x16xf32>
      tpu.vector_store %arg11[%swap3A_676, %swap3A_677], %swap3A_680 {strides = array<i32>} : memref<256x128xf32, #tpu.memory_space<vmem>>, vector<1x16xf32>,
      %add3A_681 = arith.constant 15 : i32
      %add3A_682 = arith.addi %mul3A_219, %add3A_681 : i32
      %swap3A_683 = arith.index_cast %add3A_682 : i32 to index
      %swap3A_684 = arith.constant 64 : index
      %swap3A_685 = tpu.vector_load %arg11[%swap3A_683, %swap3A_684] {strides = array<i32>} : memref<256x128xf32, #tpu.memory_space<vmem>>, vector<1x16xf32>,
      %swap3A_686 = vector.shape_cast %swap3A_685 : vector<1x16xf32> to vector<16xf32>
      %swap3A_687 = vector.shape_cast %while3A_470#30 : vector<16xf32> to vector<1x16xf32>
      tpu.vector_store %arg11[%swap3A_683, %swap3A_684], %swap3A_687 {strides = array<i32>} : memref<256x128xf32, #tpu.memory_space<vmem>>, vector<1x16xf32>,
      %add3A_688 = arith.constant 15 : i32
      %add3A_689 = arith.addi %mul3A_219, %add3A_688 : i32
      %swap3A_690 = arith.index_cast %add3A_689 : i32 to index
      %swap3A_691 = arith.constant 80 : index
      %swap3A_692 = tpu.vector_load %arg11[%swap3A_690, %swap3A_691] {strides = array<i32>} : memref<256x128xf32, #tpu.memory_space<vmem>>, vector<1x16xf32>,
      %swap3A_693 = vector.shape_cast %swap3A_692 : vector<1x16xf32> to vector<16xf32>
      %swap3A_694 = vector.shape_cast %while3A_470#31 : vector<16xf32> to vector<1x16xf32>
      tpu.vector_store %arg11[%swap3A_690, %swap3A_691], %swap3A_694 {strides = array<i32>} : memref<256x128xf32, #tpu.memory_space<vmem>>, vector<1x16xf32>,
      %dma_start3A_695 = arith.constant 0 : i32
      %dma_start3A_696 = tpu.memref_slice %arg11[%mul3A_219, %dma_start3A_695] : memref<256x128xf32, #tpu.memory_space<vmem>> -> memref<16x128xf32, #tpu.memory_space<vmem>>
      %dma_start3A_697 = arith.constant 0 : i32
      %dma_start3A_698 = tpu.memref_slice %arg5[%add3A, %mul3A_219, %dma_start3A_697] : memref<32x256x128xf32, #tpu.memory_space<hbm>> -> memref<1x16x128xf32, #tpu.memory_space<hbm>>
      %dma_start3A_699 = tpu.memref_squeeze %dma_start3A_698 : memref<1x16x128xf32, #tpu.memory_space<hbm>> -> memref<16x128xf32, #tpu.memory_space<hbm>>
      %dma_start3A_700 = arith.constant 0 : i32
      %dma_start3A_701 = tpu.memref_slice %arg5[%add3A, %mul3A_219, %dma_start3A_700] : memref<32x256x128xf32, #tpu.memory_space<hbm>> -> memref<1x16x128xf32, #tpu.memory_space<hbm>>
      %dma_start3A_702 = tpu.memref_squeeze %dma_start3A_701 : memref<1x16x128xf32, #tpu.memory_space<hbm>> -> memref<16x128xf32, #tpu.memory_space<hbm>>
      %dma_start3A_703 = arith.constant 0 : i32
      %dma_start3A_704 = tpu.memref_slice %arg11[%mul3A_219, %dma_start3A_703] : memref<256x128xf32, #tpu.memory_space<vmem>> -> memref<16x128xf32, #tpu.memory_space<vmem>>
      tpu.enqueue_dma source(%dma_start3A_704 : memref<16x128xf32, #tpu.memory_space<vmem>>) target(%dma_start3A_702 : memref<16x128xf32, #tpu.memory_space<hbm>>) target_semaphore(%arg16 : memref<!tpu.dma_semaphore, #tpu.memory_space<semaphore_mem>>)
      %scan3A_705 = arith.constant 0 : i32
      scf.yield %scan3A_705 : i32
    }
    %scan3A_207 = arith.constant 16 : i32
    "tpu.region"() ({
      %run_scoped3A = tpu.sem_alloc : memref<!tpu.dma_semaphore, #tpu.memory_space<semaphore_mem>>
      %dma_start3A_216 = arith.constant 0 : i32
      %dma_start3A_217 = tpu.memref_slice %arg6[%add3A, %dma_start3A_216] : memref<32x256xf32, #tpu.memory_space<hbm>> -> memref<1x256xf32, #tpu.memory_space<hbm>>
      %dma_start3A_218 = tpu.memref_squeeze %dma_start3A_217 : memref<1x256xf32, #tpu.memory_space<hbm>> -> memref<256xf32, #tpu.memory_space<hbm>>
      %dma_start3A_219 = arith.constant 0 : i32
      %dma_start3A_220 = tpu.memref_slice %arg6[%add3A, %dma_start3A_219] : memref<32x256xf32, #tpu.memory_space<hbm>> -> memref<1x256xf32, #tpu.memory_space<hbm>>
      %dma_start3A_221 = tpu.memref_squeeze %dma_start3A_220 : memref<1x256xf32, #tpu.memory_space<hbm>> -> memref<256xf32, #tpu.memory_space<hbm>>
      tpu.enqueue_dma source(%arg12 : memref<256xf32, #tpu.memory_space<vmem>>) target(%dma_start3A_221 : memref<256xf32, #tpu.memory_space<hbm>>) target_semaphore(%run_scoped3A : memref<!tpu.dma_semaphore, #tpu.memory_space<semaphore_mem>>)
      %dma_wait3A_222 = arith.constant 0 : i32
      %dma_wait3A_223 = tpu.memref_slice %arg6[%add3A, %dma_wait3A_222] : memref<32x256xf32, #tpu.memory_space<hbm>> -> memref<1x256xf32, #tpu.memory_space<hbm>>
      %dma_wait3A_224 = tpu.memref_squeeze %dma_wait3A_223 : memref<1x256xf32, #tpu.memory_space<hbm>> -> memref<256xf32, #tpu.memory_space<hbm>>
      %dma_wait3A_225 = arith.constant 0 : i32
      %dma_wait3A_226 = tpu.memref_slice %arg6[%add3A, %dma_wait3A_225] : memref<32x256xf32, #tpu.memory_space<hbm>> -> memref<1x256xf32, #tpu.memory_space<hbm>>
      %dma_wait3A_227 = tpu.memref_squeeze %dma_wait3A_226 : memref<1x256xf32, #tpu.memory_space<hbm>> -> memref<256xf32, #tpu.memory_space<hbm>>
      tpu.wait_dma2 semaphore(%run_scoped3A : memref<!tpu.dma_semaphore, #tpu.memory_space<semaphore_mem>>) src(%arg12 : memref<256xf32, #tpu.memory_space<vmem>>) dst(%dma_wait3A_227 : memref<256xf32, #tpu.memory_space<hbm>>)
      tpu.yield
    }) : () -> ()
    "tpu.region"() ({
      %run_scoped3A = tpu.sem_alloc : memref<!tpu.dma_semaphore, #tpu.memory_space<semaphore_mem>>
      %dma_start3A_216 = arith.constant 0 : i32
      %dma_start3A_217 = tpu.memref_slice %arg7[%add3A, %dma_start3A_216] : memref<32x16xf32, #tpu.memory_space<hbm>> -> memref<1x16xf32, #tpu.memory_space<hbm>>
      %dma_start3A_218 = tpu.memref_squeeze %dma_start3A_217 : memref<1x16xf32, #tpu.memory_space<hbm>> -> memref<16xf32, #tpu.memory_space<hbm>>
      %dma_start3A_219 = arith.constant 0 : i32
      %dma_start3A_220 = tpu.memref_slice %arg7[%add3A, %dma_start3A_219] : memref<32x16xf32, #tpu.memory_space<hbm>> -> memref<1x16xf32, #tpu.memory_space<hbm>>
      %dma_start3A_221 = tpu.memref_squeeze %dma_start3A_220 : memref<1x16xf32, #tpu.memory_space<hbm>> -> memref<16xf32, #tpu.memory_space<hbm>>
      tpu.enqueue_dma source(%arg13 : memref<16xf32, #tpu.memory_space<vmem>>) target(%dma_start3A_221 : memref<16xf32, #tpu.memory_space<hbm>>) target_semaphore(%run_scoped3A : memref<!tpu.dma_semaphore, #tpu.memory_space<semaphore_mem>>)
      %dma_wait3A_222 = arith.constant 0 : i32
      %dma_wait3A_223 = tpu.memref_slice %arg7[%add3A, %dma_wait3A_222] : memref<32x16xf32, #tpu.memory_space<hbm>> -> memref<1x16xf32, #tpu.memory_space<hbm>>
      %dma_wait3A_224 = tpu.memref_squeeze %dma_wait3A_223 : memref<1x16xf32, #tpu.memory_space<hbm>> -> memref<16xf32, #tpu.memory_space<hbm>>
      %dma_wait3A_225 = arith.constant 0 : i32
      %dma_wait3A_226 = tpu.memref_slice %arg7[%add3A, %dma_wait3A_225] : memref<32x16xf32, #tpu.memory_space<hbm>> -> memref<1x16xf32, #tpu.memory_space<hbm>>
      %dma_wait3A_227 = tpu.memref_squeeze %dma_wait3A_226 : memref<1x16xf32, #tpu.memory_space<hbm>> -> memref<16xf32, #tpu.memory_space<hbm>>
      tpu.wait_dma2 semaphore(%run_scoped3A : memref<!tpu.dma_semaphore, #tpu.memory_space<semaphore_mem>>) src(%arg13 : memref<16xf32, #tpu.memory_space<vmem>>) dst(%dma_wait3A_227 : memref<16xf32, #tpu.memory_space<hbm>>)
      tpu.yield
    }) : () -> ()
    %dma_wait3A_208 = arith.constant 0 : i32
    %dma_wait3A_209 = arith.constant 0 : i32
    %dma_wait3A_210 = tpu.memref_slice %arg5[%add3A, %dma_wait3A_208, %dma_wait3A_209] : memref<32x256x128xf32, #tpu.memory_space<hbm>> -> memref<1x256x128xf32, #tpu.memory_space<hbm>>
    %dma_wait3A_211 = tpu.memref_squeeze %dma_wait3A_210 : memref<1x256x128xf32, #tpu.memory_space<hbm>> -> memref<256x128xf32, #tpu.memory_space<hbm>>
    %dma_wait3A_212 = arith.constant 0 : i32
    %dma_wait3A_213 = arith.constant 0 : i32
    %dma_wait3A_214 = tpu.memref_slice %arg5[%add3A, %dma_wait3A_212, %dma_wait3A_213] : memref<32x256x128xf32, #tpu.memory_space<hbm>> -> memref<1x256x128xf32, #tpu.memory_space<hbm>>
    %dma_wait3A_215 = tpu.memref_squeeze %dma_wait3A_214 : memref<1x256x128xf32, #tpu.memory_space<hbm>> -> memref<256x128xf32, #tpu.memory_space<hbm>>
    tpu.wait_dma2 semaphore(%arg16 : memref<!tpu.dma_semaphore, #tpu.memory_space<semaphore_mem>>) src(%dma_wait3A_215 : memref<256x128xf32, #tpu.memory_space<hbm>>) dst(%arg11 : memref<256x128xf32, #tpu.memory_space<vmem>>)
    return
  }
}

module attributes {stable_mosaic.version = 14 : i64} {
  func.func @_tc_finalize_body(%arg0: memref<32x256x128xf32, #tpu.memory_space<vmem>>, %arg1: memref<32x256xf32, #tpu.memory_space<vmem>>, %arg2: memref<32x16xf32, #tpu.memory_space<vmem>>, %arg3: memref<128x128xf32, #tpu.memory_space<vmem>>, %arg4: memref<1x128xf32, #tpu.memory_space<vmem>>, %arg5: memref<16x128xf32, #tpu.memory_space<vmem>>, %arg6: memref<256x128xf32, #tpu.memory_space<vmem>>) attributes {dimension_semantics = [], scalar_prefetch = 0 : i64, scratch_operands = 0 : i64, tpu.core_type = #tpu.core_type<tc>} {
    %get3A = arith.constant 0 : index
    %get3A_0 = arith.constant 0 : index
    %get3A_1 = arith.constant 0 : index
    %get3A_2 = vector.load %arg0[%get3A, %get3A_0, %get3A_1] : memref<32x256x128xf32, #tpu.memory_space<vmem>>, vector<1x256x128xf32>
    %get3A_3 = vector.shape_cast %get3A_2 : vector<1x256x128xf32> to vector<256x128xf32>
    %get3A_4 = arith.constant 1 : index
    %get3A_5 = arith.constant 0 : index
    %get3A_6 = arith.constant 0 : index
    %get3A_7 = vector.load %arg0[%get3A_4, %get3A_5, %get3A_6] : memref<32x256x128xf32, #tpu.memory_space<vmem>>, vector<1x256x128xf32>
    %get3A_8 = vector.shape_cast %get3A_7 : vector<1x256x128xf32> to vector<256x128xf32>
    %add3A = arith.addf %get3A_3, %get3A_8 : vector<256x128xf32>
    %get3A_9 = arith.constant 2 : index
    %get3A_10 = arith.constant 0 : index
    %get3A_11 = arith.constant 0 : index
    %get3A_12 = vector.load %arg0[%get3A_9, %get3A_10, %get3A_11] : memref<32x256x128xf32, #tpu.memory_space<vmem>>, vector<1x256x128xf32>
    %get3A_13 = vector.shape_cast %get3A_12 : vector<1x256x128xf32> to vector<256x128xf32>
    %add3A_14 = arith.addf %add3A, %get3A_13 : vector<256x128xf32>
    %get3A_15 = arith.constant 3 : index
    %get3A_16 = arith.constant 0 : index
    %get3A_17 = arith.constant 0 : index
    %get3A_18 = vector.load %arg0[%get3A_15, %get3A_16, %get3A_17] : memref<32x256x128xf32, #tpu.memory_space<vmem>>, vector<1x256x128xf32>
    %get3A_19 = vector.shape_cast %get3A_18 : vector<1x256x128xf32> to vector<256x128xf32>
    %add3A_20 = arith.addf %add3A_14, %get3A_19 : vector<256x128xf32>
    %get3A_21 = arith.constant 4 : index
    %get3A_22 = arith.constant 0 : index
    %get3A_23 = arith.constant 0 : index
    %get3A_24 = vector.load %arg0[%get3A_21, %get3A_22, %get3A_23] : memref<32x256x128xf32, #tpu.memory_space<vmem>>, vector<1x256x128xf32>
    %get3A_25 = vector.shape_cast %get3A_24 : vector<1x256x128xf32> to vector<256x128xf32>
    %add3A_26 = arith.addf %add3A_20, %get3A_25 : vector<256x128xf32>
    %get3A_27 = arith.constant 5 : index
    %get3A_28 = arith.constant 0 : index
    %get3A_29 = arith.constant 0 : index
    %get3A_30 = vector.load %arg0[%get3A_27, %get3A_28, %get3A_29] : memref<32x256x128xf32, #tpu.memory_space<vmem>>, vector<1x256x128xf32>
    %get3A_31 = vector.shape_cast %get3A_30 : vector<1x256x128xf32> to vector<256x128xf32>
    %add3A_32 = arith.addf %add3A_26, %get3A_31 : vector<256x128xf32>
    %get3A_33 = arith.constant 6 : index
    %get3A_34 = arith.constant 0 : index
    %get3A_35 = arith.constant 0 : index
    %get3A_36 = vector.load %arg0[%get3A_33, %get3A_34, %get3A_35] : memref<32x256x128xf32, #tpu.memory_space<vmem>>, vector<1x256x128xf32>
    %get3A_37 = vector.shape_cast %get3A_36 : vector<1x256x128xf32> to vector<256x128xf32>
    %add3A_38 = arith.addf %add3A_32, %get3A_37 : vector<256x128xf32>
    %get3A_39 = arith.constant 7 : index
    %get3A_40 = arith.constant 0 : index
    %get3A_41 = arith.constant 0 : index
    %get3A_42 = vector.load %arg0[%get3A_39, %get3A_40, %get3A_41] : memref<32x256x128xf32, #tpu.memory_space<vmem>>, vector<1x256x128xf32>
    %get3A_43 = vector.shape_cast %get3A_42 : vector<1x256x128xf32> to vector<256x128xf32>
    %add3A_44 = arith.addf %add3A_38, %get3A_43 : vector<256x128xf32>
    %get3A_45 = arith.constant 8 : index
    %get3A_46 = arith.constant 0 : index
    %get3A_47 = arith.constant 0 : index
    %get3A_48 = vector.load %arg0[%get3A_45, %get3A_46, %get3A_47] : memref<32x256x128xf32, #tpu.memory_space<vmem>>, vector<1x256x128xf32>
    %get3A_49 = vector.shape_cast %get3A_48 : vector<1x256x128xf32> to vector<256x128xf32>
    %add3A_50 = arith.addf %add3A_44, %get3A_49 : vector<256x128xf32>
    %get3A_51 = arith.constant 9 : index
    %get3A_52 = arith.constant 0 : index
    %get3A_53 = arith.constant 0 : index
    %get3A_54 = vector.load %arg0[%get3A_51, %get3A_52, %get3A_53] : memref<32x256x128xf32, #tpu.memory_space<vmem>>, vector<1x256x128xf32>
    %get3A_55 = vector.shape_cast %get3A_54 : vector<1x256x128xf32> to vector<256x128xf32>
    %add3A_56 = arith.addf %add3A_50, %get3A_55 : vector<256x128xf32>
    %get3A_57 = arith.constant 10 : index
    %get3A_58 = arith.constant 0 : index
    %get3A_59 = arith.constant 0 : index
    %get3A_60 = vector.load %arg0[%get3A_57, %get3A_58, %get3A_59] : memref<32x256x128xf32, #tpu.memory_space<vmem>>, vector<1x256x128xf32>
    %get3A_61 = vector.shape_cast %get3A_60 : vector<1x256x128xf32> to vector<256x128xf32>
    %add3A_62 = arith.addf %add3A_56, %get3A_61 : vector<256x128xf32>
    %get3A_63 = arith.constant 11 : index
    %get3A_64 = arith.constant 0 : index
    %get3A_65 = arith.constant 0 : index
    %get3A_66 = vector.load %arg0[%get3A_63, %get3A_64, %get3A_65] : memref<32x256x128xf32, #tpu.memory_space<vmem>>, vector<1x256x128xf32>
    %get3A_67 = vector.shape_cast %get3A_66 : vector<1x256x128xf32> to vector<256x128xf32>
    %add3A_68 = arith.addf %add3A_62, %get3A_67 : vector<256x128xf32>
    %get3A_69 = arith.constant 12 : index
    %get3A_70 = arith.constant 0 : index
    %get3A_71 = arith.constant 0 : index
    %get3A_72 = vector.load %arg0[%get3A_69, %get3A_70, %get3A_71] : memref<32x256x128xf32, #tpu.memory_space<vmem>>, vector<1x256x128xf32>
    %get3A_73 = vector.shape_cast %get3A_72 : vector<1x256x128xf32> to vector<256x128xf32>
    %add3A_74 = arith.addf %add3A_68, %get3A_73 : vector<256x128xf32>
    %get3A_75 = arith.constant 13 : index
    %get3A_76 = arith.constant 0 : index
    %get3A_77 = arith.constant 0 : index
    %get3A_78 = vector.load %arg0[%get3A_75, %get3A_76, %get3A_77] : memref<32x256x128xf32, #tpu.memory_space<vmem>>, vector<1x256x128xf32>
    %get3A_79 = vector.shape_cast %get3A_78 : vector<1x256x128xf32> to vector<256x128xf32>
    %add3A_80 = arith.addf %add3A_74, %get3A_79 : vector<256x128xf32>
    %get3A_81 = arith.constant 14 : index
    %get3A_82 = arith.constant 0 : index
    %get3A_83 = arith.constant 0 : index
    %get3A_84 = vector.load %arg0[%get3A_81, %get3A_82, %get3A_83] : memref<32x256x128xf32, #tpu.memory_space<vmem>>, vector<1x256x128xf32>
    %get3A_85 = vector.shape_cast %get3A_84 : vector<1x256x128xf32> to vector<256x128xf32>
    %add3A_86 = arith.addf %add3A_80, %get3A_85 : vector<256x128xf32>
    %get3A_87 = arith.constant 15 : index
    %get3A_88 = arith.constant 0 : index
    %get3A_89 = arith.constant 0 : index
    %get3A_90 = vector.load %arg0[%get3A_87, %get3A_88, %get3A_89] : memref<32x256x128xf32, #tpu.memory_space<vmem>>, vector<1x256x128xf32>
    %get3A_91 = vector.shape_cast %get3A_90 : vector<1x256x128xf32> to vector<256x128xf32>
    %add3A_92 = arith.addf %add3A_86, %get3A_91 : vector<256x128xf32>
    %get3A_93 = arith.constant 16 : index
    %get3A_94 = arith.constant 0 : index
    %get3A_95 = arith.constant 0 : index
    %get3A_96 = vector.load %arg0[%get3A_93, %get3A_94, %get3A_95] : memref<32x256x128xf32, #tpu.memory_space<vmem>>, vector<1x256x128xf32>
    %get3A_97 = vector.shape_cast %get3A_96 : vector<1x256x128xf32> to vector<256x128xf32>
    %add3A_98 = arith.addf %add3A_92, %get3A_97 : vector<256x128xf32>
    %get3A_99 = arith.constant 17 : index
    %get3A_100 = arith.constant 0 : index
    %get3A_101 = arith.constant 0 : index
    %get3A_102 = vector.load %arg0[%get3A_99, %get3A_100, %get3A_101] : memref<32x256x128xf32, #tpu.memory_space<vmem>>, vector<1x256x128xf32>
    %get3A_103 = vector.shape_cast %get3A_102 : vector<1x256x128xf32> to vector<256x128xf32>
    %add3A_104 = arith.addf %add3A_98, %get3A_103 : vector<256x128xf32>
    %get3A_105 = arith.constant 18 : index
    %get3A_106 = arith.constant 0 : index
    %get3A_107 = arith.constant 0 : index
    %get3A_108 = vector.load %arg0[%get3A_105, %get3A_106, %get3A_107] : memref<32x256x128xf32, #tpu.memory_space<vmem>>, vector<1x256x128xf32>
    %get3A_109 = vector.shape_cast %get3A_108 : vector<1x256x128xf32> to vector<256x128xf32>
    %add3A_110 = arith.addf %add3A_104, %get3A_109 : vector<256x128xf32>
    %get3A_111 = arith.constant 19 : index
    %get3A_112 = arith.constant 0 : index
    %get3A_113 = arith.constant 0 : index
    %get3A_114 = vector.load %arg0[%get3A_111, %get3A_112, %get3A_113] : memref<32x256x128xf32, #tpu.memory_space<vmem>>, vector<1x256x128xf32>
    %get3A_115 = vector.shape_cast %get3A_114 : vector<1x256x128xf32> to vector<256x128xf32>
    %add3A_116 = arith.addf %add3A_110, %get3A_115 : vector<256x128xf32>
    %get3A_117 = arith.constant 20 : index
    %get3A_118 = arith.constant 0 : index
    %get3A_119 = arith.constant 0 : index
    %get3A_120 = vector.load %arg0[%get3A_117, %get3A_118, %get3A_119] : memref<32x256x128xf32, #tpu.memory_space<vmem>>, vector<1x256x128xf32>
    %get3A_121 = vector.shape_cast %get3A_120 : vector<1x256x128xf32> to vector<256x128xf32>
    %add3A_122 = arith.addf %add3A_116, %get3A_121 : vector<256x128xf32>
    %get3A_123 = arith.constant 21 : index
    %get3A_124 = arith.constant 0 : index
    %get3A_125 = arith.constant 0 : index
    %get3A_126 = vector.load %arg0[%get3A_123, %get3A_124, %get3A_125] : memref<32x256x128xf32, #tpu.memory_space<vmem>>, vector<1x256x128xf32>
    %get3A_127 = vector.shape_cast %get3A_126 : vector<1x256x128xf32> to vector<256x128xf32>
    %add3A_128 = arith.addf %add3A_122, %get3A_127 : vector<256x128xf32>
    %get3A_129 = arith.constant 22 : index
    %get3A_130 = arith.constant 0 : index
    %get3A_131 = arith.constant 0 : index
    %get3A_132 = vector.load %arg0[%get3A_129, %get3A_130, %get3A_131] : memref<32x256x128xf32, #tpu.memory_space<vmem>>, vector<1x256x128xf32>
    %get3A_133 = vector.shape_cast %get3A_132 : vector<1x256x128xf32> to vector<256x128xf32>
    %add3A_134 = arith.addf %add3A_128, %get3A_133 : vector<256x128xf32>
    %get3A_135 = arith.constant 23 : index
    %get3A_136 = arith.constant 0 : index
    %get3A_137 = arith.constant 0 : index
    %get3A_138 = vector.load %arg0[%get3A_135, %get3A_136, %get3A_137] : memref<32x256x128xf32, #tpu.memory_space<vmem>>, vector<1x256x128xf32>
    %get3A_139 = vector.shape_cast %get3A_138 : vector<1x256x128xf32> to vector<256x128xf32>
    %add3A_140 = arith.addf %add3A_134, %get3A_139 : vector<256x128xf32>
    %get3A_141 = arith.constant 24 : index
    %get3A_142 = arith.constant 0 : index
    %get3A_143 = arith.constant 0 : index
    %get3A_144 = vector.load %arg0[%get3A_141, %get3A_142, %get3A_143] : memref<32x256x128xf32, #tpu.memory_space<vmem>>, vector<1x256x128xf32>
    %get3A_145 = vector.shape_cast %get3A_144 : vector<1x256x128xf32> to vector<256x128xf32>
    %add3A_146 = arith.addf %add3A_140, %get3A_145 : vector<256x128xf32>
    %get3A_147 = arith.constant 25 : index
    %get3A_148 = arith.constant 0 : index
    %get3A_149 = arith.constant 0 : index
    %get3A_150 = vector.load %arg0[%get3A_147, %get3A_148, %get3A_149] : memref<32x256x128xf32, #tpu.memory_space<vmem>>, vector<1x256x128xf32>
    %get3A_151 = vector.shape_cast %get3A_150 : vector<1x256x128xf32> to vector<256x128xf32>
    %add3A_152 = arith.addf %add3A_146, %get3A_151 : vector<256x128xf32>
    %get3A_153 = arith.constant 26 : index
    %get3A_154 = arith.constant 0 : index
    %get3A_155 = arith.constant 0 : index
    %get3A_156 = vector.load %arg0[%get3A_153, %get3A_154, %get3A_155] : memref<32x256x128xf32, #tpu.memory_space<vmem>>, vector<1x256x128xf32>
    %get3A_157 = vector.shape_cast %get3A_156 : vector<1x256x128xf32> to vector<256x128xf32>
    %add3A_158 = arith.addf %add3A_152, %get3A_157 : vector<256x128xf32>
    %get3A_159 = arith.constant 27 : index
    %get3A_160 = arith.constant 0 : index
    %get3A_161 = arith.constant 0 : index
    %get3A_162 = vector.load %arg0[%get3A_159, %get3A_160, %get3A_161] : memref<32x256x128xf32, #tpu.memory_space<vmem>>, vector<1x256x128xf32>
    %get3A_163 = vector.shape_cast %get3A_162 : vector<1x256x128xf32> to vector<256x128xf32>
    %add3A_164 = arith.addf %add3A_158, %get3A_163 : vector<256x128xf32>
    %get3A_165 = arith.constant 28 : index
    %get3A_166 = arith.constant 0 : index
    %get3A_167 = arith.constant 0 : index
    %get3A_168 = vector.load %arg0[%get3A_165, %get3A_166, %get3A_167] : memref<32x256x128xf32, #tpu.memory_space<vmem>>, vector<1x256x128xf32>
    %get3A_169 = vector.shape_cast %get3A_168 : vector<1x256x128xf32> to vector<256x128xf32>
    %add3A_170 = arith.addf %add3A_164, %get3A_169 : vector<256x128xf32>
    %get3A_171 = arith.constant 29 : index
    %get3A_172 = arith.constant 0 : index
    %get3A_173 = arith.constant 0 : index
    %get3A_174 = vector.load %arg0[%get3A_171, %get3A_172, %get3A_173] : memref<32x256x128xf32, #tpu.memory_space<vmem>>, vector<1x256x128xf32>
    %get3A_175 = vector.shape_cast %get3A_174 : vector<1x256x128xf32> to vector<256x128xf32>
    %add3A_176 = arith.addf %add3A_170, %get3A_175 : vector<256x128xf32>
    %get3A_177 = arith.constant 30 : index
    %get3A_178 = arith.constant 0 : index
    %get3A_179 = arith.constant 0 : index
    %get3A_180 = vector.load %arg0[%get3A_177, %get3A_178, %get3A_179] : memref<32x256x128xf32, #tpu.memory_space<vmem>>, vector<1x256x128xf32>
    %get3A_181 = vector.shape_cast %get3A_180 : vector<1x256x128xf32> to vector<256x128xf32>
    %add3A_182 = arith.addf %add3A_176, %get3A_181 : vector<256x128xf32>
    %get3A_183 = arith.constant 31 : index
    %get3A_184 = arith.constant 0 : index
    %get3A_185 = arith.constant 0 : index
    %get3A_186 = vector.load %arg0[%get3A_183, %get3A_184, %get3A_185] : memref<32x256x128xf32, #tpu.memory_space<vmem>>, vector<1x256x128xf32>
    %get3A_187 = vector.shape_cast %get3A_186 : vector<1x256x128xf32> to vector<256x128xf32>
    %add3A_188 = arith.addf %add3A_182, %get3A_187 : vector<256x128xf32>
    %get3A_189 = arith.constant 0 : index
    %get3A_190 = arith.constant 0 : index
    %get3A_191 = vector.load %arg1[%get3A_189, %get3A_190] : memref<32x256xf32, #tpu.memory_space<vmem>>, vector<32x256xf32>
    %reduce_sum3A = arith.constant dense<0.000000e+00> : vector<256xf32>
    %reduce_sum3A_192 = vector.multi_reduction <add>, %get3A_191, %reduce_sum3A [0] : vector<32x256xf32> to vector<256xf32>
    %broadcast_in_dim3A = vector.shape_cast %reduce_sum3A_192 : vector<256xf32> to vector<1x256xf32>
    %get3A_193 = arith.constant 0 : index
    %get3A_194 = arith.constant 0 : index
    %get3A_195 = vector.load %arg2[%get3A_193, %get3A_194] : memref<32x16xf32, #tpu.memory_space<vmem>>, vector<32x16xf32>
    %reduce_sum3A_196 = arith.constant dense<0.000000e+00> : vector<16xf32>
    %reduce_sum3A_197 = vector.multi_reduction <add>, %get3A_195, %reduce_sum3A_196 [0] : vector<32x16xf32> to vector<16xf32>
    %broadcast_in_dim3A_198 = vector.shape_cast %reduce_sum3A_197 : vector<16xf32> to vector<1x16xf32>
    %max3A = arith.constant 1.000000e+00 : f32
    %max3A_199 = vector.broadcast %max3A : f32 to vector<1x16xf32>
    %max3A_200 = arith.maximumf %broadcast_in_dim3A_198, %max3A_199 : vector<1x16xf32>
    %div3A = arith.constant 1.000000e+00 : f32
    %div3A_201 = vector.broadcast %div3A : f32 to vector<1x16xf32>
    %div3A_202 = arith.divf %div3A_201, %max3A_200 : vector<1x16xf32>
    %iota3A = tpu.iota {dimensions = array<i32: 0>} : vector<256x16xi32>
    %jit3A = arith.constant 16 : i32
    %div3A_203 = vector.broadcast %jit3A : i32 to vector<256x16xi32>
    %div3A_204 = arith.divsi %iota3A, %div3A_203 : vector<256x16xi32>
    %sign3A = arith.constant 0 : i32
    %sign3A_205 = vector.broadcast %sign3A : i32 to vector<256x16xi32>
    %sign3A_206 = arith.cmpi sgt, %iota3A, %sign3A_205 : vector<256x16xi32>
    %sign3A_207 = arith.extui %sign3A_206 : vector<256x16xi1> to vector<256x16xi32>
    %sign3A_208 = arith.constant 0 : i32
    %sign3A_209 = vector.broadcast %sign3A_208 : i32 to vector<256x16xi32>
    %sign3A_210 = arith.cmpi slt, %iota3A, %sign3A_209 : vector<256x16xi32>
    %sign3A_211 = arith.extui %sign3A_210 : vector<256x16xi1> to vector<256x16xi32>
    %sign3A_212 = arith.subi %sign3A_207, %sign3A_211 : vector<256x16xi32>
    %sign3A_213 = arith.constant 0 : i32
    %sign3A_214 = arith.cmpi sgt, %jit3A, %sign3A_213 : i32
    %sign3A_215 = arith.extui %sign3A_214 : i1 to i32
    %sign3A_216 = arith.constant 0 : i32
    %sign3A_217 = arith.cmpi slt, %jit3A, %sign3A_216 : i32
    %sign3A_218 = arith.extui %sign3A_217 : i1 to i32
    %sign3A_219 = arith.subi %sign3A_215, %sign3A_218 : i32
    %ne3A = vector.broadcast %sign3A_219 : i32 to vector<256x16xi32>
    %ne3A_220 = arith.cmpi ne, %sign3A_212, %ne3A : vector<256x16xi32>
    %rem3A = vector.broadcast %jit3A : i32 to vector<256x16xi32>
    %rem3A_221 = arith.remsi %iota3A, %rem3A : vector<256x16xi32>
    %ne3A_222 = arith.constant 0 : i32
    %ne3A_223 = vector.broadcast %ne3A_222 : i32 to vector<256x16xi32>
    %ne3A_224 = arith.cmpi ne, %rem3A_221, %ne3A_223 : vector<256x16xi32>
    %and3A = arith.andi %ne3A_220, %ne3A_224 : vector<256x16xi1>
    %sub3A = arith.constant 1 : i32
    %sub3A_225 = vector.broadcast %sub3A : i32 to vector<256x16xi32>
    %sub3A_226 = arith.subi %div3A_204, %sub3A_225 : vector<256x16xi32>
    %select_n3A = arith.select %and3A, %sub3A_226, %div3A_204 : vector<256x16xi1>, vector<256x16xi32>
    %iota3A_227 = tpu.iota {dimensions = array<i32: 1>} : vector<256x16xi32>
    %eq3A = arith.cmpi eq, %select_n3A, %iota3A_227 : vector<256x16xi32>
    %convert_element_type3A = arith.extui %eq3A : vector<256x16xi1> to vector<256x16xi32>
    %convert_element_type3A_228 = arith.sitofp %convert_element_type3A : vector<256x16xi32> to vector<256x16xf32>
    %dot_general3A = arith.constant dense<0.000000e+00> : vector<256x1xf32>
    %dot_general3A_229 = tpu.matmul %convert_element_type3A_228, %div3A_202, %dot_general3A {dimension_numbers = #tpu.dot_dimension_numbers<[1], [1], [0], [0], [0, 0, 1, 0], [], []>, precision = #tpu.contract_precision<fp32>, transpose_lhs_hint = false} : vector<256x16xf32>, vector<1x16xf32>, vector<256x1xf32> -> vector<256x1xf32>
    %mul3A = vector.broadcast %dot_general3A_229 : vector<256x1xf32> to vector<256x128xf32>
    %mul3A_230 = arith.mulf %add3A_188, %mul3A : vector<256x128xf32>
    %get3A_231 = arith.constant 0 : index
    %get3A_232 = arith.constant 0 : index
    %get3A_233 = vector.load %arg3[%get3A_231, %get3A_232] : memref<128x128xf32, #tpu.memory_space<vmem>>, vector<128x128xf32>
    %dot_general3A_234 = arith.constant dense<0.000000e+00> : vector<256x128xf32>
    %dot_general3A_235 = tpu.matmul %mul3A_230, %get3A_233, %dot_general3A_234 {dimension_numbers = #tpu.dot_dimension_numbers<[1], [1], [0], [0], [0, 0, 1, 0], [], []>, precision = #tpu.contract_precision<fp32>, transpose_lhs_hint = false} : vector<256x128xf32>, vector<128x128xf32>, vector<256x128xf32> -> vector<256x128xf32>
    %get3A_236 = arith.constant 0 : index
    %get3A_237 = arith.constant 0 : index
    %get3A_238 = vector.load %arg4[%get3A_236, %get3A_237] : memref<1x128xf32, #tpu.memory_space<vmem>>, vector<1x128xf32>
    %add3A_239 = vector.broadcast %get3A_238 : vector<1x128xf32> to vector<256x128xf32>
    %add3A_240 = arith.addf %dot_general3A_235, %add3A_239 : vector<256x128xf32>
    %max3A_241 = arith.constant 0.000000e+00 : f32
    %max3A_242 = vector.broadcast %max3A_241 : f32 to vector<256x128xf32>
    %max3A_243 = arith.maximumf %add3A_240, %max3A_242 : vector<256x128xf32>
    %swap3A = arith.constant 0 : index
    %swap3A_244 = arith.constant 0 : index
    %swap3A_245 = vector.load %arg6[%swap3A, %swap3A_244] : memref<256x128xf32, #tpu.memory_space<vmem>>, vector<256x128xf32>
    tpu.vector_store %arg6[%swap3A, %swap3A_244], %max3A_243 {strides = array<i32>} : memref<256x128xf32, #tpu.memory_space<vmem>>, vector<256x128xf32>,
    %iota3A_246 = tpu.iota {dimensions = array<i32: 0>} : vector<16x256xi32>
    %iota3A_247 = tpu.iota {dimensions = array<i32: 1>} : vector<16x256xi32>
    %jit3A_248 = arith.constant 16 : i32
    %div3A_249 = vector.broadcast %jit3A_248 : i32 to vector<16x256xi32>
    %div3A_250 = arith.divsi %iota3A_247, %div3A_249 : vector<16x256xi32>
    %sign3A_251 = arith.constant 0 : i32
    %sign3A_252 = vector.broadcast %sign3A_251 : i32 to vector<16x256xi32>
    %sign3A_253 = arith.cmpi sgt, %iota3A_247, %sign3A_252 : vector<16x256xi32>
    %sign3A_254 = arith.extui %sign3A_253 : vector<16x256xi1> to vector<16x256xi32>
    %sign3A_255 = arith.constant 0 : i32
    %sign3A_256 = vector.broadcast %sign3A_255 : i32 to vector<16x256xi32>
    %sign3A_257 = arith.cmpi slt, %iota3A_247, %sign3A_256 : vector<16x256xi32>
    %sign3A_258 = arith.extui %sign3A_257 : vector<16x256xi1> to vector<16x256xi32>
    %sign3A_259 = arith.subi %sign3A_254, %sign3A_258 : vector<16x256xi32>
    %sign3A_260 = arith.constant 0 : i32
    %sign3A_261 = arith.cmpi sgt, %jit3A_248, %sign3A_260 : i32
    %sign3A_262 = arith.extui %sign3A_261 : i1 to i32
    %sign3A_263 = arith.constant 0 : i32
    %sign3A_264 = arith.cmpi slt, %jit3A_248, %sign3A_263 : i32
    %sign3A_265 = arith.extui %sign3A_264 : i1 to i32
    %sign3A_266 = arith.subi %sign3A_262, %sign3A_265 : i32
    %ne3A_267 = vector.broadcast %sign3A_266 : i32 to vector<16x256xi32>
    %ne3A_268 = arith.cmpi ne, %sign3A_259, %ne3A_267 : vector<16x256xi32>
    %rem3A_269 = vector.broadcast %jit3A_248 : i32 to vector<16x256xi32>
    %rem3A_270 = arith.remsi %iota3A_247, %rem3A_269 : vector<16x256xi32>
    %ne3A_271 = arith.constant 0 : i32
    %ne3A_272 = vector.broadcast %ne3A_271 : i32 to vector<16x256xi32>
    %ne3A_273 = arith.cmpi ne, %rem3A_270, %ne3A_272 : vector<16x256xi32>
    %and3A_274 = arith.andi %ne3A_268, %ne3A_273 : vector<16x256xi1>
    %sub3A_275 = arith.constant 1 : i32
    %sub3A_276 = vector.broadcast %sub3A_275 : i32 to vector<16x256xi32>
    %sub3A_277 = arith.subi %div3A_250, %sub3A_276 : vector<16x256xi32>
    %select_n3A_278 = arith.select %and3A_274, %sub3A_277, %div3A_250 : vector<16x256xi1>, vector<16x256xi32>
    %eq3A_279 = arith.cmpi eq, %iota3A_246, %select_n3A_278 : vector<16x256xi32>
    %convert_element_type3A_280 = arith.extui %eq3A_279 : vector<16x256xi1> to vector<16x256xi32>
    %convert_element_type3A_281 = arith.sitofp %convert_element_type3A_280 : vector<16x256xi32> to vector<16x256xf32>
    %mul3A_282 = vector.broadcast %broadcast_in_dim3A : vector<1x256xf32> to vector<16x256xf32>
    %mul3A_283 = arith.mulf %convert_element_type3A_281, %mul3A_282 : vector<16x256xf32>
    %dot_general3A_284 = arith.constant dense<0.000000e+00> : vector<16x128xf32>
    %dot_general3A_285 = tpu.matmul %mul3A_283, %max3A_243, %dot_general3A_284 {dimension_numbers = #tpu.dot_dimension_numbers<[1], [0], [0], [1], [0, 0, 1, 1], [], []>, precision = #tpu.contract_precision<fp32>, transpose_lhs_hint = false} : vector<16x256xf32>, vector<256x128xf32>, vector<16x128xf32> -> vector<16x128xf32>
    %iota3A_286 = tpu.iota {dimensions = array<i32: 0>} : vector<16x16xi32>
    %iota3A_287 = tpu.iota {dimensions = array<i32: 1>} : vector<16x16xi32>
    %eq3A_288 = arith.cmpi eq, %iota3A_286, %iota3A_287 : vector<16x16xi32>
    %convert_element_type3A_289 = arith.extui %eq3A_288 : vector<16x16xi1> to vector<16x16xi32>
    %convert_element_type3A_290 = arith.sitofp %convert_element_type3A_289 : vector<16x16xi32> to vector<16x16xf32>
    %dot_general3A_291 = arith.constant dense<0.000000e+00> : vector<16x1xf32>
    %dot_general3A_292 = tpu.matmul %convert_element_type3A_290, %div3A_202, %dot_general3A_291 {dimension_numbers = #tpu.dot_dimension_numbers<[1], [1], [0], [0], [0, 0, 1, 0], [], []>, precision = #tpu.contract_precision<fp32>, transpose_lhs_hint = false} : vector<16x16xf32>, vector<1x16xf32>, vector<16x1xf32> -> vector<16x1xf32>
    %mul3A_293 = vector.broadcast %dot_general3A_292 : vector<16x1xf32> to vector<16x128xf32>
    %mul3A_294 = arith.mulf %dot_general3A_285, %mul3A_293 : vector<16x128xf32>
    %mul3A_295 = arith.constant 6.250000e-02 : f32
    %mul3A_296 = vector.broadcast %mul3A_295 : f32 to vector<16x128xf32>
    %mul3A_297 = arith.mulf %mul3A_294, %mul3A_296 : vector<16x128xf32>
    %swap3A_298 = arith.constant 0 : index
    %swap3A_299 = arith.constant 0 : index
    %swap3A_300 = vector.load %arg5[%swap3A_298, %swap3A_299] : memref<16x128xf32, #tpu.memory_space<vmem>>, vector<16x128xf32>
    tpu.vector_store %arg5[%swap3A_298, %swap3A_299], %mul3A_297 {strides = array<i32>} : memref<16x128xf32, #tpu.memory_space<vmem>>, vector<16x128xf32>,
    return
  }
}

</mosaic_0001>

<sc_bundles>
// kernel: kernel.4.cloned.1.call-start
scs
__scs_entry_jumppad:
0x0: {  	(pc) =	sbr.rel $0x88, $3  }
0x1: {  	(tag) =	ssettag $0x0;
	lr =	simm.s32 $0x1  }
0x2: {  	[smem:$0x3F9C] =	sst lr;
	_ =	strace $0xD0000000  }
0x3: {  	_ = 	snop  }
0x4: {  	_ = 	snop  }
0x5: {  	_ = 	snop  }
0x6: {  	_ = 	snop  }
0x7: {  	_ = 	snop  }
__scs_overlays_trampoline_lowered:
0x8: {  	[smem:$0x3FAB] =	sst s0  }
0x9: {  	[smem:$0x3FAC] =	sst s1  }
0xa: {  	[smem:$0x3FAD] =	sst s2  }
0xb: {  	[smem:$0x3FAE] =	sst s3  }
0xc: {  	[smem:$0x3FAF] =	sst s4  }
0xd: {  	[smem:$0x3FB0] =	sst s5  }
0xe: {  	[smem:$0x3FB1] =	sst s6  }
0xf: {  	[smem:$0x3FB2] =	sst s7  }
0x10: {  	[smem:$0x3FB3] =	sst s8  }
0x11: {  	[smem:$0x3FB4] =	sst s9;
	s0 =	simm.s32 @!p0 $0x0  }
0x12: {  	s1 =	sld [smem:$0x3F9A];
	s0 =	simm.s32 @p0 $0x1  }
0x13: {  	[smem:$0x3FB5] =	sst s0;
	s0 =	simm.s32 @!p1 $0x0  }
0x14: {  	s2 =	sld [smem:$0x3F99];
	s0 =	simm.s32 @p1 $0x1  }
0x15: {  	[smem:$0x3FB6] =	sst s0;
	s0 =	simm.s32 @!p2 $0x0  }
0x16: {  	s3 =	sld [smem:$0x3FDB];
	s0 =	simm.s32 @p2 $0x1  }
0x17: {  	s4 =	simm.s32 $0x1BF5;
	[smem:$0x3FB8] =	sst s0  }
0x18: {  	s0 =	sld [smem:$0x3F9B];
	_ =	swait.ge [sflag:s4], $0x0  }
0x19: {  	s7 =	sld [smem:$0x3F9C]  }
0x1a: {  	s8 =	sadd.s32 $0xFFFFE003, lr  }
0x1b: {  	s9 =	sadd.s32 $0xFFFFFEF7, lr;
	s5 =	simm.s32 $0xFFFFFFFF;
	p2 =	slt.u32 s8, $0xFFFFF086  }
0x1c: {  	p1 =	slt.u32 s9, $0xF7A;
	s5 =	simm.s32 @!p2 $0x0  }
0x1d: {  	s5 =	simm.s32 @p1 $0x1;
	p0 =	seq.s32 s7, s2  }
0x1e: {  	s7 =	smul.u32 @!p0 $0xF7A, s2;
	p2 =	seq.s32 @!p0 s5, $0x0  }
0x1f: {  	s9 =	smul.u32 $0xF7A, s1;
	s8 =	simm.s32 @!p0 $0x1BF5;
	p2 =	por !p2, p0  }
0x20: {  	[sflag:s8] =	ssyncset.s32 @!p0 $0xFFFFF086;
	s6 =	sadd.s32 @!p0 s3, s7;
	s7 =	simm.s32 @!p0 $0x108  }
0x21: {  	s3 =	sadd.s32 s3, s9;
	s6 =	sadd.s32 @!p0 $0x88, s6;
	s7 =	simm.s32 @p2 $0x1082  }
0x22: {  	[simem:s7], [sflag:s8] =	dma.local @!p0 [hbm:s6], $0xF7A  }
0x23: {  	s9 =	sor.u32 $0xD0000000, s2;
	s6 =	simm.s32 $0x108;
	_ =	swait.ge @!p0 [sflag:s8], $0x0  }
0x24: {  	s3 =	sadd.s32 $0x88, s3;
	s6 =	simm.s32 @!p1 $0x1082;
	[sflag:s4] =	ssyncset.s32 $0xFFFFF086  }
0x25: {  	[simem:s6], [sflag:s4] =	dma.local [hbm:s3], $0xF7A  }
0x26: {  	[smem:$0x3F9C] =	sst s1;
	(tag) =	ssettag s2;
	_ =	strace s9  }
0x27: {  	s1 =	sld [smem:$0x3FAC]  }
0x28: {  	s2 =	sld [smem:$0x3FAD]  }
0x29: {  	s4 =	sld [smem:$0x3FAF]  }
0x2a: {  	p0 =	seq.s32 s5, $0x0;
	s5 =	sld [smem:$0x3FB0]  }
0x2b: {  	s6 =	sld [smem:$0x3FB1]  }
0x2c: {  	s7 =	sld [smem:$0x3FB2]  }
0x2d: {  	s3 =	simm.s32 $0x108;
	s8 =	sld [smem:$0x3FB3]  }
0x2e: {  	s3 =	simm.s32 @!p0 $0x1082;
	s9 =	sld [smem:$0x3FB4]  }
0x2f: {  	lr =	sadd.s32 s0, s3;
	s0 =	sld [smem:$0x3FAB]  }
0x30: {  	s3 =	sld [smem:$0x3FAE]  }
0x31: {  	[smem:$0x3FB7] =	sst s10  }
0x32: {  	s10 =	sld [smem:$0x3FB5];
	_ =	sdelay $0x3  }
0x33: {  	p0 =	seq.s32 s10, $0x1;
	s10 =	sld [smem:$0x3FB7];
	_ =	sdelay $0x3  }
0x34: {  	[smem:$0x3FB7] =	sst s10  }
0x35: {  	s10 =	sld [smem:$0x3FB6];
	_ =	sdelay $0x3  }
0x36: {  	p1 =	seq.s32 s10, $0x1;
	s10 =	sld [smem:$0x3FB7];
	_ =	sdelay $0x3  }
0x37: {  	[smem:$0x3FB7] =	sst s10  }
0x38: {  	s10 =	sld [smem:$0x3FB8]  }
0x39: {  	_ = 	snop;
	(pc) =	sbr.ind lr, $3  }
0x3a: {  	_ = 	snop  }
0x3b: {  	_ = 	snop  }
0x3c: {  	p2 =	seq.s32 s10, $0x1;
	s10 =	sld [smem:$0x3FB7]  }
0x3d: {  	_ =	shalt  }
0x3e: {  	_ =	shalt  }
0x3f: {  	_ =	shalt  }
0x40: {  	_ =	shalt  }
0x41: {  	_ =	shalt  }
0x42: {  	_ =	shalt  }
0x43: {  	_ =	shalt  }
0x44: {  	_ =	shalt  }
0x45: {  	_ =	shalt  }
0x46: {  	_ =	shalt  }
0x47: {  	_ =	shalt  }
0x48: {  	_ =	shalt  }
0x49: {  	_ =	shalt  }
0x4a: {  	_ =	shalt  }
0x4b: {  	_ =	shalt  }
0x4c: {  	_ =	shalt  }
0x4d: {  	_ =	shalt  }
0x4e: {  	_ =	shalt  }
0x4f: {  	_ =	shalt  }
0x50: {  	_ =	shalt  }
0x51: {  	_ =	shalt  }
0x52: {  	_ =	shalt  }
0x53: {  	_ =	shalt  }
0x54: {  	_ =	shalt  }
0x55: {  	_ =	shalt  }
0x56: {  	_ =	shalt  }
0x57: {  	_ =	shalt  }
0x58: {  	_ =	shalt  }
0x59: {  	_ =	shalt  }
0x5a: {  	_ =	shalt  }
0x5b: {  	_ =	shalt  }
0x5c: {  	_ =	shalt  }
0x5d: {  	_ =	shalt  }
0x5e: {  	_ =	shalt  }
0x5f: {  	_ =	shalt  }
0x60: {  	_ =	shalt  }
0x61: {  	_ =	shalt  }
0x62: {  	_ =	shalt  }
0x63: {  	_ =	shalt  }
0x64: {  	_ =	shalt  }
0x65: {  	_ =	shalt  }
0x66: {  	_ =	shalt  }
0x67: {  	_ =	shalt  }
0x68: {  	_ =	shalt  }
0x69: {  	_ =	shalt  }
0x6a: {  	_ =	shalt  }
0x6b: {  	_ =	shalt  }
0x6c: {  	_ =	shalt  }
0x6d: {  	_ =	shalt  }
0x6e: {  	_ =	shalt  }
0x6f: {  	_ =	shalt  }
0x70: {  	_ =	shalt  }
0x71: {  	_ =	shalt  }
0x72: {  	_ =	shalt  }
0x73: {  	_ =	shalt  }
0x74: {  	_ =	shalt  }
0x75: {  	_ =	shalt  }
0x76: {  	_ =	shalt  }
0x77: {  	_ =	shalt  }
0x78: {  	_ =	shalt  }
0x79: {  	_ =	shalt  }
0x7a: {  	_ =	shalt  }
0x7b: {  	_ =	shalt  }
0x7c: {  	_ =	shalt  }
0x7d: {  	_ =	shalt  }
0x7e: {  	_ =	shalt  }
0x7f: {  	_ =	shalt  }
0x80: {  	_ =	shalt  }
0x81: {  	_ =	shalt  }
0x82: {  	_ =	shalt  }
0x83: {  	_ =	shalt  }
0x84: {  	_ =	shalt  }
0x85: {  	_ =	shalt  }
0x86: {  	_ =	shalt  }
0x87: {  	_ =	shalt  }
.Lfunc_end0:
.L_simem_size_0:
called_computation_lowered:
.L_overlay_start_0:
0x88: {  	s2 =	sld [smem:$0x3FD9]  }
0x89: {  	s3 =	sld [smem:$0x3FFE];
	_ =	sdelay $0x1  }
0x8a: {  	s1 =	srdreg.scid  }
0x8b: {  	s0 =	sand.u32 $0x1, s1  }
0x8c: {  	s14 =	sshll.u32 s0, $0xA;
	s2 =	sadd.s32 s3, s2  }
0x8d: {  	s2 =	sadd.s32 s2, s14  }
0x8e: {  	[smem:$0x3FC3] =	sst s2  }
0x8f: {  	_ = 	snop  }
0x90: {  	s2 =	sld [smem:$0x3FD0];
	_ =	sdelay $0x1  }
0x91: {  	s15 =	sld [smem:$0x3FC9]  }
0x92: {  	s5 =	simm.s32 $0xA;
	s6 =	simm.s32 $0x10;
	s4 =	sld [smem:$0x3FC7]  }
0x93: {  	[smem:s6], [sflag:s5] =	dma.local [hbm:s2], $0x1  }
0x94: {  	_ =	swait.eq [sflag:s5], $0x1  }
0x95: {  	[sflag:s5] =	ssyncset.done $0x0  }
0x96: {  	[sflag:s5] =	ssyncadd.s32 $0xFFFFFFFF  }
0x97: {  	s16 =	sld [smem:$0x11];
	(tm) =	ssettm $0x1  }
0x98: {  	s17 =	sld [smem:$0x3FFB];
	_ =	sdelay $0x3  }
0x99: {  	_ =	strace s17  }
0x9a: {  	s5 =	sld [smem:$0x3FFC];
	_ =	sdelay $0x3  }
0x9b: {  	_ =	strace s5  }
0x9c: {  	s5 =	sld [smem:$0x3FFD];
	_ =	sdelay $0x3  }
0x9d: {  	_ =	strace s5  }
0x9e: {  	_ =	strace $0x8FFFFFFF  }
0x9f: {  	s18 =	sld [smem:$0x3FDB];
	_ =	sdelay $0x1  }
0xa0: {  	s19 =	simm.s32 $_scs_section_size  }
0xa1: {  	s7 =	simm.s32 $_size__tile_overlayer_lowered;
	s8 =	simm.s32 $_tile_overlayer_lowered  }
0xa2: {  	s22 =	simm.s32 $0x1BFF;
	s21 =	sshll.u32 s8, $0x1;
	s5 =	sadd.s32 s19, s18  }
0xa3: {  	s9 =	simm.s32 $0x0;
	s20 =	sshll.u32 s7, $0x1;
	s7 =	sadd.s32 s21, s5  }
0xa4: {  	[timem:s9], [sflag:s22] =	dma.local [hbm:s7], s20  }
0xa5: {  	_ =	swait.ge [sflag:s22], s20  }
0xa6: {  	s6 =	ssub.s32 $0x0, s20;
	[sflag:s22] =	ssyncset.done $0x0  }
0xa7: {  	[sflag:s22] =	ssyncadd.s32 s6;
	_ =	sdelay $0x1  }
0xa8: {  	s23 =	simm.s32 $0x1B8B  }
0xa9: {  	_ =	swait.ge [sflag:s23], $0x1  }
0xaa: {  	[sflag:s23] =	ssyncset.done $0x0  }
0xab: {  	s25 =	simm.s32 $0x1B8E;
	s24 =	sld [smem:$0x3FFE];
	[sflag:s23] =	ssyncadd.s32 $0xFFFFFFFF  }
0xac: {  	s26 =	simm.s32 $execute0_lowered;
	[smem:$0x3FD2] =	sst s25  }
0xad: {  	s7 =	sshll.u32 s26, $0x1;
	_ =	strace $0x80000046;
	[dreg:$0x1] =	wrdreg $0xFFFFFFFF  }
0xae: {  	s28 =	simm.s32 $_size_execute0_lowered;
	s5 =	sadd.s32 s5, s7;
	[dreg:$0x0] =	wrdreg $0x0  }
0xaf: {  	s7 =	sshll.u32 s28, $0x1;
	[dreg:$0x2] =	wrdreg s5  }
0xb0: {  	[dreg:$0x3] =	wrdreg s7  }
0xb1: {  	[dreg:$0x4] =	wrdreg $0xC0  }
0xb2: {  	_ =	task [dreg:s9], $0x5FFFF  }
0xb3: {  	[dreg:$0x1] =	wrdreg $0xFFFFFFFF  }
0xb4: {  	[dreg:$0x0] =	wrdreg $0x60  }
0xb5: {  	[dreg:$0x2] =	wrdreg s15  }
0xb6: {  	[dreg:$0x3] =	wrdreg s24  }
0xb7: {  	[dreg:$0x4] =	wrdreg s4  }
0xb8: {  	[dreg:$0x5] =	wrdreg s16  }
0xb9: {  	[dreg:$0x6] =	wrdreg $0x9  }
0xba: {  	_ =	task.clear_ibuf [dreg:s9], $0x7FFFF;
	_ =	strace $0x90000046  }
0xbb: {  	s29 =	simm.s32 $0x9;
	_ =	strace $0x80000048  }
0xbc: {  	_ =	swait.ge [sflag:s29], $0x1  }
0xbd: {  	[sflag:s29] =	ssyncadd.s32 $0xFFFFFFFF  }
0xbe: {  	_ =	strace $0x90000048  }
0xbf: {  	_ =	sfence  }
0xc0: {  	s30 =	sld [smem:$0x0];
	_ =	sdelay $0x2  }
0xc1: {  	s31 =	sshll.u32 s1, $0xD;
	s1 =	sshrl.u32 s1, $0x2  }
0xc2: {  	s3 =	sand.u32 $0x4000, s31;
	s1 =	sadd.s32 s1, s30  }
0xc3: {  	s0 =	sor.u32 s3, s0;
	s1 =	sshll.u32 s1, $0x11  }
0xc4: {  	s0 =	sor.u32 s1, s0  }
0xc5: {  	s0 =	sadd.s32 $0x8F2B, s0  }
0xc6: {  	[sflag:s0] =	ssyncadd.remote.s32 $0x1  }
0xc7: {  	_ =	sfence.sel $0xFFFF  }
0xc8: {  	[dreg:$0x0] =	wrdreg $0xFFFFFFFF;
	(pc) =	sbr.abs _section_cstart, $3  }
0xc9: {  	[dreg:$0x1] =	wrdreg $0xFFFFFFFF  }
0xca: {  	_ =	task.clear_ibuf [dreg:s9], $0x2FFFF;
	_ =	strace $0x9FFFFFFF  }
0xcb: {  	(tm) =	ssettm $0x7FFFFFFF  }
tec
execute0_lowered:
.L_overlay_start_1:
0x0: {  	(tag) =	ssettag $0x1  }
0x1: {  	s5 =	rddreg [dreg:$0x0]  }
0x2: {  	s3 =	rddreg [dreg:$0x1]  }
0x3: {  	s4 =	rddreg [dreg:$0x2]  }
0x4: {  	s8 =	rddreg [dreg:$0x3]  }
0x5: {  	s0 =	rddreg [dreg:$0x4]  }
0x6: {  	s6 =	srdreg.scid;
	s1 =	stileid.u32  }
0x7: {  	s2 =	simm.s32 $0x0;
	s16 =	simm.s32 $0x400;
	s17 =	simm.s32 $0x1C980  }
0x8: {  	s18 =	simm.s32 $0x1CA80;
	s19 =	simm.s32 $0x3;
	s20 =	simm.s32 $0x0  }
0x9: {  	s6 =	sand.u32 $0x1, s6;
	s7 =	sshll.u32 s1, $0x1;
	[smem:$0x7FF] =	sst s2  }
0xa: {  	s10 =	sshrl.u32 s1, $0x2;
	s7 =	sor.u32 s6, s7;
	_ =	strace $0x80000047  }
0xb: {  	s12 =	sshll.u32 s10, $0xA;
	s6 =	ssub.s32 $0x2, s6;
	s10 =	sshll.u32 s10, $0xB  }
0xc: {  	s9 =	smul.u32 $0x1380, s7;
	s11 =	sshll.u32 s7, $0x7;
	s14 =	sshll.u32 s7, $0xC  }
0xd: {  	s15 =	sshrl.u32 s6, $0x1;
	p0 =	seq.s32 s7, $0x1F;
	s7 =	smul.u32 $0x27, s7  }
0xe: {  	s11 =	sand.u32 $0x380, s11;
	s14 =	sadd.s32 s14, s3;
	s15 =	ssub.s32 s6, s15  }
0xf: {  	s13 =	sadd.s32 s9, s3;
	s12 =	sor.u32 s12, s11;
	s30 =	sor.u32 s10, s11  }
0x10: {  	s4 =	sadd.s32 s4, s7;
	s5 =	sadd.s32 s5, s9;
	s7 =	sadd.s32 $0x28400, s14  }
.Ltmp0:
0x11: {  	s10 =	smax.u32 s15, $0x1;
	s11 =	simm.s32 $0x4;
	(pc) =	sbr.rel .LBB2_1-.Ltmp0, $4  }
0x12: {  	s14 =	simm.s32 $0x1;
	s15 =	simm.s32 $0x80;
	s12 =	sshrl.u32 s12, $0x3  }
0x13: {  	s31 =	sshrl.u32 s30, $0x3;
	s6 =	sadd.s32 $0x1200, s13;
	s13 =	simm.s32 $0x2  }
0x14: {  	v0 =	vlaneseq.u32;
	s12 =	sadd.s32 s12, s3;
	s3 =	simm.s32 $0x148;
	s8 =	sadd.s32 s8, s31  }
0x15: {  	v1 =	vimm.s32 $0x0;
	v3 =	vimm.f32 $0.0e+00;
	v2 =	vadd.s32 $0x1, v0;
	s3 =	simm.s32 @!p0 $0x138;
	s9 =	sadd.s32 $0x48400, s12;
	s12 =	simm.s32 $0xA400  }
.LBB2_14:
0x16: {  	[hbm4b:s8+s15] =	stream.strided.scatter [tilespmem:s17], [sflag:$0x4], $0x100, s16, s15, $0x38;
	[tilespmem:$0x1CB00] =	vst v63  }
0x17: {  	_ =	swait.ge [sflag:s11], $0x100  }
0x18: {  	[sflag:s11] =	ssyncset.done $0x0  }
0x19: {  	s20 =	sadd.s32 $0x1, s20;
	[sflag:s11] =	ssyncadd.s32 $0xFFFFFF00  }
0x1a: {  	[hbm4b:s9+s2] =	stream.linear.scatter [tilespmem:s18], [sflag:$0x4], $0x80, $0x38;
	[tilespmem:$0x1CB00] =	vst v63  }
0x1b: {  	p0 =	sne.s32 s20, s10;
	_ =	swait.ge [sflag:s11], $0x80  }
.Ltmp1:
0x1c: {  	[sflag:s11] =	ssyncset.done $0x0;
	(pc) =	sbr.rel @!p0 .LBB2_15-.Ltmp1, $4  }
0x1d: {  	[sflag:s11] =	ssyncadd.s32 $0xFFFFFF80  }
0x1e: {  	_ =	swait.ge [sflag:s19], $0x8000  }
0x1f: {  	[sflag:s19] =	ssyncset.done $0x0  }
0x20: {  	v0 =	vlaneseq.u32;
	v1 =	vimm.s32 $0x0;
	[sflag:s19] =	ssyncadd.s32 $0xFFFF8000  }
.LBB2_1:
0x21: {  	s21 =	simm.s32 $0x14800  }
0x22: {  	[tilespmem:s21], [sflag:$0x4] =	stream.linear.gather [hbm4b:s4+s2], $0x148, $0x38;
	[tilespmem:$0x1CB00] =	vst v63  }
0x23: {  	_ =	swait.ge [sflag:s11], $0x148  }
0x24: {  	[sflag:s11] =	ssyncset.done $0x0  }
0x25: {  	[sflag:s11] =	ssyncadd.s32 $0xFFFFFEB8  }
0x26: {  	[tilespmem:s2], [sflag:$0x1] =	stream.linear.gather [hbm4b:s5+s2], $0xA400, $0x38;
	[tilespmem:$0x1CB00] =	vst v63  }
0x27: {  	p0 =	sne.s32 s3, $0x1  }
0x28: {  	[tilespmem:s12], [sflag:$0x2] =	stream.linear.gather [hbm4b:s6+s2], $0xA400, $0x38;
	[tilespmem:$0x1CB00] =	vst v63  }
.Ltmp2:
0x29: {  	v5 =	vld.msk [tilespmem:s21+$0x0 ss:$0x0], $0xffff;
	(pc) =	sbr.rel @!p0 .LBB2_3-.Ltmp2, $2  }
0x2a: {  	_ =	sdelay $0x2  }
0x2b: {  	s22 =	simm.s32 $0x14801;
	v4 =	vimm.s32 $0x0;
	v6 =	vimm.s32 $0x0;
	s21 =	sadd.s32 $0xFFFFFFFF, s3  }
.LBB2_2:
0x2c: {  	p0 =	sne.s32 s21, $0x1;
	s21 =	sadd.s32 $0xFFFFFFFF, s21;
	vm0 =	vlt.s32 v5, v0;
	vm1 =	vlt.s32 v5, v2;
	v5 =	vld.msk [tilespmem:s22+$0x0 ss:$0x0], $0xffff  }
.Ltmp3:
0x2d: {  	v7 =	vsel vm0, $0x1, v1;
	v8 =	vsel vm1, $0x1, v1;
	(pc) =	sbr.rel @p0 .LBB2_2-.Ltmp3, $2  }
0x2e: {  	v4 =	vadd.s32 v7, v4;
	v6 =	vadd.s32 v8, v6;
	_ =	sdelay $0x2  }
0x2f: {  	s22 =	sadd.s32 $0x1, s22  }
.LBB2_3:
0x30: {  	vm0 =	vlt.s32 v5, v0;
	vm1 =	vlt.s32 v5, v2  }
0x31: {  	v5 =	vsel vm0, $0x1, v1;
	v7 =	vsel vm1, $0x1, v1  }
0x32: {  	v5 =	vadd.s32 v5, v4;
	v4 =	vadd.s32 v7, v6  }
0x33: {  	v6 =	vsub.s32 v4, v5  }
0x34: {  	v6 =	vcvt.s32.f32 v6;
	_ =	sdelay $0x1  }
0x35: {  	s22 =	simm.s32 $0xFFFE0200;
	s21 =	simm.s32 $0xFFFF8000;
	[tilespmem:$0x1CA80] =	vst v6  }
.LBB2_4:
0x36: {  	p0 =	sne.s32 s22, $0xFFFFFE00;
	[tilespmem:s21+$0x1C9F0] =	vst v3;
	s23 =	smov.u32 s22;
	s22 =	sadd.s32 $0x200, s22  }
.Ltmp4:
0x37: {  	[tilespmem:s21+$0x1C9E0] =	vst v3;
	(pc) =	sbr.rel @p0 .LBB2_4-.Ltmp4, $3  }
0x38: {  	[tilespmem:s21+$0x1C9A0] =	vst v3  }
0x39: {  	[tilespmem:s21+$0x1C9B0] =	vst v3;
	_ =	sdelay $0x1  }
0x3a: {  	s21 =	sshra.s32 s23, $0x2  }
0x3b: {  	[tilespmem:s21+$0x1C9F0] =	vst v3  }
0x3c: {  	[tilespmem:s21+$0x1C9E0] =	vst v3  }
0x3d: {  	[tilespmem:s21+$0x1C9A0] =	vst v3  }
0x3e: {  	[tilespmem:s21+$0x1C9B0] =	vst v3  }
0x3f: {  	_ =	swait.ge [sflag:s13], $0xA400  }
0x40: {  	[sflag:s13] =	ssyncset.done $0x0  }
0x41: {  	[sflag:s13] =	ssyncadd.s32 $0xFFFF5C00  }
0x42: {  	_ =	swait.ge [sflag:s14], $0xA400  }
0x43: {  	(v2sf) =	vpush v5, $0x0  }
0x44: {  	(v2sf) =	vpush v4, $0x0  }
0x45: {  	(v2sf) =	vpush v5, $0x1  }
0x46: {  	(v2sf) =	vpush v4, $0x1  }
0x47: {  	(v2sf) =	vpush v5, $0x2  }
0x48: {  	(v2sf) =	vpush v4, $0x2  }
0x49: {  	(v2sf) =	vpush v5, $0x3  }
0x4a: {  	(v2sf) =	vpush v4, $0x3  }
0x4b: {  	(v2sf) =	vpush v5, $0x4  }
0x4c: {  	(v2sf) =	vpush v4, $0x4  }
0x4d: {  	(v2sf) =	vpush v5, $0x5  }
0x4e: {  	(v2sf) =	vpush v4, $0x5  }
0x4f: {  	(v2sf) =	vpush v5, $0x6  }
0x50: {  	(v2sf) =	vpush v4, $0x6  }
0x51: {  	[sflag:s14] =	ssyncset.done $0x0;
	(v2sf) =	vpush v5, $0x7  }
0x52: {  	[sflag:s14] =	ssyncadd.s32 $0xFFFF5C00;
	s26 =	spop (v2sf);
	(v2sf) =	vpush v4, $0x7  }
0x53: {  	[smem:$0x0] =	sst s26;
	s28 =	spop (v2sf);
	(v2sf) =	vpush v5, $0x8  }
0x54: {  	[smem:$0x80] =	sst s28;
	s29 =	spop (v2sf);
	(v2sf) =	vpush v4, $0x8  }
0x55: {  	[smem:$0x1] =	sst s29;
	s30 =	spop (v2sf);
	(v2sf) =	vpush v5, $0x9  }
0x56: {  	[smem:$0x81] =	sst s30;
	s31 =	spop (v2sf);
	(v2sf) =	vpush v4, $0x9  }
0x57: {  	[smem:$0x2] =	sst s31;
	s22 =	spop (v2sf);
	(v2sf) =	vpush v5, $0xA  }
0x58: {  	[smem:$0x82] =	sst s22;
	s23 =	spop (v2sf);
	(v2sf) =	vpush v4, $0xA  }
0x59: {  	[smem:$0x3] =	sst s23;
	s24 =	spop (v2sf);
	(v2sf) =	vpush v5, $0xB  }
0x5a: {  	[smem:$0x83] =	sst s24;
	s25 =	spop (v2sf);
	(v2sf) =	vpush v4, $0xB  }
0x5b: {  	[smem:$0x4] =	sst s25;
	s26 =	spop (v2sf);
	(v2sf) =	vpush v5, $0xC  }
0x5c: {  	[smem:$0x84] =	sst s26;
	s28 =	spop (v2sf);
	(v2sf) =	vpush v4, $0xC  }
0x5d: {  	[smem:$0x5] =	sst s28;
	s29 =	spop (v2sf);
	(v2sf) =	vpush v5, $0xD  }
0x5e: {  	[smem:$0x85] =	sst s29;
	s30 =	spop (v2sf);
	(v2sf) =	vpush v4, $0xD  }
0x5f: {  	[smem:$0x6] =	sst s30;
	s31 =	spop (v2sf)  }
0x60: {  	(v2sf) =	vpush v5, $0xE;
	[smem:$0x86] =	sst s31;
	s22 =	spop (v2sf)  }
0x61: {  	(v2sf) =	vpush v4, $0xE;
	[smem:$0x7] =	sst s22;
	s23 =	spop (v2sf)  }
0x62: {  	(v2sf) =	vpush v5, $0xF;
	[smem:$0x87] =	sst s23;
	s24 =	spop (v2sf)  }
0x63: {  	(v2sf) =	vpush v4, $0xF;
	[smem:$0x8] =	sst s24;
	s25 =	spop (v2sf)  }
0x64: {  	[smem:$0x88] =	sst s25;
	s26 =	spop (v2sf)  }
0x65: {  	[smem:$0x9] =	sst s26;
	s28 =	spop (v2sf)  }
0x66: {  	[smem:$0x89] =	sst s28;
	s29 =	spop (v2sf)  }
0x67: {  	[smem:$0xA] =	sst s29;
	s30 =	spop (v2sf)  }
0x68: {  	[smem:$0x8A] =	sst s30;
	s31 =	spop (v2sf)  }
0x69: {  	[smem:$0xB] =	sst s31;
	s22 =	spop (v2sf)  }
0x6a: {  	[smem:$0x8B] =	sst s22;
	s23 =	spop (v2sf)  }
0x6b: {  	[smem:$0xC] =	sst s23;
	s24 =	spop (v2sf)  }
0x6c: {  	[smem:$0x8C] =	sst s24;
	s25 =	spop (v2sf)  }
0x6d: {  	[smem:$0xD] =	sst s25;
	s26 =	spop (v2sf)  }
0x6e: {  	[smem:$0x8D] =	sst s26  }
.Ltmp5:
0x6f: {  	s28 =	spop (v2sf);
	(pc) =	sbr.rel .LBB2_6-.Ltmp5, $4  }
0x70: {  	[smem:$0xE] =	sst s28;
	s29 =	spop (v2sf)  }
0x71: {  	[smem:$0x8E] =	sst s29;
	s30 =	spop (v2sf)  }
0x72: {  	[smem:$0xF] =	sst s30;
	s31 =	spop (v2sf)  }
0x73: {  	s21 =	simm.s32 $0x0;
	[smem:$0x8F] =	sst s31  }
.LBB2_13:
0x74: {  	[tilespmem:s22+$0x149C0] =	vst v4  }
0x75: {  	[tilespmem:s22+$0x149D0] =	vst v34  }
0x76: {  	[tilespmem:s22+$0x14A40] =	vst v35  }
0x77: {  	[tilespmem:s22+$0x14A50] =	vst v33  }
0x78: {  	[tilespmem:s22+$0x14AC0] =	vst v31  }
0x79: {  	[tilespmem:s22+$0x14AD0] =	vst v32  }
0x7a: {  	[tilespmem:s22+$0x14B40] =	vst v30  }
0x7b: {  	[tilespmem:s22+$0x14B50] =	vst v28  }
0x7c: {  	[tilespmem:s22+$0x14BC0] =	vst v29  }
0x7d: {  	[tilespmem:s22+$0x14BD0] =	vst v27  }
0x7e: {  	[tilespmem:s22+$0x14C40] =	vst v25  }
0x7f: {  	[tilespmem:s22+$0x14C50] =	vst v26  }
0x80: {  	[tilespmem:s22+$0x14CC0] =	vst v24  }
0x81: {  	[tilespmem:s22+$0x14CD0] =	vst v22  }
0x82: {  	[tilespmem:s22+$0x14D40] =	vst v23  }
0x83: {  	[tilespmem:s22+$0x14D50] =	vst v21  }
0x84: {  	[tilespmem:s22+$0x14DC0] =	vst v19  }
0x85: {  	[tilespmem:s22+$0x14DD0] =	vst v20  }
0x86: {  	[tilespmem:s22+$0x14E40] =	vst v18  }
0x87: {  	[tilespmem:s22+$0x14E50] =	vst v16  }
0x88: {  	[tilespmem:s22+$0x14EC0] =	vst v17  }
0x89: {  	[tilespmem:s22+$0x14ED0] =	vst v14  }
0x8a: {  	[tilespmem:s22+$0x14F40] =	vst v12  }
0x8b: {  	[tilespmem:s22+$0x14F50] =	vst v15  }
0x8c: {  	[tilespmem:s22+$0x14FC0] =	vst v11  }
0x8d: {  	[tilespmem:s22+$0x14FD0] =	vst v9  }
0x8e: {  	[tilespmem:s22+$0x15040] =	vst v13;
	s23 =	sshll.u32 s21, $0x8;
	s21 =	sadd.s32 $0x1, s21  }
0x8f: {  	[tilespmem:s22+$0x15050] =	vst v10;
	p0 =	sne.s32 s21, $0x10  }
.Ltmp6:
0x90: {  	[tilespmem:s22+$0x150C0] =	vst v7;
	(pc) =	sbr.rel @!p0 .LBB2_14-.Ltmp6, $4  }
0x91: {  	[tilespmem:s22+$0x150D0] =	vst v8  }
0x92: {  	[tilespmem:s22+$0x15140] =	vst v6  }
0x93: {  	[tilespmem:s22+$0x15150] =	vst v5;
	s31 =	sadd.s32 $0x14980, s22;
	s23 =	sadd.s32 s23, s7  }
0x94: {  	[hbm4b:s23+s2] =	stream.linear.scatter [tilespmem:s31], [sflag:$0x3], $0x800, $0x38;
	[tilespmem:$0x1CB00] =	vst v63  }
.LBB2_6:
0x95: {  	v4 =	vimm.f32 $0.0e+00  }
0x96: {  	v20 =	vimm.f32 $0.0e+00;
	v44 =	vimm.f32 $0.0e+00;
	v43 =	vimm.f32 $0.0e+00  }
0x97: {  	v10 =	vimm.f32 $0.0e+00;
	v8 =	vimm.f32 $0.0e+00;
	v38 =	vimm.f32 $0.0e+00;
	s23 =	sld [smem:s21+$0x0]  }
0x98: {  	v9 =	vimm.f32 $0.0e+00;
	v12 =	vimm.f32 $0.0e+00;
	v28 =	vimm.f32 $0.0e+00;
	s24 =	sld [smem:s21+$0x80]  }
0x99: {  	v24 =	vimm.f32 $0.0e+00;
	v35 =	vimm.f32 $0.0e+00;
	v21 =	vimm.f32 $0.0e+00  }
0x9a: {  	v13 =	vimm.f32 $0.0e+00;
	v18 =	vimm.f32 $0.0e+00;
	v17 =	vimm.f32 $0.0e+00  }
0x9b: {  	v19 =	vimm.f32 $0.0e+00;
	v15 =	vimm.f32 $0.0e+00;
	v29 =	vimm.f32 $0.0e+00;
	p0 =	sle.s32 s24, s23  }
.Ltmp7:
0x9c: {  	v27 =	vimm.f32 $0.0e+00;
	v26 =	vimm.f32 $0.0e+00;
	v25 =	vimm.f32 $0.0e+00;
	(pc) =	sbr.rel @p0 .LBB2_10-.Ltmp7, $4  }
0x9d: {  	v37 =	vimm.f32 $0.0e+00;
	v14 =	vimm.f32 $0.0e+00;
	v22 =	vimm.f32 $0.0e+00  }
0x9e: {  	v36 =	vimm.f32 $0.0e+00;
	v7 =	vimm.f32 $0.0e+00;
	v16 =	vimm.f32 $0.0e+00  }
0x9f: {  	s22 =	sshll.u32 s21, $0xD;
	v23 =	vimm.f32 $0.0e+00;
	v61 =	vimm.f32 $0.0e+00;
	v48 =	vimm.f32 $0.0e+00  }
0xa0: {  	v11 =	vimm.f32 $0.0e+00;
	v6 =	vimm.f32 $0.0e+00;
	v5 =	vimm.f32 $0.0e+00;
	s22 =	sshrl.u32 s22, $0x2;
	s25 =	sshll.u32 s23, $0x9  }
0xa1: {  	s26 =	sshra.s32 s25, $0x2  }
0xa2: {  	s29 =	sadd.s32 $0xA400, s26  }
0xa3: {  	v19 =	vld [tilespmem:s29+$0x0];
	_ =	sdelay $0x4  }
0xa4: {  	v24 =	vbroadcast v19, $0xC  }
0xa5: {  	v20 =	vbroadcast v19, $0xF;
	v21 =	vbroadcast v19, $0x4  }
0xa6: {  	s26 =	sor.u32 $0x20, s26;
	v22 =	vbroadcast v19, $0x6;
	v18 =	vbroadcast v19, $0xD  }
0xa7: {  	v14 =	vld [tilespmem:s26+$0xFFFFFFF0];
	v51 =	vbroadcast v19, $0xE;
	v44 =	vbroadcast v19, $0x1  }
0xa8: {  	v27 =	vld [tilespmem:s26+$0x0];
	v26 =	vbroadcast v19, $0x2;
	v8 =	vbroadcast v19, $0x3  }
0xa9: {  	v16 =	vld [tilespmem:s26+$0xFFFFFFE0];
	v53 =	vbroadcast v19, $0x7;
	v40 =	vbroadcast v19, $0xB  }
0xaa: {  	v50 =	vbroadcast v19, $0x5;
	v49 =	vbroadcast v19, $0x8  }
0xab: {  	v25 =	vld [tilespmem:s26+$0x10];
	v59 =	vbroadcast v19, $0x0;
	v55 =	vbroadcast v19, $0xA  }
0xac: {  	v58 =	vbroadcast v19, $0x9;
	v6 =	vmul.f32 v14, v20  }
0xad: {  	v7 =	vmul.f32 v27, v21;
	v9 =	vmul.f32 v14, v24  }
0xae: {  	v10 =	vmul.f32 v14, v44;
	v11 =	vmul.f32 v16, v26  }
0xaf: {  	v12 =	vmul.f32 v27, v44;
	v13 =	vmul.f32 v16, v8  }
0xb0: {  	v28 =	vmul.f32 v25, v44;
	v15 =	vmul.f32 v27, v8  }
0xb1: {  	v17 =	vmul.f32 v27, v26;
	v29 =	vmul.f32 v27, v22  }
0xb2: {  	v23 =	vimm.f32 $0.0e+00;
	v30 =	vmul.f32 v25, v21;
	v31 =	vmul.f32 v27, v51  }
0xb3: {  	v48 =	vimm.f32 $0.0e+00;
	v32 =	vmul.f32 v27, v24;
	v33 =	vmul.f32 v25, v8;
	[tilespmem:s22+$0x14BA0] =	vst.add.f32.msk $0xffff, v7  }
0xb4: {  	v46 =	vimm.f32 $0.0e+00;
	v34 =	vmul.f32 v25, v18;
	v35 =	vmul.f32 v14, v8;
	[tilespmem:s22+$0x14A20] =	vst.add.f32.msk $0xffff, v12  }
0xb5: {  	v43 =	vimm.f32 $0.0e+00;
	v36 =	vmul.f32 v27, v40;
	v37 =	vmul.f32 v25, v22;
	[tilespmem:s22+$0x14B20] =	vst.add.f32.msk $0xffff, v15  }
0xb6: {  	v45 =	vimm.f32 $0.0e+00;
	v38 =	vmul.f32 v27, v50;
	v54 =	vmul.f32 v27, v49;
	[tilespmem:s22+$0x14AA0] =	vst.add.f32.msk $0xffff, v17  }
0xb7: {  	v42 =	vimm.f32 $0.0e+00;
	v39 =	vmul.f32 v25, v24;
	v52 =	vmul.f32 v25, v51;
	[tilespmem:s22+$0x14BB0] =	vst.add.f32.msk $0xffff, v30  }
0xb8: {  	v41 =	vimm.f32 $0.0e+00;
	v47 =	vmul.f32 v25, v20;
	v62 =	vmul.f32 v14, v53;
	[tilespmem:s22+$0x14FA0] =	vst.add.f32.msk $0xffff, v32  }
0xb9: {  	v5 =	vadd.f32 v19, v23;
	v63 =	vmul.f32 v16, v59;
	v56 =	vmul.f32 v25, v55;
	[tilespmem:s22+$0x14B30] =	vst.add.f32.msk $0xffff, v33  }
0xba: {  	v57 =	vmul.f32 v14, v59;
	v60 =	vmul.f32 v25, v59;
	v6 =	vadd.f32 v6, v23;
	[tilespmem:s22+$0x15030] =	vst.add.f32.msk $0xffff, v34  }
0xbb: {  	v61 =	vmul.f32 v16, v51;
	v7 =	vadd.f32 v9, v23;
	v8 =	vadd.f32 v11, v23;
	[tilespmem:s22+$0x14F20] =	vst.add.f32.msk $0xffff, v36  }
0xbc: {  	v11 =	vmul.f32 v16, v22;
	v9 =	vadd.f32 v13, v23;
	v10 =	vadd.f32 v10, v23;
	[tilespmem:s22+$0x14CB0] =	vst.add.f32.msk $0xffff, v37  }
0xbd: {  	v15 =	vmul.f32 v16, v49;
	v12 =	vadd.f32 v35, v23;
	v30 =	vmul.f32 v27, v53;
	[tilespmem:s22+$0x14C20] =	vst.add.f32.msk $0xffff, v38  }
0xbe: {  	v33 =	vmul.f32 v25, v26;
	v17 =	vmul.f32 v16, v53;
	v19 =	vadd.f32 v62, v23;
	[tilespmem:s22+$0x14FB0] =	vst.add.f32.msk $0xffff, v39  }
0xbf: {  	s28 =	ssub.s32 s24, s23;
	v34 =	vmul.f32 v27, v20;
	v62 =	vmul.f32 v25, v50;
	[tilespmem:s22+$0x15130] =	vst.add.f32.msk $0xffff, v47;
	v47 =	vimm.f32 $0.0e+00  }
0xc0: {  	p1 =	sne.s32 s28, $0x1;
	[tilespmem:s22+$0x14CA0] =	vst.add.f32.msk $0xffff, v29;
	v38 =	vimm.f32 $0.0e+00;
	v37 =	vimm.f32 $0.0e+00;
	v36 =	vimm.f32 $0.0e+00  }
.Ltmp8:
0xc1: {  	[tilespmem:s22+$0x150A0] =	vst.add.f32.msk $0xffff, v31;
	v39 =	vimm.f32 $0.0e+00;
	v35 =	vimm.f32 $0.0e+00;
	v29 =	vimm.f32 $0.0e+00;
	(pc) =	sbr.rel @!p1 .LBB2_9-.Ltmp8, $4  }
0xc2: {  	[tilespmem:s22+$0x14A30] =	vst.add.f32.msk $0xffff, v28;
	v31 =	vimm.f32 $0.0e+00;
	v28 =	vimm.f32 $0.0e+00;
	v32 =	vimm.f32 $0.0e+00  }
0xc3: {  	v13 =	vadd.f32 v11, v23;
	v11 =	vmul.f32 v16, v20;
	v15 =	vadd.f32 v15, v23;
	[tilespmem:s22+$0x14D20] =	vst.add.f32.msk $0xffff, v30  }
0xc4: {  	v17 =	vadd.f32 v17, v23;
	v20 =	vadd.f32 v63, v23;
	[tilespmem:s22+$0x14AB0] =	vst.add.f32.msk $0xffff, v33;
	v30 =	vimm.f32 $0.0e+00  }
0xc5: {  	s28 =	sadd.s32 $0xFFFFFFFF, s28;
	s29 =	sadd.s32 $0x80, s29;
	[tilespmem:s22+$0x15120] =	vst.add.f32.msk $0xffff, v34;
	v34 =	vimm.f32 $0.0e+00;
	v33 =	vimm.f32 $0.0e+00;
	v11 =	vadd.f32 v11, v23  }
.LBB2_8:
0xc6: {  	p1 =	sne.s32 s28, $0x1;
	s28 =	sadd.s32 $0xFFFFFFFF, s28;
	v59 =	vmul.f32 v27, v59;
	[tilespmem:s22+$0x14C30] =	vst.add.f32.msk $0xffff, v62;
	v51 =	vmul.f32 v14, v51;
	s26 =	sadd.s32 $0x80, s26  }
0xc7: {  	v62 =	vmul.f32 v25, v58;
	[tilespmem:s22+$0x149B0] =	vst.add.f32.msk $0xffff, v60;
	v60 =	vmul.f32 v27, v58  }
0xc8: {  	v63 =	vmul.f32 v27, v55;
	v23 =	vadd.f32 v61, v23;
	[tilespmem:s22+$0x149A0] =	vst.add.f32.msk $0xffff, v59;
	v59 =	vmul.f32 v16, v58  }
0xc9: {  	v53 =	vmul.f32 v25, v53;
	v58 =	vmul.f32 v14, v58;
	v48 =	vadd.f32 v51, v48;
	[tilespmem:s22+$0x14E20] =	vst.add.f32.msk $0xffff, v60  }
0xca: {  	v27 =	vmul.f32 v27, v18;
	v51 =	vmul.f32 v14, v18;
	v47 =	vadd.f32 v59, v47;
	[tilespmem:s22+$0x14E30] =	vst.add.f32.msk $0xffff, v62  }
0xcb: {  	v46 =	vadd.f32 v57, v46;
	v44 =	vmul.f32 v16, v44;
	v57 =	vmul.f32 v14, v21;
	[tilespmem:s22+$0x14DA0] =	vst.add.f32.msk $0xffff, v54  }
0xcc: {  	v43 =	vadd.f32 v51, v43;
	v54 =	vmul.f32 v16, v55;
	[tilespmem:s22+$0x14EB0] =	vst.add.f32.msk $0xffff, v56;
	v56 =	vmul.f32 v25, v40  }
0xcd: {  	v24 =	vmul.f32 v16, v24;
	v45 =	vadd.f32 v44, v45;
	v42 =	vadd.f32 v57, v42;
	[tilespmem:s22+$0x14D30] =	vst.add.f32.msk $0xffff, v53  }
0xce: {  	v44 =	vmul.f32 v14, v55;
	v25 =	vmul.f32 v25, v49;
	v41 =	vadd.f32 v54, v41;
	[tilespmem:s22+$0x14F30] =	vst.add.f32.msk $0xffff, v56  }
0xcf: {  	v26 =	vmul.f32 v14, v26;
	v51 =	vmul.f32 v16, v50;
	v38 =	vadd.f32 v58, v38;
	[tilespmem:s22+$0x150B0] =	vst.add.f32.msk $0xffff, v52  }
0xd0: {  	v36 =	vadd.f32 v24, v36;
	v50 =	vmul.f32 v14, v50;
	v37 =	vadd.f32 v44, v37;
	[tilespmem:s22+$0x14DB0] =	vst.add.f32.msk $0xffff, v25  }
0xd1: {  	v39 =	vadd.f32 v26, v39;
	v24 =	vmul.f32 v16, v40;
	v25 =	vmul.f32 v14, v40;
	[tilespmem:s22+$0x14EA0] =	vst.add.f32.msk $0xffff, v63  }
0xd2: {  	v22 =	vmul.f32 v14, v22;
	v26 =	vmul.f32 v14, v49;
	v35 =	vadd.f32 v51, v35;
	[tilespmem:s22+$0x15020] =	vst.add.f32.msk $0xffff, v27  }
0xd3: {  	v21 =	vmul.f32 v16, v21;
	v29 =	vadd.f32 v24, v29;
	v30 =	vadd.f32 v25, v30;
	v56 =	vld [tilespmem:s29+$0x0]  }
0xd4: {  	v28 =	vadd.f32 v22, v28;
	v16 =	vmul.f32 v16, v18;
	v31 =	vadd.f32 v50, v31;
	v14 =	vld [tilespmem:s26+$0xFFFFFFF0]  }
0xd5: {  	v34 =	vadd.f32 v21, v34;
	v32 =	vadd.f32 v26, v32  }
0xd6: {  	v33 =	vadd.f32 v16, v33;
	v27 =	vld [tilespmem:s26+$0x0];
	_ =	sdelay $0x1  }
0xd7: {  	v24 =	vbroadcast v56, $0xC;
	v57 =	vbroadcast v56, $0xF;
	v5 =	vadd.f32 v56, v5  }
0xd8: {  	v21 =	vbroadcast v56, $0x4;
	v22 =	vbroadcast v56, $0x6;
	v16 =	vld [tilespmem:s26+$0xFFFFFFE0]  }
0xd9: {  	v18 =	vbroadcast v56, $0xD;
	v40 =	vmul.f32 v14, v57  }
0xda: {  	v51 =	vbroadcast v56, $0xE;
	v25 =	vld [tilespmem:s26+$0x10];
	v49 =	vmul.f32 v27, v21  }
0xdb: {  	v44 =	vbroadcast v56, $0x1;
	v26 =	vbroadcast v56, $0x2;
	v6 =	vadd.f32 v40, v6  }
0xdc: {  	v52 =	vbroadcast v56, $0x3;
	v40 =	vmul.f32 v14, v24;
	[tilespmem:s22+$0x14BA0] =	vst.add.f32.msk $0xffff, v49  }
0xdd: {  	v49 =	vmul.f32 v14, v44;
	v50 =	vmul.f32 v16, v26  }
0xde: {  	v53 =	vmul.f32 v27, v44;
	v54 =	vmul.f32 v16, v52;
	v7 =	vadd.f32 v40, v7  }
0xdf: {  	v40 =	vmul.f32 v27, v52;
	v60 =	vmul.f32 v25, v44;
	v8 =	vadd.f32 v50, v8  }
0xe0: {  	v55 =	vmul.f32 v27, v22;
	v50 =	vmul.f32 v27, v26;
	v9 =	vadd.f32 v54, v9;
	[tilespmem:s22+$0x14A20] =	vst.add.f32.msk $0xffff, v53  }
0xe1: {  	v61 =	vmul.f32 v27, v51;
	v10 =	vadd.f32 v49, v10;
	[tilespmem:s22+$0x14B20] =	vst.add.f32.msk $0xffff, v40;
	v40 =	vmul.f32 v25, v21  }
0xe2: {  	v49 =	vmul.f32 v27, v24;
	v53 =	vbroadcast v56, $0x7;
	[tilespmem:s22+$0x14AA0] =	vst.add.f32.msk $0xffff, v50  }
0xe3: {  	v54 =	vmul.f32 v25, v52;
	[tilespmem:s22+$0x14BB0] =	vst.add.f32.msk $0xffff, v40;
	v40 =	vbroadcast v56, $0xB  }
0xe4: {  	v58 =	vmul.f32 v25, v18;
	v50 =	vbroadcast v56, $0x5;
	[tilespmem:s22+$0x14FA0] =	vst.add.f32.msk $0xffff, v49  }
0xe5: {  	v52 =	vmul.f32 v14, v52;
	[tilespmem:s22+$0x14B30] =	vst.add.f32.msk $0xffff, v54;
	v54 =	vmul.f32 v27, v40  }
0xe6: {  	v59 =	vmul.f32 v25, v22;
	v49 =	vbroadcast v56, $0x8;
	[tilespmem:s22+$0x15030] =	vst.add.f32.msk $0xffff, v58  }
0xe7: {  	v12 =	vadd.f32 v52, v12;
	v52 =	vmul.f32 v27, v50;
	v58 =	vmul.f32 v16, v22;
	[tilespmem:s22+$0x14F20] =	vst.add.f32.msk $0xffff, v54  }
0xe8: {  	v54 =	vmul.f32 v27, v49;
	[tilespmem:s22+$0x14CB0] =	vst.add.f32.msk $0xffff, v59;
	v59 =	vmul.f32 v25, v24  }
0xe9: {  	v13 =	vadd.f32 v58, v13;
	v58 =	vmul.f32 v16, v49;
	[tilespmem:s22+$0x14C20] =	vst.add.f32.msk $0xffff, v52;
	v52 =	vmul.f32 v25, v51  }
0xea: {  	v63 =	vmul.f32 v25, v57;
	v62 =	vmul.f32 v27, v53;
	[tilespmem:s22+$0x14FB0] =	vst.add.f32.msk $0xffff, v59  }
0xeb: {  	v0 =	vmul.f32 v25, v26;
	v15 =	vadd.f32 v58, v15;
	v58 =	vmul.f32 v16, v57;
	[tilespmem:s22+$0x14CA0] =	vst.add.f32.msk $0xffff, v55  }
0xec: {  	v1 =	vmul.f32 v16, v53;
	v59 =	vbroadcast v56, $0x0;
	[tilespmem:s22+$0x15130] =	vst.add.f32.msk $0xffff, v63  }
.Ltmp9:
0xed: {  	v55 =	vbroadcast v56, $0xA;
	v63 =	vmul.f32 v14, v53;
	v11 =	vadd.f32 v58, v11;
	[tilespmem:s22+$0x14D20] =	vst.add.f32.msk $0xffff, v62;
	(pc) =	sbr.rel @p1 .LBB2_8-.Ltmp9, $4  }
0xee: {  	v17 =	vadd.f32 v1, v17;
	v58 =	vbroadcast v56, $0x9;
	v62 =	vmul.f32 v16, v59;
	[tilespmem:s22+$0x150A0] =	vst.add.f32.msk $0xffff, v61  }
0xef: {  	v1 =	vmul.f32 v27, v57;
	v56 =	vmul.f32 v25, v55;
	v19 =	vadd.f32 v63, v19;
	[tilespmem:s22+$0x14A30] =	vst.add.f32.msk $0xffff, v60  }
0xf0: {  	v57 =	vmul.f32 v14, v59;
	v20 =	vadd.f32 v62, v20;
	v62 =	vmul.f32 v25, v50;
	[tilespmem:s22+$0x14AB0] =	vst.add.f32.msk $0xffff, v0  }
0xf1: {  	s29 =	sadd.s32 $0x80, s29;
	v61 =	vmul.f32 v16, v51;
	v60 =	vmul.f32 v25, v59;
	[tilespmem:s22+$0x15120] =	vst.add.f32.msk $0xffff, v1  }
.LBB2_9:
0xf2: {  	v0 =	vmul.f32 v27, v59  }
0xf3: {  	v1 =	vmul.f32 v14, v51;
	v59 =	vmul.f32 v27, v58  }
0xf4: {  	v63 =	vmul.f32 v25, v58;
	v51 =	vmul.f32 v16, v58;
	[tilespmem:s22+$0x14C30] =	vst.add.f32.msk $0xffff, v62  }
0xf5: {  	v53 =	vmul.f32 v25, v53;
	v58 =	vmul.f32 v14, v58;
	[tilespmem:s22+$0x14DA0] =	vst.add.f32.msk $0xffff, v54  }
0xf6: {  	v62 =	vmul.f32 v27, v18;
	v61 =	vadd.f32 v61, v23;
	[tilespmem:s22+$0x149B0] =	vst.add.f32.msk $0xffff, v60;
	v60 =	vmul.f32 v14, v21  }
0xf7: {  	[tilespmem:$0x1FFE0] =	vst v63;
	v63 =	vmul.f32 v27, v55;
	v48 =	vadd.f32 v1, v48;
	v1 =	vmul.f32 v14, v18  }
0xf8: {  	v27 =	vadd.f32 v51, v47;
	v47 =	vmul.f32 v16, v44;
	[tilespmem:s22+$0x149A0] =	vst.add.f32.msk $0xffff, v0;
	v0 =	vmul.f32 v16, v55  }
0xf9: {  	[tilespmem:s22+$0x14EB0] =	vst.add.f32.msk $0xffff, v56;
	v44 =	vadd.f32 v57, v46;
	v51 =	vmul.f32 v25, v49;
	v55 =	vmul.f32 v14, v55  }
0xfa: {  	[tilespmem:s22+$0x14E20] =	vst.add.f32.msk $0xffff, v59;
	v57 =	vmul.f32 v16, v50;
	v23 =	vadd.f32 v1, v43;
	v1 =	vmul.f32 v16, v24  }
0xfb: {  	v59 =	vmul.f32 v14, v22;
	[tilespmem:$0x1FFF0] =	vst v63;
	v63 =	vmul.f32 v25, v40;
	v24 =	vld [tilespmem:$0x1FFE0]  }
0xfc: {  	[tilespmem:s22+$0x150B0] =	vst.add.f32.msk $0xffff, v52;
	v43 =	vadd.f32 v47, v45;
	v36 =	vadd.f32 v1, v36;
	v1 =	vmul.f32 v14, v40  }
0xfd: {  	[tilespmem:s22+$0x14D30] =	vst.add.f32.msk $0xffff, v53;
	v25 =	vadd.f32 v0, v41;
	v0 =	vmul.f32 v14, v26;
	v26 =	vadd.f32 v58, v38  }
0xfe: {  	v58 =	vmul.f32 v14, v50;
	v37 =	vadd.f32 v55, v37;
	v22 =	vadd.f32 v1, v30;
	v1 =	vld [tilespmem:$0x1FFF0]  }
0xff: {  	v35 =	vadd.f32 v57, v35;
	v38 =	vadd.f32 v0, v39;
	v0 =	vmul.f32 v16, v40;
	[tilespmem:s22+$0x14F30] =	vst.add.f32.msk $0xffff, v63  }
0x100: {  	v63 =	vmul.f32 v16, v21;
	v21 =	vadd.f32 v58, v31;
	[tilespmem:s22+$0x14E30] =	vst.add.f32.msk $0xffff, v24;
	v24 =	vadd.f32 v60, v42  }
0x101: {  	[tilespmem:s22+$0x15020] =	vst.add.f32.msk $0xffff, v62;
	v60 =	vmul.f32 v14, v49;
	v14 =	vadd.f32 v0, v29;
	v0 =	vmul.f32 v16, v18  }
0x102: {  	[tilespmem:s22+$0x14DB0] =	vst.add.f32.msk $0xffff, v51;
	v18 =	vadd.f32 v59, v28;
	v28 =	vadd.f32 v63, v34  }
0x103: {  	v29 =	vadd.f32 v60, v32;
	v16 =	vadd.f32 v0, v33;
	[tilespmem:s22+$0x14EA0] =	vst.add.f32.msk $0xffff, v1  }
.LBB2_10:
0x104: {  	[tilespmem:s22+$0x14980] =	vst v20  }
0x105: {  	[tilespmem:s22+$0x14990] =	vst v44  }
0x106: {  	[tilespmem:s22+$0x14A00] =	vst v43  }
0x107: {  	[tilespmem:s22+$0x14A10] =	vst v10  }
0x108: {  	[tilespmem:s22+$0x14A80] =	vst v8  }
0x109: {  	[tilespmem:s22+$0x14A90] =	vst v38  }
0x10a: {  	[tilespmem:s22+$0x14B00] =	vst v9  }
0x10b: {  	[tilespmem:s22+$0x14B10] =	vst v12  }
0x10c: {  	[tilespmem:s22+$0x14B80] =	vst v28  }
0x10d: {  	[tilespmem:s22+$0x14B90] =	vst v24  }
0x10e: {  	[tilespmem:s22+$0x14C00] =	vst v35  }
0x10f: {  	[tilespmem:s22+$0x14C10] =	vst v21  }
0x110: {  	[tilespmem:s22+$0x14C80] =	vst v13  }
0x111: {  	[tilespmem:s22+$0x14C90] =	vst v18  }
0x112: {  	[tilespmem:s22+$0x14D00] =	vst v17  }
0x113: {  	[tilespmem:s22+$0x14D10] =	vst v19  }
0x114: {  	[tilespmem:s22+$0x14D80] =	vst v15  }
0x115: {  	[tilespmem:s22+$0x14E00] =	vst v27  }
0x116: {  	[tilespmem:s22+$0x14E10] =	vst v26  }
0x117: {  	[tilespmem:s22+$0x14E80] =	vst v25  }
0x118: {  	[tilespmem:s22+$0x14E90] =	vst v37  }
0x119: {  	[tilespmem:s22+$0x14F00] =	vst v14  }
0x11a: {  	v34 =	vimm.f32 $0.0e+00;
	[tilespmem:s22+$0x14F10] =	vst v22  }
0x11b: {  	v35 =	vimm.f32 $0.0e+00;
	v33 =	vimm.f32 $0.0e+00;
	v31 =	vimm.f32 $0.0e+00;
	[tilespmem:s22+$0x14F80] =	vst v36  }
0x11c: {  	v32 =	vimm.f32 $0.0e+00;
	v30 =	vimm.f32 $0.0e+00;
	v28 =	vimm.f32 $0.0e+00;
	[tilespmem:s22+$0x14F90] =	vst v7  }
0x11d: {  	v27 =	vimm.f32 $0.0e+00;
	v25 =	vimm.f32 $0.0e+00;
	v26 =	vimm.f32 $0.0e+00;
	[tilespmem:s22+$0x15010] =	vst v23  }
0x11e: {  	v24 =	vimm.f32 $0.0e+00;
	v22 =	vimm.f32 $0.0e+00;
	v23 =	vimm.f32 $0.0e+00;
	[tilespmem:s22+$0x15080] =	vst v61  }
0x11f: {  	v21 =	vimm.f32 $0.0e+00;
	v19 =	vimm.f32 $0.0e+00;
	v20 =	vimm.f32 $0.0e+00;
	[tilespmem:s22+$0x15090] =	vst v48  }
.Ltmp10:
0x120: {  	v18 =	vimm.f32 $0.0e+00;
	v17 =	vimm.f32 $0.0e+00;
	v14 =	vimm.f32 $0.0e+00;
	[tilespmem:s22+$0x15100] =	vst v11;
	(pc) =	sbr.rel @p0 .LBB2_13-.Ltmp10, $4  }
0x121: {  	v12 =	vimm.f32 $0.0e+00;
	v15 =	vimm.f32 $0.0e+00;
	v11 =	vimm.f32 $0.0e+00;
	[tilespmem:s22+$0x15110] =	vst v6  }
0x122: {  	s26 =	sshll.u32 s21, $0x4;
	v9 =	vimm.f32 $0.0e+00;
	v13 =	vimm.f32 $0.0e+00;
	v10 =	vimm.f32 $0.0e+00;
	[tilespmem:s22+$0x14D90] =	vst v29  }
0x123: {  	v7 =	vimm.f32 $0.0e+00;
	v8 =	vimm.f32 $0.0e+00;
	v6 =	vimm.f32 $0.0e+00;
	[tilespmem:s22+$0x15000] =	vst v16;
	s26 =	sand.u32 $0x3FFFFFF0, s26  }
0x124: {  	v29 =	vimm.f32 $0.0e+00;
	v16 =	vimm.f32 $0.0e+00;
	[tilespmem:s26+$0x1C980] =	vst v5;
	v5 =	vimm.f32 $0.0e+00  }
0x125: {  	v5 =	vimm.f32 $0.0e+00;
	v6 =	vimm.f32 $0.0e+00  }
0x126: {  	v8 =	vimm.f32 $0.0e+00;
	v7 =	vimm.f32 $0.0e+00;
	v10 =	vimm.f32 $0.0e+00  }
0x127: {  	v13 =	vimm.f32 $0.0e+00;
	v9 =	vimm.f32 $0.0e+00;
	v11 =	vimm.f32 $0.0e+00  }
0x128: {  	v15 =	vimm.f32 $0.0e+00;
	v12 =	vimm.f32 $0.0e+00;
	v14 =	vimm.f32 $0.0e+00  }
0x129: {  	v17 =	vimm.f32 $0.0e+00;
	v16 =	vimm.f32 $0.0e+00;
	v18 =	vimm.f32 $0.0e+00  }
0x12a: {  	v20 =	vimm.f32 $0.0e+00;
	v19 =	vimm.f32 $0.0e+00;
	v21 =	vimm.f32 $0.0e+00  }
0x12b: {  	v23 =	vimm.f32 $0.0e+00;
	v22 =	vimm.f32 $0.0e+00;
	v24 =	vimm.f32 $0.0e+00  }
0x12c: {  	v26 =	vimm.f32 $0.0e+00;
	v25 =	vimm.f32 $0.0e+00;
	v27 =	vimm.f32 $0.0e+00  }
0x12d: {  	v29 =	vimm.f32 $0.0e+00;
	v28 =	vimm.f32 $0.0e+00;
	v30 =	vimm.f32 $0.0e+00  }
0x12e: {  	s25 =	sshra.s32 s25, $0x2;
	v32 =	vimm.f32 $0.0e+00;
	v31 =	vimm.f32 $0.0e+00;
	v33 =	vimm.f32 $0.0e+00  }
0x12f: {  	s23 =	ssub.s32 s24, s23;
	v35 =	vimm.f32 $0.0e+00;
	v34 =	vimm.f32 $0.0e+00;
	v4 =	vimm.f32 $0.0e+00;
	s24 =	sadd.s32 $0xA400, s25;
	s25 =	sor.u32 $0x70, s25  }
.LBB2_12:
0x130: {  	v40 =	vld [tilespmem:s24+$0x0];
	_ =	sdelay $0x2  }
0x131: {  	v38 =	vld [tilespmem:s25+$0xFFFFFFD0]  }
0x132: {  	v36 =	vld [tilespmem:s25+$0xFFFFFFE0]  }
0x133: {  	v39 =	vld [tilespmem:s25+$0xFFFFFFF0];
	v0 =	vbroadcast v40, $0x0;
	v42 =	vbroadcast v40, $0x1  }
0x134: {  	v37 =	vld [tilespmem:s25+$0x0];
	v45 =	vbroadcast v40, $0x2;
	v50 =	vbroadcast v40, $0x3  }
0x135: {  	v53 =	vbroadcast v40, $0x4;
	v56 =	vbroadcast v40, $0x5  }
0x136: {  	v62 =	vbroadcast v40, $0x6;
	v57 =	vbroadcast v40, $0x7  }
0x137: {  	v59 =	vbroadcast v40, $0x8;
	v1 =	vmul.f32 v38, v0  }
0x138: {  	v41 =	vmul.f32 v36, v0;
	v43 =	vmul.f32 v39, v0  }
0x139: {  	v0 =	vmul.f32 v37, v0;
	v44 =	vmul.f32 v38, v42  }
0x13a: {  	v46 =	vmul.f32 v36, v42;
	v47 =	vmul.f32 v39, v42  }
0x13b: {  	v42 =	vmul.f32 v37, v42;
	v48 =	vmul.f32 v38, v45  }
0x13c: {  	v49 =	vmul.f32 v36, v45;
	v51 =	vmul.f32 v39, v45  }
0x13d: {  	v45 =	vmul.f32 v37, v45;
	v52 =	vmul.f32 v38, v50  }
0x13e: {  	v54 =	vmul.f32 v36, v50;
	v55 =	vmul.f32 v39, v50;
	[tilespmem:s22+$0x149E0] =	vst.add.f32.msk $0xffff, v43  }
0x13f: {  	v60 =	vmul.f32 v37, v50;
	v50 =	vmul.f32 v38, v53;
	[tilespmem:s22+$0x149F0] =	vst.add.f32.msk $0xffff, v0  }
0x140: {  	v61 =	vmul.f32 v37, v53;
	v63 =	vmul.f32 v39, v56;
	[tilespmem:s22+$0x14A60] =	vst.add.f32.msk $0xffff, v47  }
0x141: {  	v58 =	vmul.f32 v39, v62;
	v0 =	vmul.f32 v36, v53;
	[tilespmem:s22+$0x14A70] =	vst.add.f32.msk $0xffff, v42  }
0x142: {  	v4 =	vadd.f32 v1, v4;
	v1 =	vmul.f32 v39, v53;
	v34 =	vadd.f32 v41, v34;
	[tilespmem:s22+$0x14AE0] =	vst.add.f32.msk $0xffff, v51  }
0x143: {  	v41 =	vmul.f32 v38, v56;
	v35 =	vadd.f32 v44, v35;
	v44 =	vmul.f32 v36, v56;
	[tilespmem:s22+$0x14AF0] =	vst.add.f32.msk $0xffff, v45  }
0x144: {  	v33 =	vadd.f32 v46, v33;
	v56 =	vmul.f32 v37, v56;
	v46 =	vmul.f32 v38, v62;
	[tilespmem:s22+$0x14B60] =	vst.add.f32.msk $0xffff, v55  }
0x145: {  	v31 =	vadd.f32 v48, v31;
	v48 =	vmul.f32 v36, v62;
	[tilespmem:s22+$0x14B70] =	vst.add.f32.msk $0xffff, v60;
	v42 =	vmul.f32 v37, v62  }
0x146: {  	v32 =	vadd.f32 v49, v32;
	[tilespmem:s22+$0x14BF0] =	vst.add.f32.msk $0xffff, v61;
	v47 =	vmul.f32 v36, v57;
	v60 =	vmul.f32 v39, v57  }
0x147: {  	v30 =	vadd.f32 v52, v30;
	[tilespmem:s22+$0x14C60] =	vst.add.f32.msk $0xffff, v63;
	v61 =	vmul.f32 v37, v57;
	v62 =	vmul.f32 v38, v59  }
0x148: {  	v28 =	vadd.f32 v54, v28;
	v63 =	vbroadcast v40, $0x9;
	[tilespmem:s22+$0x14CE0] =	vst.add.f32.msk $0xffff, v58;
	v53 =	vmul.f32 v39, v59  }
0x149: {  	v29 =	vadd.f32 v50, v29;
	v54 =	vmul.f32 v37, v59;
	[tilespmem:s22+$0x14BE0] =	vst.add.f32.msk $0xffff, v1;
	v1 =	vmul.f32 v38, v57  }
0x14a: {  	v27 =	vadd.f32 v0, v27;
	[tilespmem:s22+$0x14C70] =	vst.add.f32.msk $0xffff, v56;
	v0 =	vmul.f32 v36, v59;
	v55 =	vmul.f32 v38, v63  }
0x14b: {  	v25 =	vadd.f32 v41, v25;
	[tilespmem:s22+$0x14CF0] =	vst.add.f32.msk $0xffff, v42;
	v56 =	vbroadcast v40, $0xA;
	v57 =	vmul.f32 v36, v63  }
0x14c: {  	v26 =	vadd.f32 v44, v26;
	[tilespmem:s22+$0x14D60] =	vst.add.f32.msk $0xffff, v60;
	v58 =	vmul.f32 v39, v63;
	v45 =	vmul.f32 v37, v63  }
0x14d: {  	v24 =	vadd.f32 v46, v24;
	[tilespmem:s22+$0x14D70] =	vst.add.f32.msk $0xffff, v61;
	v60 =	vbroadcast v40, $0xB;
	v63 =	vbroadcast v40, $0xC  }
0x14e: {  	[tilespmem:s22+$0x14DE0] =	vst.add.f32.msk $0xffff, v53;
	v59 =	vmul.f32 v38, v56;
	v23 =	vadd.f32 v1, v23;
	v1 =	vmul.f32 v36, v56  }
0x14f: {  	[tilespmem:s22+$0x14DF0] =	vst.add.f32.msk $0xffff, v54;
	v19 =	vadd.f32 v62, v19;
	v61 =	vmul.f32 v39, v56;
	v44 =	vmul.f32 v37, v56  }
0x150: {  	[tilespmem:s22+$0x14E60] =	vst.add.f32.msk $0xffff, v58;
	v62 =	vmul.f32 v38, v60;
	v20 =	vadd.f32 v0, v20;
	v0 =	vmul.f32 v36, v60  }
0x151: {  	v22 =	vadd.f32 v48, v22;
	[tilespmem:s22+$0x14E70] =	vst.add.f32.msk $0xffff, v45;
	v52 =	vmul.f32 v39, v60;
	v41 =	vmul.f32 v37, v60  }
0x152: {  	v21 =	vadd.f32 v47, v21;
	v53 =	vmul.f32 v38, v63;
	v54 =	vmul.f32 v36, v63;
	[tilespmem:s22+$0x14EE0] =	vst.add.f32.msk $0xffff, v61  }
0x153: {  	v18 =	vadd.f32 v55, v18;
	v55 =	vbroadcast v40, $0xD;
	v56 =	vmul.f32 v39, v63;
	[tilespmem:s22+$0x14EF0] =	vst.add.f32.msk $0xffff, v44  }
0x154: {  	v16 =	vadd.f32 v57, v16;
	v57 =	vmul.f32 v37, v63;
	v58 =	vbroadcast v40, $0xE;
	[tilespmem:s22+$0x14F60] =	vst.add.f32.msk $0xffff, v52  }
0x155: {  	v40 =	vbroadcast v40, $0xF;
	v17 =	vadd.f32 v59, v17;
	v14 =	vadd.f32 v1, v14;
	[tilespmem:s22+$0x14F70] =	vst.add.f32.msk $0xffff, v41  }
0x156: {  	v1 =	vmul.f32 v38, v55;
	v12 =	vadd.f32 v62, v12;
	[tilespmem:s22+$0x14FE0] =	vst.add.f32.msk $0xffff, v56;
	v60 =	vmul.f32 v39, v55  }
0x157: {  	v59 =	vmul.f32 v36, v55;
	v15 =	vadd.f32 v0, v15;
	[tilespmem:s22+$0x14FF0] =	vst.add.f32.msk $0xffff, v57;
	v0 =	vmul.f32 v37, v55  }
0x158: {  	p0 =	sne.s32 s23, $0x1;
	v61 =	vmul.f32 v38, v58;
	v11 =	vadd.f32 v53, v11;
	v62 =	vmul.f32 v39, v58;
	[tilespmem:s22+$0x15060] =	vst.add.f32.msk $0xffff, v60  }
.Ltmp11:
0x159: {  	v9 =	vadd.f32 v54, v9;
	v41 =	vmul.f32 v37, v58;
	v63 =	vmul.f32 v39, v40;
	[tilespmem:s22+$0x15070] =	vst.add.f32.msk $0xffff, v0;
	(pc) =	sbr.rel @p0 .LBB2_12-.Ltmp11, $4  }
0x15a: {  	v37 =	vmul.f32 v37, v40;
	v0 =	vmul.f32 v36, v58;
	v13 =	vadd.f32 v1, v13;
	[tilespmem:s22+$0x150E0] =	vst.add.f32.msk $0xffff, v62  }
0x15b: {  	v1 =	vmul.f32 v38, v40;
	v10 =	vadd.f32 v59, v10;
	[tilespmem:s22+$0x150F0] =	vst.add.f32.msk $0xffff, v41;
	v36 =	vmul.f32 v36, v40  }
0x15c: {  	v7 =	vadd.f32 v61, v7;
	[tilespmem:s22+$0x15160] =	vst.add.f32.msk $0xffff, v63;
	v8 =	vadd.f32 v0, v8  }
0x15d: {  	s24 =	sadd.s32 $0x80, s24;
	s25 =	sadd.s32 $0x80, s25;
	s23 =	sadd.s32 $0xFFFFFFFF, s23;
	[tilespmem:s22+$0x15170] =	vst.add.f32.msk $0xffff, v37;
	v6 =	vadd.f32 v1, v6;
	v5 =	vadd.f32 v36, v5  }
.Ltmp12:
0x15e: {  	_ = 	snop;
	(pc) =	sbr.rel .LBB2_13-.Ltmp12, $1  }
0x15f: {  	_ =	sdelay $0x3  }
.LBB2_15:
0x160: {  	_ =	sfence.sel $0x180000  }
0x161: {  	[bflag:$0x0] =	sbarrier.arrive $0xFFFF  }
0x162: {  	p0 =	sne.s32 s1, $0x0;
	_ =	strace $0x90000047  }
0x163: {  	s0 =	sadd.s32 @!p0 $0x100000, s0;
	[bflag:$0x2] =	sbarrier.arrive $0xFFFF  }
0x164: {  	[sflag:s0] =	ssyncadd.tile.s32 @!p0 $0x1;
	_ =	shalt  }
.Lfunc_end2:
_tile_overlayer_lowered:
.L_overlay_start_2:
0x165: {  	(tag) =	ssettag $0x2  }
0x166: {  	s0 =	rddreg [dreg:$0x0];
	s2 =	stileid.u32  }
0x167: {  	s1 =	rddreg [dreg:$0x1];
	p0 =	sne.s32 s2, $0x0  }
0x168: {  	s3 =	rddreg [dreg:$0x2];
	[bflag:$0x3] =	sbarrier.arrive $0xFFFF;
	s2 =	simm.s32 @!p0 $0x1C04  }
0x169: {  	[timem:s3], [sflag:s2] =	dma.local @!p0 [hbm:s0], s1  }
0x16a: {  	s0 =	simm.s32 @!p0 $0x4  }
0x16b: {  	_ =	swait.ge @!p0 [sflag:s0], s1  }
0x16c: {  	s1 =	ssub.s32 @!p0 $0x0, s1;
	[sflag:s0] =	ssyncset.done @!p0 $0x0  }
0x16d: {  	[sflag:s0] =	ssyncadd.s32 @!p0 s1  }
0x16e: {  	[bflag:$0x3] =	sbarrier.arrive $0xFFFF  }
0x16f: {  	_ =	shalt  }

</sc_bundles>
